<compile_context>
chip_gen: v7x
topology: tpu7x:2x2x1
jax: 0.10.2.dev20260603
libtpu: 0.0.44.dev20260713+nightly
codegen_flags: <defaults>
</compile_context>

<pallas_src>
import functools

import jax
import jax.numpy as jnp
from jax import lax
from jax.experimental import pallas as pl
from jax.experimental.pallas import tpu as pltpu
from jax.experimental.pallas import tpu_sc as plsc

_N = 32
_DATA_DIM = 64
_NC = 2
_NS = 16
_NW = _NC * _NS

_C = 512
_SUB = 128
_NSUB = _C // _SUB


def _sc_lookup(xyz, table, q):
    qw = q // _NW
    nch = qw // _C
    mesh = plsc.VectorSubcoreMesh(core_axis_name="c", subcore_axis_name="s")

    @functools.partial(
        pl.kernel,
        mesh=mesh,
        compiler_params=pltpu.CompilerParams(
            needs_layout_passes=False, use_tc_tiling_on_sc=False),
        out_type=jax.ShapeDtypeStruct((q, _DATA_DIM), jnp.float32),
        scratch_types=[
            pltpu.VMEM((3 * qw,), jnp.float32),
            pltpu.VMEM((_NSUB, _SUB), jnp.int32),
            pltpu.VMEM((_NSUB, _SUB), jnp.int32),
            pltpu.VMEM((_C, _DATA_DIM), jnp.float32),
            pltpu.VMEM((_C, _DATA_DIM), jnp.float32),
            pltpu.VMEM((_C, _DATA_DIM), jnp.float32),
            pltpu.SemaphoreType.DMA,
            pltpu.SemaphoreType.DMA,
        ],
    )
    def k(xyz_hbm, tab_hbm, out_hbm, crd_v, idx0, idx1, rows0, rows1, rows2,
          sem_g, sem_o):
        cid = lax.axis_index("c")
        sid = lax.axis_index("s")
        wid = sid * _NC + cid
        base0 = wid * qw

        for c in range(3):
            pltpu.sync_copy(xyz_hbm.at[pl.ds(c * q + base0, qw)],
                            crd_v.at[pl.ds(c * qw, qw)])

        def cell(v):
            v = jnp.minimum(jnp.maximum(v, jnp.float32(0.0)),
                            jnp.float32(1.0 - 1e-10))
            iv = (v * jnp.float32(_N)).astype(jnp.int32)
            return jnp.minimum(iv, _N - 1)

        idx_bufs = (idx0, idx1)
        row_bufs = (rows0, rows1, rows2)
        vec_per_sub = _SUB // 16

        def compute_idx(ci, idx_b):
            def idx_body(i, carry):
                p = ci * _C + i * 16
                fx = cell(crd_v[pl.ds(p, 16)])
                fy = cell(crd_v[pl.ds(qw + p, 16)])
                fz = cell(crd_v[pl.ds(2 * qw + p, 16)])
                flat = (fx * _N + fy) * _N + fz
                idx_b[i // vec_per_sub,
                      pl.ds((i % vec_per_sub) * 16, 16)] = flat
                return carry

            lax.fori_loop(0, _C // 16, idx_body, 0)

        def fire_gathers(idx_b, rows_b):
            return [
                pltpu.async_copy(
                    tab_hbm.at[idx_b.at[j]],
                    rows_b.at[pl.ds(j * _SUB, _SUB)],
                    sem_g,
                )
                for j in range(_NSUB)
            ]

        gather_h = [None] * nch
        out_h = [None] * nch
        for ci in range(nch):
            compute_idx(ci, idx_bufs[ci % 2])
            if ci >= 1:
                for h in gather_h[ci - 1]:
                    h.wait()
                out_h[ci - 1] = pltpu.async_copy(
                    row_bufs[(ci - 1) % 3],
                    out_hbm.at[pl.ds(base0 + (ci - 1) * _C, _C)],
                    sem_o,
                )
            if ci >= 3:
                out_h[ci - 3].wait()
            gather_h[ci] = fire_gathers(idx_bufs[ci % 2], row_bufs[ci % 3])
        for h in gather_h[nch - 1]:
            h.wait()
        out_h[nch - 1] = pltpu.async_copy(
            row_bufs[(nch - 1) % 3],
            out_hbm.at[pl.ds(base0 + (nch - 1) * _C, _C)],
            sem_o,
        )
        out_h[nch - 2].wait()
        out_h[nch - 1].wait()

    return k(xyz, table)


def kernel(indices, data, child):
    del child
    q = indices.shape[0]
    table = data.reshape(_N * _N * _N, _DATA_DIM)
    xyz = indices.T.reshape(3 * q)
    return _sc_lookup(xyz, table, q)

# --- scband reference (transcript-rebuilt; emitter-appended) ---
"""Pipeline reference for scband-n3-tree-16587163697588 (READ-ONLY COPY).

The authoritative reference and input builder live on the scoring server;
editing this copy changes nothing except your own understanding.
"""

import jax, jax.numpy as jnp
import numpy as np

N = 32
DATA_DIM = 64
Q = 262144


def setup_inputs(seed: int = 0) -> dict:
    key = jax.random.key(seed)
    k1, k2 = jax.random.split(key)
    indices = jax.random.uniform(k1, (Q, 3), dtype=jnp.float32)
    # learned leaf data parameter: (init_reserve=1, N, N, N, data_dim)
    data = jax.random.normal(k2, (1, N, N, N, DATA_DIM), dtype=jnp.float32)
    # child buffer: all zeros => single root node, every query terminates at depth 1
    child = jnp.zeros((1, N, N, N), dtype=jnp.int32)
    return {"indices": indices, "data": data, "child": child}


def reference(indices, data, child):
    # world2tree: x * invradius + offset. With radius=0.5, center=[0.5]*3:
    # invradius = 0.5/0.5 = 1.0, offset = 0.5*(1 - center/radius) = 0 -> identity.
    invradius = jnp.float32(1.0)
    offset = jnp.zeros((3,), dtype=jnp.float32)
    ind = indices * invradius + offset
    ind = jnp.clip(ind, 0.0, 1.0 - 1e-10)
    n_queries = indices.shape[0]
    node_ids = jnp.zeros((n_queries,), dtype=jnp.int32)
    # --- traversal iteration 1 (child == 0 everywhere => deltas == 0 => all queries
    # terminate after this single level, exactly matching the torch while-loop) ---
    ind = ind * N
    ind_floor = jnp.minimum(jnp.floor(ind), N - 1).astype(jnp.int32)
    ix, iy, iz = ind_floor[:, 0], ind_floor[:, 1], ind_floor[:, 2]
    deltas = child[node_ids, ix, iy, iz]  # all zero -> term_mask all True
    vals = data[node_ids, ix, iy, iz, :]
    result = vals  # term_indices == all indices
    return result

if __name__ == "__main__":
    import jax
    _d = setup_inputs()
    print(jax.jit(kernel)(*tuple(_d.values())))

</pallas_src>

<mosaic_0001>
#map = affine_map<(d0, d1) -> (0)>
#map1 = affine_map<(d0, d1) -> (0, 0)>
module attributes {stable_mosaic.version = 14 : i64} {
  func.func @k(%arg0: i32, %arg1: i32, %arg2: memref<786432xf32, #tpu.memory_space<hbm>>, %arg3: memref<32768x64xf32, #tpu.memory_space<hbm>>, %arg4: memref<262144x64xf32, #tpu.memory_space<hbm>>, %arg5: memref<24576xf32, #tpu.memory_space<vmem>>, %arg6: memref<4x128xi32, #tpu.memory_space<vmem>>, %arg7: memref<4x128xi32, #tpu.memory_space<vmem>>, %arg8: memref<512x64xf32, #tpu.memory_space<vmem>>, %arg9: memref<512x64xf32, #tpu.memory_space<vmem>>, %arg10: memref<512x64xf32, #tpu.memory_space<vmem>>, %arg11: memref<!tpu.dma_semaphore, #tpu.memory_space<semaphore_mem>>, %arg12: memref<!tpu.dma_semaphore, #tpu.memory_space<semaphore_mem>>) attributes {dimension_semantics = [#tpu.dimension_semantics<core_parallel>, #tpu.dimension_semantics<subcore_parallel>], iteration_bounds = array<i64: 2, 16>, scalar_prefetch = 0 : i64, scratch_operands = 8 : i64, tpu.core_type = #tpu.core_type<sc_vector_subcore>, window_params = [{transform_indices = #map}, {transform_indices = #map1}, {transform_indices = #map1}]} {
    %mul3A = arith.constant 2 : i32
    %mul3A_0 = arith.muli %arg1, %mul3A : i32
    %add3A = arith.addi %mul3A_0, %arg0 : i32
    %mul3A_1 = arith.constant 8192 : i32
    %mul3A_2 = arith.muli %add3A, %mul3A_1 : i32
    %add3A_3 = arith.constant 0 : i32
    %add3A_4 = arith.addi %add3A_3, %mul3A_2 : i32
    "tpu.region"() ({
      %run_scoped3A = tpu.sem_alloc : memref<!tpu.dma_semaphore, #tpu.memory_space<semaphore_mem>>
      %dma_start3A_1538 = arith.constant 0 : i32
      %dma_start3A_1539 = tpu.memref_slice %arg5[%dma_start3A_1538] : memref<24576xf32, #tpu.memory_space<vmem>> -> memref<8192xf32, #tpu.memory_space<vmem>>
      %dma_start3A_1540 = tpu.memref_slice %arg2[%add3A_4] : memref<786432xf32, #tpu.memory_space<hbm>> -> memref<8192xf32, #tpu.memory_space<hbm>>
      %dma_start3A_1541 = arith.constant 0 : i32
      %dma_start3A_1542 = tpu.memref_slice %arg5[%dma_start3A_1541] : memref<24576xf32, #tpu.memory_space<vmem>> -> memref<8192xf32, #tpu.memory_space<vmem>>
      %dma_start3A_1543 = tpu.memref_slice %arg2[%add3A_4] : memref<786432xf32, #tpu.memory_space<hbm>> -> memref<8192xf32, #tpu.memory_space<hbm>>
      tpu.enqueue_dma source(%dma_start3A_1543 : memref<8192xf32, #tpu.memory_space<hbm>>) target(%dma_start3A_1542 : memref<8192xf32, #tpu.memory_space<vmem>>) target_semaphore(%run_scoped3A : memref<!tpu.dma_semaphore, #tpu.memory_space<semaphore_mem>>)
      %dma_wait3A_1544 = arith.constant 0 : i32
      %dma_wait3A_1545 = tpu.memref_slice %arg5[%dma_wait3A_1544] : memref<24576xf32, #tpu.memory_space<vmem>> -> memref<8192xf32, #tpu.memory_space<vmem>>
      %dma_wait3A_1546 = tpu.memref_slice %arg2[%add3A_4] : memref<786432xf32, #tpu.memory_space<hbm>> -> memref<8192xf32, #tpu.memory_space<hbm>>
      %dma_wait3A_1547 = arith.constant 0 : i32
      %dma_wait3A_1548 = tpu.memref_slice %arg5[%dma_wait3A_1547] : memref<24576xf32, #tpu.memory_space<vmem>> -> memref<8192xf32, #tpu.memory_space<vmem>>
      %dma_wait3A_1549 = tpu.memref_slice %arg2[%add3A_4] : memref<786432xf32, #tpu.memory_space<hbm>> -> memref<8192xf32, #tpu.memory_space<hbm>>
      tpu.wait_dma2 semaphore(%run_scoped3A : memref<!tpu.dma_semaphore, #tpu.memory_space<semaphore_mem>>) src(%dma_wait3A_1549 : memref<8192xf32, #tpu.memory_space<hbm>>) dst(%dma_wait3A_1548 : memref<8192xf32, #tpu.memory_space<vmem>>)
      tpu.yield
    }) : () -> ()
    %add3A_5 = arith.constant 262144 : i32
    %add3A_6 = arith.addi %add3A_5, %mul3A_2 : i32
    "tpu.region"() ({
      %run_scoped3A = tpu.sem_alloc : memref<!tpu.dma_semaphore, #tpu.memory_space<semaphore_mem>>
      %dma_start3A_1538 = arith.constant 8192 : i32
      %dma_start3A_1539 = tpu.memref_slice %arg5[%dma_start3A_1538] : memref<24576xf32, #tpu.memory_space<vmem>> -> memref<8192xf32, #tpu.memory_space<vmem>>
      %dma_start3A_1540 = tpu.memref_slice %arg2[%add3A_6] : memref<786432xf32, #tpu.memory_space<hbm>> -> memref<8192xf32, #tpu.memory_space<hbm>>
      %dma_start3A_1541 = arith.constant 8192 : i32
      %dma_start3A_1542 = tpu.memref_slice %arg5[%dma_start3A_1541] : memref<24576xf32, #tpu.memory_space<vmem>> -> memref<8192xf32, #tpu.memory_space<vmem>>
      %dma_start3A_1543 = tpu.memref_slice %arg2[%add3A_6] : memref<786432xf32, #tpu.memory_space<hbm>> -> memref<8192xf32, #tpu.memory_space<hbm>>
      tpu.enqueue_dma source(%dma_start3A_1543 : memref<8192xf32, #tpu.memory_space<hbm>>) target(%dma_start3A_1542 : memref<8192xf32, #tpu.memory_space<vmem>>) target_semaphore(%run_scoped3A : memref<!tpu.dma_semaphore, #tpu.memory_space<semaphore_mem>>)
      %dma_wait3A_1544 = arith.constant 8192 : i32
      %dma_wait3A_1545 = tpu.memref_slice %arg5[%dma_wait3A_1544] : memref<24576xf32, #tpu.memory_space<vmem>> -> memref<8192xf32, #tpu.memory_space<vmem>>
      %dma_wait3A_1546 = tpu.memref_slice %arg2[%add3A_6] : memref<786432xf32, #tpu.memory_space<hbm>> -> memref<8192xf32, #tpu.memory_space<hbm>>
      %dma_wait3A_1547 = arith.constant 8192 : i32
      %dma_wait3A_1548 = tpu.memref_slice %arg5[%dma_wait3A_1547] : memref<24576xf32, #tpu.memory_space<vmem>> -> memref<8192xf32, #tpu.memory_space<vmem>>
      %dma_wait3A_1549 = tpu.memref_slice %arg2[%add3A_6] : memref<786432xf32, #tpu.memory_space<hbm>> -> memref<8192xf32, #tpu.memory_space<hbm>>
      tpu.wait_dma2 semaphore(%run_scoped3A : memref<!tpu.dma_semaphore, #tpu.memory_space<semaphore_mem>>) src(%dma_wait3A_1549 : memref<8192xf32, #tpu.memory_space<hbm>>) dst(%dma_wait3A_1548 : memref<8192xf32, #tpu.memory_space<vmem>>)
      tpu.yield
    }) : () -> ()
    %add3A_7 = arith.constant 524288 : i32
    %add3A_8 = arith.addi %add3A_7, %mul3A_2 : i32
    "tpu.region"() ({
      %run_scoped3A = tpu.sem_alloc : memref<!tpu.dma_semaphore, #tpu.memory_space<semaphore_mem>>
      %dma_start3A_1538 = arith.constant 16384 : i32
      %dma_start3A_1539 = tpu.memref_slice %arg5[%dma_start3A_1538] : memref<24576xf32, #tpu.memory_space<vmem>> -> memref<8192xf32, #tpu.memory_space<vmem>>
      %dma_start3A_1540 = tpu.memref_slice %arg2[%add3A_8] : memref<786432xf32, #tpu.memory_space<hbm>> -> memref<8192xf32, #tpu.memory_space<hbm>>
      %dma_start3A_1541 = arith.constant 16384 : i32
      %dma_start3A_1542 = tpu.memref_slice %arg5[%dma_start3A_1541] : memref<24576xf32, #tpu.memory_space<vmem>> -> memref<8192xf32, #tpu.memory_space<vmem>>
      %dma_start3A_1543 = tpu.memref_slice %arg2[%add3A_8] : memref<786432xf32, #tpu.memory_space<hbm>> -> memref<8192xf32, #tpu.memory_space<hbm>>
      tpu.enqueue_dma source(%dma_start3A_1543 : memref<8192xf32, #tpu.memory_space<hbm>>) target(%dma_start3A_1542 : memref<8192xf32, #tpu.memory_space<vmem>>) target_semaphore(%run_scoped3A : memref<!tpu.dma_semaphore, #tpu.memory_space<semaphore_mem>>)
      %dma_wait3A_1544 = arith.constant 16384 : i32
      %dma_wait3A_1545 = tpu.memref_slice %arg5[%dma_wait3A_1544] : memref<24576xf32, #tpu.memory_space<vmem>> -> memref<8192xf32, #tpu.memory_space<vmem>>
      %dma_wait3A_1546 = tpu.memref_slice %arg2[%add3A_8] : memref<786432xf32, #tpu.memory_space<hbm>> -> memref<8192xf32, #tpu.memory_space<hbm>>
      %dma_wait3A_1547 = arith.constant 16384 : i32
      %dma_wait3A_1548 = tpu.memref_slice %arg5[%dma_wait3A_1547] : memref<24576xf32, #tpu.memory_space<vmem>> -> memref<8192xf32, #tpu.memory_space<vmem>>
      %dma_wait3A_1549 = tpu.memref_slice %arg2[%add3A_8] : memref<786432xf32, #tpu.memory_space<hbm>> -> memref<8192xf32, #tpu.memory_space<hbm>>
      tpu.wait_dma2 semaphore(%run_scoped3A : memref<!tpu.dma_semaphore, #tpu.memory_space<semaphore_mem>>) src(%dma_wait3A_1549 : memref<8192xf32, #tpu.memory_space<hbm>>) dst(%dma_wait3A_1548 : memref<8192xf32, #tpu.memory_space<vmem>>)
      tpu.yield
    }) : () -> ()
    %scan3A = arith.constant 0 : i32
    %scan3A_9 = arith.constant 0 : i32
    %scan3A_10 = arith.constant 32 : i32
    %scan3A_11 = arith.addi %scan3A_9, %scan3A_10 : i32
    %scan3A_12 = arith.constant 1 : i32
    scf.for %scan3A_1538 = %scan3A_9 to %scan3A_11 step %scan3A_12  : i32 {
      %mul3A_1539 = arith.constant 16 : i32
      %mul3A_1540 = arith.muli %scan3A_1538, %mul3A_1539 : i32
      %add3A_1541 = arith.constant 0 : i32
      %add3A_1542 = arith.addi %add3A_1541, %mul3A_1540 : i32
      %get3A = arith.index_cast %add3A_1542 : i32 to index
      %get3A_1543 = tpu.vector_load %arg5[%get3A] {strides = array<i32>} : memref<24576xf32, #tpu.memory_space<vmem>>, vector<16xf32>,
      %max3A = arith.constant 0.000000e+00 : f32
      %max3A_1544 = vector.broadcast %max3A : f32 to vector<16xf32>
      %max3A_1545 = arith.maximumf %get3A_1543, %max3A_1544 : vector<16xf32>
      %min3A = arith.constant 1.000000e+00 : f32
      %min3A_1546 = vector.broadcast %min3A : f32 to vector<16xf32>
      %min3A_1547 = arith.minimumf %max3A_1545, %min3A_1546 : vector<16xf32>
      %mul3A_1548 = arith.constant 3.200000e+01 : f32
      %mul3A_1549 = vector.broadcast %mul3A_1548 : f32 to vector<16xf32>
      %mul3A_1550 = arith.mulf %min3A_1547, %mul3A_1549 : vector<16xf32>
      %convert_element_type3A = arith.fptosi %mul3A_1550 : vector<16xf32> to vector<16xi32>
      %min3A_1551 = arith.constant 31 : i32
      %min3A_1552 = vector.broadcast %min3A_1551 : i32 to vector<16xi32>
      %min3A_1553 = arith.minsi %convert_element_type3A, %min3A_1552 : vector<16xi32>
      %add3A_1554 = arith.constant 8192 : i32
      %add3A_1555 = arith.addi %add3A_1554, %add3A_1542 : i32
      %get3A_1556 = arith.index_cast %add3A_1555 : i32 to index
      %get3A_1557 = tpu.vector_load %arg5[%get3A_1556] {strides = array<i32>} : memref<24576xf32, #tpu.memory_space<vmem>>, vector<16xf32>,
      %max3A_1558 = arith.constant 0.000000e+00 : f32
      %max3A_1559 = vector.broadcast %max3A_1558 : f32 to vector<16xf32>
      %max3A_1560 = arith.maximumf %get3A_1557, %max3A_1559 : vector<16xf32>
      %min3A_1561 = arith.constant 1.000000e+00 : f32
      %min3A_1562 = vector.broadcast %min3A_1561 : f32 to vector<16xf32>
      %min3A_1563 = arith.minimumf %max3A_1560, %min3A_1562 : vector<16xf32>
      %mul3A_1564 = arith.constant 3.200000e+01 : f32
      %mul3A_1565 = vector.broadcast %mul3A_1564 : f32 to vector<16xf32>
      %mul3A_1566 = arith.mulf %min3A_1563, %mul3A_1565 : vector<16xf32>
      %convert_element_type3A_1567 = arith.fptosi %mul3A_1566 : vector<16xf32> to vector<16xi32>
      %min3A_1568 = arith.constant 31 : i32
      %min3A_1569 = vector.broadcast %min3A_1568 : i32 to vector<16xi32>
      %min3A_1570 = arith.minsi %convert_element_type3A_1567, %min3A_1569 : vector<16xi32>
      %add3A_1571 = arith.constant 16384 : i32
      %add3A_1572 = arith.addi %add3A_1571, %add3A_1542 : i32
      %get3A_1573 = arith.index_cast %add3A_1572 : i32 to index
      %get3A_1574 = tpu.vector_load %arg5[%get3A_1573] {strides = array<i32>} : memref<24576xf32, #tpu.memory_space<vmem>>, vector<16xf32>,
      %max3A_1575 = arith.constant 0.000000e+00 : f32
      %max3A_1576 = vector.broadcast %max3A_1575 : f32 to vector<16xf32>
      %max3A_1577 = arith.maximumf %get3A_1574, %max3A_1576 : vector<16xf32>
      %min3A_1578 = arith.constant 1.000000e+00 : f32
      %min3A_1579 = vector.broadcast %min3A_1578 : f32 to vector<16xf32>
      %min3A_1580 = arith.minimumf %max3A_1577, %min3A_1579 : vector<16xf32>
      %mul3A_1581 = arith.constant 3.200000e+01 : f32
      %mul3A_1582 = vector.broadcast %mul3A_1581 : f32 to vector<16xf32>
      %mul3A_1583 = arith.mulf %min3A_1580, %mul3A_1582 : vector<16xf32>
      %convert_element_type3A_1584 = arith.fptosi %mul3A_1583 : vector<16xf32> to vector<16xi32>
      %min3A_1585 = arith.constant 31 : i32
      %min3A_1586 = vector.broadcast %min3A_1585 : i32 to vector<16xi32>
      %min3A_1587 = arith.minsi %convert_element_type3A_1584, %min3A_1586 : vector<16xi32>
      %mul3A_1588 = arith.constant 32 : i32
      %mul3A_1589 = vector.broadcast %mul3A_1588 : i32 to vector<16xi32>
      %mul3A_1590 = arith.muli %min3A_1553, %mul3A_1589 : vector<16xi32>
      %add3A_1591 = arith.addi %mul3A_1590, %min3A_1570 : vector<16xi32>
      %mul3A_1592 = arith.constant 32 : i32
      %mul3A_1593 = vector.broadcast %mul3A_1592 : i32 to vector<16xi32>
      %mul3A_1594 = arith.muli %add3A_1591, %mul3A_1593 : vector<16xi32>
      %add3A_1595 = arith.addi %mul3A_1594, %min3A_1587 : vector<16xi32>
      %jit3A = arith.constant 8 : i32
      %div3A = arith.divsi %scan3A_1538, %jit3A : i32
      %sign3A = arith.constant 0 : i32
      %sign3A_1596 = arith.cmpi sgt, %scan3A_1538, %sign3A : i32
      %sign3A_1597 = arith.extui %sign3A_1596 : i1 to i32
      %sign3A_1598 = arith.constant 0 : i32
      %sign3A_1599 = arith.cmpi slt, %scan3A_1538, %sign3A_1598 : i32
      %sign3A_1600 = arith.extui %sign3A_1599 : i1 to i32
      %sign3A_1601 = arith.subi %sign3A_1597, %sign3A_1600 : i32
      %sign3A_1602 = arith.constant 0 : i32
      %sign3A_1603 = arith.cmpi sgt, %jit3A, %sign3A_1602 : i32
      %sign3A_1604 = arith.extui %sign3A_1603 : i1 to i32
      %sign3A_1605 = arith.constant 0 : i32
      %sign3A_1606 = arith.cmpi slt, %jit3A, %sign3A_1605 : i32
      %sign3A_1607 = arith.extui %sign3A_1606 : i1 to i32
      %sign3A_1608 = arith.subi %sign3A_1604, %sign3A_1607 : i32
      %ne3A = arith.cmpi ne, %sign3A_1601, %sign3A_1608 : i32
      %rem3A = arith.remsi %scan3A_1538, %jit3A : i32
      %ne3A_1609 = arith.constant 0 : i32
      %ne3A_1610 = arith.cmpi ne, %rem3A, %ne3A_1609 : i32
      %and3A = arith.andi %ne3A, %ne3A_1610 : i1
      %sub3A = arith.constant 1 : i32
      %sub3A_1611 = arith.subi %div3A, %sub3A : i32
      %select_n3A = arith.select %and3A, %sub3A_1611, %div3A : i32
      %jit3A_1612 = arith.constant 8 : i32
      %eq3A = arith.constant 0 : i32
      %eq3A_1613 = arith.cmpi eq, %jit3A_1612, %eq3A : i32
      %jit3A_1614 = arith.constant 1 : i32
      %select_n3A_1615 = arith.select %eq3A_1613, %jit3A_1614, %jit3A_1612 : i32
      %rem3A_1616 = arith.remsi %scan3A_1538, %select_n3A_1615 : i32
      %ne3A_1617 = arith.constant 0 : i32
      %ne3A_1618 = arith.cmpi ne, %rem3A_1616, %ne3A_1617 : i32
      %lt3A = arith.constant 0 : i32
      %lt3A_1619 = arith.cmpi slt, %rem3A_1616, %lt3A : i32
      %lt3A_1620 = arith.constant 0 : i32
      %lt3A_1621 = arith.cmpi slt, %select_n3A_1615, %lt3A_1620 : i32
      %ne3A_1622 = arith.xori %lt3A_1619, %lt3A_1621 : i1
      %and3A_1623 = arith.andi %ne3A_1622, %ne3A_1618 : i1
      %add3A_1624 = arith.addi %rem3A_1616, %select_n3A_1615 : i32
      %select_n3A_1625 = arith.select %and3A_1623, %add3A_1624, %rem3A_1616 : i32
      %mul3A_1626 = arith.constant 16 : i32
      %mul3A_1627 = arith.muli %select_n3A_1625, %mul3A_1626 : i32
      %swap3A = arith.index_cast %select_n3A : i32 to index
      %swap3A_1628 = arith.index_cast %mul3A_1627 : i32 to index
      %swap3A_1629 = tpu.vector_load %arg6[%swap3A, %swap3A_1628] {strides = array<i32>} : memref<4x128xi32, #tpu.memory_space<vmem>>, vector<16xi32>,
      tpu.vector_store %arg6[%swap3A, %swap3A_1628], %add3A_1595 {strides = array<i32>} : memref<4x128xi32, #tpu.memory_space<vmem>>, vector<16xi32>,
    }
    %scan3A_13 = arith.constant 32 : i32
    %dma_start3A = arith.constant 0 : i32
    %dma_start3A_14 = arith.constant 0 : i32
    %dma_start3A_15 = arith.constant 0 : i32
    %dma_start3A_16 = tpu.memref_slice %arg8[%dma_start3A_14, %dma_start3A_15] : memref<512x64xf32, #tpu.memory_space<vmem>> -> memref<128x64xf32, #tpu.memory_space<vmem>>
    %dma_start3A_17 = arith.constant 0 : i32
    %dma_start3A_18 = tpu.memref_slice %arg6[%dma_start3A, %dma_start3A_17] : memref<4x128xi32, #tpu.memory_space<vmem>> -> memref<1x128xi32, #tpu.memory_space<vmem>>
    %dma_start3A_19 = tpu.memref_squeeze %dma_start3A_18 : memref<1x128xi32, #tpu.memory_space<vmem>> -> memref<128xi32, #tpu.memory_space<vmem>>
    %dma_start3A_20 = arith.constant 0 : i32
    %dma_start3A_21 = arith.constant 0 : i32
    %dma_start3A_22 = tpu.memref_slice %arg3[%dma_start3A_20, %dma_start3A_21] : memref<32768x64xf32, #tpu.memory_space<hbm>> -> memref<32768x64xf32, #tpu.memory_space<hbm>>
    tpu.enqueue_indirect_dma source(%dma_start3A_22 : memref<32768x64xf32, #tpu.memory_space<hbm>>) target(%dma_start3A_16 : memref<128x64xf32, #tpu.memory_space<vmem>>) offsets(%dma_start3A_19 : memref<128xi32, #tpu.memory_space<vmem>>) semaphore(%arg11 : memref<!tpu.dma_semaphore, #tpu.memory_space<semaphore_mem>>)
    %dma_start3A_23 = arith.constant 1 : i32
    %dma_start3A_24 = arith.constant 128 : i32
    %dma_start3A_25 = arith.constant 0 : i32
    %dma_start3A_26 = tpu.memref_slice %arg8[%dma_start3A_24, %dma_start3A_25] : memref<512x64xf32, #tpu.memory_space<vmem>> -> memref<128x64xf32, #tpu.memory_space<vmem>>
    %dma_start3A_27 = arith.constant 0 : i32
    %dma_start3A_28 = tpu.memref_slice %arg6[%dma_start3A_23, %dma_start3A_27] : memref<4x128xi32, #tpu.memory_space<vmem>> -> memref<1x128xi32, #tpu.memory_space<vmem>>
    %dma_start3A_29 = tpu.memref_squeeze %dma_start3A_28 : memref<1x128xi32, #tpu.memory_space<vmem>> -> memref<128xi32, #tpu.memory_space<vmem>>
    %dma_start3A_30 = arith.constant 0 : i32
    %dma_start3A_31 = arith.constant 0 : i32
    %dma_start3A_32 = tpu.memref_slice %arg3[%dma_start3A_30, %dma_start3A_31] : memref<32768x64xf32, #tpu.memory_space<hbm>> -> memref<32768x64xf32, #tpu.memory_space<hbm>>
    tpu.enqueue_indirect_dma source(%dma_start3A_32 : memref<32768x64xf32, #tpu.memory_space<hbm>>) target(%dma_start3A_26 : memref<128x64xf32, #tpu.memory_space<vmem>>) offsets(%dma_start3A_29 : memref<128xi32, #tpu.memory_space<vmem>>) semaphore(%arg11 : memref<!tpu.dma_semaphore, #tpu.memory_space<semaphore_mem>>)
    %dma_start3A_33 = arith.constant 2 : i32
    %dma_start3A_34 = arith.constant 256 : i32
    %dma_start3A_35 = arith.constant 0 : i32
    %dma_start3A_36 = tpu.memref_slice %arg8[%dma_start3A_34, %dma_start3A_35] : memref<512x64xf32, #tpu.memory_space<vmem>> -> memref<128x64xf32, #tpu.memory_space<vmem>>
    %dma_start3A_37 = arith.constant 0 : i32
    %dma_start3A_38 = tpu.memref_slice %arg6[%dma_start3A_33, %dma_start3A_37] : memref<4x128xi32, #tpu.memory_space<vmem>> -> memref<1x128xi32, #tpu.memory_space<vmem>>
    %dma_start3A_39 = tpu.memref_squeeze %dma_start3A_38 : memref<1x128xi32, #tpu.memory_space<vmem>> -> memref<128xi32, #tpu.memory_space<vmem>>
    %dma_start3A_40 = arith.constant 0 : i32
    %dma_start3A_41 = arith.constant 0 : i32
    %dma_start3A_42 = tpu.memref_slice %arg3[%dma_start3A_40, %dma_start3A_41] : memref<32768x64xf32, #tpu.memory_space<hbm>> -> memref<32768x64xf32, #tpu.memory_space<hbm>>
    tpu.enqueue_indirect_dma source(%dma_start3A_42 : memref<32768x64xf32, #tpu.memory_space<hbm>>) target(%dma_start3A_36 : memref<128x64xf32, #tpu.memory_space<vmem>>) offsets(%dma_start3A_39 : memref<128xi32, #tpu.memory_space<vmem>>) semaphore(%arg11 : memref<!tpu.dma_semaphore, #tpu.memory_space<semaphore_mem>>)
    %dma_start3A_43 = arith.constant 3 : i32
    %dma_start3A_44 = arith.constant 384 : i32
    %dma_start3A_45 = arith.constant 0 : i32
    %dma_start3A_46 = tpu.memref_slice %arg8[%dma_start3A_44, %dma_start3A_45] : memref<512x64xf32, #tpu.memory_space<vmem>> -> memref<128x64xf32, #tpu.memory_space<vmem>>
    %dma_start3A_47 = arith.constant 0 : i32
    %dma_start3A_48 = tpu.memref_slice %arg6[%dma_start3A_43, %dma_start3A_47] : memref<4x128xi32, #tpu.memory_space<vmem>> -> memref<1x128xi32, #tpu.memory_space<vmem>>
    %dma_start3A_49 = tpu.memref_squeeze %dma_start3A_48 : memref<1x128xi32, #tpu.memory_space<vmem>> -> memref<128xi32, #tpu.memory_space<vmem>>
    %dma_start3A_50 = arith.constant 0 : i32
    %dma_start3A_51 = arith.constant 0 : i32
    %dma_start3A_52 = tpu.memref_slice %arg3[%dma_start3A_50, %dma_start3A_51] : memref<32768x64xf32, #tpu.memory_space<hbm>> -> memref<32768x64xf32, #tpu.memory_space<hbm>>
    tpu.enqueue_indirect_dma source(%dma_start3A_52 : memref<32768x64xf32, #tpu.memory_space<hbm>>) target(%dma_start3A_46 : memref<128x64xf32, #tpu.memory_space<vmem>>) offsets(%dma_start3A_49 : memref<128xi32, #tpu.memory_space<vmem>>) semaphore(%arg11 : memref<!tpu.dma_semaphore, #tpu.memory_space<semaphore_mem>>)
    %scan3A_53 = arith.constant 0 : i32
    %scan3A_54 = arith.constant 0 : i32
    %scan3A_55 = arith.constant 32 : i32
    %scan3A_56 = arith.addi %scan3A_54, %scan3A_55 : i32
    %scan3A_57 = arith.constant 1 : i32
    scf.for %scan3A_1538 = %scan3A_54 to %scan3A_56 step %scan3A_57  : i32 {
      %mul3A_1539 = arith.constant 16 : i32
      %mul3A_1540 = arith.muli %scan3A_1538, %mul3A_1539 : i32
      %add3A_1541 = arith.constant 512 : i32
      %add3A_1542 = arith.addi %add3A_1541, %mul3A_1540 : i32
      %get3A = arith.index_cast %add3A_1542 : i32 to index
      %get3A_1543 = tpu.vector_load %arg5[%get3A] {strides = array<i32>} : memref<24576xf32, #tpu.memory_space<vmem>>, vector<16xf32>,
      %max3A = arith.constant 0.000000e+00 : f32
      %max3A_1544 = vector.broadcast %max3A : f32 to vector<16xf32>
      %max3A_1545 = arith.maximumf %get3A_1543, %max3A_1544 : vector<16xf32>
      %min3A = arith.constant 1.000000e+00 : f32
      %min3A_1546 = vector.broadcast %min3A : f32 to vector<16xf32>
      %min3A_1547 = arith.minimumf %max3A_1545, %min3A_1546 : vector<16xf32>
      %mul3A_1548 = arith.constant 3.200000e+01 : f32
      %mul3A_1549 = vector.broadcast %mul3A_1548 : f32 to vector<16xf32>
      %mul3A_1550 = arith.mulf %min3A_1547, %mul3A_1549 : vector<16xf32>
      %convert_element_type3A = arith.fptosi %mul3A_1550 : vector<16xf32> to vector<16xi32>
      %min3A_1551 = arith.constant 31 : i32
      %min3A_1552 = vector.broadcast %min3A_1551 : i32 to vector<16xi32>
      %min3A_1553 = arith.minsi %convert_element_type3A, %min3A_1552 : vector<16xi32>
      %add3A_1554 = arith.constant 8192 : i32
      %add3A_1555 = arith.addi %add3A_1554, %add3A_1542 : i32
      %get3A_1556 = arith.index_cast %add3A_1555 : i32 to index
      %get3A_1557 = tpu.vector_load %arg5[%get3A_1556] {strides = array<i32>} : memref<24576xf32, #tpu.memory_space<vmem>>, vector<16xf32>,
      %max3A_1558 = arith.constant 0.000000e+00 : f32
      %max3A_1559 = vector.broadcast %max3A_1558 : f32 to vector<16xf32>
      %max3A_1560 = arith.maximumf %get3A_1557, %max3A_1559 : vector<16xf32>
      %min3A_1561 = arith.constant 1.000000e+00 : f32
      %min3A_1562 = vector.broadcast %min3A_1561 : f32 to vector<16xf32>
      %min3A_1563 = arith.minimumf %max3A_1560, %min3A_1562 : vector<16xf32>
      %mul3A_1564 = arith.constant 3.200000e+01 : f32
      %mul3A_1565 = vector.broadcast %mul3A_1564 : f32 to vector<16xf32>
      %mul3A_1566 = arith.mulf %min3A_1563, %mul3A_1565 : vector<16xf32>
      %convert_element_type3A_1567 = arith.fptosi %mul3A_1566 : vector<16xf32> to vector<16xi32>
      %min3A_1568 = arith.constant 31 : i32
      %min3A_1569 = vector.broadcast %min3A_1568 : i32 to vector<16xi32>
      %min3A_1570 = arith.minsi %convert_element_type3A_1567, %min3A_1569 : vector<16xi32>
      %add3A_1571 = arith.constant 16384 : i32
      %add3A_1572 = arith.addi %add3A_1571, %add3A_1542 : i32
      %get3A_1573 = arith.index_cast %add3A_1572 : i32 to index
      %get3A_1574 = tpu.vector_load %arg5[%get3A_1573] {strides = array<i32>} : memref<24576xf32, #tpu.memory_space<vmem>>, vector<16xf32>,
      %max3A_1575 = arith.constant 0.000000e+00 : f32
      %max3A_1576 = vector.broadcast %max3A_1575 : f32 to vector<16xf32>
      %max3A_1577 = arith.maximumf %get3A_1574, %max3A_1576 : vector<16xf32>
      %min3A_1578 = arith.constant 1.000000e+00 : f32
      %min3A_1579 = vector.broadcast %min3A_1578 : f32 to vector<16xf32>
      %min3A_1580 = arith.minimumf %max3A_1577, %min3A_1579 : vector<16xf32>
      %mul3A_1581 = arith.constant 3.200000e+01 : f32
      %mul3A_1582 = vector.broadcast %mul3A_1581 : f32 to vector<16xf32>
      %mul3A_1583 = arith.mulf %min3A_1580, %mul3A_1582 : vector<16xf32>
      %convert_element_type3A_1584 = arith.fptosi %mul3A_1583 : vector<16xf32> to vector<16xi32>
      %min3A_1585 = arith.constant 31 : i32
      %min3A_1586 = vector.broadcast %min3A_1585 : i32 to vector<16xi32>
      %min3A_1587 = arith.minsi %convert_element_type3A_1584, %min3A_1586 : vector<16xi32>
      %mul3A_1588 = arith.constant 32 : i32
      %mul3A_1589 = vector.broadcast %mul3A_1588 : i32 to vector<16xi32>
      %mul3A_1590 = arith.muli %min3A_1553, %mul3A_1589 : vector<16xi32>
      %add3A_1591 = arith.addi %mul3A_1590, %min3A_1570 : vector<16xi32>
      %mul3A_1592 = arith.constant 32 : i32
      %mul3A_1593 = vector.broadcast %mul3A_1592 : i32 to vector<16xi32>
      %mul3A_1594 = arith.muli %add3A_1591, %mul3A_1593 : vector<16xi32>
      %add3A_1595 = arith.addi %mul3A_1594, %min3A_1587 : vector<16xi32>
      %jit3A = arith.constant 8 : i32
      %div3A = arith.divsi %scan3A_1538, %jit3A : i32
      %sign3A = arith.constant 0 : i32
      %sign3A_1596 = arith.cmpi sgt, %scan3A_1538, %sign3A : i32
      %sign3A_1597 = arith.extui %sign3A_1596 : i1 to i32
      %sign3A_1598 = arith.constant 0 : i32
      %sign3A_1599 = arith.cmpi slt, %scan3A_1538, %sign3A_1598 : i32
      %sign3A_1600 = arith.extui %sign3A_1599 : i1 to i32
      %sign3A_1601 = arith.subi %sign3A_1597, %sign3A_1600 : i32
      %sign3A_1602 = arith.constant 0 : i32
      %sign3A_1603 = arith.cmpi sgt, %jit3A, %sign3A_1602 : i32
      %sign3A_1604 = arith.extui %sign3A_1603 : i1 to i32
      %sign3A_1605 = arith.constant 0 : i32
      %sign3A_1606 = arith.cmpi slt, %jit3A, %sign3A_1605 : i32
      %sign3A_1607 = arith.extui %sign3A_1606 : i1 to i32
      %sign3A_1608 = arith.subi %sign3A_1604, %sign3A_1607 : i32
      %ne3A = arith.cmpi ne, %sign3A_1601, %sign3A_1608 : i32
      %rem3A = arith.remsi %scan3A_1538, %jit3A : i32
      %ne3A_1609 = arith.constant 0 : i32
      %ne3A_1610 = arith.cmpi ne, %rem3A, %ne3A_1609 : i32
      %and3A = arith.andi %ne3A, %ne3A_1610 : i1
      %sub3A = arith.constant 1 : i32
      %sub3A_1611 = arith.subi %div3A, %sub3A : i32
      %select_n3A = arith.select %and3A, %sub3A_1611, %div3A : i32
      %jit3A_1612 = arith.constant 8 : i32
      %eq3A = arith.constant 0 : i32
      %eq3A_1613 = arith.cmpi eq, %jit3A_1612, %eq3A : i32
      %jit3A_1614 = arith.constant 1 : i32
      %select_n3A_1615 = arith.select %eq3A_1613, %jit3A_1614, %jit3A_1612 : i32
      %rem3A_1616 = arith.remsi %scan3A_1538, %select_n3A_1615 : i32
      %ne3A_1617 = arith.constant 0 : i32
      %ne3A_1618 = arith.cmpi ne, %rem3A_1616, %ne3A_1617 : i32
      %lt3A = arith.constant 0 : i32
      %lt3A_1619 = arith.cmpi slt, %rem3A_1616, %lt3A : i32
      %lt3A_1620 = arith.constant 0 : i32
      %lt3A_1621 = arith.cmpi slt, %select_n3A_1615, %lt3A_1620 : i32
      %ne3A_1622 = arith.xori %lt3A_1619, %lt3A_1621 : i1
      %and3A_1623 = arith.andi %ne3A_1622, %ne3A_1618 : i1
      %add3A_1624 = arith.addi %rem3A_1616, %select_n3A_1615 : i32
      %select_n3A_1625 = arith.select %and3A_1623, %add3A_1624, %rem3A_1616 : i32
      %mul3A_1626 = arith.constant 16 : i32
      %mul3A_1627 = arith.muli %select_n3A_1625, %mul3A_1626 : i32
      %swap3A = arith.index_cast %select_n3A : i32 to index
      %swap3A_1628 = arith.index_cast %mul3A_1627 : i32 to index
      %swap3A_1629 = tpu.vector_load %arg7[%swap3A, %swap3A_1628] {strides = array<i32>} : memref<4x128xi32, #tpu.memory_space<vmem>>, vector<16xi32>,
      tpu.vector_store %arg7[%swap3A, %swap3A_1628], %add3A_1595 {strides = array<i32>} : memref<4x128xi32, #tpu.memory_space<vmem>>, vector<16xi32>,
    }
    %scan3A_58 = arith.constant 32 : i32
    %dma_wait3A = arith.constant 0 : i32
    %dma_wait3A_59 = arith.constant 0 : i32
    %dma_wait3A_60 = arith.constant 0 : i32
    %dma_wait3A_61 = tpu.memref_slice %arg8[%dma_wait3A_59, %dma_wait3A_60] : memref<512x64xf32, #tpu.memory_space<vmem>> -> memref<128x64xf32, #tpu.memory_space<vmem>>
    %dma_wait3A_62 = arith.constant 0 : i32
    %dma_wait3A_63 = tpu.memref_slice %arg6[%dma_wait3A, %dma_wait3A_62] : memref<4x128xi32, #tpu.memory_space<vmem>> -> memref<1x128xi32, #tpu.memory_space<vmem>>
    %dma_wait3A_64 = tpu.memref_squeeze %dma_wait3A_63 : memref<1x128xi32, #tpu.memory_space<vmem>> -> memref<128xi32, #tpu.memory_space<vmem>>
    %dma_wait3A_65 = arith.constant 0 : i32
    %dma_wait3A_66 = arith.constant 0 : i32
    %dma_wait3A_67 = tpu.memref_slice %arg3[%dma_wait3A_65, %dma_wait3A_66] : memref<32768x64xf32, #tpu.memory_space<hbm>> -> memref<32768x64xf32, #tpu.memory_space<hbm>>
    tpu.wait_indirect_dma semaphore(%arg11 : memref<!tpu.dma_semaphore, #tpu.memory_space<semaphore_mem>>) src(%dma_wait3A_67 : memref<32768x64xf32, #tpu.memory_space<hbm>>) dst(%dma_wait3A_61 : memref<128x64xf32, #tpu.memory_space<vmem>>)
    %dma_wait3A_68 = arith.constant 1 : i32
    %dma_wait3A_69 = arith.constant 128 : i32
    %dma_wait3A_70 = arith.constant 0 : i32
    %dma_wait3A_71 = tpu.memref_slice %arg8[%dma_wait3A_69, %dma_wait3A_70] : memref<512x64xf32, #tpu.memory_space<vmem>> -> memref<128x64xf32, #tpu.memory_space<vmem>>
    %dma_wait3A_72 = arith.constant 0 : i32
    %dma_wait3A_73 = tpu.memref_slice %arg6[%dma_wait3A_68, %dma_wait3A_72] : memref<4x128xi32, #tpu.memory_space<vmem>> -> memref<1x128xi32, #tpu.memory_space<vmem>>
    %dma_wait3A_74 = tpu.memref_squeeze %dma_wait3A_73 : memref<1x128xi32, #tpu.memory_space<vmem>> -> memref<128xi32, #tpu.memory_space<vmem>>
    %dma_wait3A_75 = arith.constant 0 : i32
    %dma_wait3A_76 = arith.constant 0 : i32
    %dma_wait3A_77 = tpu.memref_slice %arg3[%dma_wait3A_75, %dma_wait3A_76] : memref<32768x64xf32, #tpu.memory_space<hbm>> -> memref<32768x64xf32, #tpu.memory_space<hbm>>
    tpu.wait_indirect_dma semaphore(%arg11 : memref<!tpu.dma_semaphore, #tpu.memory_space<semaphore_mem>>) src(%dma_wait3A_77 : memref<32768x64xf32, #tpu.memory_space<hbm>>) dst(%dma_wait3A_71 : memref<128x64xf32, #tpu.memory_space<vmem>>)
    %dma_wait3A_78 = arith.constant 2 : i32
    %dma_wait3A_79 = arith.constant 256 : i32
    %dma_wait3A_80 = arith.constant 0 : i32
    %dma_wait3A_81 = tpu.memref_slice %arg8[%dma_wait3A_79, %dma_wait3A_80] : memref<512x64xf32, #tpu.memory_space<vmem>> -> memref<128x64xf32, #tpu.memory_space<vmem>>
    %dma_wait3A_82 = arith.constant 0 : i32
    %dma_wait3A_83 = tpu.memref_slice %arg6[%dma_wait3A_78, %dma_wait3A_82] : memref<4x128xi32, #tpu.memory_space<vmem>> -> memref<1x128xi32, #tpu.memory_space<vmem>>
    %dma_wait3A_84 = tpu.memref_squeeze %dma_wait3A_83 : memref<1x128xi32, #tpu.memory_space<vmem>> -> memref<128xi32, #tpu.memory_space<vmem>>
    %dma_wait3A_85 = arith.constant 0 : i32
    %dma_wait3A_86 = arith.constant 0 : i32
    %dma_wait3A_87 = tpu.memref_slice %arg3[%dma_wait3A_85, %dma_wait3A_86] : memref<32768x64xf32, #tpu.memory_space<hbm>> -> memref<32768x64xf32, #tpu.memory_space<hbm>>
    tpu.wait_indirect_dma semaphore(%arg11 : memref<!tpu.dma_semaphore, #tpu.memory_space<semaphore_mem>>) src(%dma_wait3A_87 : memref<32768x64xf32, #tpu.memory_space<hbm>>) dst(%dma_wait3A_81 : memref<128x64xf32, #tpu.memory_space<vmem>>)
    %dma_wait3A_88 = arith.constant 3 : i32
    %dma_wait3A_89 = arith.constant 384 : i32
    %dma_wait3A_90 = arith.constant 0 : i32
    %dma_wait3A_91 = tpu.memref_slice %arg8[%dma_wait3A_89, %dma_wait3A_90] : memref<512x64xf32, #tpu.memory_space<vmem>> -> memref<128x64xf32, #tpu.memory_space<vmem>>
    %dma_wait3A_92 = arith.constant 0 : i32
    %dma_wait3A_93 = tpu.memref_slice %arg6[%dma_wait3A_88, %dma_wait3A_92] : memref<4x128xi32, #tpu.memory_space<vmem>> -> memref<1x128xi32, #tpu.memory_space<vmem>>
    %dma_wait3A_94 = tpu.memref_squeeze %dma_wait3A_93 : memref<1x128xi32, #tpu.memory_space<vmem>> -> memref<128xi32, #tpu.memory_space<vmem>>
    %dma_wait3A_95 = arith.constant 0 : i32
    %dma_wait3A_96 = arith.constant 0 : i32
    %dma_wait3A_97 = tpu.memref_slice %arg3[%dma_wait3A_95, %dma_wait3A_96] : memref<32768x64xf32, #tpu.memory_space<hbm>> -> memref<32768x64xf32, #tpu.memory_space<hbm>>
    tpu.wait_indirect_dma semaphore(%arg11 : memref<!tpu.dma_semaphore, #tpu.memory_space<semaphore_mem>>) src(%dma_wait3A_97 : memref<32768x64xf32, #tpu.memory_space<hbm>>) dst(%dma_wait3A_91 : memref<128x64xf32, #tpu.memory_space<vmem>>)
    %add3A_98 = arith.constant 0 : i32
    %add3A_99 = arith.addi %mul3A_2, %add3A_98 : i32
    %dma_start3A_100 = arith.constant 0 : i32
    %dma_start3A_101 = tpu.memref_slice %arg4[%add3A_99, %dma_start3A_100] : memref<262144x64xf32, #tpu.memory_space<hbm>> -> memref<512x64xf32, #tpu.memory_space<hbm>>
    %dma_start3A_102 = arith.constant 0 : i32
    %dma_start3A_103 = tpu.memref_slice %arg4[%add3A_99, %dma_start3A_102] : memref<262144x64xf32, #tpu.memory_space<hbm>> -> memref<512x64xf32, #tpu.memory_space<hbm>>
    tpu.enqueue_dma source(%arg8 : memref<512x64xf32, #tpu.memory_space<vmem>>) target(%dma_start3A_103 : memref<512x64xf32, #tpu.memory_space<hbm>>) target_semaphore(%arg12 : memref<!tpu.dma_semaphore, #tpu.memory_space<semaphore_mem>>)
    %dma_start3A_104 = arith.constant 0 : i32
    %dma_start3A_105 = arith.constant 0 : i32
    %dma_start3A_106 = arith.constant 0 : i32
    %dma_start3A_107 = tpu.memref_slice %arg9[%dma_start3A_105, %dma_start3A_106] : memref<512x64xf32, #tpu.memory_space<vmem>> -> memref<128x64xf32, #tpu.memory_space<vmem>>
    %dma_start3A_108 = arith.constant 0 : i32
    %dma_start3A_109 = tpu.memref_slice %arg7[%dma_start3A_104, %dma_start3A_108] : memref<4x128xi32, #tpu.memory_space<vmem>> -> memref<1x128xi32, #tpu.memory_space<vmem>>
    %dma_start3A_110 = tpu.memref_squeeze %dma_start3A_109 : memref<1x128xi32, #tpu.memory_space<vmem>> -> memref<128xi32, #tpu.memory_space<vmem>>
    %dma_start3A_111 = arith.constant 0 : i32
    %dma_start3A_112 = arith.constant 0 : i32
    %dma_start3A_113 = tpu.memref_slice %arg3[%dma_start3A_111, %dma_start3A_112] : memref<32768x64xf32, #tpu.memory_space<hbm>> -> memref<32768x64xf32, #tpu.memory_space<hbm>>
    tpu.enqueue_indirect_dma source(%dma_start3A_113 : memref<32768x64xf32, #tpu.memory_space<hbm>>) target(%dma_start3A_107 : memref<128x64xf32, #tpu.memory_space<vmem>>) offsets(%dma_start3A_110 : memref<128xi32, #tpu.memory_space<vmem>>) semaphore(%arg11 : memref<!tpu.dma_semaphore, #tpu.memory_space<semaphore_mem>>)
    %dma_start3A_114 = arith.constant 1 : i32
    %dma_start3A_115 = arith.constant 128 : i32
    %dma_start3A_116 = arith.constant 0 : i32
    %dma_start3A_117 = tpu.memref_slice %arg9[%dma_start3A_115, %dma_start3A_116] : memref<512x64xf32, #tpu.memory_space<vmem>> -> memref<128x64xf32, #tpu.memory_space<vmem>>
    %dma_start3A_118 = arith.constant 0 : i32
    %dma_start3A_119 = tpu.memref_slice %arg7[%dma_start3A_114, %dma_start3A_118] : memref<4x128xi32, #tpu.memory_space<vmem>> -> memref<1x128xi32, #tpu.memory_space<vmem>>
    %dma_start3A_120 = tpu.memref_squeeze %dma_start3A_119 : memref<1x128xi32, #tpu.memory_space<vmem>> -> memref<128xi32, #tpu.memory_space<vmem>>
    %dma_start3A_121 = arith.constant 0 : i32
    %dma_start3A_122 = arith.constant 0 : i32
    %dma_start3A_123 = tpu.memref_slice %arg3[%dma_start3A_121, %dma_start3A_122] : memref<32768x64xf32, #tpu.memory_space<hbm>> -> memref<32768x64xf32, #tpu.memory_space<hbm>>
    tpu.enqueue_indirect_dma source(%dma_start3A_123 : memref<32768x64xf32, #tpu.memory_space<hbm>>) target(%dma_start3A_117 : memref<128x64xf32, #tpu.memory_space<vmem>>) offsets(%dma_start3A_120 : memref<128xi32, #tpu.memory_space<vmem>>) semaphore(%arg11 : memref<!tpu.dma_semaphore, #tpu.memory_space<semaphore_mem>>)
    %dma_start3A_124 = arith.constant 2 : i32
    %dma_start3A_125 = arith.constant 256 : i32
    %dma_start3A_126 = arith.constant 0 : i32
    %dma_start3A_127 = tpu.memref_slice %arg9[%dma_start3A_125, %dma_start3A_126] : memref<512x64xf32, #tpu.memory_space<vmem>> -> memref<128x64xf32, #tpu.memory_space<vmem>>
    %dma_start3A_128 = arith.constant 0 : i32
    %dma_start3A_129 = tpu.memref_slice %arg7[%dma_start3A_124, %dma_start3A_128] : memref<4x128xi32, #tpu.memory_space<vmem>> -> memref<1x128xi32, #tpu.memory_space<vmem>>
    %dma_start3A_130 = tpu.memref_squeeze %dma_start3A_129 : memref<1x128xi32, #tpu.memory_space<vmem>> -> memref<128xi32, #tpu.memory_space<vmem>>
    %dma_start3A_131 = arith.constant 0 : i32
    %dma_start3A_132 = arith.constant 0 : i32
    %dma_start3A_133 = tpu.memref_slice %arg3[%dma_start3A_131, %dma_start3A_132] : memref<32768x64xf32, #tpu.memory_space<hbm>> -> memref<32768x64xf32, #tpu.memory_space<hbm>>
    tpu.enqueue_indirect_dma source(%dma_start3A_133 : memref<32768x64xf32, #tpu.memory_space<hbm>>) target(%dma_start3A_127 : memref<128x64xf32, #tpu.memory_space<vmem>>) offsets(%dma_start3A_130 : memref<128xi32, #tpu.memory_space<vmem>>) semaphore(%arg11 : memref<!tpu.dma_semaphore, #tpu.memory_space<semaphore_mem>>)
    %dma_start3A_134 = arith.constant 3 : i32
    %dma_start3A_135 = arith.constant 384 : i32
    %dma_start3A_136 = arith.constant 0 : i32
    %dma_start3A_137 = tpu.memref_slice %arg9[%dma_start3A_135, %dma_start3A_136] : memref<512x64xf32, #tpu.memory_space<vmem>> -> memref<128x64xf32, #tpu.memory_space<vmem>>
    %dma_start3A_138 = arith.constant 0 : i32
    %dma_start3A_139 = tpu.memref_slice %arg7[%dma_start3A_134, %dma_start3A_138] : memref<4x128xi32, #tpu.memory_space<vmem>> -> memref<1x128xi32, #tpu.memory_space<vmem>>
    %dma_start3A_140 = tpu.memref_squeeze %dma_start3A_139 : memref<1x128xi32, #tpu.memory_space<vmem>> -> memref<128xi32, #tpu.memory_space<vmem>>
    %dma_start3A_141 = arith.constant 0 : i32
    %dma_start3A_142 = arith.constant 0 : i32
    %dma_start3A_143 = tpu.memref_slice %arg3[%dma_start3A_141, %dma_start3A_142] : memref<32768x64xf32, #tpu.memory_space<hbm>> -> memref<32768x64xf32, #tpu.memory_space<hbm>>
    tpu.enqueue_indirect_dma source(%dma_start3A_143 : memref<32768x64xf32, #tpu.memory_space<hbm>>) target(%dma_start3A_137 : memref<128x64xf32, #tpu.memory_space<vmem>>) offsets(%dma_start3A_140 : memref<128xi32, #tpu.memory_space<vmem>>) semaphore(%arg11 : memref<!tpu.dma_semaphore, #tpu.memory_space<semaphore_mem>>)
    %scan3A_144 = arith.constant 0 : i32
    %scan3A_145 = arith.constant 0 : i32
    %scan3A_146 = arith.constant 32 : i32
    %scan3A_147 = arith.addi %scan3A_145, %scan3A_146 : i32
    %scan3A_148 = arith.constant 1 : i32
    scf.for %scan3A_1538 = %scan3A_145 to %scan3A_147 step %scan3A_148  : i32 {
      %mul3A_1539 = arith.constant 16 : i32
      %mul3A_1540 = arith.muli %scan3A_1538, %mul3A_1539 : i32
      %add3A_1541 = arith.constant 1024 : i32
      %add3A_1542 = arith.addi %add3A_1541, %mul3A_1540 : i32
      %get3A = arith.index_cast %add3A_1542 : i32 to index
      %get3A_1543 = tpu.vector_load %arg5[%get3A] {strides = array<i32>} : memref<24576xf32, #tpu.memory_space<vmem>>, vector<16xf32>,
      %max3A = arith.constant 0.000000e+00 : f32
      %max3A_1544 = vector.broadcast %max3A : f32 to vector<16xf32>
      %max3A_1545 = arith.maximumf %get3A_1543, %max3A_1544 : vector<16xf32>
      %min3A = arith.constant 1.000000e+00 : f32
      %min3A_1546 = vector.broadcast %min3A : f32 to vector<16xf32>
      %min3A_1547 = arith.minimumf %max3A_1545, %min3A_1546 : vector<16xf32>
      %mul3A_1548 = arith.constant 3.200000e+01 : f32
      %mul3A_1549 = vector.broadcast %mul3A_1548 : f32 to vector<16xf32>
      %mul3A_1550 = arith.mulf %min3A_1547, %mul3A_1549 : vector<16xf32>
      %convert_element_type3A = arith.fptosi %mul3A_1550 : vector<16xf32> to vector<16xi32>
      %min3A_1551 = arith.constant 31 : i32
      %min3A_1552 = vector.broadcast %min3A_1551 : i32 to vector<16xi32>
      %min3A_1553 = arith.minsi %convert_element_type3A, %min3A_1552 : vector<16xi32>
      %add3A_1554 = arith.constant 8192 : i32
      %add3A_1555 = arith.addi %add3A_1554, %add3A_1542 : i32
      %get3A_1556 = arith.index_cast %add3A_1555 : i32 to index
      %get3A_1557 = tpu.vector_load %arg5[%get3A_1556] {strides = array<i32>} : memref<24576xf32, #tpu.memory_space<vmem>>, vector<16xf32>,
      %max3A_1558 = arith.constant 0.000000e+00 : f32
      %max3A_1559 = vector.broadcast %max3A_1558 : f32 to vector<16xf32>
      %max3A_1560 = arith.maximumf %get3A_1557, %max3A_1559 : vector<16xf32>
      %min3A_1561 = arith.constant 1.000000e+00 : f32
      %min3A_1562 = vector.broadcast %min3A_1561 : f32 to vector<16xf32>
      %min3A_1563 = arith.minimumf %max3A_1560, %min3A_1562 : vector<16xf32>
      %mul3A_1564 = arith.constant 3.200000e+01 : f32
      %mul3A_1565 = vector.broadcast %mul3A_1564 : f32 to vector<16xf32>
      %mul3A_1566 = arith.mulf %min3A_1563, %mul3A_1565 : vector<16xf32>
      %convert_element_type3A_1567 = arith.fptosi %mul3A_1566 : vector<16xf32> to vector<16xi32>
      %min3A_1568 = arith.constant 31 : i32
      %min3A_1569 = vector.broadcast %min3A_1568 : i32 to vector<16xi32>
      %min3A_1570 = arith.minsi %convert_element_type3A_1567, %min3A_1569 : vector<16xi32>
      %add3A_1571 = arith.constant 16384 : i32
      %add3A_1572 = arith.addi %add3A_1571, %add3A_1542 : i32
      %get3A_1573 = arith.index_cast %add3A_1572 : i32 to index
      %get3A_1574 = tpu.vector_load %arg5[%get3A_1573] {strides = array<i32>} : memref<24576xf32, #tpu.memory_space<vmem>>, vector<16xf32>,
      %max3A_1575 = arith.constant 0.000000e+00 : f32
      %max3A_1576 = vector.broadcast %max3A_1575 : f32 to vector<16xf32>
      %max3A_1577 = arith.maximumf %get3A_1574, %max3A_1576 : vector<16xf32>
      %min3A_1578 = arith.constant 1.000000e+00 : f32
      %min3A_1579 = vector.broadcast %min3A_1578 : f32 to vector<16xf32>
      %min3A_1580 = arith.minimumf %max3A_1577, %min3A_1579 : vector<16xf32>
      %mul3A_1581 = arith.constant 3.200000e+01 : f32
      %mul3A_1582 = vector.broadcast %mul3A_1581 : f32 to vector<16xf32>
      %mul3A_1583 = arith.mulf %min3A_1580, %mul3A_1582 : vector<16xf32>
      %convert_element_type3A_1584 = arith.fptosi %mul3A_1583 : vector<16xf32> to vector<16xi32>
      %min3A_1585 = arith.constant 31 : i32
      %min3A_1586 = vector.broadcast %min3A_1585 : i32 to vector<16xi32>
      %min3A_1587 = arith.minsi %convert_element_type3A_1584, %min3A_1586 : vector<16xi32>
      %mul3A_1588 = arith.constant 32 : i32
      %mul3A_1589 = vector.broadcast %mul3A_1588 : i32 to vector<16xi32>
      %mul3A_1590 = arith.muli %min3A_1553, %mul3A_1589 : vector<16xi32>
      %add3A_1591 = arith.addi %mul3A_1590, %min3A_1570 : vector<16xi32>
      %mul3A_1592 = arith.constant 32 : i32
      %mul3A_1593 = vector.broadcast %mul3A_1592 : i32 to vector<16xi32>
      %mul3A_1594 = arith.muli %add3A_1591, %mul3A_1593 : vector<16xi32>
      %add3A_1595 = arith.addi %mul3A_1594, %min3A_1587 : vector<16xi32>
      %jit3A = arith.constant 8 : i32
      %div3A = arith.divsi %scan3A_1538, %jit3A : i32
      %sign3A = arith.constant 0 : i32
      %sign3A_1596 = arith.cmpi sgt, %scan3A_1538, %sign3A : i32
      %sign3A_1597 = arith.extui %sign3A_1596 : i1 to i32
      %sign3A_1598 = arith.constant 0 : i32
      %sign3A_1599 = arith.cmpi slt, %scan3A_1538, %sign3A_1598 : i32
      %sign3A_1600 = arith.extui %sign3A_1599 : i1 to i32
      %sign3A_1601 = arith.subi %sign3A_1597, %sign3A_1600 : i32
      %sign3A_1602 = arith.constant 0 : i32
      %sign3A_1603 = arith.cmpi sgt, %jit3A, %sign3A_1602 : i32
      %sign3A_1604 = arith.extui %sign3A_1603 : i1 to i32
      %sign3A_1605 = arith.constant 0 : i32
      %sign3A_1606 = arith.cmpi slt, %jit3A, %sign3A_1605 : i32
      %sign3A_1607 = arith.extui %sign3A_1606 : i1 to i32
      %sign3A_1608 = arith.subi %sign3A_1604, %sign3A_1607 : i32
      %ne3A = arith.cmpi ne, %sign3A_1601, %sign3A_1608 : i32
      %rem3A = arith.remsi %scan3A_1538, %jit3A : i32
      %ne3A_1609 = arith.constant 0 : i32
      %ne3A_1610 = arith.cmpi ne, %rem3A, %ne3A_1609 : i32
      %and3A = arith.andi %ne3A, %ne3A_1610 : i1
      %sub3A = arith.constant 1 : i32
      %sub3A_1611 = arith.subi %div3A, %sub3A : i32
      %select_n3A = arith.select %and3A, %sub3A_1611, %div3A : i32
      %jit3A_1612 = arith.constant 8 : i32
      %eq3A = arith.constant 0 : i32
      %eq3A_1613 = arith.cmpi eq, %jit3A_1612, %eq3A : i32
      %jit3A_1614 = arith.constant 1 : i32
      %select_n3A_1615 = arith.select %eq3A_1613, %jit3A_1614, %jit3A_1612 : i32
      %rem3A_1616 = arith.remsi %scan3A_1538, %select_n3A_1615 : i32
      %ne3A_1617 = arith.constant 0 : i32
      %ne3A_1618 = arith.cmpi ne, %rem3A_1616, %ne3A_1617 : i32
      %lt3A = arith.constant 0 : i32
      %lt3A_1619 = arith.cmpi slt, %rem3A_1616, %lt3A : i32
      %lt3A_1620 = arith.constant 0 : i32
      %lt3A_1621 = arith.cmpi slt, %select_n3A_1615, %lt3A_1620 : i32
      %ne3A_1622 = arith.xori %lt3A_1619, %lt3A_1621 : i1
      %and3A_1623 = arith.andi %ne3A_1622, %ne3A_1618 : i1
      %add3A_1624 = arith.addi %rem3A_1616, %select_n3A_1615 : i32
      %select_n3A_1625 = arith.select %and3A_1623, %add3A_1624, %rem3A_1616 : i32
      %mul3A_1626 = arith.constant 16 : i32
      %mul3A_1627 = arith.muli %select_n3A_1625, %mul3A_1626 : i32
      %swap3A = arith.index_cast %select_n3A : i32 to index
      %swap3A_1628 = arith.index_cast %mul3A_1627 : i32 to index
      %swap3A_1629 = tpu.vector_load %arg6[%swap3A, %swap3A_1628] {strides = array<i32>} : memref<4x128xi32, #tpu.memory_space<vmem>>, vector<16xi32>,
      tpu.vector_store %arg6[%swap3A, %swap3A_1628], %add3A_1595 {strides = array<i32>} : memref<4x128xi32, #tpu.memory_space<vmem>>, vector<16xi32>,
    }
    %scan3A_149 = arith.constant 32 : i32
    %dma_wait3A_150 = arith.constant 0 : i32
    %dma_wait3A_151 = arith.constant 0 : i32
    %dma_wait3A_152 = arith.constant 0 : i32
    %dma_wait3A_153 = tpu.memref_slice %arg9[%dma_wait3A_151, %dma_wait3A_152] : memref<512x64xf32, #tpu.memory_space<vmem>> -> memref<128x64xf32, #tpu.memory_space<vmem>>
    %dma_wait3A_154 = arith.constant 0 : i32
    %dma_wait3A_155 = tpu.memref_slice %arg7[%dma_wait3A_150, %dma_wait3A_154] : memref<4x128xi32, #tpu.memory_space<vmem>> -> memref<1x128xi32, #tpu.memory_space<vmem>>
    %dma_wait3A_156 = tpu.memref_squeeze %dma_wait3A_155 : memref<1x128xi32, #tpu.memory_space<vmem>> -> memref<128xi32, #tpu.memory_space<vmem>>
    %dma_wait3A_157 = arith.constant 0 : i32
    %dma_wait3A_158 = arith.constant 0 : i32
    %dma_wait3A_159 = tpu.memref_slice %arg3[%dma_wait3A_157, %dma_wait3A_158] : memref<32768x64xf32, #tpu.memory_space<hbm>> -> memref<32768x64xf32, #tpu.memory_space<hbm>>
    tpu.wait_indirect_dma semaphore(%arg11 : memref<!tpu.dma_semaphore, #tpu.memory_space<semaphore_mem>>) src(%dma_wait3A_159 : memref<32768x64xf32, #tpu.memory_space<hbm>>) dst(%dma_wait3A_153 : memref<128x64xf32, #tpu.memory_space<vmem>>)
    %dma_wait3A_160 = arith.constant 1 : i32
    %dma_wait3A_161 = arith.constant 128 : i32
    %dma_wait3A_162 = arith.constant 0 : i32
    %dma_wait3A_163 = tpu.memref_slice %arg9[%dma_wait3A_161, %dma_wait3A_162] : memref<512x64xf32, #tpu.memory_space<vmem>> -> memref<128x64xf32, #tpu.memory_space<vmem>>
    %dma_wait3A_164 = arith.constant 0 : i32
    %dma_wait3A_165 = tpu.memref_slice %arg7[%dma_wait3A_160, %dma_wait3A_164] : memref<4x128xi32, #tpu.memory_space<vmem>> -> memref<1x128xi32, #tpu.memory_space<vmem>>
    %dma_wait3A_166 = tpu.memref_squeeze %dma_wait3A_165 : memref<1x128xi32, #tpu.memory_space<vmem>> -> memref<128xi32, #tpu.memory_space<vmem>>
    %dma_wait3A_167 = arith.constant 0 : i32
    %dma_wait3A_168 = arith.constant 0 : i32
    %dma_wait3A_169 = tpu.memref_slice %arg3[%dma_wait3A_167, %dma_wait3A_168] : memref<32768x64xf32, #tpu.memory_space<hbm>> -> memref<32768x64xf32, #tpu.memory_space<hbm>>
    tpu.wait_indirect_dma semaphore(%arg11 : memref<!tpu.dma_semaphore, #tpu.memory_space<semaphore_mem>>) src(%dma_wait3A_169 : memref<32768x64xf32, #tpu.memory_space<hbm>>) dst(%dma_wait3A_163 : memref<128x64xf32, #tpu.memory_space<vmem>>)
    %dma_wait3A_170 = arith.constant 2 : i32
    %dma_wait3A_171 = arith.constant 256 : i32
    %dma_wait3A_172 = arith.constant 0 : i32
    %dma_wait3A_173 = tpu.memref_slice %arg9[%dma_wait3A_171, %dma_wait3A_172] : memref<512x64xf32, #tpu.memory_space<vmem>> -> memref<128x64xf32, #tpu.memory_space<vmem>>
    %dma_wait3A_174 = arith.constant 0 : i32
    %dma_wait3A_175 = tpu.memref_slice %arg7[%dma_wait3A_170, %dma_wait3A_174] : memref<4x128xi32, #tpu.memory_space<vmem>> -> memref<1x128xi32, #tpu.memory_space<vmem>>
    %dma_wait3A_176 = tpu.memref_squeeze %dma_wait3A_175 : memref<1x128xi32, #tpu.memory_space<vmem>> -> memref<128xi32, #tpu.memory_space<vmem>>
    %dma_wait3A_177 = arith.constant 0 : i32
    %dma_wait3A_178 = arith.constant 0 : i32
    %dma_wait3A_179 = tpu.memref_slice %arg3[%dma_wait3A_177, %dma_wait3A_178] : memref<32768x64xf32, #tpu.memory_space<hbm>> -> memref<32768x64xf32, #tpu.memory_space<hbm>>
    tpu.wait_indirect_dma semaphore(%arg11 : memref<!tpu.dma_semaphore, #tpu.memory_space<semaphore_mem>>) src(%dma_wait3A_179 : memref<32768x64xf32, #tpu.memory_space<hbm>>) dst(%dma_wait3A_173 : memref<128x64xf32, #tpu.memory_space<vmem>>)
    %dma_wait3A_180 = arith.constant 3 : i32
    %dma_wait3A_181 = arith.constant 384 : i32
    %dma_wait3A_182 = arith.constant 0 : i32
    %dma_wait3A_183 = tpu.memref_slice %arg9[%dma_wait3A_181, %dma_wait3A_182] : memref<512x64xf32, #tpu.memory_space<vmem>> -> memref<128x64xf32, #tpu.memory_space<vmem>>
    %dma_wait3A_184 = arith.constant 0 : i32
    %dma_wait3A_185 = tpu.memref_slice %arg7[%dma_wait3A_180, %dma_wait3A_184] : memref<4x128xi32, #tpu.memory_space<vmem>> -> memref<1x128xi32, #tpu.memory_space<vmem>>
    %dma_wait3A_186 = tpu.memref_squeeze %dma_wait3A_185 : memref<1x128xi32, #tpu.memory_space<vmem>> -> memref<128xi32, #tpu.memory_space<vmem>>
    %dma_wait3A_187 = arith.constant 0 : i32
    %dma_wait3A_188 = arith.constant 0 : i32
    %dma_wait3A_189 = tpu.memref_slice %arg3[%dma_wait3A_187, %dma_wait3A_188] : memref<32768x64xf32, #tpu.memory_space<hbm>> -> memref<32768x64xf32, #tpu.memory_space<hbm>>
    tpu.wait_indirect_dma semaphore(%arg11 : memref<!tpu.dma_semaphore, #tpu.memory_space<semaphore_mem>>) src(%dma_wait3A_189 : memref<32768x64xf32, #tpu.memory_space<hbm>>) dst(%dma_wait3A_183 : memref<128x64xf32, #tpu.memory_space<vmem>>)
    %add3A_190 = arith.constant 512 : i32
    %add3A_191 = arith.addi %mul3A_2, %add3A_190 : i32
    %dma_start3A_192 = arith.constant 0 : i32
    %dma_start3A_193 = tpu.memref_slice %arg4[%add3A_191, %dma_start3A_192] : memref<262144x64xf32, #tpu.memory_space<hbm>> -> memref<512x64xf32, #tpu.memory_space<hbm>>
    %dma_start3A_194 = arith.constant 0 : i32
    %dma_start3A_195 = tpu.memref_slice %arg4[%add3A_191, %dma_start3A_194] : memref<262144x64xf32, #tpu.memory_space<hbm>> -> memref<512x64xf32, #tpu.memory_space<hbm>>
    tpu.enqueue_dma source(%arg9 : memref<512x64xf32, #tpu.memory_space<vmem>>) target(%dma_start3A_195 : memref<512x64xf32, #tpu.memory_space<hbm>>) target_semaphore(%arg12 : memref<!tpu.dma_semaphore, #tpu.memory_space<semaphore_mem>>)
    %dma_start3A_196 = arith.constant 0 : i32
    %dma_start3A_197 = arith.constant 0 : i32
    %dma_start3A_198 = arith.constant 0 : i32
    %dma_start3A_199 = tpu.memref_slice %arg10[%dma_start3A_197, %dma_start3A_198] : memref<512x64xf32, #tpu.memory_space<vmem>> -> memref<128x64xf32, #tpu.memory_space<vmem>>
    %dma_start3A_200 = arith.constant 0 : i32
    %dma_start3A_201 = tpu.memref_slice %arg6[%dma_start3A_196, %dma_start3A_200] : memref<4x128xi32, #tpu.memory_space<vmem>> -> memref<1x128xi32, #tpu.memory_space<vmem>>
    %dma_start3A_202 = tpu.memref_squeeze %dma_start3A_201 : memref<1x128xi32, #tpu.memory_space<vmem>> -> memref<128xi32, #tpu.memory_space<vmem>>
    %dma_start3A_203 = arith.constant 0 : i32
    %dma_start3A_204 = arith.constant 0 : i32
    %dma_start3A_205 = tpu.memref_slice %arg3[%dma_start3A_203, %dma_start3A_204] : memref<32768x64xf32, #tpu.memory_space<hbm>> -> memref<32768x64xf32, #tpu.memory_space<hbm>>
    tpu.enqueue_indirect_dma source(%dma_start3A_205 : memref<32768x64xf32, #tpu.memory_space<hbm>>) target(%dma_start3A_199 : memref<128x64xf32, #tpu.memory_space<vmem>>) offsets(%dma_start3A_202 : memref<128xi32, #tpu.memory_space<vmem>>) semaphore(%arg11 : memref<!tpu.dma_semaphore, #tpu.memory_space<semaphore_mem>>)
    %dma_start3A_206 = arith.constant 1 : i32
    %dma_start3A_207 = arith.constant 128 : i32
    %dma_start3A_208 = arith.constant 0 : i32
    %dma_start3A_209 = tpu.memref_slice %arg10[%dma_start3A_207, %dma_start3A_208] : memref<512x64xf32, #tpu.memory_space<vmem>> -> memref<128x64xf32, #tpu.memory_space<vmem>>
    %dma_start3A_210 = arith.constant 0 : i32
    %dma_start3A_211 = tpu.memref_slice %arg6[%dma_start3A_206, %dma_start3A_210] : memref<4x128xi32, #tpu.memory_space<vmem>> -> memref<1x128xi32, #tpu.memory_space<vmem>>
    %dma_start3A_212 = tpu.memref_squeeze %dma_start3A_211 : memref<1x128xi32, #tpu.memory_space<vmem>> -> memref<128xi32, #tpu.memory_space<vmem>>
    %dma_start3A_213 = arith.constant 0 : i32
    %dma_start3A_214 = arith.constant 0 : i32
    %dma_start3A_215 = tpu.memref_slice %arg3[%dma_start3A_213, %dma_start3A_214] : memref<32768x64xf32, #tpu.memory_space<hbm>> -> memref<32768x64xf32, #tpu.memory_space<hbm>>
    tpu.enqueue_indirect_dma source(%dma_start3A_215 : memref<32768x64xf32, #tpu.memory_space<hbm>>) target(%dma_start3A_209 : memref<128x64xf32, #tpu.memory_space<vmem>>) offsets(%dma_start3A_212 : memref<128xi32, #tpu.memory_space<vmem>>) semaphore(%arg11 : memref<!tpu.dma_semaphore, #tpu.memory_space<semaphore_mem>>)
    %dma_start3A_216 = arith.constant 2 : i32
    %dma_start3A_217 = arith.constant 256 : i32
    %dma_start3A_218 = arith.constant 0 : i32
    %dma_start3A_219 = tpu.memref_slice %arg10[%dma_start3A_217, %dma_start3A_218] : memref<512x64xf32, #tpu.memory_space<vmem>> -> memref<128x64xf32, #tpu.memory_space<vmem>>
    %dma_start3A_220 = arith.constant 0 : i32
    %dma_start3A_221 = tpu.memref_slice %arg6[%dma_start3A_216, %dma_start3A_220] : memref<4x128xi32, #tpu.memory_space<vmem>> -> memref<1x128xi32, #tpu.memory_space<vmem>>
    %dma_start3A_222 = tpu.memref_squeeze %dma_start3A_221 : memref<1x128xi32, #tpu.memory_space<vmem>> -> memref<128xi32, #tpu.memory_space<vmem>>
    %dma_start3A_223 = arith.constant 0 : i32
    %dma_start3A_224 = arith.constant 0 : i32
    %dma_start3A_225 = tpu.memref_slice %arg3[%dma_start3A_223, %dma_start3A_224] : memref<32768x64xf32, #tpu.memory_space<hbm>> -> memref<32768x64xf32, #tpu.memory_space<hbm>>
    tpu.enqueue_indirect_dma source(%dma_start3A_225 : memref<32768x64xf32, #tpu.memory_space<hbm>>) target(%dma_start3A_219 : memref<128x64xf32, #tpu.memory_space<vmem>>) offsets(%dma_start3A_222 : memref<128xi32, #tpu.memory_space<vmem>>) semaphore(%arg11 : memref<!tpu.dma_semaphore, #tpu.memory_space<semaphore_mem>>)
    %dma_start3A_226 = arith.constant 3 : i32
    %dma_start3A_227 = arith.constant 384 : i32
    %dma_start3A_228 = arith.constant 0 : i32
    %dma_start3A_229 = tpu.memref_slice %arg10[%dma_start3A_227, %dma_start3A_228] : memref<512x64xf32, #tpu.memory_space<vmem>> -> memref<128x64xf32, #tpu.memory_space<vmem>>
    %dma_start3A_230 = arith.constant 0 : i32
    %dma_start3A_231 = tpu.memref_slice %arg6[%dma_start3A_226, %dma_start3A_230] : memref<4x128xi32, #tpu.memory_space<vmem>> -> memref<1x128xi32, #tpu.memory_space<vmem>>
    %dma_start3A_232 = tpu.memref_squeeze %dma_start3A_231 : memref<1x128xi32, #tpu.memory_space<vmem>> -> memref<128xi32, #tpu.memory_space<vmem>>
    %dma_start3A_233 = arith.constant 0 : i32
    %dma_start3A_234 = arith.constant 0 : i32
    %dma_start3A_235 = tpu.memref_slice %arg3[%dma_start3A_233, %dma_start3A_234] : memref<32768x64xf32, #tpu.memory_space<hbm>> -> memref<32768x64xf32, #tpu.memory_space<hbm>>
    tpu.enqueue_indirect_dma source(%dma_start3A_235 : memref<32768x64xf32, #tpu.memory_space<hbm>>) target(%dma_start3A_229 : memref<128x64xf32, #tpu.memory_space<vmem>>) offsets(%dma_start3A_232 : memref<128xi32, #tpu.memory_space<vmem>>) semaphore(%arg11 : memref<!tpu.dma_semaphore, #tpu.memory_space<semaphore_mem>>)
    %scan3A_236 = arith.constant 0 : i32
    %scan3A_237 = arith.constant 0 : i32
    %scan3A_238 = arith.constant 32 : i32
    %scan3A_239 = arith.addi %scan3A_237, %scan3A_238 : i32
    %scan3A_240 = arith.constant 1 : i32
    scf.for %scan3A_1538 = %scan3A_237 to %scan3A_239 step %scan3A_240  : i32 {
      %mul3A_1539 = arith.constant 16 : i32
      %mul3A_1540 = arith.muli %scan3A_1538, %mul3A_1539 : i32
      %add3A_1541 = arith.constant 1536 : i32
      %add3A_1542 = arith.addi %add3A_1541, %mul3A_1540 : i32
      %get3A = arith.index_cast %add3A_1542 : i32 to index
      %get3A_1543 = tpu.vector_load %arg5[%get3A] {strides = array<i32>} : memref<24576xf32, #tpu.memory_space<vmem>>, vector<16xf32>,
      %max3A = arith.constant 0.000000e+00 : f32
      %max3A_1544 = vector.broadcast %max3A : f32 to vector<16xf32>
      %max3A_1545 = arith.maximumf %get3A_1543, %max3A_1544 : vector<16xf32>
      %min3A = arith.constant 1.000000e+00 : f32
      %min3A_1546 = vector.broadcast %min3A : f32 to vector<16xf32>
      %min3A_1547 = arith.minimumf %max3A_1545, %min3A_1546 : vector<16xf32>
      %mul3A_1548 = arith.constant 3.200000e+01 : f32
      %mul3A_1549 = vector.broadcast %mul3A_1548 : f32 to vector<16xf32>
      %mul3A_1550 = arith.mulf %min3A_1547, %mul3A_1549 : vector<16xf32>
      %convert_element_type3A = arith.fptosi %mul3A_1550 : vector<16xf32> to vector<16xi32>
      %min3A_1551 = arith.constant 31 : i32
      %min3A_1552 = vector.broadcast %min3A_1551 : i32 to vector<16xi32>
      %min3A_1553 = arith.minsi %convert_element_type3A, %min3A_1552 : vector<16xi32>
      %add3A_1554 = arith.constant 8192 : i32
      %add3A_1555 = arith.addi %add3A_1554, %add3A_1542 : i32
      %get3A_1556 = arith.index_cast %add3A_1555 : i32 to index
      %get3A_1557 = tpu.vector_load %arg5[%get3A_1556] {strides = array<i32>} : memref<24576xf32, #tpu.memory_space<vmem>>, vector<16xf32>,
      %max3A_1558 = arith.constant 0.000000e+00 : f32
      %max3A_1559 = vector.broadcast %max3A_1558 : f32 to vector<16xf32>
      %max3A_1560 = arith.maximumf %get3A_1557, %max3A_1559 : vector<16xf32>
      %min3A_1561 = arith.constant 1.000000e+00 : f32
      %min3A_1562 = vector.broadcast %min3A_1561 : f32 to vector<16xf32>
      %min3A_1563 = arith.minimumf %max3A_1560, %min3A_1562 : vector<16xf32>
      %mul3A_1564 = arith.constant 3.200000e+01 : f32
      %mul3A_1565 = vector.broadcast %mul3A_1564 : f32 to vector<16xf32>
      %mul3A_1566 = arith.mulf %min3A_1563, %mul3A_1565 : vector<16xf32>
      %convert_element_type3A_1567 = arith.fptosi %mul3A_1566 : vector<16xf32> to vector<16xi32>
      %min3A_1568 = arith.constant 31 : i32
      %min3A_1569 = vector.broadcast %min3A_1568 : i32 to vector<16xi32>
      %min3A_1570 = arith.minsi %convert_element_type3A_1567, %min3A_1569 : vector<16xi32>
      %add3A_1571 = arith.constant 16384 : i32
      %add3A_1572 = arith.addi %add3A_1571, %add3A_1542 : i32
      %get3A_1573 = arith.index_cast %add3A_1572 : i32 to index
      %get3A_1574 = tpu.vector_load %arg5[%get3A_1573] {strides = array<i32>} : memref<24576xf32, #tpu.memory_space<vmem>>, vector<16xf32>,
      %max3A_1575 = arith.constant 0.000000e+00 : f32
      %max3A_1576 = vector.broadcast %max3A_1575 : f32 to vector<16xf32>
      %max3A_1577 = arith.maximumf %get3A_1574, %max3A_1576 : vector<16xf32>
      %min3A_1578 = arith.constant 1.000000e+00 : f32
      %min3A_1579 = vector.broadcast %min3A_1578 : f32 to vector<16xf32>
      %min3A_1580 = arith.minimumf %max3A_1577, %min3A_1579 : vector<16xf32>
      %mul3A_1581 = arith.constant 3.200000e+01 : f32
      %mul3A_1582 = vector.broadcast %mul3A_1581 : f32 to vector<16xf32>
      %mul3A_1583 = arith.mulf %min3A_1580, %mul3A_1582 : vector<16xf32>
      %convert_element_type3A_1584 = arith.fptosi %mul3A_1583 : vector<16xf32> to vector<16xi32>
      %min3A_1585 = arith.constant 31 : i32
      %min3A_1586 = vector.broadcast %min3A_1585 : i32 to vector<16xi32>
      %min3A_1587 = arith.minsi %convert_element_type3A_1584, %min3A_1586 : vector<16xi32>
      %mul3A_1588 = arith.constant 32 : i32
      %mul3A_1589 = vector.broadcast %mul3A_1588 : i32 to vector<16xi32>
      %mul3A_1590 = arith.muli %min3A_1553, %mul3A_1589 : vector<16xi32>
      %add3A_1591 = arith.addi %mul3A_1590, %min3A_1570 : vector<16xi32>
      %mul3A_1592 = arith.constant 32 : i32
      %mul3A_1593 = vector.broadcast %mul3A_1592 : i32 to vector<16xi32>
      %mul3A_1594 = arith.muli %add3A_1591, %mul3A_1593 : vector<16xi32>
      %add3A_1595 = arith.addi %mul3A_1594, %min3A_1587 : vector<16xi32>
      %jit3A = arith.constant 8 : i32
      %div3A = arith.divsi %scan3A_1538, %jit3A : i32
      %sign3A = arith.constant 0 : i32
      %sign3A_1596 = arith.cmpi sgt, %scan3A_1538, %sign3A : i32
      %sign3A_1597 = arith.extui %sign3A_1596 : i1 to i32
      %sign3A_1598 = arith.constant 0 : i32
      %sign3A_1599 = arith.cmpi slt, %scan3A_1538, %sign3A_1598 : i32
      %sign3A_1600 = arith.extui %sign3A_1599 : i1 to i32
      %sign3A_1601 = arith.subi %sign3A_1597, %sign3A_1600 : i32
      %sign3A_1602 = arith.constant 0 : i32
      %sign3A_1603 = arith.cmpi sgt, %jit3A, %sign3A_1602 : i32
      %sign3A_1604 = arith.extui %sign3A_1603 : i1 to i32
      %sign3A_1605 = arith.constant 0 : i32
      %sign3A_1606 = arith.cmpi slt, %jit3A, %sign3A_1605 : i32
      %sign3A_1607 = arith.extui %sign3A_1606 : i1 to i32
      %sign3A_1608 = arith.subi %sign3A_1604, %sign3A_1607 : i32
      %ne3A = arith.cmpi ne, %sign3A_1601, %sign3A_1608 : i32
      %rem3A = arith.remsi %scan3A_1538, %jit3A : i32
      %ne3A_1609 = arith.constant 0 : i32
      %ne3A_1610 = arith.cmpi ne, %rem3A, %ne3A_1609 : i32
      %and3A = arith.andi %ne3A, %ne3A_1610 : i1
      %sub3A = arith.constant 1 : i32
      %sub3A_1611 = arith.subi %div3A, %sub3A : i32
      %select_n3A = arith.select %and3A, %sub3A_1611, %div3A : i32
      %jit3A_1612 = arith.constant 8 : i32
      %eq3A = arith.constant 0 : i32
      %eq3A_1613 = arith.cmpi eq, %jit3A_1612, %eq3A : i32
      %jit3A_1614 = arith.constant 1 : i32
      %select_n3A_1615 = arith.select %eq3A_1613, %jit3A_1614, %jit3A_1612 : i32
      %rem3A_1616 = arith.remsi %scan3A_1538, %select_n3A_1615 : i32
      %ne3A_1617 = arith.constant 0 : i32
      %ne3A_1618 = arith.cmpi ne, %rem3A_1616, %ne3A_1617 : i32
      %lt3A = arith.constant 0 : i32
      %lt3A_1619 = arith.cmpi slt, %rem3A_1616, %lt3A : i32
      %lt3A_1620 = arith.constant 0 : i32
      %lt3A_1621 = arith.cmpi slt, %select_n3A_1615, %lt3A_1620 : i32
      %ne3A_1622 = arith.xori %lt3A_1619, %lt3A_1621 : i1
      %and3A_1623 = arith.andi %ne3A_1622, %ne3A_1618 : i1
      %add3A_1624 = arith.addi %rem3A_1616, %select_n3A_1615 : i32
      %select_n3A_1625 = arith.select %and3A_1623, %add3A_1624, %rem3A_1616 : i32
      %mul3A_1626 = arith.constant 16 : i32
      %mul3A_1627 = arith.muli %select_n3A_1625, %mul3A_1626 : i32
      %swap3A = arith.index_cast %select_n3A : i32 to index
      %swap3A_1628 = arith.index_cast %mul3A_1627 : i32 to index
      %swap3A_1629 = tpu.vector_load %arg7[%swap3A, %swap3A_1628] {strides = array<i32>} : memref<4x128xi32, #tpu.memory_space<vmem>>, vector<16xi32>,
      tpu.vector_store %arg7[%swap3A, %swap3A_1628], %add3A_1595 {strides = array<i32>} : memref<4x128xi32, #tpu.memory_space<vmem>>, vector<16xi32>,
    }
    %scan3A_241 = arith.constant 32 : i32
    %dma_wait3A_242 = arith.constant 0 : i32
    %dma_wait3A_243 = arith.constant 0 : i32
    %dma_wait3A_244 = arith.constant 0 : i32
    %dma_wait3A_245 = tpu.memref_slice %arg10[%dma_wait3A_243, %dma_wait3A_244] : memref<512x64xf32, #tpu.memory_space<vmem>> -> memref<128x64xf32, #tpu.memory_space<vmem>>
    %dma_wait3A_246 = arith.constant 0 : i32
    %dma_wait3A_247 = tpu.memref_slice %arg6[%dma_wait3A_242, %dma_wait3A_246] : memref<4x128xi32, #tpu.memory_space<vmem>> -> memref<1x128xi32, #tpu.memory_space<vmem>>
    %dma_wait3A_248 = tpu.memref_squeeze %dma_wait3A_247 : memref<1x128xi32, #tpu.memory_space<vmem>> -> memref<128xi32, #tpu.memory_space<vmem>>
    %dma_wait3A_249 = arith.constant 0 : i32
    %dma_wait3A_250 = arith.constant 0 : i32
    %dma_wait3A_251 = tpu.memref_slice %arg3[%dma_wait3A_249, %dma_wait3A_250] : memref<32768x64xf32, #tpu.memory_space<hbm>> -> memref<32768x64xf32, #tpu.memory_space<hbm>>
    tpu.wait_indirect_dma semaphore(%arg11 : memref<!tpu.dma_semaphore, #tpu.memory_space<semaphore_mem>>) src(%dma_wait3A_251 : memref<32768x64xf32, #tpu.memory_space<hbm>>) dst(%dma_wait3A_245 : memref<128x64xf32, #tpu.memory_space<vmem>>)
    %dma_wait3A_252 = arith.constant 1 : i32
    %dma_wait3A_253 = arith.constant 128 : i32
    %dma_wait3A_254 = arith.constant 0 : i32
    %dma_wait3A_255 = tpu.memref_slice %arg10[%dma_wait3A_253, %dma_wait3A_254] : memref<512x64xf32, #tpu.memory_space<vmem>> -> memref<128x64xf32, #tpu.memory_space<vmem>>
    %dma_wait3A_256 = arith.constant 0 : i32
    %dma_wait3A_257 = tpu.memref_slice %arg6[%dma_wait3A_252, %dma_wait3A_256] : memref<4x128xi32, #tpu.memory_space<vmem>> -> memref<1x128xi32, #tpu.memory_space<vmem>>
    %dma_wait3A_258 = tpu.memref_squeeze %dma_wait3A_257 : memref<1x128xi32, #tpu.memory_space<vmem>> -> memref<128xi32, #tpu.memory_space<vmem>>
    %dma_wait3A_259 = arith.constant 0 : i32
    %dma_wait3A_260 = arith.constant 0 : i32
    %dma_wait3A_261 = tpu.memref_slice %arg3[%dma_wait3A_259, %dma_wait3A_260] : memref<32768x64xf32, #tpu.memory_space<hbm>> -> memref<32768x64xf32, #tpu.memory_space<hbm>>
    tpu.wait_indirect_dma semaphore(%arg11 : memref<!tpu.dma_semaphore, #tpu.memory_space<semaphore_mem>>) src(%dma_wait3A_261 : memref<32768x64xf32, #tpu.memory_space<hbm>>) dst(%dma_wait3A_255 : memref<128x64xf32, #tpu.memory_space<vmem>>)
    %dma_wait3A_262 = arith.constant 2 : i32
    %dma_wait3A_263 = arith.constant 256 : i32
    %dma_wait3A_264 = arith.constant 0 : i32
    %dma_wait3A_265 = tpu.memref_slice %arg10[%dma_wait3A_263, %dma_wait3A_264] : memref<512x64xf32, #tpu.memory_space<vmem>> -> memref<128x64xf32, #tpu.memory_space<vmem>>
    %dma_wait3A_266 = arith.constant 0 : i32
    %dma_wait3A_267 = tpu.memref_slice %arg6[%dma_wait3A_262, %dma_wait3A_266] : memref<4x128xi32, #tpu.memory_space<vmem>> -> memref<1x128xi32, #tpu.memory_space<vmem>>
    %dma_wait3A_268 = tpu.memref_squeeze %dma_wait3A_267 : memref<1x128xi32, #tpu.memory_space<vmem>> -> memref<128xi32, #tpu.memory_space<vmem>>
    %dma_wait3A_269 = arith.constant 0 : i32
    %dma_wait3A_270 = arith.constant 0 : i32
    %dma_wait3A_271 = tpu.memref_slice %arg3[%dma_wait3A_269, %dma_wait3A_270] : memref<32768x64xf32, #tpu.memory_space<hbm>> -> memref<32768x64xf32, #tpu.memory_space<hbm>>
    tpu.wait_indirect_dma semaphore(%arg11 : memref<!tpu.dma_semaphore, #tpu.memory_space<semaphore_mem>>) src(%dma_wait3A_271 : memref<32768x64xf32, #tpu.memory_space<hbm>>) dst(%dma_wait3A_265 : memref<128x64xf32, #tpu.memory_space<vmem>>)
    %dma_wait3A_272 = arith.constant 3 : i32
    %dma_wait3A_273 = arith.constant 384 : i32
    %dma_wait3A_274 = arith.constant 0 : i32
    %dma_wait3A_275 = tpu.memref_slice %arg10[%dma_wait3A_273, %dma_wait3A_274] : memref<512x64xf32, #tpu.memory_space<vmem>> -> memref<128x64xf32, #tpu.memory_space<vmem>>
    %dma_wait3A_276 = arith.constant 0 : i32
    %dma_wait3A_277 = tpu.memref_slice %arg6[%dma_wait3A_272, %dma_wait3A_276] : memref<4x128xi32, #tpu.memory_space<vmem>> -> memref<1x128xi32, #tpu.memory_space<vmem>>
    %dma_wait3A_278 = tpu.memref_squeeze %dma_wait3A_277 : memref<1x128xi32, #tpu.memory_space<vmem>> -> memref<128xi32, #tpu.memory_space<vmem>>
    %dma_wait3A_279 = arith.constant 0 : i32
    %dma_wait3A_280 = arith.constant 0 : i32
    %dma_wait3A_281 = tpu.memref_slice %arg3[%dma_wait3A_279, %dma_wait3A_280] : memref<32768x64xf32, #tpu.memory_space<hbm>> -> memref<32768x64xf32, #tpu.memory_space<hbm>>
    tpu.wait_indirect_dma semaphore(%arg11 : memref<!tpu.dma_semaphore, #tpu.memory_space<semaphore_mem>>) src(%dma_wait3A_281 : memref<32768x64xf32, #tpu.memory_space<hbm>>) dst(%dma_wait3A_275 : memref<128x64xf32, #tpu.memory_space<vmem>>)
    %add3A_282 = arith.constant 1024 : i32
    %add3A_283 = arith.addi %mul3A_2, %add3A_282 : i32
    %dma_start3A_284 = arith.constant 0 : i32
    %dma_start3A_285 = tpu.memref_slice %arg4[%add3A_283, %dma_start3A_284] : memref<262144x64xf32, #tpu.memory_space<hbm>> -> memref<512x64xf32, #tpu.memory_space<hbm>>
    %dma_start3A_286 = arith.constant 0 : i32
    %dma_start3A_287 = tpu.memref_slice %arg4[%add3A_283, %dma_start3A_286] : memref<262144x64xf32, #tpu.memory_space<hbm>> -> memref<512x64xf32, #tpu.memory_space<hbm>>
    tpu.enqueue_dma source(%arg10 : memref<512x64xf32, #tpu.memory_space<vmem>>) target(%dma_start3A_287 : memref<512x64xf32, #tpu.memory_space<hbm>>) target_semaphore(%arg12 : memref<!tpu.dma_semaphore, #tpu.memory_space<semaphore_mem>>)
    %dma_wait3A_288 = arith.constant 0 : i32
    %dma_wait3A_289 = tpu.memref_slice %arg4[%add3A_99, %dma_wait3A_288] : memref<262144x64xf32, #tpu.memory_space<hbm>> -> memref<512x64xf32, #tpu.memory_space<hbm>>
    %dma_wait3A_290 = arith.constant 0 : i32
    %dma_wait3A_291 = tpu.memref_slice %arg4[%add3A_99, %dma_wait3A_290] : memref<262144x64xf32, #tpu.memory_space<hbm>> -> memref<512x64xf32, #tpu.memory_space<hbm>>
    tpu.wait_dma2 semaphore(%arg12 : memref<!tpu.dma_semaphore, #tpu.memory_space<semaphore_mem>>) src(%arg8 : memref<512x64xf32, #tpu.memory_space<vmem>>) dst(%dma_wait3A_291 : memref<512x64xf32, #tpu.memory_space<hbm>>)
    %dma_start3A_292 = arith.constant 0 : i32
    %dma_start3A_293 = arith.constant 0 : i32
    %dma_start3A_294 = arith.constant 0 : i32
    %dma_start3A_295 = tpu.memref_slice %arg8[%dma_start3A_293, %dma_start3A_294] : memref<512x64xf32, #tpu.memory_space<vmem>> -> memref<128x64xf32, #tpu.memory_space<vmem>>
    %dma_start3A_296 = arith.constant 0 : i32
    %dma_start3A_297 = tpu.memref_slice %arg7[%dma_start3A_292, %dma_start3A_296] : memref<4x128xi32, #tpu.memory_space<vmem>> -> memref<1x128xi32, #tpu.memory_space<vmem>>
    %dma_start3A_298 = tpu.memref_squeeze %dma_start3A_297 : memref<1x128xi32, #tpu.memory_space<vmem>> -> memref<128xi32, #tpu.memory_space<vmem>>
    %dma_start3A_299 = arith.constant 0 : i32
    %dma_start3A_300 = arith.constant 0 : i32
    %dma_start3A_301 = tpu.memref_slice %arg3[%dma_start3A_299, %dma_start3A_300] : memref<32768x64xf32, #tpu.memory_space<hbm>> -> memref<32768x64xf32, #tpu.memory_space<hbm>>
    tpu.enqueue_indirect_dma source(%dma_start3A_301 : memref<32768x64xf32, #tpu.memory_space<hbm>>) target(%dma_start3A_295 : memref<128x64xf32, #tpu.memory_space<vmem>>) offsets(%dma_start3A_298 : memref<128xi32, #tpu.memory_space<vmem>>) semaphore(%arg11 : memref<!tpu.dma_semaphore, #tpu.memory_space<semaphore_mem>>)
    %dma_start3A_302 = arith.constant 1 : i32
    %dma_start3A_303 = arith.constant 128 : i32
    %dma_start3A_304 = arith.constant 0 : i32
    %dma_start3A_305 = tpu.memref_slice %arg8[%dma_start3A_303, %dma_start3A_304] : memref<512x64xf32, #tpu.memory_space<vmem>> -> memref<128x64xf32, #tpu.memory_space<vmem>>
    %dma_start3A_306 = arith.constant 0 : i32
    %dma_start3A_307 = tpu.memref_slice %arg7[%dma_start3A_302, %dma_start3A_306] : memref<4x128xi32, #tpu.memory_space<vmem>> -> memref<1x128xi32, #tpu.memory_space<vmem>>
    %dma_start3A_308 = tpu.memref_squeeze %dma_start3A_307 : memref<1x128xi32, #tpu.memory_space<vmem>> -> memref<128xi32, #tpu.memory_space<vmem>>
    %dma_start3A_309 = arith.constant 0 : i32
    %dma_start3A_310 = arith.constant 0 : i32
    %dma_start3A_311 = tpu.memref_slice %arg3[%dma_start3A_309, %dma_start3A_310] : memref<32768x64xf32, #tpu.memory_space<hbm>> -> memref<32768x64xf32, #tpu.memory_space<hbm>>
    tpu.enqueue_indirect_dma source(%dma_start3A_311 : memref<32768x64xf32, #tpu.memory_space<hbm>>) target(%dma_start3A_305 : memref<128x64xf32, #tpu.memory_space<vmem>>) offsets(%dma_start3A_308 : memref<128xi32, #tpu.memory_space<vmem>>) semaphore(%arg11 : memref<!tpu.dma_semaphore, #tpu.memory_space<semaphore_mem>>)
    %dma_start3A_312 = arith.constant 2 : i32
    %dma_start3A_313 = arith.constant 256 : i32
    %dma_start3A_314 = arith.constant 0 : i32
    %dma_start3A_315 = tpu.memref_slice %arg8[%dma_start3A_313, %dma_start3A_314] : memref<512x64xf32, #tpu.memory_space<vmem>> -> memref<128x64xf32, #tpu.memory_space<vmem>>
    %dma_start3A_316 = arith.constant 0 : i32
    %dma_start3A_317 = tpu.memref_slice %arg7[%dma_start3A_312, %dma_start3A_316] : memref<4x128xi32, #tpu.memory_space<vmem>> -> memref<1x128xi32, #tpu.memory_space<vmem>>
    %dma_start3A_318 = tpu.memref_squeeze %dma_start3A_317 : memref<1x128xi32, #tpu.memory_space<vmem>> -> memref<128xi32, #tpu.memory_space<vmem>>
    %dma_start3A_319 = arith.constant 0 : i32
    %dma_start3A_320 = arith.constant 0 : i32
    %dma_start3A_321 = tpu.memref_slice %arg3[%dma_start3A_319, %dma_start3A_320] : memref<32768x64xf32, #tpu.memory_space<hbm>> -> memref<32768x64xf32, #tpu.memory_space<hbm>>
    tpu.enqueue_indirect_dma source(%dma_start3A_321 : memref<32768x64xf32, #tpu.memory_space<hbm>>) target(%dma_start3A_315 : memref<128x64xf32, #tpu.memory_space<vmem>>) offsets(%dma_start3A_318 : memref<128xi32, #tpu.memory_space<vmem>>) semaphore(%arg11 : memref<!tpu.dma_semaphore, #tpu.memory_space<semaphore_mem>>)
    %dma_start3A_322 = arith.constant 3 : i32
    %dma_start3A_323 = arith.constant 384 : i32
    %dma_start3A_324 = arith.constant 0 : i32
    %dma_start3A_325 = tpu.memref_slice %arg8[%dma_start3A_323, %dma_start3A_324] : memref<512x64xf32, #tpu.memory_space<vmem>> -> memref<128x64xf32, #tpu.memory_space<vmem>>
    %dma_start3A_326 = arith.constant 0 : i32
    %dma_start3A_327 = tpu.memref_slice %arg7[%dma_start3A_322, %dma_start3A_326] : memref<4x128xi32, #tpu.memory_space<vmem>> -> memref<1x128xi32, #tpu.memory_space<vmem>>
    %dma_start3A_328 = tpu.memref_squeeze %dma_start3A_327 : memref<1x128xi32, #tpu.memory_space<vmem>> -> memref<128xi32, #tpu.memory_space<vmem>>
    %dma_start3A_329 = arith.constant 0 : i32
    %dma_start3A_330 = arith.constant 0 : i32
    %dma_start3A_331 = tpu.memref_slice %arg3[%dma_start3A_329, %dma_start3A_330] : memref<32768x64xf32, #tpu.memory_space<hbm>> -> memref<32768x64xf32, #tpu.memory_space<hbm>>
    tpu.enqueue_indirect_dma source(%dma_start3A_331 : memref<32768x64xf32, #tpu.memory_space<hbm>>) target(%dma_start3A_325 : memref<128x64xf32, #tpu.memory_space<vmem>>) offsets(%dma_start3A_328 : memref<128xi32, #tpu.memory_space<vmem>>) semaphore(%arg11 : memref<!tpu.dma_semaphore, #tpu.memory_space<semaphore_mem>>)
    %scan3A_332 = arith.constant 0 : i32
    %scan3A_333 = arith.constant 0 : i32
    %scan3A_334 = arith.constant 32 : i32
    %scan3A_335 = arith.addi %scan3A_333, %scan3A_334 : i32
    %scan3A_336 = arith.constant 1 : i32
    scf.for %scan3A_1538 = %scan3A_333 to %scan3A_335 step %scan3A_336  : i32 {
      %mul3A_1539 = arith.constant 16 : i32
      %mul3A_1540 = arith.muli %scan3A_1538, %mul3A_1539 : i32
      %add3A_1541 = arith.constant 2048 : i32
      %add3A_1542 = arith.addi %add3A_1541, %mul3A_1540 : i32
      %get3A = arith.index_cast %add3A_1542 : i32 to index
      %get3A_1543 = tpu.vector_load %arg5[%get3A] {strides = array<i32>} : memref<24576xf32, #tpu.memory_space<vmem>>, vector<16xf32>,
      %max3A = arith.constant 0.000000e+00 : f32
      %max3A_1544 = vector.broadcast %max3A : f32 to vector<16xf32>
      %max3A_1545 = arith.maximumf %get3A_1543, %max3A_1544 : vector<16xf32>
      %min3A = arith.constant 1.000000e+00 : f32
      %min3A_1546 = vector.broadcast %min3A : f32 to vector<16xf32>
      %min3A_1547 = arith.minimumf %max3A_1545, %min3A_1546 : vector<16xf32>
      %mul3A_1548 = arith.constant 3.200000e+01 : f32
      %mul3A_1549 = vector.broadcast %mul3A_1548 : f32 to vector<16xf32>
      %mul3A_1550 = arith.mulf %min3A_1547, %mul3A_1549 : vector<16xf32>
      %convert_element_type3A = arith.fptosi %mul3A_1550 : vector<16xf32> to vector<16xi32>
      %min3A_1551 = arith.constant 31 : i32
      %min3A_1552 = vector.broadcast %min3A_1551 : i32 to vector<16xi32>
      %min3A_1553 = arith.minsi %convert_element_type3A, %min3A_1552 : vector<16xi32>
      %add3A_1554 = arith.constant 8192 : i32
      %add3A_1555 = arith.addi %add3A_1554, %add3A_1542 : i32
      %get3A_1556 = arith.index_cast %add3A_1555 : i32 to index
      %get3A_1557 = tpu.vector_load %arg5[%get3A_1556] {strides = array<i32>} : memref<24576xf32, #tpu.memory_space<vmem>>, vector<16xf32>,
      %max3A_1558 = arith.constant 0.000000e+00 : f32
      %max3A_1559 = vector.broadcast %max3A_1558 : f32 to vector<16xf32>
      %max3A_1560 = arith.maximumf %get3A_1557, %max3A_1559 : vector<16xf32>
      %min3A_1561 = arith.constant 1.000000e+00 : f32
      %min3A_1562 = vector.broadcast %min3A_1561 : f32 to vector<16xf32>
      %min3A_1563 = arith.minimumf %max3A_1560, %min3A_1562 : vector<16xf32>
      %mul3A_1564 = arith.constant 3.200000e+01 : f32
      %mul3A_1565 = vector.broadcast %mul3A_1564 : f32 to vector<16xf32>
      %mul3A_1566 = arith.mulf %min3A_1563, %mul3A_1565 : vector<16xf32>
      %convert_element_type3A_1567 = arith.fptosi %mul3A_1566 : vector<16xf32> to vector<16xi32>
      %min3A_1568 = arith.constant 31 : i32
      %min3A_1569 = vector.broadcast %min3A_1568 : i32 to vector<16xi32>
      %min3A_1570 = arith.minsi %convert_element_type3A_1567, %min3A_1569 : vector<16xi32>
      %add3A_1571 = arith.constant 16384 : i32
      %add3A_1572 = arith.addi %add3A_1571, %add3A_1542 : i32
      %get3A_1573 = arith.index_cast %add3A_1572 : i32 to index
      %get3A_1574 = tpu.vector_load %arg5[%get3A_1573] {strides = array<i32>} : memref<24576xf32, #tpu.memory_space<vmem>>, vector<16xf32>,
      %max3A_1575 = arith.constant 0.000000e+00 : f32
      %max3A_1576 = vector.broadcast %max3A_1575 : f32 to vector<16xf32>
      %max3A_1577 = arith.maximumf %get3A_1574, %max3A_1576 : vector<16xf32>
      %min3A_1578 = arith.constant 1.000000e+00 : f32
      %min3A_1579 = vector.broadcast %min3A_1578 : f32 to vector<16xf32>
      %min3A_1580 = arith.minimumf %max3A_1577, %min3A_1579 : vector<16xf32>
      %mul3A_1581 = arith.constant 3.200000e+01 : f32
      %mul3A_1582 = vector.broadcast %mul3A_1581 : f32 to vector<16xf32>
      %mul3A_1583 = arith.mulf %min3A_1580, %mul3A_1582 : vector<16xf32>
      %convert_element_type3A_1584 = arith.fptosi %mul3A_1583 : vector<16xf32> to vector<16xi32>
      %min3A_1585 = arith.constant 31 : i32
      %min3A_1586 = vector.broadcast %min3A_1585 : i32 to vector<16xi32>
      %min3A_1587 = arith.minsi %convert_element_type3A_1584, %min3A_1586 : vector<16xi32>
      %mul3A_1588 = arith.constant 32 : i32
      %mul3A_1589 = vector.broadcast %mul3A_1588 : i32 to vector<16xi32>
      %mul3A_1590 = arith.muli %min3A_1553, %mul3A_1589 : vector<16xi32>
      %add3A_1591 = arith.addi %mul3A_1590, %min3A_1570 : vector<16xi32>
      %mul3A_1592 = arith.constant 32 : i32
      %mul3A_1593 = vector.broadcast %mul3A_1592 : i32 to vector<16xi32>
      %mul3A_1594 = arith.muli %add3A_1591, %mul3A_1593 : vector<16xi32>
      %add3A_1595 = arith.addi %mul3A_1594, %min3A_1587 : vector<16xi32>
      %jit3A = arith.constant 8 : i32
      %div3A = arith.divsi %scan3A_1538, %jit3A : i32
      %sign3A = arith.constant 0 : i32
      %sign3A_1596 = arith.cmpi sgt, %scan3A_1538, %sign3A : i32
      %sign3A_1597 = arith.extui %sign3A_1596 : i1 to i32
      %sign3A_1598 = arith.constant 0 : i32
      %sign3A_1599 = arith.cmpi slt, %scan3A_1538, %sign3A_1598 : i32
      %sign3A_1600 = arith.extui %sign3A_1599 : i1 to i32
      %sign3A_1601 = arith.subi %sign3A_1597, %sign3A_1600 : i32
      %sign3A_1602 = arith.constant 0 : i32
      %sign3A_1603 = arith.cmpi sgt, %jit3A, %sign3A_1602 : i32
      %sign3A_1604 = arith.extui %sign3A_1603 : i1 to i32
      %sign3A_1605 = arith.constant 0 : i32
      %sign3A_1606 = arith.cmpi slt, %jit3A, %sign3A_1605 : i32
      %sign3A_1607 = arith.extui %sign3A_1606 : i1 to i32
      %sign3A_1608 = arith.subi %sign3A_1604, %sign3A_1607 : i32
      %ne3A = arith.cmpi ne, %sign3A_1601, %sign3A_1608 : i32
      %rem3A = arith.remsi %scan3A_1538, %jit3A : i32
      %ne3A_1609 = arith.constant 0 : i32
      %ne3A_1610 = arith.cmpi ne, %rem3A, %ne3A_1609 : i32
      %and3A = arith.andi %ne3A, %ne3A_1610 : i1
      %sub3A = arith.constant 1 : i32
      %sub3A_1611 = arith.subi %div3A, %sub3A : i32
      %select_n3A = arith.select %and3A, %sub3A_1611, %div3A : i32
      %jit3A_1612 = arith.constant 8 : i32
      %eq3A = arith.constant 0 : i32
      %eq3A_1613 = arith.cmpi eq, %jit3A_1612, %eq3A : i32
      %jit3A_1614 = arith.constant 1 : i32
      %select_n3A_1615 = arith.select %eq3A_1613, %jit3A_1614, %jit3A_1612 : i32
      %rem3A_1616 = arith.remsi %scan3A_1538, %select_n3A_1615 : i32
      %ne3A_1617 = arith.constant 0 : i32
      %ne3A_1618 = arith.cmpi ne, %rem3A_1616, %ne3A_1617 : i32
      %lt3A = arith.constant 0 : i32
      %lt3A_1619 = arith.cmpi slt, %rem3A_1616, %lt3A : i32
      %lt3A_1620 = arith.constant 0 : i32
      %lt3A_1621 = arith.cmpi slt, %select_n3A_1615, %lt3A_1620 : i32
      %ne3A_1622 = arith.xori %lt3A_1619, %lt3A_1621 : i1
      %and3A_1623 = arith.andi %ne3A_1622, %ne3A_1618 : i1
      %add3A_1624 = arith.addi %rem3A_1616, %select_n3A_1615 : i32
      %select_n3A_1625 = arith.select %and3A_1623, %add3A_1624, %rem3A_1616 : i32
      %mul3A_1626 = arith.constant 16 : i32
      %mul3A_1627 = arith.muli %select_n3A_1625, %mul3A_1626 : i32
      %swap3A = arith.index_cast %select_n3A : i32 to index
      %swap3A_1628 = arith.index_cast %mul3A_1627 : i32 to index
      %swap3A_1629 = tpu.vector_load %arg6[%swap3A, %swap3A_1628] {strides = array<i32>} : memref<4x128xi32, #tpu.memory_space<vmem>>, vector<16xi32>,
      tpu.vector_store %arg6[%swap3A, %swap3A_1628], %add3A_1595 {strides = array<i32>} : memref<4x128xi32, #tpu.memory_space<vmem>>, vector<16xi32>,
    }
    %scan3A_337 = arith.constant 32 : i32
    %dma_wait3A_338 = arith.constant 0 : i32
    %dma_wait3A_339 = arith.constant 0 : i32
    %dma_wait3A_340 = arith.constant 0 : i32
    %dma_wait3A_341 = tpu.memref_slice %arg8[%dma_wait3A_339, %dma_wait3A_340] : memref<512x64xf32, #tpu.memory_space<vmem>> -> memref<128x64xf32, #tpu.memory_space<vmem>>
    %dma_wait3A_342 = arith.constant 0 : i32
    %dma_wait3A_343 = tpu.memref_slice %arg7[%dma_wait3A_338, %dma_wait3A_342] : memref<4x128xi32, #tpu.memory_space<vmem>> -> memref<1x128xi32, #tpu.memory_space<vmem>>
    %dma_wait3A_344 = tpu.memref_squeeze %dma_wait3A_343 : memref<1x128xi32, #tpu.memory_space<vmem>> -> memref<128xi32, #tpu.memory_space<vmem>>
    %dma_wait3A_345 = arith.constant 0 : i32
    %dma_wait3A_346 = arith.constant 0 : i32
    %dma_wait3A_347 = tpu.memref_slice %arg3[%dma_wait3A_345, %dma_wait3A_346] : memref<32768x64xf32, #tpu.memory_space<hbm>> -> memref<32768x64xf32, #tpu.memory_space<hbm>>
    tpu.wait_indirect_dma semaphore(%arg11 : memref<!tpu.dma_semaphore, #tpu.memory_space<semaphore_mem>>) src(%dma_wait3A_347 : memref<32768x64xf32, #tpu.memory_space<hbm>>) dst(%dma_wait3A_341 : memref<128x64xf32, #tpu.memory_space<vmem>>)
    %dma_wait3A_348 = arith.constant 1 : i32
    %dma_wait3A_349 = arith.constant 128 : i32
    %dma_wait3A_350 = arith.constant 0 : i32
    %dma_wait3A_351 = tpu.memref_slice %arg8[%dma_wait3A_349, %dma_wait3A_350] : memref<512x64xf32, #tpu.memory_space<vmem>> -> memref<128x64xf32, #tpu.memory_space<vmem>>
    %dma_wait3A_352 = arith.constant 0 : i32
    %dma_wait3A_353 = tpu.memref_slice %arg7[%dma_wait3A_348, %dma_wait3A_352] : memref<4x128xi32, #tpu.memory_space<vmem>> -> memref<1x128xi32, #tpu.memory_space<vmem>>
    %dma_wait3A_354 = tpu.memref_squeeze %dma_wait3A_353 : memref<1x128xi32, #tpu.memory_space<vmem>> -> memref<128xi32, #tpu.memory_space<vmem>>
    %dma_wait3A_355 = arith.constant 0 : i32
    %dma_wait3A_356 = arith.constant 0 : i32
    %dma_wait3A_357 = tpu.memref_slice %arg3[%dma_wait3A_355, %dma_wait3A_356] : memref<32768x64xf32, #tpu.memory_space<hbm>> -> memref<32768x64xf32, #tpu.memory_space<hbm>>
    tpu.wait_indirect_dma semaphore(%arg11 : memref<!tpu.dma_semaphore, #tpu.memory_space<semaphore_mem>>) src(%dma_wait3A_357 : memref<32768x64xf32, #tpu.memory_space<hbm>>) dst(%dma_wait3A_351 : memref<128x64xf32, #tpu.memory_space<vmem>>)
    %dma_wait3A_358 = arith.constant 2 : i32
    %dma_wait3A_359 = arith.constant 256 : i32
    %dma_wait3A_360 = arith.constant 0 : i32
    %dma_wait3A_361 = tpu.memref_slice %arg8[%dma_wait3A_359, %dma_wait3A_360] : memref<512x64xf32, #tpu.memory_space<vmem>> -> memref<128x64xf32, #tpu.memory_space<vmem>>
    %dma_wait3A_362 = arith.constant 0 : i32
    %dma_wait3A_363 = tpu.memref_slice %arg7[%dma_wait3A_358, %dma_wait3A_362] : memref<4x128xi32, #tpu.memory_space<vmem>> -> memref<1x128xi32, #tpu.memory_space<vmem>>
    %dma_wait3A_364 = tpu.memref_squeeze %dma_wait3A_363 : memref<1x128xi32, #tpu.memory_space<vmem>> -> memref<128xi32, #tpu.memory_space<vmem>>
    %dma_wait3A_365 = arith.constant 0 : i32
    %dma_wait3A_366 = arith.constant 0 : i32
    %dma_wait3A_367 = tpu.memref_slice %arg3[%dma_wait3A_365, %dma_wait3A_366] : memref<32768x64xf32, #tpu.memory_space<hbm>> -> memref<32768x64xf32, #tpu.memory_space<hbm>>
    tpu.wait_indirect_dma semaphore(%arg11 : memref<!tpu.dma_semaphore, #tpu.memory_space<semaphore_mem>>) src(%dma_wait3A_367 : memref<32768x64xf32, #tpu.memory_space<hbm>>) dst(%dma_wait3A_361 : memref<128x64xf32, #tpu.memory_space<vmem>>)
    %dma_wait3A_368 = arith.constant 3 : i32
    %dma_wait3A_369 = arith.constant 384 : i32
    %dma_wait3A_370 = arith.constant 0 : i32
    %dma_wait3A_371 = tpu.memref_slice %arg8[%dma_wait3A_369, %dma_wait3A_370] : memref<512x64xf32, #tpu.memory_space<vmem>> -> memref<128x64xf32, #tpu.memory_space<vmem>>
    %dma_wait3A_372 = arith.constant 0 : i32
    %dma_wait3A_373 = tpu.memref_slice %arg7[%dma_wait3A_368, %dma_wait3A_372] : memref<4x128xi32, #tpu.memory_space<vmem>> -> memref<1x128xi32, #tpu.memory_space<vmem>>
    %dma_wait3A_374 = tpu.memref_squeeze %dma_wait3A_373 : memref<1x128xi32, #tpu.memory_space<vmem>> -> memref<128xi32, #tpu.memory_space<vmem>>
    %dma_wait3A_375 = arith.constant 0 : i32
    %dma_wait3A_376 = arith.constant 0 : i32
    %dma_wait3A_377 = tpu.memref_slice %arg3[%dma_wait3A_375, %dma_wait3A_376] : memref<32768x64xf32, #tpu.memory_space<hbm>> -> memref<32768x64xf32, #tpu.memory_space<hbm>>
    tpu.wait_indirect_dma semaphore(%arg11 : memref<!tpu.dma_semaphore, #tpu.memory_space<semaphore_mem>>) src(%dma_wait3A_377 : memref<32768x64xf32, #tpu.memory_space<hbm>>) dst(%dma_wait3A_371 : memref<128x64xf32, #tpu.memory_space<vmem>>)
    %add3A_378 = arith.constant 1536 : i32
    %add3A_379 = arith.addi %mul3A_2, %add3A_378 : i32
    %dma_start3A_380 = arith.constant 0 : i32
    %dma_start3A_381 = tpu.memref_slice %arg4[%add3A_379, %dma_start3A_380] : memref<262144x64xf32, #tpu.memory_space<hbm>> -> memref<512x64xf32, #tpu.memory_space<hbm>>
    %dma_start3A_382 = arith.constant 0 : i32
    %dma_start3A_383 = tpu.memref_slice %arg4[%add3A_379, %dma_start3A_382] : memref<262144x64xf32, #tpu.memory_space<hbm>> -> memref<512x64xf32, #tpu.memory_space<hbm>>
    tpu.enqueue_dma source(%arg8 : memref<512x64xf32, #tpu.memory_space<vmem>>) target(%dma_start3A_383 : memref<512x64xf32, #tpu.memory_space<hbm>>) target_semaphore(%arg12 : memref<!tpu.dma_semaphore, #tpu.memory_space<semaphore_mem>>)
    %dma_wait3A_384 = arith.constant 0 : i32
    %dma_wait3A_385 = tpu.memref_slice %arg4[%add3A_191, %dma_wait3A_384] : memref<262144x64xf32, #tpu.memory_space<hbm>> -> memref<512x64xf32, #tpu.memory_space<hbm>>
    %dma_wait3A_386 = arith.constant 0 : i32
    %dma_wait3A_387 = tpu.memref_slice %arg4[%add3A_191, %dma_wait3A_386] : memref<262144x64xf32, #tpu.memory_space<hbm>> -> memref<512x64xf32, #tpu.memory_space<hbm>>
    tpu.wait_dma2 semaphore(%arg12 : memref<!tpu.dma_semaphore, #tpu.memory_space<semaphore_mem>>) src(%arg9 : memref<512x64xf32, #tpu.memory_space<vmem>>) dst(%dma_wait3A_387 : memref<512x64xf32, #tpu.memory_space<hbm>>)
    %dma_start3A_388 = arith.constant 0 : i32
    %dma_start3A_389 = arith.constant 0 : i32
    %dma_start3A_390 = arith.constant 0 : i32
    %dma_start3A_391 = tpu.memref_slice %arg9[%dma_start3A_389, %dma_start3A_390] : memref<512x64xf32, #tpu.memory_space<vmem>> -> memref<128x64xf32, #tpu.memory_space<vmem>>
    %dma_start3A_392 = arith.constant 0 : i32
    %dma_start3A_393 = tpu.memref_slice %arg6[%dma_start3A_388, %dma_start3A_392] : memref<4x128xi32, #tpu.memory_space<vmem>> -> memref<1x128xi32, #tpu.memory_space<vmem>>
    %dma_start3A_394 = tpu.memref_squeeze %dma_start3A_393 : memref<1x128xi32, #tpu.memory_space<vmem>> -> memref<128xi32, #tpu.memory_space<vmem>>
    %dma_start3A_395 = arith.constant 0 : i32
    %dma_start3A_396 = arith.constant 0 : i32
    %dma_start3A_397 = tpu.memref_slice %arg3[%dma_start3A_395, %dma_start3A_396] : memref<32768x64xf32, #tpu.memory_space<hbm>> -> memref<32768x64xf32, #tpu.memory_space<hbm>>
    tpu.enqueue_indirect_dma source(%dma_start3A_397 : memref<32768x64xf32, #tpu.memory_space<hbm>>) target(%dma_start3A_391 : memref<128x64xf32, #tpu.memory_space<vmem>>) offsets(%dma_start3A_394 : memref<128xi32, #tpu.memory_space<vmem>>) semaphore(%arg11 : memref<!tpu.dma_semaphore, #tpu.memory_space<semaphore_mem>>)
    %dma_start3A_398 = arith.constant 1 : i32
    %dma_start3A_399 = arith.constant 128 : i32
    %dma_start3A_400 = arith.constant 0 : i32
    %dma_start3A_401 = tpu.memref_slice %arg9[%dma_start3A_399, %dma_start3A_400] : memref<512x64xf32, #tpu.memory_space<vmem>> -> memref<128x64xf32, #tpu.memory_space<vmem>>
    %dma_start3A_402 = arith.constant 0 : i32
    %dma_start3A_403 = tpu.memref_slice %arg6[%dma_start3A_398, %dma_start3A_402] : memref<4x128xi32, #tpu.memory_space<vmem>> -> memref<1x128xi32, #tpu.memory_space<vmem>>
    %dma_start3A_404 = tpu.memref_squeeze %dma_start3A_403 : memref<1x128xi32, #tpu.memory_space<vmem>> -> memref<128xi32, #tpu.memory_space<vmem>>
    %dma_start3A_405 = arith.constant 0 : i32
    %dma_start3A_406 = arith.constant 0 : i32
    %dma_start3A_407 = tpu.memref_slice %arg3[%dma_start3A_405, %dma_start3A_406] : memref<32768x64xf32, #tpu.memory_space<hbm>> -> memref<32768x64xf32, #tpu.memory_space<hbm>>
    tpu.enqueue_indirect_dma source(%dma_start3A_407 : memref<32768x64xf32, #tpu.memory_space<hbm>>) target(%dma_start3A_401 : memref<128x64xf32, #tpu.memory_space<vmem>>) offsets(%dma_start3A_404 : memref<128xi32, #tpu.memory_space<vmem>>) semaphore(%arg11 : memref<!tpu.dma_semaphore, #tpu.memory_space<semaphore_mem>>)
    %dma_start3A_408 = arith.constant 2 : i32
    %dma_start3A_409 = arith.constant 256 : i32
    %dma_start3A_410 = arith.constant 0 : i32
    %dma_start3A_411 = tpu.memref_slice %arg9[%dma_start3A_409, %dma_start3A_410] : memref<512x64xf32, #tpu.memory_space<vmem>> -> memref<128x64xf32, #tpu.memory_space<vmem>>
    %dma_start3A_412 = arith.constant 0 : i32
    %dma_start3A_413 = tpu.memref_slice %arg6[%dma_start3A_408, %dma_start3A_412] : memref<4x128xi32, #tpu.memory_space<vmem>> -> memref<1x128xi32, #tpu.memory_space<vmem>>
    %dma_start3A_414 = tpu.memref_squeeze %dma_start3A_413 : memref<1x128xi32, #tpu.memory_space<vmem>> -> memref<128xi32, #tpu.memory_space<vmem>>
    %dma_start3A_415 = arith.constant 0 : i32
    %dma_start3A_416 = arith.constant 0 : i32
    %dma_start3A_417 = tpu.memref_slice %arg3[%dma_start3A_415, %dma_start3A_416] : memref<32768x64xf32, #tpu.memory_space<hbm>> -> memref<32768x64xf32, #tpu.memory_space<hbm>>
    tpu.enqueue_indirect_dma source(%dma_start3A_417 : memref<32768x64xf32, #tpu.memory_space<hbm>>) target(%dma_start3A_411 : memref<128x64xf32, #tpu.memory_space<vmem>>) offsets(%dma_start3A_414 : memref<128xi32, #tpu.memory_space<vmem>>) semaphore(%arg11 : memref<!tpu.dma_semaphore, #tpu.memory_space<semaphore_mem>>)
    %dma_start3A_418 = arith.constant 3 : i32
    %dma_start3A_419 = arith.constant 384 : i32
    %dma_start3A_420 = arith.constant 0 : i32
    %dma_start3A_421 = tpu.memref_slice %arg9[%dma_start3A_419, %dma_start3A_420] : memref<512x64xf32, #tpu.memory_space<vmem>> -> memref<128x64xf32, #tpu.memory_space<vmem>>
    %dma_start3A_422 = arith.constant 0 : i32
    %dma_start3A_423 = tpu.memref_slice %arg6[%dma_start3A_418, %dma_start3A_422] : memref<4x128xi32, #tpu.memory_space<vmem>> -> memref<1x128xi32, #tpu.memory_space<vmem>>
    %dma_start3A_424 = tpu.memref_squeeze %dma_start3A_423 : memref<1x128xi32, #tpu.memory_space<vmem>> -> memref<128xi32, #tpu.memory_space<vmem>>
    %dma_start3A_425 = arith.constant 0 : i32
    %dma_start3A_426 = arith.constant 0 : i32
    %dma_start3A_427 = tpu.memref_slice %arg3[%dma_start3A_425, %dma_start3A_426] : memref<32768x64xf32, #tpu.memory_space<hbm>> -> memref<32768x64xf32, #tpu.memory_space<hbm>>
    tpu.enqueue_indirect_dma source(%dma_start3A_427 : memref<32768x64xf32, #tpu.memory_space<hbm>>) target(%dma_start3A_421 : memref<128x64xf32, #tpu.memory_space<vmem>>) offsets(%dma_start3A_424 : memref<128xi32, #tpu.memory_space<vmem>>) semaphore(%arg11 : memref<!tpu.dma_semaphore, #tpu.memory_space<semaphore_mem>>)
    %scan3A_428 = arith.constant 0 : i32
    %scan3A_429 = arith.constant 0 : i32
    %scan3A_430 = arith.constant 32 : i32
    %scan3A_431 = arith.addi %scan3A_429, %scan3A_430 : i32
    %scan3A_432 = arith.constant 1 : i32
    scf.for %scan3A_1538 = %scan3A_429 to %scan3A_431 step %scan3A_432  : i32 {
      %mul3A_1539 = arith.constant 16 : i32
      %mul3A_1540 = arith.muli %scan3A_1538, %mul3A_1539 : i32
      %add3A_1541 = arith.constant 2560 : i32
      %add3A_1542 = arith.addi %add3A_1541, %mul3A_1540 : i32
      %get3A = arith.index_cast %add3A_1542 : i32 to index
      %get3A_1543 = tpu.vector_load %arg5[%get3A] {strides = array<i32>} : memref<24576xf32, #tpu.memory_space<vmem>>, vector<16xf32>,
      %max3A = arith.constant 0.000000e+00 : f32
      %max3A_1544 = vector.broadcast %max3A : f32 to vector<16xf32>
      %max3A_1545 = arith.maximumf %get3A_1543, %max3A_1544 : vector<16xf32>
      %min3A = arith.constant 1.000000e+00 : f32
      %min3A_1546 = vector.broadcast %min3A : f32 to vector<16xf32>
      %min3A_1547 = arith.minimumf %max3A_1545, %min3A_1546 : vector<16xf32>
      %mul3A_1548 = arith.constant 3.200000e+01 : f32
      %mul3A_1549 = vector.broadcast %mul3A_1548 : f32 to vector<16xf32>
      %mul3A_1550 = arith.mulf %min3A_1547, %mul3A_1549 : vector<16xf32>
      %convert_element_type3A = arith.fptosi %mul3A_1550 : vector<16xf32> to vector<16xi32>
      %min3A_1551 = arith.constant 31 : i32
      %min3A_1552 = vector.broadcast %min3A_1551 : i32 to vector<16xi32>
      %min3A_1553 = arith.minsi %convert_element_type3A, %min3A_1552 : vector<16xi32>
      %add3A_1554 = arith.constant 8192 : i32
      %add3A_1555 = arith.addi %add3A_1554, %add3A_1542 : i32
      %get3A_1556 = arith.index_cast %add3A_1555 : i32 to index
      %get3A_1557 = tpu.vector_load %arg5[%get3A_1556] {strides = array<i32>} : memref<24576xf32, #tpu.memory_space<vmem>>, vector<16xf32>,
      %max3A_1558 = arith.constant 0.000000e+00 : f32
      %max3A_1559 = vector.broadcast %max3A_1558 : f32 to vector<16xf32>
      %max3A_1560 = arith.maximumf %get3A_1557, %max3A_1559 : vector<16xf32>
      %min3A_1561 = arith.constant 1.000000e+00 : f32
      %min3A_1562 = vector.broadcast %min3A_1561 : f32 to vector<16xf32>
      %min3A_1563 = arith.minimumf %max3A_1560, %min3A_1562 : vector<16xf32>
      %mul3A_1564 = arith.constant 3.200000e+01 : f32
      %mul3A_1565 = vector.broadcast %mul3A_1564 : f32 to vector<16xf32>
      %mul3A_1566 = arith.mulf %min3A_1563, %mul3A_1565 : vector<16xf32>
      %convert_element_type3A_1567 = arith.fptosi %mul3A_1566 : vector<16xf32> to vector<16xi32>
      %min3A_1568 = arith.constant 31 : i32
      %min3A_1569 = vector.broadcast %min3A_1568 : i32 to vector<16xi32>
      %min3A_1570 = arith.minsi %convert_element_type3A_1567, %min3A_1569 : vector<16xi32>
      %add3A_1571 = arith.constant 16384 : i32
      %add3A_1572 = arith.addi %add3A_1571, %add3A_1542 : i32
      %get3A_1573 = arith.index_cast %add3A_1572 : i32 to index
      %get3A_1574 = tpu.vector_load %arg5[%get3A_1573] {strides = array<i32>} : memref<24576xf32, #tpu.memory_space<vmem>>, vector<16xf32>,
      %max3A_1575 = arith.constant 0.000000e+00 : f32
      %max3A_1576 = vector.broadcast %max3A_1575 : f32 to vector<16xf32>
      %max3A_1577 = arith.maximumf %get3A_1574, %max3A_1576 : vector<16xf32>
      %min3A_1578 = arith.constant 1.000000e+00 : f32
      %min3A_1579 = vector.broadcast %min3A_1578 : f32 to vector<16xf32>
      %min3A_1580 = arith.minimumf %max3A_1577, %min3A_1579 : vector<16xf32>
      %mul3A_1581 = arith.constant 3.200000e+01 : f32
      %mul3A_1582 = vector.broadcast %mul3A_1581 : f32 to vector<16xf32>
      %mul3A_1583 = arith.mulf %min3A_1580, %mul3A_1582 : vector<16xf32>
      %convert_element_type3A_1584 = arith.fptosi %mul3A_1583 : vector<16xf32> to vector<16xi32>
      %min3A_1585 = arith.constant 31 : i32
      %min3A_1586 = vector.broadcast %min3A_1585 : i32 to vector<16xi32>
      %min3A_1587 = arith.minsi %convert_element_type3A_1584, %min3A_1586 : vector<16xi32>
      %mul3A_1588 = arith.constant 32 : i32
      %mul3A_1589 = vector.broadcast %mul3A_1588 : i32 to vector<16xi32>
      %mul3A_1590 = arith.muli %min3A_1553, %mul3A_1589 : vector<16xi32>
      %add3A_1591 = arith.addi %mul3A_1590, %min3A_1570 : vector<16xi32>
      %mul3A_1592 = arith.constant 32 : i32
      %mul3A_1593 = vector.broadcast %mul3A_1592 : i32 to vector<16xi32>
      %mul3A_1594 = arith.muli %add3A_1591, %mul3A_1593 : vector<16xi32>
      %add3A_1595 = arith.addi %mul3A_1594, %min3A_1587 : vector<16xi32>
      %jit3A = arith.constant 8 : i32
      %div3A = arith.divsi %scan3A_1538, %jit3A : i32
      %sign3A = arith.constant 0 : i32
      %sign3A_1596 = arith.cmpi sgt, %scan3A_1538, %sign3A : i32
      %sign3A_1597 = arith.extui %sign3A_1596 : i1 to i32
      %sign3A_1598 = arith.constant 0 : i32
      %sign3A_1599 = arith.cmpi slt, %scan3A_1538, %sign3A_1598 : i32
      %sign3A_1600 = arith.extui %sign3A_1599 : i1 to i32
      %sign3A_1601 = arith.subi %sign3A_1597, %sign3A_1600 : i32
      %sign3A_1602 = arith.constant 0 : i32
      %sign3A_1603 = arith.cmpi sgt, %jit3A, %sign3A_1602 : i32
      %sign3A_1604 = arith.extui %sign3A_1603 : i1 to i32
      %sign3A_1605 = arith.constant 0 : i32
      %sign3A_1606 = arith.cmpi slt, %jit3A, %sign3A_1605 : i32
      %sign3A_1607 = arith.extui %sign3A_1606 : i1 to i32
      %sign3A_1608 = arith.subi %sign3A_1604, %sign3A_1607 : i32
      %ne3A = arith.cmpi ne, %sign3A_1601, %sign3A_1608 : i32
      %rem3A = arith.remsi %scan3A_1538, %jit3A : i32
      %ne3A_1609 = arith.constant 0 : i32
      %ne3A_1610 = arith.cmpi ne, %rem3A, %ne3A_1609 : i32
      %and3A = arith.andi %ne3A, %ne3A_1610 : i1
      %sub3A = arith.constant 1 : i32
      %sub3A_1611 = arith.subi %div3A, %sub3A : i32
      %select_n3A = arith.select %and3A, %sub3A_1611, %div3A : i32
      %jit3A_1612 = arith.constant 8 : i32
      %eq3A = arith.constant 0 : i32
      %eq3A_1613 = arith.cmpi eq, %jit3A_1612, %eq3A : i32
      %jit3A_1614 = arith.constant 1 : i32
      %select_n3A_1615 = arith.select %eq3A_1613, %jit3A_1614, %jit3A_1612 : i32
      %rem3A_1616 = arith.remsi %scan3A_1538, %select_n3A_1615 : i32
      %ne3A_1617 = arith.constant 0 : i32
      %ne3A_1618 = arith.cmpi ne, %rem3A_1616, %ne3A_1617 : i32
      %lt3A = arith.constant 0 : i32
      %lt3A_1619 = arith.cmpi slt, %rem3A_1616, %lt3A : i32
      %lt3A_1620 = arith.constant 0 : i32
      %lt3A_1621 = arith.cmpi slt, %select_n3A_1615, %lt3A_1620 : i32
      %ne3A_1622 = arith.xori %lt3A_1619, %lt3A_1621 : i1
      %and3A_1623 = arith.andi %ne3A_1622, %ne3A_1618 : i1
      %add3A_1624 = arith.addi %rem3A_1616, %select_n3A_1615 : i32
      %select_n3A_1625 = arith.select %and3A_1623, %add3A_1624, %rem3A_1616 : i32
      %mul3A_1626 = arith.constant 16 : i32
      %mul3A_1627 = arith.muli %select_n3A_1625, %mul3A_1626 : i32
      %swap3A = arith.index_cast %select_n3A : i32 to index
      %swap3A_1628 = arith.index_cast %mul3A_1627 : i32 to index
      %swap3A_1629 = tpu.vector_load %arg7[%swap3A, %swap3A_1628] {strides = array<i32>} : memref<4x128xi32, #tpu.memory_space<vmem>>, vector<16xi32>,
      tpu.vector_store %arg7[%swap3A, %swap3A_1628], %add3A_1595 {strides = array<i32>} : memref<4x128xi32, #tpu.memory_space<vmem>>, vector<16xi32>,
    }
    %scan3A_433 = arith.constant 32 : i32
    %dma_wait3A_434 = arith.constant 0 : i32
    %dma_wait3A_435 = arith.constant 0 : i32
    %dma_wait3A_436 = arith.constant 0 : i32
    %dma_wait3A_437 = tpu.memref_slice %arg9[%dma_wait3A_435, %dma_wait3A_436] : memref<512x64xf32, #tpu.memory_space<vmem>> -> memref<128x64xf32, #tpu.memory_space<vmem>>
    %dma_wait3A_438 = arith.constant 0 : i32
    %dma_wait3A_439 = tpu.memref_slice %arg6[%dma_wait3A_434, %dma_wait3A_438] : memref<4x128xi32, #tpu.memory_space<vmem>> -> memref<1x128xi32, #tpu.memory_space<vmem>>
    %dma_wait3A_440 = tpu.memref_squeeze %dma_wait3A_439 : memref<1x128xi32, #tpu.memory_space<vmem>> -> memref<128xi32, #tpu.memory_space<vmem>>
    %dma_wait3A_441 = arith.constant 0 : i32
    %dma_wait3A_442 = arith.constant 0 : i32
    %dma_wait3A_443 = tpu.memref_slice %arg3[%dma_wait3A_441, %dma_wait3A_442] : memref<32768x64xf32, #tpu.memory_space<hbm>> -> memref<32768x64xf32, #tpu.memory_space<hbm>>
    tpu.wait_indirect_dma semaphore(%arg11 : memref<!tpu.dma_semaphore, #tpu.memory_space<semaphore_mem>>) src(%dma_wait3A_443 : memref<32768x64xf32, #tpu.memory_space<hbm>>) dst(%dma_wait3A_437 : memref<128x64xf32, #tpu.memory_space<vmem>>)
    %dma_wait3A_444 = arith.constant 1 : i32
    %dma_wait3A_445 = arith.constant 128 : i32
    %dma_wait3A_446 = arith.constant 0 : i32
    %dma_wait3A_447 = tpu.memref_slice %arg9[%dma_wait3A_445, %dma_wait3A_446] : memref<512x64xf32, #tpu.memory_space<vmem>> -> memref<128x64xf32, #tpu.memory_space<vmem>>
    %dma_wait3A_448 = arith.constant 0 : i32
    %dma_wait3A_449 = tpu.memref_slice %arg6[%dma_wait3A_444, %dma_wait3A_448] : memref<4x128xi32, #tpu.memory_space<vmem>> -> memref<1x128xi32, #tpu.memory_space<vmem>>
    %dma_wait3A_450 = tpu.memref_squeeze %dma_wait3A_449 : memref<1x128xi32, #tpu.memory_space<vmem>> -> memref<128xi32, #tpu.memory_space<vmem>>
    %dma_wait3A_451 = arith.constant 0 : i32
    %dma_wait3A_452 = arith.constant 0 : i32
    %dma_wait3A_453 = tpu.memref_slice %arg3[%dma_wait3A_451, %dma_wait3A_452] : memref<32768x64xf32, #tpu.memory_space<hbm>> -> memref<32768x64xf32, #tpu.memory_space<hbm>>
    tpu.wait_indirect_dma semaphore(%arg11 : memref<!tpu.dma_semaphore, #tpu.memory_space<semaphore_mem>>) src(%dma_wait3A_453 : memref<32768x64xf32, #tpu.memory_space<hbm>>) dst(%dma_wait3A_447 : memref<128x64xf32, #tpu.memory_space<vmem>>)
    %dma_wait3A_454 = arith.constant 2 : i32
    %dma_wait3A_455 = arith.constant 256 : i32
    %dma_wait3A_456 = arith.constant 0 : i32
    %dma_wait3A_457 = tpu.memref_slice %arg9[%dma_wait3A_455, %dma_wait3A_456] : memref<512x64xf32, #tpu.memory_space<vmem>> -> memref<128x64xf32, #tpu.memory_space<vmem>>
    %dma_wait3A_458 = arith.constant 0 : i32
    %dma_wait3A_459 = tpu.memref_slice %arg6[%dma_wait3A_454, %dma_wait3A_458] : memref<4x128xi32, #tpu.memory_space<vmem>> -> memref<1x128xi32, #tpu.memory_space<vmem>>
    %dma_wait3A_460 = tpu.memref_squeeze %dma_wait3A_459 : memref<1x128xi32, #tpu.memory_space<vmem>> -> memref<128xi32, #tpu.memory_space<vmem>>
    %dma_wait3A_461 = arith.constant 0 : i32
    %dma_wait3A_462 = arith.constant 0 : i32
    %dma_wait3A_463 = tpu.memref_slice %arg3[%dma_wait3A_461, %dma_wait3A_462] : memref<32768x64xf32, #tpu.memory_space<hbm>> -> memref<32768x64xf32, #tpu.memory_space<hbm>>
    tpu.wait_indirect_dma semaphore(%arg11 : memref<!tpu.dma_semaphore, #tpu.memory_space<semaphore_mem>>) src(%dma_wait3A_463 : memref<32768x64xf32, #tpu.memory_space<hbm>>) dst(%dma_wait3A_457 : memref<128x64xf32, #tpu.memory_space<vmem>>)
    %dma_wait3A_464 = arith.constant 3 : i32
    %dma_wait3A_465 = arith.constant 384 : i32
    %dma_wait3A_466 = arith.constant 0 : i32
    %dma_wait3A_467 = tpu.memref_slice %arg9[%dma_wait3A_465, %dma_wait3A_466] : memref<512x64xf32, #tpu.memory_space<vmem>> -> memref<128x64xf32, #tpu.memory_space<vmem>>
    %dma_wait3A_468 = arith.constant 0 : i32
    %dma_wait3A_469 = tpu.memref_slice %arg6[%dma_wait3A_464, %dma_wait3A_468] : memref<4x128xi32, #tpu.memory_space<vmem>> -> memref<1x128xi32, #tpu.memory_space<vmem>>
    %dma_wait3A_470 = tpu.memref_squeeze %dma_wait3A_469 : memref<1x128xi32, #tpu.memory_space<vmem>> -> memref<128xi32, #tpu.memory_space<vmem>>
    %dma_wait3A_471 = arith.constant 0 : i32
    %dma_wait3A_472 = arith.constant 0 : i32
    %dma_wait3A_473 = tpu.memref_slice %arg3[%dma_wait3A_471, %dma_wait3A_472] : memref<32768x64xf32, #tpu.memory_space<hbm>> -> memref<32768x64xf32, #tpu.memory_space<hbm>>
    tpu.wait_indirect_dma semaphore(%arg11 : memref<!tpu.dma_semaphore, #tpu.memory_space<semaphore_mem>>) src(%dma_wait3A_473 : memref<32768x64xf32, #tpu.memory_space<hbm>>) dst(%dma_wait3A_467 : memref<128x64xf32, #tpu.memory_space<vmem>>)
    %add3A_474 = arith.constant 2048 : i32
    %add3A_475 = arith.addi %mul3A_2, %add3A_474 : i32
    %dma_start3A_476 = arith.constant 0 : i32
    %dma_start3A_477 = tpu.memref_slice %arg4[%add3A_475, %dma_start3A_476] : memref<262144x64xf32, #tpu.memory_space<hbm>> -> memref<512x64xf32, #tpu.memory_space<hbm>>
    %dma_start3A_478 = arith.constant 0 : i32
    %dma_start3A_479 = tpu.memref_slice %arg4[%add3A_475, %dma_start3A_478] : memref<262144x64xf32, #tpu.memory_space<hbm>> -> memref<512x64xf32, #tpu.memory_space<hbm>>
    tpu.enqueue_dma source(%arg9 : memref<512x64xf32, #tpu.memory_space<vmem>>) target(%dma_start3A_479 : memref<512x64xf32, #tpu.memory_space<hbm>>) target_semaphore(%arg12 : memref<!tpu.dma_semaphore, #tpu.memory_space<semaphore_mem>>)
    %dma_wait3A_480 = arith.constant 0 : i32
    %dma_wait3A_481 = tpu.memref_slice %arg4[%add3A_283, %dma_wait3A_480] : memref<262144x64xf32, #tpu.memory_space<hbm>> -> memref<512x64xf32, #tpu.memory_space<hbm>>
    %dma_wait3A_482 = arith.constant 0 : i32
    %dma_wait3A_483 = tpu.memref_slice %arg4[%add3A_283, %dma_wait3A_482] : memref<262144x64xf32, #tpu.memory_space<hbm>> -> memref<512x64xf32, #tpu.memory_space<hbm>>
    tpu.wait_dma2 semaphore(%arg12 : memref<!tpu.dma_semaphore, #tpu.memory_space<semaphore_mem>>) src(%arg10 : memref<512x64xf32, #tpu.memory_space<vmem>>) dst(%dma_wait3A_483 : memref<512x64xf32, #tpu.memory_space<hbm>>)
    %dma_start3A_484 = arith.constant 0 : i32
    %dma_start3A_485 = arith.constant 0 : i32
    %dma_start3A_486 = arith.constant 0 : i32
    %dma_start3A_487 = tpu.memref_slice %arg10[%dma_start3A_485, %dma_start3A_486] : memref<512x64xf32, #tpu.memory_space<vmem>> -> memref<128x64xf32, #tpu.memory_space<vmem>>
    %dma_start3A_488 = arith.constant 0 : i32
    %dma_start3A_489 = tpu.memref_slice %arg7[%dma_start3A_484, %dma_start3A_488] : memref<4x128xi32, #tpu.memory_space<vmem>> -> memref<1x128xi32, #tpu.memory_space<vmem>>
    %dma_start3A_490 = tpu.memref_squeeze %dma_start3A_489 : memref<1x128xi32, #tpu.memory_space<vmem>> -> memref<128xi32, #tpu.memory_space<vmem>>
    %dma_start3A_491 = arith.constant 0 : i32
    %dma_start3A_492 = arith.constant 0 : i32
    %dma_start3A_493 = tpu.memref_slice %arg3[%dma_start3A_491, %dma_start3A_492] : memref<32768x64xf32, #tpu.memory_space<hbm>> -> memref<32768x64xf32, #tpu.memory_space<hbm>>
    tpu.enqueue_indirect_dma source(%dma_start3A_493 : memref<32768x64xf32, #tpu.memory_space<hbm>>) target(%dma_start3A_487 : memref<128x64xf32, #tpu.memory_space<vmem>>) offsets(%dma_start3A_490 : memref<128xi32, #tpu.memory_space<vmem>>) semaphore(%arg11 : memref<!tpu.dma_semaphore, #tpu.memory_space<semaphore_mem>>)
    %dma_start3A_494 = arith.constant 1 : i32
    %dma_start3A_495 = arith.constant 128 : i32
    %dma_start3A_496 = arith.constant 0 : i32
    %dma_start3A_497 = tpu.memref_slice %arg10[%dma_start3A_495, %dma_start3A_496] : memref<512x64xf32, #tpu.memory_space<vmem>> -> memref<128x64xf32, #tpu.memory_space<vmem>>
    %dma_start3A_498 = arith.constant 0 : i32
    %dma_start3A_499 = tpu.memref_slice %arg7[%dma_start3A_494, %dma_start3A_498] : memref<4x128xi32, #tpu.memory_space<vmem>> -> memref<1x128xi32, #tpu.memory_space<vmem>>
    %dma_start3A_500 = tpu.memref_squeeze %dma_start3A_499 : memref<1x128xi32, #tpu.memory_space<vmem>> -> memref<128xi32, #tpu.memory_space<vmem>>
    %dma_start3A_501 = arith.constant 0 : i32
    %dma_start3A_502 = arith.constant 0 : i32
    %dma_start3A_503 = tpu.memref_slice %arg3[%dma_start3A_501, %dma_start3A_502] : memref<32768x64xf32, #tpu.memory_space<hbm>> -> memref<32768x64xf32, #tpu.memory_space<hbm>>
    tpu.enqueue_indirect_dma source(%dma_start3A_503 : memref<32768x64xf32, #tpu.memory_space<hbm>>) target(%dma_start3A_497 : memref<128x64xf32, #tpu.memory_space<vmem>>) offsets(%dma_start3A_500 : memref<128xi32, #tpu.memory_space<vmem>>) semaphore(%arg11 : memref<!tpu.dma_semaphore, #tpu.memory_space<semaphore_mem>>)
    %dma_start3A_504 = arith.constant 2 : i32
    %dma_start3A_505 = arith.constant 256 : i32
    %dma_start3A_506 = arith.constant 0 : i32
    %dma_start3A_507 = tpu.memref_slice %arg10[%dma_start3A_505, %dma_start3A_506] : memref<512x64xf32, #tpu.memory_space<vmem>> -> memref<128x64xf32, #tpu.memory_space<vmem>>
    %dma_start3A_508 = arith.constant 0 : i32
    %dma_start3A_509 = tpu.memref_slice %arg7[%dma_start3A_504, %dma_start3A_508] : memref<4x128xi32, #tpu.memory_space<vmem>> -> memref<1x128xi32, #tpu.memory_space<vmem>>
    %dma_start3A_510 = tpu.memref_squeeze %dma_start3A_509 : memref<1x128xi32, #tpu.memory_space<vmem>> -> memref<128xi32, #tpu.memory_space<vmem>>
    %dma_start3A_511 = arith.constant 0 : i32
    %dma_start3A_512 = arith.constant 0 : i32
    %dma_start3A_513 = tpu.memref_slice %arg3[%dma_start3A_511, %dma_start3A_512] : memref<32768x64xf32, #tpu.memory_space<hbm>> -> memref<32768x64xf32, #tpu.memory_space<hbm>>
    tpu.enqueue_indirect_dma source(%dma_start3A_513 : memref<32768x64xf32, #tpu.memory_space<hbm>>) target(%dma_start3A_507 : memref<128x64xf32, #tpu.memory_space<vmem>>) offsets(%dma_start3A_510 : memref<128xi32, #tpu.memory_space<vmem>>) semaphore(%arg11 : memref<!tpu.dma_semaphore, #tpu.memory_space<semaphore_mem>>)
    %dma_start3A_514 = arith.constant 3 : i32
    %dma_start3A_515 = arith.constant 384 : i32
    %dma_start3A_516 = arith.constant 0 : i32
    %dma_start3A_517 = tpu.memref_slice %arg10[%dma_start3A_515, %dma_start3A_516] : memref<512x64xf32, #tpu.memory_space<vmem>> -> memref<128x64xf32, #tpu.memory_space<vmem>>
    %dma_start3A_518 = arith.constant 0 : i32
    %dma_start3A_519 = tpu.memref_slice %arg7[%dma_start3A_514, %dma_start3A_518] : memref<4x128xi32, #tpu.memory_space<vmem>> -> memref<1x128xi32, #tpu.memory_space<vmem>>
    %dma_start3A_520 = tpu.memref_squeeze %dma_start3A_519 : memref<1x128xi32, #tpu.memory_space<vmem>> -> memref<128xi32, #tpu.memory_space<vmem>>
    %dma_start3A_521 = arith.constant 0 : i32
    %dma_start3A_522 = arith.constant 0 : i32
    %dma_start3A_523 = tpu.memref_slice %arg3[%dma_start3A_521, %dma_start3A_522] : memref<32768x64xf32, #tpu.memory_space<hbm>> -> memref<32768x64xf32, #tpu.memory_space<hbm>>
    tpu.enqueue_indirect_dma source(%dma_start3A_523 : memref<32768x64xf32, #tpu.memory_space<hbm>>) target(%dma_start3A_517 : memref<128x64xf32, #tpu.memory_space<vmem>>) offsets(%dma_start3A_520 : memref<128xi32, #tpu.memory_space<vmem>>) semaphore(%arg11 : memref<!tpu.dma_semaphore, #tpu.memory_space<semaphore_mem>>)
    %scan3A_524 = arith.constant 0 : i32
    %scan3A_525 = arith.constant 0 : i32
    %scan3A_526 = arith.constant 32 : i32
    %scan3A_527 = arith.addi %scan3A_525, %scan3A_526 : i32
    %scan3A_528 = arith.constant 1 : i32
    scf.for %scan3A_1538 = %scan3A_525 to %scan3A_527 step %scan3A_528  : i32 {
      %mul3A_1539 = arith.constant 16 : i32
      %mul3A_1540 = arith.muli %scan3A_1538, %mul3A_1539 : i32
      %add3A_1541 = arith.constant 3072 : i32
      %add3A_1542 = arith.addi %add3A_1541, %mul3A_1540 : i32
      %get3A = arith.index_cast %add3A_1542 : i32 to index
      %get3A_1543 = tpu.vector_load %arg5[%get3A] {strides = array<i32>} : memref<24576xf32, #tpu.memory_space<vmem>>, vector<16xf32>,
      %max3A = arith.constant 0.000000e+00 : f32
      %max3A_1544 = vector.broadcast %max3A : f32 to vector<16xf32>
      %max3A_1545 = arith.maximumf %get3A_1543, %max3A_1544 : vector<16xf32>
      %min3A = arith.constant 1.000000e+00 : f32
      %min3A_1546 = vector.broadcast %min3A : f32 to vector<16xf32>
      %min3A_1547 = arith.minimumf %max3A_1545, %min3A_1546 : vector<16xf32>
      %mul3A_1548 = arith.constant 3.200000e+01 : f32
      %mul3A_1549 = vector.broadcast %mul3A_1548 : f32 to vector<16xf32>
      %mul3A_1550 = arith.mulf %min3A_1547, %mul3A_1549 : vector<16xf32>
      %convert_element_type3A = arith.fptosi %mul3A_1550 : vector<16xf32> to vector<16xi32>
      %min3A_1551 = arith.constant 31 : i32
      %min3A_1552 = vector.broadcast %min3A_1551 : i32 to vector<16xi32>
      %min3A_1553 = arith.minsi %convert_element_type3A, %min3A_1552 : vector<16xi32>
      %add3A_1554 = arith.constant 8192 : i32
      %add3A_1555 = arith.addi %add3A_1554, %add3A_1542 : i32
      %get3A_1556 = arith.index_cast %add3A_1555 : i32 to index
      %get3A_1557 = tpu.vector_load %arg5[%get3A_1556] {strides = array<i32>} : memref<24576xf32, #tpu.memory_space<vmem>>, vector<16xf32>,
      %max3A_1558 = arith.constant 0.000000e+00 : f32
      %max3A_1559 = vector.broadcast %max3A_1558 : f32 to vector<16xf32>
      %max3A_1560 = arith.maximumf %get3A_1557, %max3A_1559 : vector<16xf32>
      %min3A_1561 = arith.constant 1.000000e+00 : f32
      %min3A_1562 = vector.broadcast %min3A_1561 : f32 to vector<16xf32>
      %min3A_1563 = arith.minimumf %max3A_1560, %min3A_1562 : vector<16xf32>
      %mul3A_1564 = arith.constant 3.200000e+01 : f32
      %mul3A_1565 = vector.broadcast %mul3A_1564 : f32 to vector<16xf32>
      %mul3A_1566 = arith.mulf %min3A_1563, %mul3A_1565 : vector<16xf32>
      %convert_element_type3A_1567 = arith.fptosi %mul3A_1566 : vector<16xf32> to vector<16xi32>
      %min3A_1568 = arith.constant 31 : i32
      %min3A_1569 = vector.broadcast %min3A_1568 : i32 to vector<16xi32>
      %min3A_1570 = arith.minsi %convert_element_type3A_1567, %min3A_1569 : vector<16xi32>
      %add3A_1571 = arith.constant 16384 : i32
      %add3A_1572 = arith.addi %add3A_1571, %add3A_1542 : i32
      %get3A_1573 = arith.index_cast %add3A_1572 : i32 to index
      %get3A_1574 = tpu.vector_load %arg5[%get3A_1573] {strides = array<i32>} : memref<24576xf32, #tpu.memory_space<vmem>>, vector<16xf32>,
      %max3A_1575 = arith.constant 0.000000e+00 : f32
      %max3A_1576 = vector.broadcast %max3A_1575 : f32 to vector<16xf32>
      %max3A_1577 = arith.maximumf %get3A_1574, %max3A_1576 : vector<16xf32>
      %min3A_1578 = arith.constant 1.000000e+00 : f32
      %min3A_1579 = vector.broadcast %min3A_1578 : f32 to vector<16xf32>
      %min3A_1580 = arith.minimumf %max3A_1577, %min3A_1579 : vector<16xf32>
      %mul3A_1581 = arith.constant 3.200000e+01 : f32
      %mul3A_1582 = vector.broadcast %mul3A_1581 : f32 to vector<16xf32>
      %mul3A_1583 = arith.mulf %min3A_1580, %mul3A_1582 : vector<16xf32>
      %convert_element_type3A_1584 = arith.fptosi %mul3A_1583 : vector<16xf32> to vector<16xi32>
      %min3A_1585 = arith.constant 31 : i32
      %min3A_1586 = vector.broadcast %min3A_1585 : i32 to vector<16xi32>
      %min3A_1587 = arith.minsi %convert_element_type3A_1584, %min3A_1586 : vector<16xi32>
      %mul3A_1588 = arith.constant 32 : i32
      %mul3A_1589 = vector.broadcast %mul3A_1588 : i32 to vector<16xi32>
      %mul3A_1590 = arith.muli %min3A_1553, %mul3A_1589 : vector<16xi32>
      %add3A_1591 = arith.addi %mul3A_1590, %min3A_1570 : vector<16xi32>
      %mul3A_1592 = arith.constant 32 : i32
      %mul3A_1593 = vector.broadcast %mul3A_1592 : i32 to vector<16xi32>
      %mul3A_1594 = arith.muli %add3A_1591, %mul3A_1593 : vector<16xi32>
      %add3A_1595 = arith.addi %mul3A_1594, %min3A_1587 : vector<16xi32>
      %jit3A = arith.constant 8 : i32
      %div3A = arith.divsi %scan3A_1538, %jit3A : i32
      %sign3A = arith.constant 0 : i32
      %sign3A_1596 = arith.cmpi sgt, %scan3A_1538, %sign3A : i32
      %sign3A_1597 = arith.extui %sign3A_1596 : i1 to i32
      %sign3A_1598 = arith.constant 0 : i32
      %sign3A_1599 = arith.cmpi slt, %scan3A_1538, %sign3A_1598 : i32
      %sign3A_1600 = arith.extui %sign3A_1599 : i1 to i32
      %sign3A_1601 = arith.subi %sign3A_1597, %sign3A_1600 : i32
      %sign3A_1602 = arith.constant 0 : i32
      %sign3A_1603 = arith.cmpi sgt, %jit3A, %sign3A_1602 : i32
      %sign3A_1604 = arith.extui %sign3A_1603 : i1 to i32
      %sign3A_1605 = arith.constant 0 : i32
      %sign3A_1606 = arith.cmpi slt, %jit3A, %sign3A_1605 : i32
      %sign3A_1607 = arith.extui %sign3A_1606 : i1 to i32
      %sign3A_1608 = arith.subi %sign3A_1604, %sign3A_1607 : i32
      %ne3A = arith.cmpi ne, %sign3A_1601, %sign3A_1608 : i32
      %rem3A = arith.remsi %scan3A_1538, %jit3A : i32
      %ne3A_1609 = arith.constant 0 : i32
      %ne3A_1610 = arith.cmpi ne, %rem3A, %ne3A_1609 : i32
      %and3A = arith.andi %ne3A, %ne3A_1610 : i1
      %sub3A = arith.constant 1 : i32
      %sub3A_1611 = arith.subi %div3A, %sub3A : i32
      %select_n3A = arith.select %and3A, %sub3A_1611, %div3A : i32
      %jit3A_1612 = arith.constant 8 : i32
      %eq3A = arith.constant 0 : i32
      %eq3A_1613 = arith.cmpi eq, %jit3A_1612, %eq3A : i32
      %jit3A_1614 = arith.constant 1 : i32
      %select_n3A_1615 = arith.select %eq3A_1613, %jit3A_1614, %jit3A_1612 : i32
      %rem3A_1616 = arith.remsi %scan3A_1538, %select_n3A_1615 : i32
      %ne3A_1617 = arith.constant 0 : i32
      %ne3A_1618 = arith.cmpi ne, %rem3A_1616, %ne3A_1617 : i32
      %lt3A = arith.constant 0 : i32
      %lt3A_1619 = arith.cmpi slt, %rem3A_1616, %lt3A : i32
      %lt3A_1620 = arith.constant 0 : i32
      %lt3A_1621 = arith.cmpi slt, %select_n3A_1615, %lt3A_1620 : i32
      %ne3A_1622 = arith.xori %lt3A_1619, %lt3A_1621 : i1
      %and3A_1623 = arith.andi %ne3A_1622, %ne3A_1618 : i1
      %add3A_1624 = arith.addi %rem3A_1616, %select_n3A_1615 : i32
      %select_n3A_1625 = arith.select %and3A_1623, %add3A_1624, %rem3A_1616 : i32
      %mul3A_1626 = arith.constant 16 : i32
      %mul3A_1627 = arith.muli %select_n3A_1625, %mul3A_1626 : i32
      %swap3A = arith.index_cast %select_n3A : i32 to index
      %swap3A_1628 = arith.index_cast %mul3A_1627 : i32 to index
      %swap3A_1629 = tpu.vector_load %arg6[%swap3A, %swap3A_1628] {strides = array<i32>} : memref<4x128xi32, #tpu.memory_space<vmem>>, vector<16xi32>,
      tpu.vector_store %arg6[%swap3A, %swap3A_1628], %add3A_1595 {strides = array<i32>} : memref<4x128xi32, #tpu.memory_space<vmem>>, vector<16xi32>,
    }
    %scan3A_529 = arith.constant 32 : i32
    %dma_wait3A_530 = arith.constant 0 : i32
    %dma_wait3A_531 = arith.constant 0 : i32
    %dma_wait3A_532 = arith.constant 0 : i32
    %dma_wait3A_533 = tpu.memref_slice %arg10[%dma_wait3A_531, %dma_wait3A_532] : memref<512x64xf32, #tpu.memory_space<vmem>> -> memref<128x64xf32, #tpu.memory_space<vmem>>
    %dma_wait3A_534 = arith.constant 0 : i32
    %dma_wait3A_535 = tpu.memref_slice %arg7[%dma_wait3A_530, %dma_wait3A_534] : memref<4x128xi32, #tpu.memory_space<vmem>> -> memref<1x128xi32, #tpu.memory_space<vmem>>
    %dma_wait3A_536 = tpu.memref_squeeze %dma_wait3A_535 : memref<1x128xi32, #tpu.memory_space<vmem>> -> memref<128xi32, #tpu.memory_space<vmem>>
    %dma_wait3A_537 = arith.constant 0 : i32
    %dma_wait3A_538 = arith.constant 0 : i32
    %dma_wait3A_539 = tpu.memref_slice %arg3[%dma_wait3A_537, %dma_wait3A_538] : memref<32768x64xf32, #tpu.memory_space<hbm>> -> memref<32768x64xf32, #tpu.memory_space<hbm>>
    tpu.wait_indirect_dma semaphore(%arg11 : memref<!tpu.dma_semaphore, #tpu.memory_space<semaphore_mem>>) src(%dma_wait3A_539 : memref<32768x64xf32, #tpu.memory_space<hbm>>) dst(%dma_wait3A_533 : memref<128x64xf32, #tpu.memory_space<vmem>>)
    %dma_wait3A_540 = arith.constant 1 : i32
    %dma_wait3A_541 = arith.constant 128 : i32
    %dma_wait3A_542 = arith.constant 0 : i32
    %dma_wait3A_543 = tpu.memref_slice %arg10[%dma_wait3A_541, %dma_wait3A_542] : memref<512x64xf32, #tpu.memory_space<vmem>> -> memref<128x64xf32, #tpu.memory_space<vmem>>
    %dma_wait3A_544 = arith.constant 0 : i32
    %dma_wait3A_545 = tpu.memref_slice %arg7[%dma_wait3A_540, %dma_wait3A_544] : memref<4x128xi32, #tpu.memory_space<vmem>> -> memref<1x128xi32, #tpu.memory_space<vmem>>
    %dma_wait3A_546 = tpu.memref_squeeze %dma_wait3A_545 : memref<1x128xi32, #tpu.memory_space<vmem>> -> memref<128xi32, #tpu.memory_space<vmem>>
    %dma_wait3A_547 = arith.constant 0 : i32
    %dma_wait3A_548 = arith.constant 0 : i32
    %dma_wait3A_549 = tpu.memref_slice %arg3[%dma_wait3A_547, %dma_wait3A_548] : memref<32768x64xf32, #tpu.memory_space<hbm>> -> memref<32768x64xf32, #tpu.memory_space<hbm>>
    tpu.wait_indirect_dma semaphore(%arg11 : memref<!tpu.dma_semaphore, #tpu.memory_space<semaphore_mem>>) src(%dma_wait3A_549 : memref<32768x64xf32, #tpu.memory_space<hbm>>) dst(%dma_wait3A_543 : memref<128x64xf32, #tpu.memory_space<vmem>>)
    %dma_wait3A_550 = arith.constant 2 : i32
    %dma_wait3A_551 = arith.constant 256 : i32
    %dma_wait3A_552 = arith.constant 0 : i32
    %dma_wait3A_553 = tpu.memref_slice %arg10[%dma_wait3A_551, %dma_wait3A_552] : memref<512x64xf32, #tpu.memory_space<vmem>> -> memref<128x64xf32, #tpu.memory_space<vmem>>
    %dma_wait3A_554 = arith.constant 0 : i32
    %dma_wait3A_555 = tpu.memref_slice %arg7[%dma_wait3A_550, %dma_wait3A_554] : memref<4x128xi32, #tpu.memory_space<vmem>> -> memref<1x128xi32, #tpu.memory_space<vmem>>
    %dma_wait3A_556 = tpu.memref_squeeze %dma_wait3A_555 : memref<1x128xi32, #tpu.memory_space<vmem>> -> memref<128xi32, #tpu.memory_space<vmem>>
    %dma_wait3A_557 = arith.constant 0 : i32
    %dma_wait3A_558 = arith.constant 0 : i32
    %dma_wait3A_559 = tpu.memref_slice %arg3[%dma_wait3A_557, %dma_wait3A_558] : memref<32768x64xf32, #tpu.memory_space<hbm>> -> memref<32768x64xf32, #tpu.memory_space<hbm>>
    tpu.wait_indirect_dma semaphore(%arg11 : memref<!tpu.dma_semaphore, #tpu.memory_space<semaphore_mem>>) src(%dma_wait3A_559 : memref<32768x64xf32, #tpu.memory_space<hbm>>) dst(%dma_wait3A_553 : memref<128x64xf32, #tpu.memory_space<vmem>>)
    %dma_wait3A_560 = arith.constant 3 : i32
    %dma_wait3A_561 = arith.constant 384 : i32
    %dma_wait3A_562 = arith.constant 0 : i32
    %dma_wait3A_563 = tpu.memref_slice %arg10[%dma_wait3A_561, %dma_wait3A_562] : memref<512x64xf32, #tpu.memory_space<vmem>> -> memref<128x64xf32, #tpu.memory_space<vmem>>
    %dma_wait3A_564 = arith.constant 0 : i32
    %dma_wait3A_565 = tpu.memref_slice %arg7[%dma_wait3A_560, %dma_wait3A_564] : memref<4x128xi32, #tpu.memory_space<vmem>> -> memref<1x128xi32, #tpu.memory_space<vmem>>
    %dma_wait3A_566 = tpu.memref_squeeze %dma_wait3A_565 : memref<1x128xi32, #tpu.memory_space<vmem>> -> memref<128xi32, #tpu.memory_space<vmem>>
    %dma_wait3A_567 = arith.constant 0 : i32
    %dma_wait3A_568 = arith.constant 0 : i32
    %dma_wait3A_569 = tpu.memref_slice %arg3[%dma_wait3A_567, %dma_wait3A_568] : memref<32768x64xf32, #tpu.memory_space<hbm>> -> memref<32768x64xf32, #tpu.memory_space<hbm>>
    tpu.wait_indirect_dma semaphore(%arg11 : memref<!tpu.dma_semaphore, #tpu.memory_space<semaphore_mem>>) src(%dma_wait3A_569 : memref<32768x64xf32, #tpu.memory_space<hbm>>) dst(%dma_wait3A_563 : memref<128x64xf32, #tpu.memory_space<vmem>>)
    %add3A_570 = arith.constant 2560 : i32
    %add3A_571 = arith.addi %mul3A_2, %add3A_570 : i32
    %dma_start3A_572 = arith.constant 0 : i32
    %dma_start3A_573 = tpu.memref_slice %arg4[%add3A_571, %dma_start3A_572] : memref<262144x64xf32, #tpu.memory_space<hbm>> -> memref<512x64xf32, #tpu.memory_space<hbm>>
    %dma_start3A_574 = arith.constant 0 : i32
    %dma_start3A_575 = tpu.memref_slice %arg4[%add3A_571, %dma_start3A_574] : memref<262144x64xf32, #tpu.memory_space<hbm>> -> memref<512x64xf32, #tpu.memory_space<hbm>>
    tpu.enqueue_dma source(%arg10 : memref<512x64xf32, #tpu.memory_space<vmem>>) target(%dma_start3A_575 : memref<512x64xf32, #tpu.memory_space<hbm>>) target_semaphore(%arg12 : memref<!tpu.dma_semaphore, #tpu.memory_space<semaphore_mem>>)
    %dma_wait3A_576 = arith.constant 0 : i32
    %dma_wait3A_577 = tpu.memref_slice %arg4[%add3A_379, %dma_wait3A_576] : memref<262144x64xf32, #tpu.memory_space<hbm>> -> memref<512x64xf32, #tpu.memory_space<hbm>>
    %dma_wait3A_578 = arith.constant 0 : i32
    %dma_wait3A_579 = tpu.memref_slice %arg4[%add3A_379, %dma_wait3A_578] : memref<262144x64xf32, #tpu.memory_space<hbm>> -> memref<512x64xf32, #tpu.memory_space<hbm>>
    tpu.wait_dma2 semaphore(%arg12 : memref<!tpu.dma_semaphore, #tpu.memory_space<semaphore_mem>>) src(%arg8 : memref<512x64xf32, #tpu.memory_space<vmem>>) dst(%dma_wait3A_579 : memref<512x64xf32, #tpu.memory_space<hbm>>)
    %dma_start3A_580 = arith.constant 0 : i32
    %dma_start3A_581 = arith.constant 0 : i32
    %dma_start3A_582 = arith.constant 0 : i32
    %dma_start3A_583 = tpu.memref_slice %arg8[%dma_start3A_581, %dma_start3A_582] : memref<512x64xf32, #tpu.memory_space<vmem>> -> memref<128x64xf32, #tpu.memory_space<vmem>>
    %dma_start3A_584 = arith.constant 0 : i32
    %dma_start3A_585 = tpu.memref_slice %arg6[%dma_start3A_580, %dma_start3A_584] : memref<4x128xi32, #tpu.memory_space<vmem>> -> memref<1x128xi32, #tpu.memory_space<vmem>>
    %dma_start3A_586 = tpu.memref_squeeze %dma_start3A_585 : memref<1x128xi32, #tpu.memory_space<vmem>> -> memref<128xi32, #tpu.memory_space<vmem>>
    %dma_start3A_587 = arith.constant 0 : i32
    %dma_start3A_588 = arith.constant 0 : i32
    %dma_start3A_589 = tpu.memref_slice %arg3[%dma_start3A_587, %dma_start3A_588] : memref<32768x64xf32, #tpu.memory_space<hbm>> -> memref<32768x64xf32, #tpu.memory_space<hbm>>
    tpu.enqueue_indirect_dma source(%dma_start3A_589 : memref<32768x64xf32, #tpu.memory_space<hbm>>) target(%dma_start3A_583 : memref<128x64xf32, #tpu.memory_space<vmem>>) offsets(%dma_start3A_586 : memref<128xi32, #tpu.memory_space<vmem>>) semaphore(%arg11 : memref<!tpu.dma_semaphore, #tpu.memory_space<semaphore_mem>>)
    %dma_start3A_590 = arith.constant 1 : i32
    %dma_start3A_591 = arith.constant 128 : i32
    %dma_start3A_592 = arith.constant 0 : i32
    %dma_start3A_593 = tpu.memref_slice %arg8[%dma_start3A_591, %dma_start3A_592] : memref<512x64xf32, #tpu.memory_space<vmem>> -> memref<128x64xf32, #tpu.memory_space<vmem>>
    %dma_start3A_594 = arith.constant 0 : i32
    %dma_start3A_595 = tpu.memref_slice %arg6[%dma_start3A_590, %dma_start3A_594] : memref<4x128xi32, #tpu.memory_space<vmem>> -> memref<1x128xi32, #tpu.memory_space<vmem>>
    %dma_start3A_596 = tpu.memref_squeeze %dma_start3A_595 : memref<1x128xi32, #tpu.memory_space<vmem>> -> memref<128xi32, #tpu.memory_space<vmem>>
    %dma_start3A_597 = arith.constant 0 : i32
    %dma_start3A_598 = arith.constant 0 : i32
    %dma_start3A_599 = tpu.memref_slice %arg3[%dma_start3A_597, %dma_start3A_598] : memref<32768x64xf32, #tpu.memory_space<hbm>> -> memref<32768x64xf32, #tpu.memory_space<hbm>>
    tpu.enqueue_indirect_dma source(%dma_start3A_599 : memref<32768x64xf32, #tpu.memory_space<hbm>>) target(%dma_start3A_593 : memref<128x64xf32, #tpu.memory_space<vmem>>) offsets(%dma_start3A_596 : memref<128xi32, #tpu.memory_space<vmem>>) semaphore(%arg11 : memref<!tpu.dma_semaphore, #tpu.memory_space<semaphore_mem>>)
    %dma_start3A_600 = arith.constant 2 : i32
    %dma_start3A_601 = arith.constant 256 : i32
    %dma_start3A_602 = arith.constant 0 : i32
    %dma_start3A_603 = tpu.memref_slice %arg8[%dma_start3A_601, %dma_start3A_602] : memref<512x64xf32, #tpu.memory_space<vmem>> -> memref<128x64xf32, #tpu.memory_space<vmem>>
    %dma_start3A_604 = arith.constant 0 : i32
    %dma_start3A_605 = tpu.memref_slice %arg6[%dma_start3A_600, %dma_start3A_604] : memref<4x128xi32, #tpu.memory_space<vmem>> -> memref<1x128xi32, #tpu.memory_space<vmem>>
    %dma_start3A_606 = tpu.memref_squeeze %dma_start3A_605 : memref<1x128xi32, #tpu.memory_space<vmem>> -> memref<128xi32, #tpu.memory_space<vmem>>
    %dma_start3A_607 = arith.constant 0 : i32
    %dma_start3A_608 = arith.constant 0 : i32
    %dma_start3A_609 = tpu.memref_slice %arg3[%dma_start3A_607, %dma_start3A_608] : memref<32768x64xf32, #tpu.memory_space<hbm>> -> memref<32768x64xf32, #tpu.memory_space<hbm>>
    tpu.enqueue_indirect_dma source(%dma_start3A_609 : memref<32768x64xf32, #tpu.memory_space<hbm>>) target(%dma_start3A_603 : memref<128x64xf32, #tpu.memory_space<vmem>>) offsets(%dma_start3A_606 : memref<128xi32, #tpu.memory_space<vmem>>) semaphore(%arg11 : memref<!tpu.dma_semaphore, #tpu.memory_space<semaphore_mem>>)
    %dma_start3A_610 = arith.constant 3 : i32
    %dma_start3A_611 = arith.constant 384 : i32
    %dma_start3A_612 = arith.constant 0 : i32
    %dma_start3A_613 = tpu.memref_slice %arg8[%dma_start3A_611, %dma_start3A_612] : memref<512x64xf32, #tpu.memory_space<vmem>> -> memref<128x64xf32, #tpu.memory_space<vmem>>
    %dma_start3A_614 = arith.constant 0 : i32
    %dma_start3A_615 = tpu.memref_slice %arg6[%dma_start3A_610, %dma_start3A_614] : memref<4x128xi32, #tpu.memory_space<vmem>> -> memref<1x128xi32, #tpu.memory_space<vmem>>
    %dma_start3A_616 = tpu.memref_squeeze %dma_start3A_615 : memref<1x128xi32, #tpu.memory_space<vmem>> -> memref<128xi32, #tpu.memory_space<vmem>>
    %dma_start3A_617 = arith.constant 0 : i32
    %dma_start3A_618 = arith.constant 0 : i32
    %dma_start3A_619 = tpu.memref_slice %arg3[%dma_start3A_617, %dma_start3A_618] : memref<32768x64xf32, #tpu.memory_space<hbm>> -> memref<32768x64xf32, #tpu.memory_space<hbm>>
    tpu.enqueue_indirect_dma source(%dma_start3A_619 : memref<32768x64xf32, #tpu.memory_space<hbm>>) target(%dma_start3A_613 : memref<128x64xf32, #tpu.memory_space<vmem>>) offsets(%dma_start3A_616 : memref<128xi32, #tpu.memory_space<vmem>>) semaphore(%arg11 : memref<!tpu.dma_semaphore, #tpu.memory_space<semaphore_mem>>)
    %scan3A_620 = arith.constant 0 : i32
    %scan3A_621 = arith.constant 0 : i32
    %scan3A_622 = arith.constant 32 : i32
    %scan3A_623 = arith.addi %scan3A_621, %scan3A_622 : i32
    %scan3A_624 = arith.constant 1 : i32
    scf.for %scan3A_1538 = %scan3A_621 to %scan3A_623 step %scan3A_624  : i32 {
      %mul3A_1539 = arith.constant 16 : i32
      %mul3A_1540 = arith.muli %scan3A_1538, %mul3A_1539 : i32
      %add3A_1541 = arith.constant 3584 : i32
      %add3A_1542 = arith.addi %add3A_1541, %mul3A_1540 : i32
      %get3A = arith.index_cast %add3A_1542 : i32 to index
      %get3A_1543 = tpu.vector_load %arg5[%get3A] {strides = array<i32>} : memref<24576xf32, #tpu.memory_space<vmem>>, vector<16xf32>,
      %max3A = arith.constant 0.000000e+00 : f32
      %max3A_1544 = vector.broadcast %max3A : f32 to vector<16xf32>
      %max3A_1545 = arith.maximumf %get3A_1543, %max3A_1544 : vector<16xf32>
      %min3A = arith.constant 1.000000e+00 : f32
      %min3A_1546 = vector.broadcast %min3A : f32 to vector<16xf32>
      %min3A_1547 = arith.minimumf %max3A_1545, %min3A_1546 : vector<16xf32>
      %mul3A_1548 = arith.constant 3.200000e+01 : f32
      %mul3A_1549 = vector.broadcast %mul3A_1548 : f32 to vector<16xf32>
      %mul3A_1550 = arith.mulf %min3A_1547, %mul3A_1549 : vector<16xf32>
      %convert_element_type3A = arith.fptosi %mul3A_1550 : vector<16xf32> to vector<16xi32>
      %min3A_1551 = arith.constant 31 : i32
      %min3A_1552 = vector.broadcast %min3A_1551 : i32 to vector<16xi32>
      %min3A_1553 = arith.minsi %convert_element_type3A, %min3A_1552 : vector<16xi32>
      %add3A_1554 = arith.constant 8192 : i32
      %add3A_1555 = arith.addi %add3A_1554, %add3A_1542 : i32
      %get3A_1556 = arith.index_cast %add3A_1555 : i32 to index
      %get3A_1557 = tpu.vector_load %arg5[%get3A_1556] {strides = array<i32>} : memref<24576xf32, #tpu.memory_space<vmem>>, vector<16xf32>,
      %max3A_1558 = arith.constant 0.000000e+00 : f32
      %max3A_1559 = vector.broadcast %max3A_1558 : f32 to vector<16xf32>
      %max3A_1560 = arith.maximumf %get3A_1557, %max3A_1559 : vector<16xf32>
      %min3A_1561 = arith.constant 1.000000e+00 : f32
      %min3A_1562 = vector.broadcast %min3A_1561 : f32 to vector<16xf32>
      %min3A_1563 = arith.minimumf %max3A_1560, %min3A_1562 : vector<16xf32>
      %mul3A_1564 = arith.constant 3.200000e+01 : f32
      %mul3A_1565 = vector.broadcast %mul3A_1564 : f32 to vector<16xf32>
      %mul3A_1566 = arith.mulf %min3A_1563, %mul3A_1565 : vector<16xf32>
      %convert_element_type3A_1567 = arith.fptosi %mul3A_1566 : vector<16xf32> to vector<16xi32>
      %min3A_1568 = arith.constant 31 : i32
      %min3A_1569 = vector.broadcast %min3A_1568 : i32 to vector<16xi32>
      %min3A_1570 = arith.minsi %convert_element_type3A_1567, %min3A_1569 : vector<16xi32>
      %add3A_1571 = arith.constant 16384 : i32
      %add3A_1572 = arith.addi %add3A_1571, %add3A_1542 : i32
      %get3A_1573 = arith.index_cast %add3A_1572 : i32 to index
      %get3A_1574 = tpu.vector_load %arg5[%get3A_1573] {strides = array<i32>} : memref<24576xf32, #tpu.memory_space<vmem>>, vector<16xf32>,
      %max3A_1575 = arith.constant 0.000000e+00 : f32
      %max3A_1576 = vector.broadcast %max3A_1575 : f32 to vector<16xf32>
      %max3A_1577 = arith.maximumf %get3A_1574, %max3A_1576 : vector<16xf32>
      %min3A_1578 = arith.constant 1.000000e+00 : f32
      %min3A_1579 = vector.broadcast %min3A_1578 : f32 to vector<16xf32>
      %min3A_1580 = arith.minimumf %max3A_1577, %min3A_1579 : vector<16xf32>
      %mul3A_1581 = arith.constant 3.200000e+01 : f32
      %mul3A_1582 = vector.broadcast %mul3A_1581 : f32 to vector<16xf32>
      %mul3A_1583 = arith.mulf %min3A_1580, %mul3A_1582 : vector<16xf32>
      %convert_element_type3A_1584 = arith.fptosi %mul3A_1583 : vector<16xf32> to vector<16xi32>
      %min3A_1585 = arith.constant 31 : i32
      %min3A_1586 = vector.broadcast %min3A_1585 : i32 to vector<16xi32>
      %min3A_1587 = arith.minsi %convert_element_type3A_1584, %min3A_1586 : vector<16xi32>
      %mul3A_1588 = arith.constant 32 : i32
      %mul3A_1589 = vector.broadcast %mul3A_1588 : i32 to vector<16xi32>
      %mul3A_1590 = arith.muli %min3A_1553, %mul3A_1589 : vector<16xi32>
      %add3A_1591 = arith.addi %mul3A_1590, %min3A_1570 : vector<16xi32>
      %mul3A_1592 = arith.constant 32 : i32
      %mul3A_1593 = vector.broadcast %mul3A_1592 : i32 to vector<16xi32>
      %mul3A_1594 = arith.muli %add3A_1591, %mul3A_1593 : vector<16xi32>
      %add3A_1595 = arith.addi %mul3A_1594, %min3A_1587 : vector<16xi32>
      %jit3A = arith.constant 8 : i32
      %div3A = arith.divsi %scan3A_1538, %jit3A : i32
      %sign3A = arith.constant 0 : i32
      %sign3A_1596 = arith.cmpi sgt, %scan3A_1538, %sign3A : i32
      %sign3A_1597 = arith.extui %sign3A_1596 : i1 to i32
      %sign3A_1598 = arith.constant 0 : i32
      %sign3A_1599 = arith.cmpi slt, %scan3A_1538, %sign3A_1598 : i32
      %sign3A_1600 = arith.extui %sign3A_1599 : i1 to i32
      %sign3A_1601 = arith.subi %sign3A_1597, %sign3A_1600 : i32
      %sign3A_1602 = arith.constant 0 : i32
      %sign3A_1603 = arith.cmpi sgt, %jit3A, %sign3A_1602 : i32
      %sign3A_1604 = arith.extui %sign3A_1603 : i1 to i32
      %sign3A_1605 = arith.constant 0 : i32
      %sign3A_1606 = arith.cmpi slt, %jit3A, %sign3A_1605 : i32
      %sign3A_1607 = arith.extui %sign3A_1606 : i1 to i32
      %sign3A_1608 = arith.subi %sign3A_1604, %sign3A_1607 : i32
      %ne3A = arith.cmpi ne, %sign3A_1601, %sign3A_1608 : i32
      %rem3A = arith.remsi %scan3A_1538, %jit3A : i32
      %ne3A_1609 = arith.constant 0 : i32
      %ne3A_1610 = arith.cmpi ne, %rem3A, %ne3A_1609 : i32
      %and3A = arith.andi %ne3A, %ne3A_1610 : i1
      %sub3A = arith.constant 1 : i32
      %sub3A_1611 = arith.subi %div3A, %sub3A : i32
      %select_n3A = arith.select %and3A, %sub3A_1611, %div3A : i32
      %jit3A_1612 = arith.constant 8 : i32
      %eq3A = arith.constant 0 : i32
      %eq3A_1613 = arith.cmpi eq, %jit3A_1612, %eq3A : i32
      %jit3A_1614 = arith.constant 1 : i32
      %select_n3A_1615 = arith.select %eq3A_1613, %jit3A_1614, %jit3A_1612 : i32
      %rem3A_1616 = arith.remsi %scan3A_1538, %select_n3A_1615 : i32
      %ne3A_1617 = arith.constant 0 : i32
      %ne3A_1618 = arith.cmpi ne, %rem3A_1616, %ne3A_1617 : i32
      %lt3A = arith.constant 0 : i32
      %lt3A_1619 = arith.cmpi slt, %rem3A_1616, %lt3A : i32
      %lt3A_1620 = arith.constant 0 : i32
      %lt3A_1621 = arith.cmpi slt, %select_n3A_1615, %lt3A_1620 : i32
      %ne3A_1622 = arith.xori %lt3A_1619, %lt3A_1621 : i1
      %and3A_1623 = arith.andi %ne3A_1622, %ne3A_1618 : i1
      %add3A_1624 = arith.addi %rem3A_1616, %select_n3A_1615 : i32
      %select_n3A_1625 = arith.select %and3A_1623, %add3A_1624, %rem3A_1616 : i32
      %mul3A_1626 = arith.constant 16 : i32
      %mul3A_1627 = arith.muli %select_n3A_1625, %mul3A_1626 : i32
      %swap3A = arith.index_cast %select_n3A : i32 to index
      %swap3A_1628 = arith.index_cast %mul3A_1627 : i32 to index
      %swap3A_1629 = tpu.vector_load %arg7[%swap3A, %swap3A_1628] {strides = array<i32>} : memref<4x128xi32, #tpu.memory_space<vmem>>, vector<16xi32>,
      tpu.vector_store %arg7[%swap3A, %swap3A_1628], %add3A_1595 {strides = array<i32>} : memref<4x128xi32, #tpu.memory_space<vmem>>, vector<16xi32>,
    }
    %scan3A_625 = arith.constant 32 : i32
    %dma_wait3A_626 = arith.constant 0 : i32
    %dma_wait3A_627 = arith.constant 0 : i32
    %dma_wait3A_628 = arith.constant 0 : i32
    %dma_wait3A_629 = tpu.memref_slice %arg8[%dma_wait3A_627, %dma_wait3A_628] : memref<512x64xf32, #tpu.memory_space<vmem>> -> memref<128x64xf32, #tpu.memory_space<vmem>>
    %dma_wait3A_630 = arith.constant 0 : i32
    %dma_wait3A_631 = tpu.memref_slice %arg6[%dma_wait3A_626, %dma_wait3A_630] : memref<4x128xi32, #tpu.memory_space<vmem>> -> memref<1x128xi32, #tpu.memory_space<vmem>>
    %dma_wait3A_632 = tpu.memref_squeeze %dma_wait3A_631 : memref<1x128xi32, #tpu.memory_space<vmem>> -> memref<128xi32, #tpu.memory_space<vmem>>
    %dma_wait3A_633 = arith.constant 0 : i32
    %dma_wait3A_634 = arith.constant 0 : i32
    %dma_wait3A_635 = tpu.memref_slice %arg3[%dma_wait3A_633, %dma_wait3A_634] : memref<32768x64xf32, #tpu.memory_space<hbm>> -> memref<32768x64xf32, #tpu.memory_space<hbm>>
    tpu.wait_indirect_dma semaphore(%arg11 : memref<!tpu.dma_semaphore, #tpu.memory_space<semaphore_mem>>) src(%dma_wait3A_635 : memref<32768x64xf32, #tpu.memory_space<hbm>>) dst(%dma_wait3A_629 : memref<128x64xf32, #tpu.memory_space<vmem>>)
    %dma_wait3A_636 = arith.constant 1 : i32
    %dma_wait3A_637 = arith.constant 128 : i32
    %dma_wait3A_638 = arith.constant 0 : i32
    %dma_wait3A_639 = tpu.memref_slice %arg8[%dma_wait3A_637, %dma_wait3A_638] : memref<512x64xf32, #tpu.memory_space<vmem>> -> memref<128x64xf32, #tpu.memory_space<vmem>>
    %dma_wait3A_640 = arith.constant 0 : i32
    %dma_wait3A_641 = tpu.memref_slice %arg6[%dma_wait3A_636, %dma_wait3A_640] : memref<4x128xi32, #tpu.memory_space<vmem>> -> memref<1x128xi32, #tpu.memory_space<vmem>>
    %dma_wait3A_642 = tpu.memref_squeeze %dma_wait3A_641 : memref<1x128xi32, #tpu.memory_space<vmem>> -> memref<128xi32, #tpu.memory_space<vmem>>
    %dma_wait3A_643 = arith.constant 0 : i32
    %dma_wait3A_644 = arith.constant 0 : i32
    %dma_wait3A_645 = tpu.memref_slice %arg3[%dma_wait3A_643, %dma_wait3A_644] : memref<32768x64xf32, #tpu.memory_space<hbm>> -> memref<32768x64xf32, #tpu.memory_space<hbm>>
    tpu.wait_indirect_dma semaphore(%arg11 : memref<!tpu.dma_semaphore, #tpu.memory_space<semaphore_mem>>) src(%dma_wait3A_645 : memref<32768x64xf32, #tpu.memory_space<hbm>>) dst(%dma_wait3A_639 : memref<128x64xf32, #tpu.memory_space<vmem>>)
    %dma_wait3A_646 = arith.constant 2 : i32
    %dma_wait3A_647 = arith.constant 256 : i32
    %dma_wait3A_648 = arith.constant 0 : i32
    %dma_wait3A_649 = tpu.memref_slice %arg8[%dma_wait3A_647, %dma_wait3A_648] : memref<512x64xf32, #tpu.memory_space<vmem>> -> memref<128x64xf32, #tpu.memory_space<vmem>>
    %dma_wait3A_650 = arith.constant 0 : i32
    %dma_wait3A_651 = tpu.memref_slice %arg6[%dma_wait3A_646, %dma_wait3A_650] : memref<4x128xi32, #tpu.memory_space<vmem>> -> memref<1x128xi32, #tpu.memory_space<vmem>>
    %dma_wait3A_652 = tpu.memref_squeeze %dma_wait3A_651 : memref<1x128xi32, #tpu.memory_space<vmem>> -> memref<128xi32, #tpu.memory_space<vmem>>
    %dma_wait3A_653 = arith.constant 0 : i32
    %dma_wait3A_654 = arith.constant 0 : i32
    %dma_wait3A_655 = tpu.memref_slice %arg3[%dma_wait3A_653, %dma_wait3A_654] : memref<32768x64xf32, #tpu.memory_space<hbm>> -> memref<32768x64xf32, #tpu.memory_space<hbm>>
    tpu.wait_indirect_dma semaphore(%arg11 : memref<!tpu.dma_semaphore, #tpu.memory_space<semaphore_mem>>) src(%dma_wait3A_655 : memref<32768x64xf32, #tpu.memory_space<hbm>>) dst(%dma_wait3A_649 : memref<128x64xf32, #tpu.memory_space<vmem>>)
    %dma_wait3A_656 = arith.constant 3 : i32
    %dma_wait3A_657 = arith.constant 384 : i32
    %dma_wait3A_658 = arith.constant 0 : i32
    %dma_wait3A_659 = tpu.memref_slice %arg8[%dma_wait3A_657, %dma_wait3A_658] : memref<512x64xf32, #tpu.memory_space<vmem>> -> memref<128x64xf32, #tpu.memory_space<vmem>>
    %dma_wait3A_660 = arith.constant 0 : i32
    %dma_wait3A_661 = tpu.memref_slice %arg6[%dma_wait3A_656, %dma_wait3A_660] : memref<4x128xi32, #tpu.memory_space<vmem>> -> memref<1x128xi32, #tpu.memory_space<vmem>>
    %dma_wait3A_662 = tpu.memref_squeeze %dma_wait3A_661 : memref<1x128xi32, #tpu.memory_space<vmem>> -> memref<128xi32, #tpu.memory_space<vmem>>
    %dma_wait3A_663 = arith.constant 0 : i32
    %dma_wait3A_664 = arith.constant 0 : i32
    %dma_wait3A_665 = tpu.memref_slice %arg3[%dma_wait3A_663, %dma_wait3A_664] : memref<32768x64xf32, #tpu.memory_space<hbm>> -> memref<32768x64xf32, #tpu.memory_space<hbm>>
    tpu.wait_indirect_dma semaphore(%arg11 : memref<!tpu.dma_semaphore, #tpu.memory_space<semaphore_mem>>) src(%dma_wait3A_665 : memref<32768x64xf32, #tpu.memory_space<hbm>>) dst(%dma_wait3A_659 : memref<128x64xf32, #tpu.memory_space<vmem>>)
    %add3A_666 = arith.constant 3072 : i32
    %add3A_667 = arith.addi %mul3A_2, %add3A_666 : i32
    %dma_start3A_668 = arith.constant 0 : i32
    %dma_start3A_669 = tpu.memref_slice %arg4[%add3A_667, %dma_start3A_668] : memref<262144x64xf32, #tpu.memory_space<hbm>> -> memref<512x64xf32, #tpu.memory_space<hbm>>
    %dma_start3A_670 = arith.constant 0 : i32
    %dma_start3A_671 = tpu.memref_slice %arg4[%add3A_667, %dma_start3A_670] : memref<262144x64xf32, #tpu.memory_space<hbm>> -> memref<512x64xf32, #tpu.memory_space<hbm>>
    tpu.enqueue_dma source(%arg8 : memref<512x64xf32, #tpu.memory_space<vmem>>) target(%dma_start3A_671 : memref<512x64xf32, #tpu.memory_space<hbm>>) target_semaphore(%arg12 : memref<!tpu.dma_semaphore, #tpu.memory_space<semaphore_mem>>)
    %dma_wait3A_672 = arith.constant 0 : i32
    %dma_wait3A_673 = tpu.memref_slice %arg4[%add3A_475, %dma_wait3A_672] : memref<262144x64xf32, #tpu.memory_space<hbm>> -> memref<512x64xf32, #tpu.memory_space<hbm>>
    %dma_wait3A_674 = arith.constant 0 : i32
    %dma_wait3A_675 = tpu.memref_slice %arg4[%add3A_475, %dma_wait3A_674] : memref<262144x64xf32, #tpu.memory_space<hbm>> -> memref<512x64xf32, #tpu.memory_space<hbm>>
    tpu.wait_dma2 semaphore(%arg12 : memref<!tpu.dma_semaphore, #tpu.memory_space<semaphore_mem>>) src(%arg9 : memref<512x64xf32, #tpu.memory_space<vmem>>) dst(%dma_wait3A_675 : memref<512x64xf32, #tpu.memory_space<hbm>>)
    %dma_start3A_676 = arith.constant 0 : i32
    %dma_start3A_677 = arith.constant 0 : i32
    %dma_start3A_678 = arith.constant 0 : i32
    %dma_start3A_679 = tpu.memref_slice %arg9[%dma_start3A_677, %dma_start3A_678] : memref<512x64xf32, #tpu.memory_space<vmem>> -> memref<128x64xf32, #tpu.memory_space<vmem>>
    %dma_start3A_680 = arith.constant 0 : i32
    %dma_start3A_681 = tpu.memref_slice %arg7[%dma_start3A_676, %dma_start3A_680] : memref<4x128xi32, #tpu.memory_space<vmem>> -> memref<1x128xi32, #tpu.memory_space<vmem>>
    %dma_start3A_682 = tpu.memref_squeeze %dma_start3A_681 : memref<1x128xi32, #tpu.memory_space<vmem>> -> memref<128xi32, #tpu.memory_space<vmem>>
    %dma_start3A_683 = arith.constant 0 : i32
    %dma_start3A_684 = arith.constant 0 : i32
    %dma_start3A_685 = tpu.memref_slice %arg3[%dma_start3A_683, %dma_start3A_684] : memref<32768x64xf32, #tpu.memory_space<hbm>> -> memref<32768x64xf32, #tpu.memory_space<hbm>>
    tpu.enqueue_indirect_dma source(%dma_start3A_685 : memref<32768x64xf32, #tpu.memory_space<hbm>>) target(%dma_start3A_679 : memref<128x64xf32, #tpu.memory_space<vmem>>) offsets(%dma_start3A_682 : memref<128xi32, #tpu.memory_space<vmem>>) semaphore(%arg11 : memref<!tpu.dma_semaphore, #tpu.memory_space<semaphore_mem>>)
    %dma_start3A_686 = arith.constant 1 : i32
    %dma_start3A_687 = arith.constant 128 : i32
    %dma_start3A_688 = arith.constant 0 : i32
    %dma_start3A_689 = tpu.memref_slice %arg9[%dma_start3A_687, %dma_start3A_688] : memref<512x64xf32, #tpu.memory_space<vmem>> -> memref<128x64xf32, #tpu.memory_space<vmem>>
    %dma_start3A_690 = arith.constant 0 : i32
    %dma_start3A_691 = tpu.memref_slice %arg7[%dma_start3A_686, %dma_start3A_690] : memref<4x128xi32, #tpu.memory_space<vmem>> -> memref<1x128xi32, #tpu.memory_space<vmem>>
    %dma_start3A_692 = tpu.memref_squeeze %dma_start3A_691 : memref<1x128xi32, #tpu.memory_space<vmem>> -> memref<128xi32, #tpu.memory_space<vmem>>
    %dma_start3A_693 = arith.constant 0 : i32
    %dma_start3A_694 = arith.constant 0 : i32
    %dma_start3A_695 = tpu.memref_slice %arg3[%dma_start3A_693, %dma_start3A_694] : memref<32768x64xf32, #tpu.memory_space<hbm>> -> memref<32768x64xf32, #tpu.memory_space<hbm>>
    tpu.enqueue_indirect_dma source(%dma_start3A_695 : memref<32768x64xf32, #tpu.memory_space<hbm>>) target(%dma_start3A_689 : memref<128x64xf32, #tpu.memory_space<vmem>>) offsets(%dma_start3A_692 : memref<128xi32, #tpu.memory_space<vmem>>) semaphore(%arg11 : memref<!tpu.dma_semaphore, #tpu.memory_space<semaphore_mem>>)
    %dma_start3A_696 = arith.constant 2 : i32
    %dma_start3A_697 = arith.constant 256 : i32
    %dma_start3A_698 = arith.constant 0 : i32
    %dma_start3A_699 = tpu.memref_slice %arg9[%dma_start3A_697, %dma_start3A_698] : memref<512x64xf32, #tpu.memory_space<vmem>> -> memref<128x64xf32, #tpu.memory_space<vmem>>
    %dma_start3A_700 = arith.constant 0 : i32
    %dma_start3A_701 = tpu.memref_slice %arg7[%dma_start3A_696, %dma_start3A_700] : memref<4x128xi32, #tpu.memory_space<vmem>> -> memref<1x128xi32, #tpu.memory_space<vmem>>
    %dma_start3A_702 = tpu.memref_squeeze %dma_start3A_701 : memref<1x128xi32, #tpu.memory_space<vmem>> -> memref<128xi32, #tpu.memory_space<vmem>>
    %dma_start3A_703 = arith.constant 0 : i32
    %dma_start3A_704 = arith.constant 0 : i32
    %dma_start3A_705 = tpu.memref_slice %arg3[%dma_start3A_703, %dma_start3A_704] : memref<32768x64xf32, #tpu.memory_space<hbm>> -> memref<32768x64xf32, #tpu.memory_space<hbm>>
    tpu.enqueue_indirect_dma source(%dma_start3A_705 : memref<32768x64xf32, #tpu.memory_space<hbm>>) target(%dma_start3A_699 : memref<128x64xf32, #tpu.memory_space<vmem>>) offsets(%dma_start3A_702 : memref<128xi32, #tpu.memory_space<vmem>>) semaphore(%arg11 : memref<!tpu.dma_semaphore, #tpu.memory_space<semaphore_mem>>)
    %dma_start3A_706 = arith.constant 3 : i32
    %dma_start3A_707 = arith.constant 384 : i32
    %dma_start3A_708 = arith.constant 0 : i32
    %dma_start3A_709 = tpu.memref_slice %arg9[%dma_start3A_707, %dma_start3A_708] : memref<512x64xf32, #tpu.memory_space<vmem>> -> memref<128x64xf32, #tpu.memory_space<vmem>>
    %dma_start3A_710 = arith.constant 0 : i32
    %dma_start3A_711 = tpu.memref_slice %arg7[%dma_start3A_706, %dma_start3A_710] : memref<4x128xi32, #tpu.memory_space<vmem>> -> memref<1x128xi32, #tpu.memory_space<vmem>>
    %dma_start3A_712 = tpu.memref_squeeze %dma_start3A_711 : memref<1x128xi32, #tpu.memory_space<vmem>> -> memref<128xi32, #tpu.memory_space<vmem>>
    %dma_start3A_713 = arith.constant 0 : i32
    %dma_start3A_714 = arith.constant 0 : i32
    %dma_start3A_715 = tpu.memref_slice %arg3[%dma_start3A_713, %dma_start3A_714] : memref<32768x64xf32, #tpu.memory_space<hbm>> -> memref<32768x64xf32, #tpu.memory_space<hbm>>
    tpu.enqueue_indirect_dma source(%dma_start3A_715 : memref<32768x64xf32, #tpu.memory_space<hbm>>) target(%dma_start3A_709 : memref<128x64xf32, #tpu.memory_space<vmem>>) offsets(%dma_start3A_712 : memref<128xi32, #tpu.memory_space<vmem>>) semaphore(%arg11 : memref<!tpu.dma_semaphore, #tpu.memory_space<semaphore_mem>>)
    %scan3A_716 = arith.constant 0 : i32
    %scan3A_717 = arith.constant 0 : i32
    %scan3A_718 = arith.constant 32 : i32
    %scan3A_719 = arith.addi %scan3A_717, %scan3A_718 : i32
    %scan3A_720 = arith.constant 1 : i32
    scf.for %scan3A_1538 = %scan3A_717 to %scan3A_719 step %scan3A_720  : i32 {
      %mul3A_1539 = arith.constant 16 : i32
      %mul3A_1540 = arith.muli %scan3A_1538, %mul3A_1539 : i32
      %add3A_1541 = arith.constant 4096 : i32
      %add3A_1542 = arith.addi %add3A_1541, %mul3A_1540 : i32
      %get3A = arith.index_cast %add3A_1542 : i32 to index
      %get3A_1543 = tpu.vector_load %arg5[%get3A] {strides = array<i32>} : memref<24576xf32, #tpu.memory_space<vmem>>, vector<16xf32>,
      %max3A = arith.constant 0.000000e+00 : f32
      %max3A_1544 = vector.broadcast %max3A : f32 to vector<16xf32>
      %max3A_1545 = arith.maximumf %get3A_1543, %max3A_1544 : vector<16xf32>
      %min3A = arith.constant 1.000000e+00 : f32
      %min3A_1546 = vector.broadcast %min3A : f32 to vector<16xf32>
      %min3A_1547 = arith.minimumf %max3A_1545, %min3A_1546 : vector<16xf32>
      %mul3A_1548 = arith.constant 3.200000e+01 : f32
      %mul3A_1549 = vector.broadcast %mul3A_1548 : f32 to vector<16xf32>
      %mul3A_1550 = arith.mulf %min3A_1547, %mul3A_1549 : vector<16xf32>
      %convert_element_type3A = arith.fptosi %mul3A_1550 : vector<16xf32> to vector<16xi32>
      %min3A_1551 = arith.constant 31 : i32
      %min3A_1552 = vector.broadcast %min3A_1551 : i32 to vector<16xi32>
      %min3A_1553 = arith.minsi %convert_element_type3A, %min3A_1552 : vector<16xi32>
      %add3A_1554 = arith.constant 8192 : i32
      %add3A_1555 = arith.addi %add3A_1554, %add3A_1542 : i32
      %get3A_1556 = arith.index_cast %add3A_1555 : i32 to index
      %get3A_1557 = tpu.vector_load %arg5[%get3A_1556] {strides = array<i32>} : memref<24576xf32, #tpu.memory_space<vmem>>, vector<16xf32>,
      %max3A_1558 = arith.constant 0.000000e+00 : f32
      %max3A_1559 = vector.broadcast %max3A_1558 : f32 to vector<16xf32>
      %max3A_1560 = arith.maximumf %get3A_1557, %max3A_1559 : vector<16xf32>
      %min3A_1561 = arith.constant 1.000000e+00 : f32
      %min3A_1562 = vector.broadcast %min3A_1561 : f32 to vector<16xf32>
      %min3A_1563 = arith.minimumf %max3A_1560, %min3A_1562 : vector<16xf32>
      %mul3A_1564 = arith.constant 3.200000e+01 : f32
      %mul3A_1565 = vector.broadcast %mul3A_1564 : f32 to vector<16xf32>
      %mul3A_1566 = arith.mulf %min3A_1563, %mul3A_1565 : vector<16xf32>
      %convert_element_type3A_1567 = arith.fptosi %mul3A_1566 : vector<16xf32> to vector<16xi32>
      %min3A_1568 = arith.constant 31 : i32
      %min3A_1569 = vector.broadcast %min3A_1568 : i32 to vector<16xi32>
      %min3A_1570 = arith.minsi %convert_element_type3A_1567, %min3A_1569 : vector<16xi32>
      %add3A_1571 = arith.constant 16384 : i32
      %add3A_1572 = arith.addi %add3A_1571, %add3A_1542 : i32
      %get3A_1573 = arith.index_cast %add3A_1572 : i32 to index
      %get3A_1574 = tpu.vector_load %arg5[%get3A_1573] {strides = array<i32>} : memref<24576xf32, #tpu.memory_space<vmem>>, vector<16xf32>,
      %max3A_1575 = arith.constant 0.000000e+00 : f32
      %max3A_1576 = vector.broadcast %max3A_1575 : f32 to vector<16xf32>
      %max3A_1577 = arith.maximumf %get3A_1574, %max3A_1576 : vector<16xf32>
      %min3A_1578 = arith.constant 1.000000e+00 : f32
      %min3A_1579 = vector.broadcast %min3A_1578 : f32 to vector<16xf32>
      %min3A_1580 = arith.minimumf %max3A_1577, %min3A_1579 : vector<16xf32>
      %mul3A_1581 = arith.constant 3.200000e+01 : f32
      %mul3A_1582 = vector.broadcast %mul3A_1581 : f32 to vector<16xf32>
      %mul3A_1583 = arith.mulf %min3A_1580, %mul3A_1582 : vector<16xf32>
      %convert_element_type3A_1584 = arith.fptosi %mul3A_1583 : vector<16xf32> to vector<16xi32>
      %min3A_1585 = arith.constant 31 : i32
      %min3A_1586 = vector.broadcast %min3A_1585 : i32 to vector<16xi32>
      %min3A_1587 = arith.minsi %convert_element_type3A_1584, %min3A_1586 : vector<16xi32>
      %mul3A_1588 = arith.constant 32 : i32
      %mul3A_1589 = vector.broadcast %mul3A_1588 : i32 to vector<16xi32>
      %mul3A_1590 = arith.muli %min3A_1553, %mul3A_1589 : vector<16xi32>
      %add3A_1591 = arith.addi %mul3A_1590, %min3A_1570 : vector<16xi32>
      %mul3A_1592 = arith.constant 32 : i32
      %mul3A_1593 = vector.broadcast %mul3A_1592 : i32 to vector<16xi32>
      %mul3A_1594 = arith.muli %add3A_1591, %mul3A_1593 : vector<16xi32>
      %add3A_1595 = arith.addi %mul3A_1594, %min3A_1587 : vector<16xi32>
      %jit3A = arith.constant 8 : i32
      %div3A = arith.divsi %scan3A_1538, %jit3A : i32
      %sign3A = arith.constant 0 : i32
      %sign3A_1596 = arith.cmpi sgt, %scan3A_1538, %sign3A : i32
      %sign3A_1597 = arith.extui %sign3A_1596 : i1 to i32
      %sign3A_1598 = arith.constant 0 : i32
      %sign3A_1599 = arith.cmpi slt, %scan3A_1538, %sign3A_1598 : i32
      %sign3A_1600 = arith.extui %sign3A_1599 : i1 to i32
      %sign3A_1601 = arith.subi %sign3A_1597, %sign3A_1600 : i32
      %sign3A_1602 = arith.constant 0 : i32
      %sign3A_1603 = arith.cmpi sgt, %jit3A, %sign3A_1602 : i32
      %sign3A_1604 = arith.extui %sign3A_1603 : i1 to i32
      %sign3A_1605 = arith.constant 0 : i32
      %sign3A_1606 = arith.cmpi slt, %jit3A, %sign3A_1605 : i32
      %sign3A_1607 = arith.extui %sign3A_1606 : i1 to i32
      %sign3A_1608 = arith.subi %sign3A_1604, %sign3A_1607 : i32
      %ne3A = arith.cmpi ne, %sign3A_1601, %sign3A_1608 : i32
      %rem3A = arith.remsi %scan3A_1538, %jit3A : i32
      %ne3A_1609 = arith.constant 0 : i32
      %ne3A_1610 = arith.cmpi ne, %rem3A, %ne3A_1609 : i32
      %and3A = arith.andi %ne3A, %ne3A_1610 : i1
      %sub3A = arith.constant 1 : i32
      %sub3A_1611 = arith.subi %div3A, %sub3A : i32
      %select_n3A = arith.select %and3A, %sub3A_1611, %div3A : i32
      %jit3A_1612 = arith.constant 8 : i32
      %eq3A = arith.constant 0 : i32
      %eq3A_1613 = arith.cmpi eq, %jit3A_1612, %eq3A : i32
      %jit3A_1614 = arith.constant 1 : i32
      %select_n3A_1615 = arith.select %eq3A_1613, %jit3A_1614, %jit3A_1612 : i32
      %rem3A_1616 = arith.remsi %scan3A_1538, %select_n3A_1615 : i32
      %ne3A_1617 = arith.constant 0 : i32
      %ne3A_1618 = arith.cmpi ne, %rem3A_1616, %ne3A_1617 : i32
      %lt3A = arith.constant 0 : i32
      %lt3A_1619 = arith.cmpi slt, %rem3A_1616, %lt3A : i32
      %lt3A_1620 = arith.constant 0 : i32
      %lt3A_1621 = arith.cmpi slt, %select_n3A_1615, %lt3A_1620 : i32
      %ne3A_1622 = arith.xori %lt3A_1619, %lt3A_1621 : i1
      %and3A_1623 = arith.andi %ne3A_1622, %ne3A_1618 : i1
      %add3A_1624 = arith.addi %rem3A_1616, %select_n3A_1615 : i32
      %select_n3A_1625 = arith.select %and3A_1623, %add3A_1624, %rem3A_1616 : i32
      %mul3A_1626 = arith.constant 16 : i32
      %mul3A_1627 = arith.muli %select_n3A_1625, %mul3A_1626 : i32
      %swap3A = arith.index_cast %select_n3A : i32 to index
      %swap3A_1628 = arith.index_cast %mul3A_1627 : i32 to index
      %swap3A_1629 = tpu.vector_load %arg6[%swap3A, %swap3A_1628] {strides = array<i32>} : memref<4x128xi32, #tpu.memory_space<vmem>>, vector<16xi32>,
      tpu.vector_store %arg6[%swap3A, %swap3A_1628], %add3A_1595 {strides = array<i32>} : memref<4x128xi32, #tpu.memory_space<vmem>>, vector<16xi32>,
    }
    %scan3A_721 = arith.constant 32 : i32
    %dma_wait3A_722 = arith.constant 0 : i32
    %dma_wait3A_723 = arith.constant 0 : i32
    %dma_wait3A_724 = arith.constant 0 : i32
    %dma_wait3A_725 = tpu.memref_slice %arg9[%dma_wait3A_723, %dma_wait3A_724] : memref<512x64xf32, #tpu.memory_space<vmem>> -> memref<128x64xf32, #tpu.memory_space<vmem>>
    %dma_wait3A_726 = arith.constant 0 : i32
    %dma_wait3A_727 = tpu.memref_slice %arg7[%dma_wait3A_722, %dma_wait3A_726] : memref<4x128xi32, #tpu.memory_space<vmem>> -> memref<1x128xi32, #tpu.memory_space<vmem>>
    %dma_wait3A_728 = tpu.memref_squeeze %dma_wait3A_727 : memref<1x128xi32, #tpu.memory_space<vmem>> -> memref<128xi32, #tpu.memory_space<vmem>>
    %dma_wait3A_729 = arith.constant 0 : i32
    %dma_wait3A_730 = arith.constant 0 : i32
    %dma_wait3A_731 = tpu.memref_slice %arg3[%dma_wait3A_729, %dma_wait3A_730] : memref<32768x64xf32, #tpu.memory_space<hbm>> -> memref<32768x64xf32, #tpu.memory_space<hbm>>
    tpu.wait_indirect_dma semaphore(%arg11 : memref<!tpu.dma_semaphore, #tpu.memory_space<semaphore_mem>>) src(%dma_wait3A_731 : memref<32768x64xf32, #tpu.memory_space<hbm>>) dst(%dma_wait3A_725 : memref<128x64xf32, #tpu.memory_space<vmem>>)
    %dma_wait3A_732 = arith.constant 1 : i32
    %dma_wait3A_733 = arith.constant 128 : i32
    %dma_wait3A_734 = arith.constant 0 : i32
    %dma_wait3A_735 = tpu.memref_slice %arg9[%dma_wait3A_733, %dma_wait3A_734] : memref<512x64xf32, #tpu.memory_space<vmem>> -> memref<128x64xf32, #tpu.memory_space<vmem>>
    %dma_wait3A_736 = arith.constant 0 : i32
    %dma_wait3A_737 = tpu.memref_slice %arg7[%dma_wait3A_732, %dma_wait3A_736] : memref<4x128xi32, #tpu.memory_space<vmem>> -> memref<1x128xi32, #tpu.memory_space<vmem>>
    %dma_wait3A_738 = tpu.memref_squeeze %dma_wait3A_737 : memref<1x128xi32, #tpu.memory_space<vmem>> -> memref<128xi32, #tpu.memory_space<vmem>>
    %dma_wait3A_739 = arith.constant 0 : i32
    %dma_wait3A_740 = arith.constant 0 : i32
    %dma_wait3A_741 = tpu.memref_slice %arg3[%dma_wait3A_739, %dma_wait3A_740] : memref<32768x64xf32, #tpu.memory_space<hbm>> -> memref<32768x64xf32, #tpu.memory_space<hbm>>
    tpu.wait_indirect_dma semaphore(%arg11 : memref<!tpu.dma_semaphore, #tpu.memory_space<semaphore_mem>>) src(%dma_wait3A_741 : memref<32768x64xf32, #tpu.memory_space<hbm>>) dst(%dma_wait3A_735 : memref<128x64xf32, #tpu.memory_space<vmem>>)
    %dma_wait3A_742 = arith.constant 2 : i32
    %dma_wait3A_743 = arith.constant 256 : i32
    %dma_wait3A_744 = arith.constant 0 : i32
    %dma_wait3A_745 = tpu.memref_slice %arg9[%dma_wait3A_743, %dma_wait3A_744] : memref<512x64xf32, #tpu.memory_space<vmem>> -> memref<128x64xf32, #tpu.memory_space<vmem>>
    %dma_wait3A_746 = arith.constant 0 : i32
    %dma_wait3A_747 = tpu.memref_slice %arg7[%dma_wait3A_742, %dma_wait3A_746] : memref<4x128xi32, #tpu.memory_space<vmem>> -> memref<1x128xi32, #tpu.memory_space<vmem>>
    %dma_wait3A_748 = tpu.memref_squeeze %dma_wait3A_747 : memref<1x128xi32, #tpu.memory_space<vmem>> -> memref<128xi32, #tpu.memory_space<vmem>>
    %dma_wait3A_749 = arith.constant 0 : i32
    %dma_wait3A_750 = arith.constant 0 : i32
    %dma_wait3A_751 = tpu.memref_slice %arg3[%dma_wait3A_749, %dma_wait3A_750] : memref<32768x64xf32, #tpu.memory_space<hbm>> -> memref<32768x64xf32, #tpu.memory_space<hbm>>
    tpu.wait_indirect_dma semaphore(%arg11 : memref<!tpu.dma_semaphore, #tpu.memory_space<semaphore_mem>>) src(%dma_wait3A_751 : memref<32768x64xf32, #tpu.memory_space<hbm>>) dst(%dma_wait3A_745 : memref<128x64xf32, #tpu.memory_space<vmem>>)
    %dma_wait3A_752 = arith.constant 3 : i32
    %dma_wait3A_753 = arith.constant 384 : i32
    %dma_wait3A_754 = arith.constant 0 : i32
    %dma_wait3A_755 = tpu.memref_slice %arg9[%dma_wait3A_753, %dma_wait3A_754] : memref<512x64xf32, #tpu.memory_space<vmem>> -> memref<128x64xf32, #tpu.memory_space<vmem>>
    %dma_wait3A_756 = arith.constant 0 : i32
    %dma_wait3A_757 = tpu.memref_slice %arg7[%dma_wait3A_752, %dma_wait3A_756] : memref<4x128xi32, #tpu.memory_space<vmem>> -> memref<1x128xi32, #tpu.memory_space<vmem>>
    %dma_wait3A_758 = tpu.memref_squeeze %dma_wait3A_757 : memref<1x128xi32, #tpu.memory_space<vmem>> -> memref<128xi32, #tpu.memory_space<vmem>>
    %dma_wait3A_759 = arith.constant 0 : i32
    %dma_wait3A_760 = arith.constant 0 : i32
    %dma_wait3A_761 = tpu.memref_slice %arg3[%dma_wait3A_759, %dma_wait3A_760] : memref<32768x64xf32, #tpu.memory_space<hbm>> -> memref<32768x64xf32, #tpu.memory_space<hbm>>
    tpu.wait_indirect_dma semaphore(%arg11 : memref<!tpu.dma_semaphore, #tpu.memory_space<semaphore_mem>>) src(%dma_wait3A_761 : memref<32768x64xf32, #tpu.memory_space<hbm>>) dst(%dma_wait3A_755 : memref<128x64xf32, #tpu.memory_space<vmem>>)
    %add3A_762 = arith.constant 3584 : i32
    %add3A_763 = arith.addi %mul3A_2, %add3A_762 : i32
    %dma_start3A_764 = arith.constant 0 : i32
    %dma_start3A_765 = tpu.memref_slice %arg4[%add3A_763, %dma_start3A_764] : memref<262144x64xf32, #tpu.memory_space<hbm>> -> memref<512x64xf32, #tpu.memory_space<hbm>>
    %dma_start3A_766 = arith.constant 0 : i32
    %dma_start3A_767 = tpu.memref_slice %arg4[%add3A_763, %dma_start3A_766] : memref<262144x64xf32, #tpu.memory_space<hbm>> -> memref<512x64xf32, #tpu.memory_space<hbm>>
    tpu.enqueue_dma source(%arg9 : memref<512x64xf32, #tpu.memory_space<vmem>>) target(%dma_start3A_767 : memref<512x64xf32, #tpu.memory_space<hbm>>) target_semaphore(%arg12 : memref<!tpu.dma_semaphore, #tpu.memory_space<semaphore_mem>>)
    %dma_wait3A_768 = arith.constant 0 : i32
    %dma_wait3A_769 = tpu.memref_slice %arg4[%add3A_571, %dma_wait3A_768] : memref<262144x64xf32, #tpu.memory_space<hbm>> -> memref<512x64xf32, #tpu.memory_space<hbm>>
    %dma_wait3A_770 = arith.constant 0 : i32
    %dma_wait3A_771 = tpu.memref_slice %arg4[%add3A_571, %dma_wait3A_770] : memref<262144x64xf32, #tpu.memory_space<hbm>> -> memref<512x64xf32, #tpu.memory_space<hbm>>
    tpu.wait_dma2 semaphore(%arg12 : memref<!tpu.dma_semaphore, #tpu.memory_space<semaphore_mem>>) src(%arg10 : memref<512x64xf32, #tpu.memory_space<vmem>>) dst(%dma_wait3A_771 : memref<512x64xf32, #tpu.memory_space<hbm>>)
    %dma_start3A_772 = arith.constant 0 : i32
    %dma_start3A_773 = arith.constant 0 : i32
    %dma_start3A_774 = arith.constant 0 : i32
    %dma_start3A_775 = tpu.memref_slice %arg10[%dma_start3A_773, %dma_start3A_774] : memref<512x64xf32, #tpu.memory_space<vmem>> -> memref<128x64xf32, #tpu.memory_space<vmem>>
    %dma_start3A_776 = arith.constant 0 : i32
    %dma_start3A_777 = tpu.memref_slice %arg6[%dma_start3A_772, %dma_start3A_776] : memref<4x128xi32, #tpu.memory_space<vmem>> -> memref<1x128xi32, #tpu.memory_space<vmem>>
    %dma_start3A_778 = tpu.memref_squeeze %dma_start3A_777 : memref<1x128xi32, #tpu.memory_space<vmem>> -> memref<128xi32, #tpu.memory_space<vmem>>
    %dma_start3A_779 = arith.constant 0 : i32
    %dma_start3A_780 = arith.constant 0 : i32
    %dma_start3A_781 = tpu.memref_slice %arg3[%dma_start3A_779, %dma_start3A_780] : memref<32768x64xf32, #tpu.memory_space<hbm>> -> memref<32768x64xf32, #tpu.memory_space<hbm>>
    tpu.enqueue_indirect_dma source(%dma_start3A_781 : memref<32768x64xf32, #tpu.memory_space<hbm>>) target(%dma_start3A_775 : memref<128x64xf32, #tpu.memory_space<vmem>>) offsets(%dma_start3A_778 : memref<128xi32, #tpu.memory_space<vmem>>) semaphore(%arg11 : memref<!tpu.dma_semaphore, #tpu.memory_space<semaphore_mem>>)
    %dma_start3A_782 = arith.constant 1 : i32
    %dma_start3A_783 = arith.constant 128 : i32
    %dma_start3A_784 = arith.constant 0 : i32
    %dma_start3A_785 = tpu.memref_slice %arg10[%dma_start3A_783, %dma_start3A_784] : memref<512x64xf32, #tpu.memory_space<vmem>> -> memref<128x64xf32, #tpu.memory_space<vmem>>
    %dma_start3A_786 = arith.constant 0 : i32
    %dma_start3A_787 = tpu.memref_slice %arg6[%dma_start3A_782, %dma_start3A_786] : memref<4x128xi32, #tpu.memory_space<vmem>> -> memref<1x128xi32, #tpu.memory_space<vmem>>
    %dma_start3A_788 = tpu.memref_squeeze %dma_start3A_787 : memref<1x128xi32, #tpu.memory_space<vmem>> -> memref<128xi32, #tpu.memory_space<vmem>>
    %dma_start3A_789 = arith.constant 0 : i32
    %dma_start3A_790 = arith.constant 0 : i32
    %dma_start3A_791 = tpu.memref_slice %arg3[%dma_start3A_789, %dma_start3A_790] : memref<32768x64xf32, #tpu.memory_space<hbm>> -> memref<32768x64xf32, #tpu.memory_space<hbm>>
    tpu.enqueue_indirect_dma source(%dma_start3A_791 : memref<32768x64xf32, #tpu.memory_space<hbm>>) target(%dma_start3A_785 : memref<128x64xf32, #tpu.memory_space<vmem>>) offsets(%dma_start3A_788 : memref<128xi32, #tpu.memory_space<vmem>>) semaphore(%arg11 : memref<!tpu.dma_semaphore, #tpu.memory_space<semaphore_mem>>)
    %dma_start3A_792 = arith.constant 2 : i32
    %dma_start3A_793 = arith.constant 256 : i32
    %dma_start3A_794 = arith.constant 0 : i32
    %dma_start3A_795 = tpu.memref_slice %arg10[%dma_start3A_793, %dma_start3A_794] : memref<512x64xf32, #tpu.memory_space<vmem>> -> memref<128x64xf32, #tpu.memory_space<vmem>>
    %dma_start3A_796 = arith.constant 0 : i32
    %dma_start3A_797 = tpu.memref_slice %arg6[%dma_start3A_792, %dma_start3A_796] : memref<4x128xi32, #tpu.memory_space<vmem>> -> memref<1x128xi32, #tpu.memory_space<vmem>>
    %dma_start3A_798 = tpu.memref_squeeze %dma_start3A_797 : memref<1x128xi32, #tpu.memory_space<vmem>> -> memref<128xi32, #tpu.memory_space<vmem>>
    %dma_start3A_799 = arith.constant 0 : i32
    %dma_start3A_800 = arith.constant 0 : i32
    %dma_start3A_801 = tpu.memref_slice %arg3[%dma_start3A_799, %dma_start3A_800] : memref<32768x64xf32, #tpu.memory_space<hbm>> -> memref<32768x64xf32, #tpu.memory_space<hbm>>
    tpu.enqueue_indirect_dma source(%dma_start3A_801 : memref<32768x64xf32, #tpu.memory_space<hbm>>) target(%dma_start3A_795 : memref<128x64xf32, #tpu.memory_space<vmem>>) offsets(%dma_start3A_798 : memref<128xi32, #tpu.memory_space<vmem>>) semaphore(%arg11 : memref<!tpu.dma_semaphore, #tpu.memory_space<semaphore_mem>>)
    %dma_start3A_802 = arith.constant 3 : i32
    %dma_start3A_803 = arith.constant 384 : i32
    %dma_start3A_804 = arith.constant 0 : i32
    %dma_start3A_805 = tpu.memref_slice %arg10[%dma_start3A_803, %dma_start3A_804] : memref<512x64xf32, #tpu.memory_space<vmem>> -> memref<128x64xf32, #tpu.memory_space<vmem>>
    %dma_start3A_806 = arith.constant 0 : i32
    %dma_start3A_807 = tpu.memref_slice %arg6[%dma_start3A_802, %dma_start3A_806] : memref<4x128xi32, #tpu.memory_space<vmem>> -> memref<1x128xi32, #tpu.memory_space<vmem>>
    %dma_start3A_808 = tpu.memref_squeeze %dma_start3A_807 : memref<1x128xi32, #tpu.memory_space<vmem>> -> memref<128xi32, #tpu.memory_space<vmem>>
    %dma_start3A_809 = arith.constant 0 : i32
    %dma_start3A_810 = arith.constant 0 : i32
    %dma_start3A_811 = tpu.memref_slice %arg3[%dma_start3A_809, %dma_start3A_810] : memref<32768x64xf32, #tpu.memory_space<hbm>> -> memref<32768x64xf32, #tpu.memory_space<hbm>>
    tpu.enqueue_indirect_dma source(%dma_start3A_811 : memref<32768x64xf32, #tpu.memory_space<hbm>>) target(%dma_start3A_805 : memref<128x64xf32, #tpu.memory_space<vmem>>) offsets(%dma_start3A_808 : memref<128xi32, #tpu.memory_space<vmem>>) semaphore(%arg11 : memref<!tpu.dma_semaphore, #tpu.memory_space<semaphore_mem>>)
    %scan3A_812 = arith.constant 0 : i32
    %scan3A_813 = arith.constant 0 : i32
    %scan3A_814 = arith.constant 32 : i32
    %scan3A_815 = arith.addi %scan3A_813, %scan3A_814 : i32
    %scan3A_816 = arith.constant 1 : i32
    scf.for %scan3A_1538 = %scan3A_813 to %scan3A_815 step %scan3A_816  : i32 {
      %mul3A_1539 = arith.constant 16 : i32
      %mul3A_1540 = arith.muli %scan3A_1538, %mul3A_1539 : i32
      %add3A_1541 = arith.constant 4608 : i32
      %add3A_1542 = arith.addi %add3A_1541, %mul3A_1540 : i32
      %get3A = arith.index_cast %add3A_1542 : i32 to index
      %get3A_1543 = tpu.vector_load %arg5[%get3A] {strides = array<i32>} : memref<24576xf32, #tpu.memory_space<vmem>>, vector<16xf32>,
      %max3A = arith.constant 0.000000e+00 : f32
      %max3A_1544 = vector.broadcast %max3A : f32 to vector<16xf32>
      %max3A_1545 = arith.maximumf %get3A_1543, %max3A_1544 : vector<16xf32>
      %min3A = arith.constant 1.000000e+00 : f32
      %min3A_1546 = vector.broadcast %min3A : f32 to vector<16xf32>
      %min3A_1547 = arith.minimumf %max3A_1545, %min3A_1546 : vector<16xf32>
      %mul3A_1548 = arith.constant 3.200000e+01 : f32
      %mul3A_1549 = vector.broadcast %mul3A_1548 : f32 to vector<16xf32>
      %mul3A_1550 = arith.mulf %min3A_1547, %mul3A_1549 : vector<16xf32>
      %convert_element_type3A = arith.fptosi %mul3A_1550 : vector<16xf32> to vector<16xi32>
      %min3A_1551 = arith.constant 31 : i32
      %min3A_1552 = vector.broadcast %min3A_1551 : i32 to vector<16xi32>
      %min3A_1553 = arith.minsi %convert_element_type3A, %min3A_1552 : vector<16xi32>
      %add3A_1554 = arith.constant 8192 : i32
      %add3A_1555 = arith.addi %add3A_1554, %add3A_1542 : i32
      %get3A_1556 = arith.index_cast %add3A_1555 : i32 to index
      %get3A_1557 = tpu.vector_load %arg5[%get3A_1556] {strides = array<i32>} : memref<24576xf32, #tpu.memory_space<vmem>>, vector<16xf32>,
      %max3A_1558 = arith.constant 0.000000e+00 : f32
      %max3A_1559 = vector.broadcast %max3A_1558 : f32 to vector<16xf32>
      %max3A_1560 = arith.maximumf %get3A_1557, %max3A_1559 : vector<16xf32>
      %min3A_1561 = arith.constant 1.000000e+00 : f32
      %min3A_1562 = vector.broadcast %min3A_1561 : f32 to vector<16xf32>
      %min3A_1563 = arith.minimumf %max3A_1560, %min3A_1562 : vector<16xf32>
      %mul3A_1564 = arith.constant 3.200000e+01 : f32
      %mul3A_1565 = vector.broadcast %mul3A_1564 : f32 to vector<16xf32>
      %mul3A_1566 = arith.mulf %min3A_1563, %mul3A_1565 : vector<16xf32>
      %convert_element_type3A_1567 = arith.fptosi %mul3A_1566 : vector<16xf32> to vector<16xi32>
      %min3A_1568 = arith.constant 31 : i32
      %min3A_1569 = vector.broadcast %min3A_1568 : i32 to vector<16xi32>
      %min3A_1570 = arith.minsi %convert_element_type3A_1567, %min3A_1569 : vector<16xi32>
      %add3A_1571 = arith.constant 16384 : i32
      %add3A_1572 = arith.addi %add3A_1571, %add3A_1542 : i32
      %get3A_1573 = arith.index_cast %add3A_1572 : i32 to index
      %get3A_1574 = tpu.vector_load %arg5[%get3A_1573] {strides = array<i32>} : memref<24576xf32, #tpu.memory_space<vmem>>, vector<16xf32>,
      %max3A_1575 = arith.constant 0.000000e+00 : f32
      %max3A_1576 = vector.broadcast %max3A_1575 : f32 to vector<16xf32>
      %max3A_1577 = arith.maximumf %get3A_1574, %max3A_1576 : vector<16xf32>
      %min3A_1578 = arith.constant 1.000000e+00 : f32
      %min3A_1579 = vector.broadcast %min3A_1578 : f32 to vector<16xf32>
      %min3A_1580 = arith.minimumf %max3A_1577, %min3A_1579 : vector<16xf32>
      %mul3A_1581 = arith.constant 3.200000e+01 : f32
      %mul3A_1582 = vector.broadcast %mul3A_1581 : f32 to vector<16xf32>
      %mul3A_1583 = arith.mulf %min3A_1580, %mul3A_1582 : vector<16xf32>
      %convert_element_type3A_1584 = arith.fptosi %mul3A_1583 : vector<16xf32> to vector<16xi32>
      %min3A_1585 = arith.constant 31 : i32
      %min3A_1586 = vector.broadcast %min3A_1585 : i32 to vector<16xi32>
      %min3A_1587 = arith.minsi %convert_element_type3A_1584, %min3A_1586 : vector<16xi32>
      %mul3A_1588 = arith.constant 32 : i32
      %mul3A_1589 = vector.broadcast %mul3A_1588 : i32 to vector<16xi32>
      %mul3A_1590 = arith.muli %min3A_1553, %mul3A_1589 : vector<16xi32>
      %add3A_1591 = arith.addi %mul3A_1590, %min3A_1570 : vector<16xi32>
      %mul3A_1592 = arith.constant 32 : i32
      %mul3A_1593 = vector.broadcast %mul3A_1592 : i32 to vector<16xi32>
      %mul3A_1594 = arith.muli %add3A_1591, %mul3A_1593 : vector<16xi32>
      %add3A_1595 = arith.addi %mul3A_1594, %min3A_1587 : vector<16xi32>
      %jit3A = arith.constant 8 : i32
      %div3A = arith.divsi %scan3A_1538, %jit3A : i32
      %sign3A = arith.constant 0 : i32
      %sign3A_1596 = arith.cmpi sgt, %scan3A_1538, %sign3A : i32
      %sign3A_1597 = arith.extui %sign3A_1596 : i1 to i32
      %sign3A_1598 = arith.constant 0 : i32
      %sign3A_1599 = arith.cmpi slt, %scan3A_1538, %sign3A_1598 : i32
      %sign3A_1600 = arith.extui %sign3A_1599 : i1 to i32
      %sign3A_1601 = arith.subi %sign3A_1597, %sign3A_1600 : i32
      %sign3A_1602 = arith.constant 0 : i32
      %sign3A_1603 = arith.cmpi sgt, %jit3A, %sign3A_1602 : i32
      %sign3A_1604 = arith.extui %sign3A_1603 : i1 to i32
      %sign3A_1605 = arith.constant 0 : i32
      %sign3A_1606 = arith.cmpi slt, %jit3A, %sign3A_1605 : i32
      %sign3A_1607 = arith.extui %sign3A_1606 : i1 to i32
      %sign3A_1608 = arith.subi %sign3A_1604, %sign3A_1607 : i32
      %ne3A = arith.cmpi ne, %sign3A_1601, %sign3A_1608 : i32
      %rem3A = arith.remsi %scan3A_1538, %jit3A : i32
      %ne3A_1609 = arith.constant 0 : i32
      %ne3A_1610 = arith.cmpi ne, %rem3A, %ne3A_1609 : i32
      %and3A = arith.andi %ne3A, %ne3A_1610 : i1
      %sub3A = arith.constant 1 : i32
      %sub3A_1611 = arith.subi %div3A, %sub3A : i32
      %select_n3A = arith.select %and3A, %sub3A_1611, %div3A : i32
      %jit3A_1612 = arith.constant 8 : i32
      %eq3A = arith.constant 0 : i32
      %eq3A_1613 = arith.cmpi eq, %jit3A_1612, %eq3A : i32
      %jit3A_1614 = arith.constant 1 : i32
      %select_n3A_1615 = arith.select %eq3A_1613, %jit3A_1614, %jit3A_1612 : i32
      %rem3A_1616 = arith.remsi %scan3A_1538, %select_n3A_1615 : i32
      %ne3A_1617 = arith.constant 0 : i32
      %ne3A_1618 = arith.cmpi ne, %rem3A_1616, %ne3A_1617 : i32
      %lt3A = arith.constant 0 : i32
      %lt3A_1619 = arith.cmpi slt, %rem3A_1616, %lt3A : i32
      %lt3A_1620 = arith.constant 0 : i32
      %lt3A_1621 = arith.cmpi slt, %select_n3A_1615, %lt3A_1620 : i32
      %ne3A_1622 = arith.xori %lt3A_1619, %lt3A_1621 : i1
      %and3A_1623 = arith.andi %ne3A_1622, %ne3A_1618 : i1
      %add3A_1624 = arith.addi %rem3A_1616, %select_n3A_1615 : i32
      %select_n3A_1625 = arith.select %and3A_1623, %add3A_1624, %rem3A_1616 : i32
      %mul3A_1626 = arith.constant 16 : i32
      %mul3A_1627 = arith.muli %select_n3A_1625, %mul3A_1626 : i32
      %swap3A = arith.index_cast %select_n3A : i32 to index
      %swap3A_1628 = arith.index_cast %mul3A_1627 : i32 to index
      %swap3A_1629 = tpu.vector_load %arg7[%swap3A, %swap3A_1628] {strides = array<i32>} : memref<4x128xi32, #tpu.memory_space<vmem>>, vector<16xi32>,
      tpu.vector_store %arg7[%swap3A, %swap3A_1628], %add3A_1595 {strides = array<i32>} : memref<4x128xi32, #tpu.memory_space<vmem>>, vector<16xi32>,
    }
    %scan3A_817 = arith.constant 32 : i32
    %dma_wait3A_818 = arith.constant 0 : i32
    %dma_wait3A_819 = arith.constant 0 : i32
    %dma_wait3A_820 = arith.constant 0 : i32
    %dma_wait3A_821 = tpu.memref_slice %arg10[%dma_wait3A_819, %dma_wait3A_820] : memref<512x64xf32, #tpu.memory_space<vmem>> -> memref<128x64xf32, #tpu.memory_space<vmem>>
    %dma_wait3A_822 = arith.constant 0 : i32
    %dma_wait3A_823 = tpu.memref_slice %arg6[%dma_wait3A_818, %dma_wait3A_822] : memref<4x128xi32, #tpu.memory_space<vmem>> -> memref<1x128xi32, #tpu.memory_space<vmem>>
    %dma_wait3A_824 = tpu.memref_squeeze %dma_wait3A_823 : memref<1x128xi32, #tpu.memory_space<vmem>> -> memref<128xi32, #tpu.memory_space<vmem>>
    %dma_wait3A_825 = arith.constant 0 : i32
    %dma_wait3A_826 = arith.constant 0 : i32
    %dma_wait3A_827 = tpu.memref_slice %arg3[%dma_wait3A_825, %dma_wait3A_826] : memref<32768x64xf32, #tpu.memory_space<hbm>> -> memref<32768x64xf32, #tpu.memory_space<hbm>>
    tpu.wait_indirect_dma semaphore(%arg11 : memref<!tpu.dma_semaphore, #tpu.memory_space<semaphore_mem>>) src(%dma_wait3A_827 : memref<32768x64xf32, #tpu.memory_space<hbm>>) dst(%dma_wait3A_821 : memref<128x64xf32, #tpu.memory_space<vmem>>)
    %dma_wait3A_828 = arith.constant 1 : i32
    %dma_wait3A_829 = arith.constant 128 : i32
    %dma_wait3A_830 = arith.constant 0 : i32
    %dma_wait3A_831 = tpu.memref_slice %arg10[%dma_wait3A_829, %dma_wait3A_830] : memref<512x64xf32, #tpu.memory_space<vmem>> -> memref<128x64xf32, #tpu.memory_space<vmem>>
    %dma_wait3A_832 = arith.constant 0 : i32
    %dma_wait3A_833 = tpu.memref_slice %arg6[%dma_wait3A_828, %dma_wait3A_832] : memref<4x128xi32, #tpu.memory_space<vmem>> -> memref<1x128xi32, #tpu.memory_space<vmem>>
    %dma_wait3A_834 = tpu.memref_squeeze %dma_wait3A_833 : memref<1x128xi32, #tpu.memory_space<vmem>> -> memref<128xi32, #tpu.memory_space<vmem>>
    %dma_wait3A_835 = arith.constant 0 : i32
    %dma_wait3A_836 = arith.constant 0 : i32
    %dma_wait3A_837 = tpu.memref_slice %arg3[%dma_wait3A_835, %dma_wait3A_836] : memref<32768x64xf32, #tpu.memory_space<hbm>> -> memref<32768x64xf32, #tpu.memory_space<hbm>>
    tpu.wait_indirect_dma semaphore(%arg11 : memref<!tpu.dma_semaphore, #tpu.memory_space<semaphore_mem>>) src(%dma_wait3A_837 : memref<32768x64xf32, #tpu.memory_space<hbm>>) dst(%dma_wait3A_831 : memref<128x64xf32, #tpu.memory_space<vmem>>)
    %dma_wait3A_838 = arith.constant 2 : i32
    %dma_wait3A_839 = arith.constant 256 : i32
    %dma_wait3A_840 = arith.constant 0 : i32
    %dma_wait3A_841 = tpu.memref_slice %arg10[%dma_wait3A_839, %dma_wait3A_840] : memref<512x64xf32, #tpu.memory_space<vmem>> -> memref<128x64xf32, #tpu.memory_space<vmem>>
    %dma_wait3A_842 = arith.constant 0 : i32
    %dma_wait3A_843 = tpu.memref_slice %arg6[%dma_wait3A_838, %dma_wait3A_842] : memref<4x128xi32, #tpu.memory_space<vmem>> -> memref<1x128xi32, #tpu.memory_space<vmem>>
    %dma_wait3A_844 = tpu.memref_squeeze %dma_wait3A_843 : memref<1x128xi32, #tpu.memory_space<vmem>> -> memref<128xi32, #tpu.memory_space<vmem>>
    %dma_wait3A_845 = arith.constant 0 : i32
    %dma_wait3A_846 = arith.constant 0 : i32
    %dma_wait3A_847 = tpu.memref_slice %arg3[%dma_wait3A_845, %dma_wait3A_846] : memref<32768x64xf32, #tpu.memory_space<hbm>> -> memref<32768x64xf32, #tpu.memory_space<hbm>>
    tpu.wait_indirect_dma semaphore(%arg11 : memref<!tpu.dma_semaphore, #tpu.memory_space<semaphore_mem>>) src(%dma_wait3A_847 : memref<32768x64xf32, #tpu.memory_space<hbm>>) dst(%dma_wait3A_841 : memref<128x64xf32, #tpu.memory_space<vmem>>)
    %dma_wait3A_848 = arith.constant 3 : i32
    %dma_wait3A_849 = arith.constant 384 : i32
    %dma_wait3A_850 = arith.constant 0 : i32
    %dma_wait3A_851 = tpu.memref_slice %arg10[%dma_wait3A_849, %dma_wait3A_850] : memref<512x64xf32, #tpu.memory_space<vmem>> -> memref<128x64xf32, #tpu.memory_space<vmem>>
    %dma_wait3A_852 = arith.constant 0 : i32
    %dma_wait3A_853 = tpu.memref_slice %arg6[%dma_wait3A_848, %dma_wait3A_852] : memref<4x128xi32, #tpu.memory_space<vmem>> -> memref<1x128xi32, #tpu.memory_space<vmem>>
    %dma_wait3A_854 = tpu.memref_squeeze %dma_wait3A_853 : memref<1x128xi32, #tpu.memory_space<vmem>> -> memref<128xi32, #tpu.memory_space<vmem>>
    %dma_wait3A_855 = arith.constant 0 : i32
    %dma_wait3A_856 = arith.constant 0 : i32
    %dma_wait3A_857 = tpu.memref_slice %arg3[%dma_wait3A_855, %dma_wait3A_856] : memref<32768x64xf32, #tpu.memory_space<hbm>> -> memref<32768x64xf32, #tpu.memory_space<hbm>>
    tpu.wait_indirect_dma semaphore(%arg11 : memref<!tpu.dma_semaphore, #tpu.memory_space<semaphore_mem>>) src(%dma_wait3A_857 : memref<32768x64xf32, #tpu.memory_space<hbm>>) dst(%dma_wait3A_851 : memref<128x64xf32, #tpu.memory_space<vmem>>)
    %add3A_858 = arith.constant 4096 : i32
    %add3A_859 = arith.addi %mul3A_2, %add3A_858 : i32
    %dma_start3A_860 = arith.constant 0 : i32
    %dma_start3A_861 = tpu.memref_slice %arg4[%add3A_859, %dma_start3A_860] : memref<262144x64xf32, #tpu.memory_space<hbm>> -> memref<512x64xf32, #tpu.memory_space<hbm>>
    %dma_start3A_862 = arith.constant 0 : i32
    %dma_start3A_863 = tpu.memref_slice %arg4[%add3A_859, %dma_start3A_862] : memref<262144x64xf32, #tpu.memory_space<hbm>> -> memref<512x64xf32, #tpu.memory_space<hbm>>
    tpu.enqueue_dma source(%arg10 : memref<512x64xf32, #tpu.memory_space<vmem>>) target(%dma_start3A_863 : memref<512x64xf32, #tpu.memory_space<hbm>>) target_semaphore(%arg12 : memref<!tpu.dma_semaphore, #tpu.memory_space<semaphore_mem>>)
    %dma_wait3A_864 = arith.constant 0 : i32
    %dma_wait3A_865 = tpu.memref_slice %arg4[%add3A_667, %dma_wait3A_864] : memref<262144x64xf32, #tpu.memory_space<hbm>> -> memref<512x64xf32, #tpu.memory_space<hbm>>
    %dma_wait3A_866 = arith.constant 0 : i32
    %dma_wait3A_867 = tpu.memref_slice %arg4[%add3A_667, %dma_wait3A_866] : memref<262144x64xf32, #tpu.memory_space<hbm>> -> memref<512x64xf32, #tpu.memory_space<hbm>>
    tpu.wait_dma2 semaphore(%arg12 : memref<!tpu.dma_semaphore, #tpu.memory_space<semaphore_mem>>) src(%arg8 : memref<512x64xf32, #tpu.memory_space<vmem>>) dst(%dma_wait3A_867 : memref<512x64xf32, #tpu.memory_space<hbm>>)
    %dma_start3A_868 = arith.constant 0 : i32
    %dma_start3A_869 = arith.constant 0 : i32
    %dma_start3A_870 = arith.constant 0 : i32
    %dma_start3A_871 = tpu.memref_slice %arg8[%dma_start3A_869, %dma_start3A_870] : memref<512x64xf32, #tpu.memory_space<vmem>> -> memref<128x64xf32, #tpu.memory_space<vmem>>
    %dma_start3A_872 = arith.constant 0 : i32
    %dma_start3A_873 = tpu.memref_slice %arg7[%dma_start3A_868, %dma_start3A_872] : memref<4x128xi32, #tpu.memory_space<vmem>> -> memref<1x128xi32, #tpu.memory_space<vmem>>
    %dma_start3A_874 = tpu.memref_squeeze %dma_start3A_873 : memref<1x128xi32, #tpu.memory_space<vmem>> -> memref<128xi32, #tpu.memory_space<vmem>>
    %dma_start3A_875 = arith.constant 0 : i32
    %dma_start3A_876 = arith.constant 0 : i32
    %dma_start3A_877 = tpu.memref_slice %arg3[%dma_start3A_875, %dma_start3A_876] : memref<32768x64xf32, #tpu.memory_space<hbm>> -> memref<32768x64xf32, #tpu.memory_space<hbm>>
    tpu.enqueue_indirect_dma source(%dma_start3A_877 : memref<32768x64xf32, #tpu.memory_space<hbm>>) target(%dma_start3A_871 : memref<128x64xf32, #tpu.memory_space<vmem>>) offsets(%dma_start3A_874 : memref<128xi32, #tpu.memory_space<vmem>>) semaphore(%arg11 : memref<!tpu.dma_semaphore, #tpu.memory_space<semaphore_mem>>)
    %dma_start3A_878 = arith.constant 1 : i32
    %dma_start3A_879 = arith.constant 128 : i32
    %dma_start3A_880 = arith.constant 0 : i32
    %dma_start3A_881 = tpu.memref_slice %arg8[%dma_start3A_879, %dma_start3A_880] : memref<512x64xf32, #tpu.memory_space<vmem>> -> memref<128x64xf32, #tpu.memory_space<vmem>>
    %dma_start3A_882 = arith.constant 0 : i32
    %dma_start3A_883 = tpu.memref_slice %arg7[%dma_start3A_878, %dma_start3A_882] : memref<4x128xi32, #tpu.memory_space<vmem>> -> memref<1x128xi32, #tpu.memory_space<vmem>>
    %dma_start3A_884 = tpu.memref_squeeze %dma_start3A_883 : memref<1x128xi32, #tpu.memory_space<vmem>> -> memref<128xi32, #tpu.memory_space<vmem>>
    %dma_start3A_885 = arith.constant 0 : i32
    %dma_start3A_886 = arith.constant 0 : i32
    %dma_start3A_887 = tpu.memref_slice %arg3[%dma_start3A_885, %dma_start3A_886] : memref<32768x64xf32, #tpu.memory_space<hbm>> -> memref<32768x64xf32, #tpu.memory_space<hbm>>
    tpu.enqueue_indirect_dma source(%dma_start3A_887 : memref<32768x64xf32, #tpu.memory_space<hbm>>) target(%dma_start3A_881 : memref<128x64xf32, #tpu.memory_space<vmem>>) offsets(%dma_start3A_884 : memref<128xi32, #tpu.memory_space<vmem>>) semaphore(%arg11 : memref<!tpu.dma_semaphore, #tpu.memory_space<semaphore_mem>>)
    %dma_start3A_888 = arith.constant 2 : i32
    %dma_start3A_889 = arith.constant 256 : i32
    %dma_start3A_890 = arith.constant 0 : i32
    %dma_start3A_891 = tpu.memref_slice %arg8[%dma_start3A_889, %dma_start3A_890] : memref<512x64xf32, #tpu.memory_space<vmem>> -> memref<128x64xf32, #tpu.memory_space<vmem>>
    %dma_start3A_892 = arith.constant 0 : i32
    %dma_start3A_893 = tpu.memref_slice %arg7[%dma_start3A_888, %dma_start3A_892] : memref<4x128xi32, #tpu.memory_space<vmem>> -> memref<1x128xi32, #tpu.memory_space<vmem>>
    %dma_start3A_894 = tpu.memref_squeeze %dma_start3A_893 : memref<1x128xi32, #tpu.memory_space<vmem>> -> memref<128xi32, #tpu.memory_space<vmem>>
    %dma_start3A_895 = arith.constant 0 : i32
    %dma_start3A_896 = arith.constant 0 : i32
    %dma_start3A_897 = tpu.memref_slice %arg3[%dma_start3A_895, %dma_start3A_896] : memref<32768x64xf32, #tpu.memory_space<hbm>> -> memref<32768x64xf32, #tpu.memory_space<hbm>>
    tpu.enqueue_indirect_dma source(%dma_start3A_897 : memref<32768x64xf32, #tpu.memory_space<hbm>>) target(%dma_start3A_891 : memref<128x64xf32, #tpu.memory_space<vmem>>) offsets(%dma_start3A_894 : memref<128xi32, #tpu.memory_space<vmem>>) semaphore(%arg11 : memref<!tpu.dma_semaphore, #tpu.memory_space<semaphore_mem>>)
    %dma_start3A_898 = arith.constant 3 : i32
    %dma_start3A_899 = arith.constant 384 : i32
    %dma_start3A_900 = arith.constant 0 : i32
    %dma_start3A_901 = tpu.memref_slice %arg8[%dma_start3A_899, %dma_start3A_900] : memref<512x64xf32, #tpu.memory_space<vmem>> -> memref<128x64xf32, #tpu.memory_space<vmem>>
    %dma_start3A_902 = arith.constant 0 : i32
    %dma_start3A_903 = tpu.memref_slice %arg7[%dma_start3A_898, %dma_start3A_902] : memref<4x128xi32, #tpu.memory_space<vmem>> -> memref<1x128xi32, #tpu.memory_space<vmem>>
    %dma_start3A_904 = tpu.memref_squeeze %dma_start3A_903 : memref<1x128xi32, #tpu.memory_space<vmem>> -> memref<128xi32, #tpu.memory_space<vmem>>
    %dma_start3A_905 = arith.constant 0 : i32
    %dma_start3A_906 = arith.constant 0 : i32
    %dma_start3A_907 = tpu.memref_slice %arg3[%dma_start3A_905, %dma_start3A_906] : memref<32768x64xf32, #tpu.memory_space<hbm>> -> memref<32768x64xf32, #tpu.memory_space<hbm>>
    tpu.enqueue_indirect_dma source(%dma_start3A_907 : memref<32768x64xf32, #tpu.memory_space<hbm>>) target(%dma_start3A_901 : memref<128x64xf32, #tpu.memory_space<vmem>>) offsets(%dma_start3A_904 : memref<128xi32, #tpu.memory_space<vmem>>) semaphore(%arg11 : memref<!tpu.dma_semaphore, #tpu.memory_space<semaphore_mem>>)
    %scan3A_908 = arith.constant 0 : i32
    %scan3A_909 = arith.constant 0 : i32
    %scan3A_910 = arith.constant 32 : i32
    %scan3A_911 = arith.addi %scan3A_909, %scan3A_910 : i32
    %scan3A_912 = arith.constant 1 : i32
    scf.for %scan3A_1538 = %scan3A_909 to %scan3A_911 step %scan3A_912  : i32 {
      %mul3A_1539 = arith.constant 16 : i32
      %mul3A_1540 = arith.muli %scan3A_1538, %mul3A_1539 : i32
      %add3A_1541 = arith.constant 5120 : i32
      %add3A_1542 = arith.addi %add3A_1541, %mul3A_1540 : i32
      %get3A = arith.index_cast %add3A_1542 : i32 to index
      %get3A_1543 = tpu.vector_load %arg5[%get3A] {strides = array<i32>} : memref<24576xf32, #tpu.memory_space<vmem>>, vector<16xf32>,
      %max3A = arith.constant 0.000000e+00 : f32
      %max3A_1544 = vector.broadcast %max3A : f32 to vector<16xf32>
      %max3A_1545 = arith.maximumf %get3A_1543, %max3A_1544 : vector<16xf32>
      %min3A = arith.constant 1.000000e+00 : f32
      %min3A_1546 = vector.broadcast %min3A : f32 to vector<16xf32>
      %min3A_1547 = arith.minimumf %max3A_1545, %min3A_1546 : vector<16xf32>
      %mul3A_1548 = arith.constant 3.200000e+01 : f32
      %mul3A_1549 = vector.broadcast %mul3A_1548 : f32 to vector<16xf32>
      %mul3A_1550 = arith.mulf %min3A_1547, %mul3A_1549 : vector<16xf32>
      %convert_element_type3A = arith.fptosi %mul3A_1550 : vector<16xf32> to vector<16xi32>
      %min3A_1551 = arith.constant 31 : i32
      %min3A_1552 = vector.broadcast %min3A_1551 : i32 to vector<16xi32>
      %min3A_1553 = arith.minsi %convert_element_type3A, %min3A_1552 : vector<16xi32>
      %add3A_1554 = arith.constant 8192 : i32
      %add3A_1555 = arith.addi %add3A_1554, %add3A_1542 : i32
      %get3A_1556 = arith.index_cast %add3A_1555 : i32 to index
      %get3A_1557 = tpu.vector_load %arg5[%get3A_1556] {strides = array<i32>} : memref<24576xf32, #tpu.memory_space<vmem>>, vector<16xf32>,
      %max3A_1558 = arith.constant 0.000000e+00 : f32
      %max3A_1559 = vector.broadcast %max3A_1558 : f32 to vector<16xf32>
      %max3A_1560 = arith.maximumf %get3A_1557, %max3A_1559 : vector<16xf32>
      %min3A_1561 = arith.constant 1.000000e+00 : f32
      %min3A_1562 = vector.broadcast %min3A_1561 : f32 to vector<16xf32>
      %min3A_1563 = arith.minimumf %max3A_1560, %min3A_1562 : vector<16xf32>
      %mul3A_1564 = arith.constant 3.200000e+01 : f32
      %mul3A_1565 = vector.broadcast %mul3A_1564 : f32 to vector<16xf32>
      %mul3A_1566 = arith.mulf %min3A_1563, %mul3A_1565 : vector<16xf32>
      %convert_element_type3A_1567 = arith.fptosi %mul3A_1566 : vector<16xf32> to vector<16xi32>
      %min3A_1568 = arith.constant 31 : i32
      %min3A_1569 = vector.broadcast %min3A_1568 : i32 to vector<16xi32>
      %min3A_1570 = arith.minsi %convert_element_type3A_1567, %min3A_1569 : vector<16xi32>
      %add3A_1571 = arith.constant 16384 : i32
      %add3A_1572 = arith.addi %add3A_1571, %add3A_1542 : i32
      %get3A_1573 = arith.index_cast %add3A_1572 : i32 to index
      %get3A_1574 = tpu.vector_load %arg5[%get3A_1573] {strides = array<i32>} : memref<24576xf32, #tpu.memory_space<vmem>>, vector<16xf32>,
      %max3A_1575 = arith.constant 0.000000e+00 : f32
      %max3A_1576 = vector.broadcast %max3A_1575 : f32 to vector<16xf32>
      %max3A_1577 = arith.maximumf %get3A_1574, %max3A_1576 : vector<16xf32>
      %min3A_1578 = arith.constant 1.000000e+00 : f32
      %min3A_1579 = vector.broadcast %min3A_1578 : f32 to vector<16xf32>
      %min3A_1580 = arith.minimumf %max3A_1577, %min3A_1579 : vector<16xf32>
      %mul3A_1581 = arith.constant 3.200000e+01 : f32
      %mul3A_1582 = vector.broadcast %mul3A_1581 : f32 to vector<16xf32>
      %mul3A_1583 = arith.mulf %min3A_1580, %mul3A_1582 : vector<16xf32>
      %convert_element_type3A_1584 = arith.fptosi %mul3A_1583 : vector<16xf32> to vector<16xi32>
      %min3A_1585 = arith.constant 31 : i32
      %min3A_1586 = vector.broadcast %min3A_1585 : i32 to vector<16xi32>
      %min3A_1587 = arith.minsi %convert_element_type3A_1584, %min3A_1586 : vector<16xi32>
      %mul3A_1588 = arith.constant 32 : i32
      %mul3A_1589 = vector.broadcast %mul3A_1588 : i32 to vector<16xi32>
      %mul3A_1590 = arith.muli %min3A_1553, %mul3A_1589 : vector<16xi32>
      %add3A_1591 = arith.addi %mul3A_1590, %min3A_1570 : vector<16xi32>
      %mul3A_1592 = arith.constant 32 : i32
      %mul3A_1593 = vector.broadcast %mul3A_1592 : i32 to vector<16xi32>
      %mul3A_1594 = arith.muli %add3A_1591, %mul3A_1593 : vector<16xi32>
      %add3A_1595 = arith.addi %mul3A_1594, %min3A_1587 : vector<16xi32>
      %jit3A = arith.constant 8 : i32
      %div3A = arith.divsi %scan3A_1538, %jit3A : i32
      %sign3A = arith.constant 0 : i32
      %sign3A_1596 = arith.cmpi sgt, %scan3A_1538, %sign3A : i32
      %sign3A_1597 = arith.extui %sign3A_1596 : i1 to i32
      %sign3A_1598 = arith.constant 0 : i32
      %sign3A_1599 = arith.cmpi slt, %scan3A_1538, %sign3A_1598 : i32
      %sign3A_1600 = arith.extui %sign3A_1599 : i1 to i32
      %sign3A_1601 = arith.subi %sign3A_1597, %sign3A_1600 : i32
      %sign3A_1602 = arith.constant 0 : i32
      %sign3A_1603 = arith.cmpi sgt, %jit3A, %sign3A_1602 : i32
      %sign3A_1604 = arith.extui %sign3A_1603 : i1 to i32
      %sign3A_1605 = arith.constant 0 : i32
      %sign3A_1606 = arith.cmpi slt, %jit3A, %sign3A_1605 : i32
      %sign3A_1607 = arith.extui %sign3A_1606 : i1 to i32
      %sign3A_1608 = arith.subi %sign3A_1604, %sign3A_1607 : i32
      %ne3A = arith.cmpi ne, %sign3A_1601, %sign3A_1608 : i32
      %rem3A = arith.remsi %scan3A_1538, %jit3A : i32
      %ne3A_1609 = arith.constant 0 : i32
      %ne3A_1610 = arith.cmpi ne, %rem3A, %ne3A_1609 : i32
      %and3A = arith.andi %ne3A, %ne3A_1610 : i1
      %sub3A = arith.constant 1 : i32
      %sub3A_1611 = arith.subi %div3A, %sub3A : i32
      %select_n3A = arith.select %and3A, %sub3A_1611, %div3A : i32
      %jit3A_1612 = arith.constant 8 : i32
      %eq3A = arith.constant 0 : i32
      %eq3A_1613 = arith.cmpi eq, %jit3A_1612, %eq3A : i32
      %jit3A_1614 = arith.constant 1 : i32
      %select_n3A_1615 = arith.select %eq3A_1613, %jit3A_1614, %jit3A_1612 : i32
      %rem3A_1616 = arith.remsi %scan3A_1538, %select_n3A_1615 : i32
      %ne3A_1617 = arith.constant 0 : i32
      %ne3A_1618 = arith.cmpi ne, %rem3A_1616, %ne3A_1617 : i32
      %lt3A = arith.constant 0 : i32
      %lt3A_1619 = arith.cmpi slt, %rem3A_1616, %lt3A : i32
      %lt3A_1620 = arith.constant 0 : i32
      %lt3A_1621 = arith.cmpi slt, %select_n3A_1615, %lt3A_1620 : i32
      %ne3A_1622 = arith.xori %lt3A_1619, %lt3A_1621 : i1
      %and3A_1623 = arith.andi %ne3A_1622, %ne3A_1618 : i1
      %add3A_1624 = arith.addi %rem3A_1616, %select_n3A_1615 : i32
      %select_n3A_1625 = arith.select %and3A_1623, %add3A_1624, %rem3A_1616 : i32
      %mul3A_1626 = arith.constant 16 : i32
      %mul3A_1627 = arith.muli %select_n3A_1625, %mul3A_1626 : i32
      %swap3A = arith.index_cast %select_n3A : i32 to index
      %swap3A_1628 = arith.index_cast %mul3A_1627 : i32 to index
      %swap3A_1629 = tpu.vector_load %arg6[%swap3A, %swap3A_1628] {strides = array<i32>} : memref<4x128xi32, #tpu.memory_space<vmem>>, vector<16xi32>,
      tpu.vector_store %arg6[%swap3A, %swap3A_1628], %add3A_1595 {strides = array<i32>} : memref<4x128xi32, #tpu.memory_space<vmem>>, vector<16xi32>,
    }
    %scan3A_913 = arith.constant 32 : i32
    %dma_wait3A_914 = arith.constant 0 : i32
    %dma_wait3A_915 = arith.constant 0 : i32
    %dma_wait3A_916 = arith.constant 0 : i32
    %dma_wait3A_917 = tpu.memref_slice %arg8[%dma_wait3A_915, %dma_wait3A_916] : memref<512x64xf32, #tpu.memory_space<vmem>> -> memref<128x64xf32, #tpu.memory_space<vmem>>
    %dma_wait3A_918 = arith.constant 0 : i32
    %dma_wait3A_919 = tpu.memref_slice %arg7[%dma_wait3A_914, %dma_wait3A_918] : memref<4x128xi32, #tpu.memory_space<vmem>> -> memref<1x128xi32, #tpu.memory_space<vmem>>
    %dma_wait3A_920 = tpu.memref_squeeze %dma_wait3A_919 : memref<1x128xi32, #tpu.memory_space<vmem>> -> memref<128xi32, #tpu.memory_space<vmem>>
    %dma_wait3A_921 = arith.constant 0 : i32
    %dma_wait3A_922 = arith.constant 0 : i32
    %dma_wait3A_923 = tpu.memref_slice %arg3[%dma_wait3A_921, %dma_wait3A_922] : memref<32768x64xf32, #tpu.memory_space<hbm>> -> memref<32768x64xf32, #tpu.memory_space<hbm>>
    tpu.wait_indirect_dma semaphore(%arg11 : memref<!tpu.dma_semaphore, #tpu.memory_space<semaphore_mem>>) src(%dma_wait3A_923 : memref<32768x64xf32, #tpu.memory_space<hbm>>) dst(%dma_wait3A_917 : memref<128x64xf32, #tpu.memory_space<vmem>>)
    %dma_wait3A_924 = arith.constant 1 : i32
    %dma_wait3A_925 = arith.constant 128 : i32
    %dma_wait3A_926 = arith.constant 0 : i32
    %dma_wait3A_927 = tpu.memref_slice %arg8[%dma_wait3A_925, %dma_wait3A_926] : memref<512x64xf32, #tpu.memory_space<vmem>> -> memref<128x64xf32, #tpu.memory_space<vmem>>
    %dma_wait3A_928 = arith.constant 0 : i32
    %dma_wait3A_929 = tpu.memref_slice %arg7[%dma_wait3A_924, %dma_wait3A_928] : memref<4x128xi32, #tpu.memory_space<vmem>> -> memref<1x128xi32, #tpu.memory_space<vmem>>
    %dma_wait3A_930 = tpu.memref_squeeze %dma_wait3A_929 : memref<1x128xi32, #tpu.memory_space<vmem>> -> memref<128xi32, #tpu.memory_space<vmem>>
    %dma_wait3A_931 = arith.constant 0 : i32
    %dma_wait3A_932 = arith.constant 0 : i32
    %dma_wait3A_933 = tpu.memref_slice %arg3[%dma_wait3A_931, %dma_wait3A_932] : memref<32768x64xf32, #tpu.memory_space<hbm>> -> memref<32768x64xf32, #tpu.memory_space<hbm>>
    tpu.wait_indirect_dma semaphore(%arg11 : memref<!tpu.dma_semaphore, #tpu.memory_space<semaphore_mem>>) src(%dma_wait3A_933 : memref<32768x64xf32, #tpu.memory_space<hbm>>) dst(%dma_wait3A_927 : memref<128x64xf32, #tpu.memory_space<vmem>>)
    %dma_wait3A_934 = arith.constant 2 : i32
    %dma_wait3A_935 = arith.constant 256 : i32
    %dma_wait3A_936 = arith.constant 0 : i32
    %dma_wait3A_937 = tpu.memref_slice %arg8[%dma_wait3A_935, %dma_wait3A_936] : memref<512x64xf32, #tpu.memory_space<vmem>> -> memref<128x64xf32, #tpu.memory_space<vmem>>
    %dma_wait3A_938 = arith.constant 0 : i32
    %dma_wait3A_939 = tpu.memref_slice %arg7[%dma_wait3A_934, %dma_wait3A_938] : memref<4x128xi32, #tpu.memory_space<vmem>> -> memref<1x128xi32, #tpu.memory_space<vmem>>
    %dma_wait3A_940 = tpu.memref_squeeze %dma_wait3A_939 : memref<1x128xi32, #tpu.memory_space<vmem>> -> memref<128xi32, #tpu.memory_space<vmem>>
    %dma_wait3A_941 = arith.constant 0 : i32
    %dma_wait3A_942 = arith.constant 0 : i32
    %dma_wait3A_943 = tpu.memref_slice %arg3[%dma_wait3A_941, %dma_wait3A_942] : memref<32768x64xf32, #tpu.memory_space<hbm>> -> memref<32768x64xf32, #tpu.memory_space<hbm>>
    tpu.wait_indirect_dma semaphore(%arg11 : memref<!tpu.dma_semaphore, #tpu.memory_space<semaphore_mem>>) src(%dma_wait3A_943 : memref<32768x64xf32, #tpu.memory_space<hbm>>) dst(%dma_wait3A_937 : memref<128x64xf32, #tpu.memory_space<vmem>>)
    %dma_wait3A_944 = arith.constant 3 : i32
    %dma_wait3A_945 = arith.constant 384 : i32
    %dma_wait3A_946 = arith.constant 0 : i32
    %dma_wait3A_947 = tpu.memref_slice %arg8[%dma_wait3A_945, %dma_wait3A_946] : memref<512x64xf32, #tpu.memory_space<vmem>> -> memref<128x64xf32, #tpu.memory_space<vmem>>
    %dma_wait3A_948 = arith.constant 0 : i32
    %dma_wait3A_949 = tpu.memref_slice %arg7[%dma_wait3A_944, %dma_wait3A_948] : memref<4x128xi32, #tpu.memory_space<vmem>> -> memref<1x128xi32, #tpu.memory_space<vmem>>
    %dma_wait3A_950 = tpu.memref_squeeze %dma_wait3A_949 : memref<1x128xi32, #tpu.memory_space<vmem>> -> memref<128xi32, #tpu.memory_space<vmem>>
    %dma_wait3A_951 = arith.constant 0 : i32
    %dma_wait3A_952 = arith.constant 0 : i32
    %dma_wait3A_953 = tpu.memref_slice %arg3[%dma_wait3A_951, %dma_wait3A_952] : memref<32768x64xf32, #tpu.memory_space<hbm>> -> memref<32768x64xf32, #tpu.memory_space<hbm>>
    tpu.wait_indirect_dma semaphore(%arg11 : memref<!tpu.dma_semaphore, #tpu.memory_space<semaphore_mem>>) src(%dma_wait3A_953 : memref<32768x64xf32, #tpu.memory_space<hbm>>) dst(%dma_wait3A_947 : memref<128x64xf32, #tpu.memory_space<vmem>>)
    %add3A_954 = arith.constant 4608 : i32
    %add3A_955 = arith.addi %mul3A_2, %add3A_954 : i32
    %dma_start3A_956 = arith.constant 0 : i32
    %dma_start3A_957 = tpu.memref_slice %arg4[%add3A_955, %dma_start3A_956] : memref<262144x64xf32, #tpu.memory_space<hbm>> -> memref<512x64xf32, #tpu.memory_space<hbm>>
    %dma_start3A_958 = arith.constant 0 : i32
    %dma_start3A_959 = tpu.memref_slice %arg4[%add3A_955, %dma_start3A_958] : memref<262144x64xf32, #tpu.memory_space<hbm>> -> memref<512x64xf32, #tpu.memory_space<hbm>>
    tpu.enqueue_dma source(%arg8 : memref<512x64xf32, #tpu.memory_space<vmem>>) target(%dma_start3A_959 : memref<512x64xf32, #tpu.memory_space<hbm>>) target_semaphore(%arg12 : memref<!tpu.dma_semaphore, #tpu.memory_space<semaphore_mem>>)
    %dma_wait3A_960 = arith.constant 0 : i32
    %dma_wait3A_961 = tpu.memref_slice %arg4[%add3A_763, %dma_wait3A_960] : memref<262144x64xf32, #tpu.memory_space<hbm>> -> memref<512x64xf32, #tpu.memory_space<hbm>>
    %dma_wait3A_962 = arith.constant 0 : i32
    %dma_wait3A_963 = tpu.memref_slice %arg4[%add3A_763, %dma_wait3A_962] : memref<262144x64xf32, #tpu.memory_space<hbm>> -> memref<512x64xf32, #tpu.memory_space<hbm>>
    tpu.wait_dma2 semaphore(%arg12 : memref<!tpu.dma_semaphore, #tpu.memory_space<semaphore_mem>>) src(%arg9 : memref<512x64xf32, #tpu.memory_space<vmem>>) dst(%dma_wait3A_963 : memref<512x64xf32, #tpu.memory_space<hbm>>)
    %dma_start3A_964 = arith.constant 0 : i32
    %dma_start3A_965 = arith.constant 0 : i32
    %dma_start3A_966 = arith.constant 0 : i32
    %dma_start3A_967 = tpu.memref_slice %arg9[%dma_start3A_965, %dma_start3A_966] : memref<512x64xf32, #tpu.memory_space<vmem>> -> memref<128x64xf32, #tpu.memory_space<vmem>>
    %dma_start3A_968 = arith.constant 0 : i32
    %dma_start3A_969 = tpu.memref_slice %arg6[%dma_start3A_964, %dma_start3A_968] : memref<4x128xi32, #tpu.memory_space<vmem>> -> memref<1x128xi32, #tpu.memory_space<vmem>>
    %dma_start3A_970 = tpu.memref_squeeze %dma_start3A_969 : memref<1x128xi32, #tpu.memory_space<vmem>> -> memref<128xi32, #tpu.memory_space<vmem>>
    %dma_start3A_971 = arith.constant 0 : i32
    %dma_start3A_972 = arith.constant 0 : i32
    %dma_start3A_973 = tpu.memref_slice %arg3[%dma_start3A_971, %dma_start3A_972] : memref<32768x64xf32, #tpu.memory_space<hbm>> -> memref<32768x64xf32, #tpu.memory_space<hbm>>
    tpu.enqueue_indirect_dma source(%dma_start3A_973 : memref<32768x64xf32, #tpu.memory_space<hbm>>) target(%dma_start3A_967 : memref<128x64xf32, #tpu.memory_space<vmem>>) offsets(%dma_start3A_970 : memref<128xi32, #tpu.memory_space<vmem>>) semaphore(%arg11 : memref<!tpu.dma_semaphore, #tpu.memory_space<semaphore_mem>>)
    %dma_start3A_974 = arith.constant 1 : i32
    %dma_start3A_975 = arith.constant 128 : i32
    %dma_start3A_976 = arith.constant 0 : i32
    %dma_start3A_977 = tpu.memref_slice %arg9[%dma_start3A_975, %dma_start3A_976] : memref<512x64xf32, #tpu.memory_space<vmem>> -> memref<128x64xf32, #tpu.memory_space<vmem>>
    %dma_start3A_978 = arith.constant 0 : i32
    %dma_start3A_979 = tpu.memref_slice %arg6[%dma_start3A_974, %dma_start3A_978] : memref<4x128xi32, #tpu.memory_space<vmem>> -> memref<1x128xi32, #tpu.memory_space<vmem>>
    %dma_start3A_980 = tpu.memref_squeeze %dma_start3A_979 : memref<1x128xi32, #tpu.memory_space<vmem>> -> memref<128xi32, #tpu.memory_space<vmem>>
    %dma_start3A_981 = arith.constant 0 : i32
    %dma_start3A_982 = arith.constant 0 : i32
    %dma_start3A_983 = tpu.memref_slice %arg3[%dma_start3A_981, %dma_start3A_982] : memref<32768x64xf32, #tpu.memory_space<hbm>> -> memref<32768x64xf32, #tpu.memory_space<hbm>>
    tpu.enqueue_indirect_dma source(%dma_start3A_983 : memref<32768x64xf32, #tpu.memory_space<hbm>>) target(%dma_start3A_977 : memref<128x64xf32, #tpu.memory_space<vmem>>) offsets(%dma_start3A_980 : memref<128xi32, #tpu.memory_space<vmem>>) semaphore(%arg11 : memref<!tpu.dma_semaphore, #tpu.memory_space<semaphore_mem>>)
    %dma_start3A_984 = arith.constant 2 : i32
    %dma_start3A_985 = arith.constant 256 : i32
    %dma_start3A_986 = arith.constant 0 : i32
    %dma_start3A_987 = tpu.memref_slice %arg9[%dma_start3A_985, %dma_start3A_986] : memref<512x64xf32, #tpu.memory_space<vmem>> -> memref<128x64xf32, #tpu.memory_space<vmem>>
    %dma_start3A_988 = arith.constant 0 : i32
    %dma_start3A_989 = tpu.memref_slice %arg6[%dma_start3A_984, %dma_start3A_988] : memref<4x128xi32, #tpu.memory_space<vmem>> -> memref<1x128xi32, #tpu.memory_space<vmem>>
    %dma_start3A_990 = tpu.memref_squeeze %dma_start3A_989 : memref<1x128xi32, #tpu.memory_space<vmem>> -> memref<128xi32, #tpu.memory_space<vmem>>
    %dma_start3A_991 = arith.constant 0 : i32
    %dma_start3A_992 = arith.constant 0 : i32
    %dma_start3A_993 = tpu.memref_slice %arg3[%dma_start3A_991, %dma_start3A_992] : memref<32768x64xf32, #tpu.memory_space<hbm>> -> memref<32768x64xf32, #tpu.memory_space<hbm>>
    tpu.enqueue_indirect_dma source(%dma_start3A_993 : memref<32768x64xf32, #tpu.memory_space<hbm>>) target(%dma_start3A_987 : memref<128x64xf32, #tpu.memory_space<vmem>>) offsets(%dma_start3A_990 : memref<128xi32, #tpu.memory_space<vmem>>) semaphore(%arg11 : memref<!tpu.dma_semaphore, #tpu.memory_space<semaphore_mem>>)
    %dma_start3A_994 = arith.constant 3 : i32
    %dma_start3A_995 = arith.constant 384 : i32
    %dma_start3A_996 = arith.constant 0 : i32
    %dma_start3A_997 = tpu.memref_slice %arg9[%dma_start3A_995, %dma_start3A_996] : memref<512x64xf32, #tpu.memory_space<vmem>> -> memref<128x64xf32, #tpu.memory_space<vmem>>
    %dma_start3A_998 = arith.constant 0 : i32
    %dma_start3A_999 = tpu.memref_slice %arg6[%dma_start3A_994, %dma_start3A_998] : memref<4x128xi32, #tpu.memory_space<vmem>> -> memref<1x128xi32, #tpu.memory_space<vmem>>
    %dma_start3A_1000 = tpu.memref_squeeze %dma_start3A_999 : memref<1x128xi32, #tpu.memory_space<vmem>> -> memref<128xi32, #tpu.memory_space<vmem>>
    %dma_start3A_1001 = arith.constant 0 : i32
    %dma_start3A_1002 = arith.constant 0 : i32
    %dma_start3A_1003 = tpu.memref_slice %arg3[%dma_start3A_1001, %dma_start3A_1002] : memref<32768x64xf32, #tpu.memory_space<hbm>> -> memref<32768x64xf32, #tpu.memory_space<hbm>>
    tpu.enqueue_indirect_dma source(%dma_start3A_1003 : memref<32768x64xf32, #tpu.memory_space<hbm>>) target(%dma_start3A_997 : memref<128x64xf32, #tpu.memory_space<vmem>>) offsets(%dma_start3A_1000 : memref<128xi32, #tpu.memory_space<vmem>>) semaphore(%arg11 : memref<!tpu.dma_semaphore, #tpu.memory_space<semaphore_mem>>)
    %scan3A_1004 = arith.constant 0 : i32
    %scan3A_1005 = arith.constant 0 : i32
    %scan3A_1006 = arith.constant 32 : i32
    %scan3A_1007 = arith.addi %scan3A_1005, %scan3A_1006 : i32
    %scan3A_1008 = arith.constant 1 : i32
    scf.for %scan3A_1538 = %scan3A_1005 to %scan3A_1007 step %scan3A_1008  : i32 {
      %mul3A_1539 = arith.constant 16 : i32
      %mul3A_1540 = arith.muli %scan3A_1538, %mul3A_1539 : i32
      %add3A_1541 = arith.constant 5632 : i32
      %add3A_1542 = arith.addi %add3A_1541, %mul3A_1540 : i32
      %get3A = arith.index_cast %add3A_1542 : i32 to index
      %get3A_1543 = tpu.vector_load %arg5[%get3A] {strides = array<i32>} : memref<24576xf32, #tpu.memory_space<vmem>>, vector<16xf32>,
      %max3A = arith.constant 0.000000e+00 : f32
      %max3A_1544 = vector.broadcast %max3A : f32 to vector<16xf32>
      %max3A_1545 = arith.maximumf %get3A_1543, %max3A_1544 : vector<16xf32>
      %min3A = arith.constant 1.000000e+00 : f32
      %min3A_1546 = vector.broadcast %min3A : f32 to vector<16xf32>
      %min3A_1547 = arith.minimumf %max3A_1545, %min3A_1546 : vector<16xf32>
      %mul3A_1548 = arith.constant 3.200000e+01 : f32
      %mul3A_1549 = vector.broadcast %mul3A_1548 : f32 to vector<16xf32>
      %mul3A_1550 = arith.mulf %min3A_1547, %mul3A_1549 : vector<16xf32>
      %convert_element_type3A = arith.fptosi %mul3A_1550 : vector<16xf32> to vector<16xi32>
      %min3A_1551 = arith.constant 31 : i32
      %min3A_1552 = vector.broadcast %min3A_1551 : i32 to vector<16xi32>
      %min3A_1553 = arith.minsi %convert_element_type3A, %min3A_1552 : vector<16xi32>
      %add3A_1554 = arith.constant 8192 : i32
      %add3A_1555 = arith.addi %add3A_1554, %add3A_1542 : i32
      %get3A_1556 = arith.index_cast %add3A_1555 : i32 to index
      %get3A_1557 = tpu.vector_load %arg5[%get3A_1556] {strides = array<i32>} : memref<24576xf32, #tpu.memory_space<vmem>>, vector<16xf32>,
      %max3A_1558 = arith.constant 0.000000e+00 : f32
      %max3A_1559 = vector.broadcast %max3A_1558 : f32 to vector<16xf32>
      %max3A_1560 = arith.maximumf %get3A_1557, %max3A_1559 : vector<16xf32>
      %min3A_1561 = arith.constant 1.000000e+00 : f32
      %min3A_1562 = vector.broadcast %min3A_1561 : f32 to vector<16xf32>
      %min3A_1563 = arith.minimumf %max3A_1560, %min3A_1562 : vector<16xf32>
      %mul3A_1564 = arith.constant 3.200000e+01 : f32
      %mul3A_1565 = vector.broadcast %mul3A_1564 : f32 to vector<16xf32>
      %mul3A_1566 = arith.mulf %min3A_1563, %mul3A_1565 : vector<16xf32>
      %convert_element_type3A_1567 = arith.fptosi %mul3A_1566 : vector<16xf32> to vector<16xi32>
      %min3A_1568 = arith.constant 31 : i32
      %min3A_1569 = vector.broadcast %min3A_1568 : i32 to vector<16xi32>
      %min3A_1570 = arith.minsi %convert_element_type3A_1567, %min3A_1569 : vector<16xi32>
      %add3A_1571 = arith.constant 16384 : i32
      %add3A_1572 = arith.addi %add3A_1571, %add3A_1542 : i32
      %get3A_1573 = arith.index_cast %add3A_1572 : i32 to index
      %get3A_1574 = tpu.vector_load %arg5[%get3A_1573] {strides = array<i32>} : memref<24576xf32, #tpu.memory_space<vmem>>, vector<16xf32>,
      %max3A_1575 = arith.constant 0.000000e+00 : f32
      %max3A_1576 = vector.broadcast %max3A_1575 : f32 to vector<16xf32>
      %max3A_1577 = arith.maximumf %get3A_1574, %max3A_1576 : vector<16xf32>
      %min3A_1578 = arith.constant 1.000000e+00 : f32
      %min3A_1579 = vector.broadcast %min3A_1578 : f32 to vector<16xf32>
      %min3A_1580 = arith.minimumf %max3A_1577, %min3A_1579 : vector<16xf32>
      %mul3A_1581 = arith.constant 3.200000e+01 : f32
      %mul3A_1582 = vector.broadcast %mul3A_1581 : f32 to vector<16xf32>
      %mul3A_1583 = arith.mulf %min3A_1580, %mul3A_1582 : vector<16xf32>
      %convert_element_type3A_1584 = arith.fptosi %mul3A_1583 : vector<16xf32> to vector<16xi32>
      %min3A_1585 = arith.constant 31 : i32
      %min3A_1586 = vector.broadcast %min3A_1585 : i32 to vector<16xi32>
      %min3A_1587 = arith.minsi %convert_element_type3A_1584, %min3A_1586 : vector<16xi32>
      %mul3A_1588 = arith.constant 32 : i32
      %mul3A_1589 = vector.broadcast %mul3A_1588 : i32 to vector<16xi32>
      %mul3A_1590 = arith.muli %min3A_1553, %mul3A_1589 : vector<16xi32>
      %add3A_1591 = arith.addi %mul3A_1590, %min3A_1570 : vector<16xi32>
      %mul3A_1592 = arith.constant 32 : i32
      %mul3A_1593 = vector.broadcast %mul3A_1592 : i32 to vector<16xi32>
      %mul3A_1594 = arith.muli %add3A_1591, %mul3A_1593 : vector<16xi32>
      %add3A_1595 = arith.addi %mul3A_1594, %min3A_1587 : vector<16xi32>
      %jit3A = arith.constant 8 : i32
      %div3A = arith.divsi %scan3A_1538, %jit3A : i32
      %sign3A = arith.constant 0 : i32
      %sign3A_1596 = arith.cmpi sgt, %scan3A_1538, %sign3A : i32
      %sign3A_1597 = arith.extui %sign3A_1596 : i1 to i32
      %sign3A_1598 = arith.constant 0 : i32
      %sign3A_1599 = arith.cmpi slt, %scan3A_1538, %sign3A_1598 : i32
      %sign3A_1600 = arith.extui %sign3A_1599 : i1 to i32
      %sign3A_1601 = arith.subi %sign3A_1597, %sign3A_1600 : i32
      %sign3A_1602 = arith.constant 0 : i32
      %sign3A_1603 = arith.cmpi sgt, %jit3A, %sign3A_1602 : i32
      %sign3A_1604 = arith.extui %sign3A_1603 : i1 to i32
      %sign3A_1605 = arith.constant 0 : i32
      %sign3A_1606 = arith.cmpi slt, %jit3A, %sign3A_1605 : i32
      %sign3A_1607 = arith.extui %sign3A_1606 : i1 to i32
      %sign3A_1608 = arith.subi %sign3A_1604, %sign3A_1607 : i32
      %ne3A = arith.cmpi ne, %sign3A_1601, %sign3A_1608 : i32
      %rem3A = arith.remsi %scan3A_1538, %jit3A : i32
      %ne3A_1609 = arith.constant 0 : i32
      %ne3A_1610 = arith.cmpi ne, %rem3A, %ne3A_1609 : i32
      %and3A = arith.andi %ne3A, %ne3A_1610 : i1
      %sub3A = arith.constant 1 : i32
      %sub3A_1611 = arith.subi %div3A, %sub3A : i32
      %select_n3A = arith.select %and3A, %sub3A_1611, %div3A : i32
      %jit3A_1612 = arith.constant 8 : i32
      %eq3A = arith.constant 0 : i32
      %eq3A_1613 = arith.cmpi eq, %jit3A_1612, %eq3A : i32
      %jit3A_1614 = arith.constant 1 : i32
      %select_n3A_1615 = arith.select %eq3A_1613, %jit3A_1614, %jit3A_1612 : i32
      %rem3A_1616 = arith.remsi %scan3A_1538, %select_n3A_1615 : i32
      %ne3A_1617 = arith.constant 0 : i32
      %ne3A_1618 = arith.cmpi ne, %rem3A_1616, %ne3A_1617 : i32
      %lt3A = arith.constant 0 : i32
      %lt3A_1619 = arith.cmpi slt, %rem3A_1616, %lt3A : i32
      %lt3A_1620 = arith.constant 0 : i32
      %lt3A_1621 = arith.cmpi slt, %select_n3A_1615, %lt3A_1620 : i32
      %ne3A_1622 = arith.xori %lt3A_1619, %lt3A_1621 : i1
      %and3A_1623 = arith.andi %ne3A_1622, %ne3A_1618 : i1
      %add3A_1624 = arith.addi %rem3A_1616, %select_n3A_1615 : i32
      %select_n3A_1625 = arith.select %and3A_1623, %add3A_1624, %rem3A_1616 : i32
      %mul3A_1626 = arith.constant 16 : i32
      %mul3A_1627 = arith.muli %select_n3A_1625, %mul3A_1626 : i32
      %swap3A = arith.index_cast %select_n3A : i32 to index
      %swap3A_1628 = arith.index_cast %mul3A_1627 : i32 to index
      %swap3A_1629 = tpu.vector_load %arg7[%swap3A, %swap3A_1628] {strides = array<i32>} : memref<4x128xi32, #tpu.memory_space<vmem>>, vector<16xi32>,
      tpu.vector_store %arg7[%swap3A, %swap3A_1628], %add3A_1595 {strides = array<i32>} : memref<4x128xi32, #tpu.memory_space<vmem>>, vector<16xi32>,
    }
    %scan3A_1009 = arith.constant 32 : i32
    %dma_wait3A_1010 = arith.constant 0 : i32
    %dma_wait3A_1011 = arith.constant 0 : i32
    %dma_wait3A_1012 = arith.constant 0 : i32
    %dma_wait3A_1013 = tpu.memref_slice %arg9[%dma_wait3A_1011, %dma_wait3A_1012] : memref<512x64xf32, #tpu.memory_space<vmem>> -> memref<128x64xf32, #tpu.memory_space<vmem>>
    %dma_wait3A_1014 = arith.constant 0 : i32
    %dma_wait3A_1015 = tpu.memref_slice %arg6[%dma_wait3A_1010, %dma_wait3A_1014] : memref<4x128xi32, #tpu.memory_space<vmem>> -> memref<1x128xi32, #tpu.memory_space<vmem>>
    %dma_wait3A_1016 = tpu.memref_squeeze %dma_wait3A_1015 : memref<1x128xi32, #tpu.memory_space<vmem>> -> memref<128xi32, #tpu.memory_space<vmem>>
    %dma_wait3A_1017 = arith.constant 0 : i32
    %dma_wait3A_1018 = arith.constant 0 : i32
    %dma_wait3A_1019 = tpu.memref_slice %arg3[%dma_wait3A_1017, %dma_wait3A_1018] : memref<32768x64xf32, #tpu.memory_space<hbm>> -> memref<32768x64xf32, #tpu.memory_space<hbm>>
    tpu.wait_indirect_dma semaphore(%arg11 : memref<!tpu.dma_semaphore, #tpu.memory_space<semaphore_mem>>) src(%dma_wait3A_1019 : memref<32768x64xf32, #tpu.memory_space<hbm>>) dst(%dma_wait3A_1013 : memref<128x64xf32, #tpu.memory_space<vmem>>)
    %dma_wait3A_1020 = arith.constant 1 : i32
    %dma_wait3A_1021 = arith.constant 128 : i32
    %dma_wait3A_1022 = arith.constant 0 : i32
    %dma_wait3A_1023 = tpu.memref_slice %arg9[%dma_wait3A_1021, %dma_wait3A_1022] : memref<512x64xf32, #tpu.memory_space<vmem>> -> memref<128x64xf32, #tpu.memory_space<vmem>>
    %dma_wait3A_1024 = arith.constant 0 : i32
    %dma_wait3A_1025 = tpu.memref_slice %arg6[%dma_wait3A_1020, %dma_wait3A_1024] : memref<4x128xi32, #tpu.memory_space<vmem>> -> memref<1x128xi32, #tpu.memory_space<vmem>>
    %dma_wait3A_1026 = tpu.memref_squeeze %dma_wait3A_1025 : memref<1x128xi32, #tpu.memory_space<vmem>> -> memref<128xi32, #tpu.memory_space<vmem>>
    %dma_wait3A_1027 = arith.constant 0 : i32
    %dma_wait3A_1028 = arith.constant 0 : i32
    %dma_wait3A_1029 = tpu.memref_slice %arg3[%dma_wait3A_1027, %dma_wait3A_1028] : memref<32768x64xf32, #tpu.memory_space<hbm>> -> memref<32768x64xf32, #tpu.memory_space<hbm>>
    tpu.wait_indirect_dma semaphore(%arg11 : memref<!tpu.dma_semaphore, #tpu.memory_space<semaphore_mem>>) src(%dma_wait3A_1029 : memref<32768x64xf32, #tpu.memory_space<hbm>>) dst(%dma_wait3A_1023 : memref<128x64xf32, #tpu.memory_space<vmem>>)
    %dma_wait3A_1030 = arith.constant 2 : i32
    %dma_wait3A_1031 = arith.constant 256 : i32
    %dma_wait3A_1032 = arith.constant 0 : i32
    %dma_wait3A_1033 = tpu.memref_slice %arg9[%dma_wait3A_1031, %dma_wait3A_1032] : memref<512x64xf32, #tpu.memory_space<vmem>> -> memref<128x64xf32, #tpu.memory_space<vmem>>
    %dma_wait3A_1034 = arith.constant 0 : i32
    %dma_wait3A_1035 = tpu.memref_slice %arg6[%dma_wait3A_1030, %dma_wait3A_1034] : memref<4x128xi32, #tpu.memory_space<vmem>> -> memref<1x128xi32, #tpu.memory_space<vmem>>
    %dma_wait3A_1036 = tpu.memref_squeeze %dma_wait3A_1035 : memref<1x128xi32, #tpu.memory_space<vmem>> -> memref<128xi32, #tpu.memory_space<vmem>>
    %dma_wait3A_1037 = arith.constant 0 : i32
    %dma_wait3A_1038 = arith.constant 0 : i32
    %dma_wait3A_1039 = tpu.memref_slice %arg3[%dma_wait3A_1037, %dma_wait3A_1038] : memref<32768x64xf32, #tpu.memory_space<hbm>> -> memref<32768x64xf32, #tpu.memory_space<hbm>>
    tpu.wait_indirect_dma semaphore(%arg11 : memref<!tpu.dma_semaphore, #tpu.memory_space<semaphore_mem>>) src(%dma_wait3A_1039 : memref<32768x64xf32, #tpu.memory_space<hbm>>) dst(%dma_wait3A_1033 : memref<128x64xf32, #tpu.memory_space<vmem>>)
    %dma_wait3A_1040 = arith.constant 3 : i32
    %dma_wait3A_1041 = arith.constant 384 : i32
    %dma_wait3A_1042 = arith.constant 0 : i32
    %dma_wait3A_1043 = tpu.memref_slice %arg9[%dma_wait3A_1041, %dma_wait3A_1042] : memref<512x64xf32, #tpu.memory_space<vmem>> -> memref<128x64xf32, #tpu.memory_space<vmem>>
    %dma_wait3A_1044 = arith.constant 0 : i32
    %dma_wait3A_1045 = tpu.memref_slice %arg6[%dma_wait3A_1040, %dma_wait3A_1044] : memref<4x128xi32, #tpu.memory_space<vmem>> -> memref<1x128xi32, #tpu.memory_space<vmem>>
    %dma_wait3A_1046 = tpu.memref_squeeze %dma_wait3A_1045 : memref<1x128xi32, #tpu.memory_space<vmem>> -> memref<128xi32, #tpu.memory_space<vmem>>
    %dma_wait3A_1047 = arith.constant 0 : i32
    %dma_wait3A_1048 = arith.constant 0 : i32
    %dma_wait3A_1049 = tpu.memref_slice %arg3[%dma_wait3A_1047, %dma_wait3A_1048] : memref<32768x64xf32, #tpu.memory_space<hbm>> -> memref<32768x64xf32, #tpu.memory_space<hbm>>
    tpu.wait_indirect_dma semaphore(%arg11 : memref<!tpu.dma_semaphore, #tpu.memory_space<semaphore_mem>>) src(%dma_wait3A_1049 : memref<32768x64xf32, #tpu.memory_space<hbm>>) dst(%dma_wait3A_1043 : memref<128x64xf32, #tpu.memory_space<vmem>>)
    %add3A_1050 = arith.constant 5120 : i32
    %add3A_1051 = arith.addi %mul3A_2, %add3A_1050 : i32
    %dma_start3A_1052 = arith.constant 0 : i32
    %dma_start3A_1053 = tpu.memref_slice %arg4[%add3A_1051, %dma_start3A_1052] : memref<262144x64xf32, #tpu.memory_space<hbm>> -> memref<512x64xf32, #tpu.memory_space<hbm>>
    %dma_start3A_1054 = arith.constant 0 : i32
    %dma_start3A_1055 = tpu.memref_slice %arg4[%add3A_1051, %dma_start3A_1054] : memref<262144x64xf32, #tpu.memory_space<hbm>> -> memref<512x64xf32, #tpu.memory_space<hbm>>
    tpu.enqueue_dma source(%arg9 : memref<512x64xf32, #tpu.memory_space<vmem>>) target(%dma_start3A_1055 : memref<512x64xf32, #tpu.memory_space<hbm>>) target_semaphore(%arg12 : memref<!tpu.dma_semaphore, #tpu.memory_space<semaphore_mem>>)
    %dma_wait3A_1056 = arith.constant 0 : i32
    %dma_wait3A_1057 = tpu.memref_slice %arg4[%add3A_859, %dma_wait3A_1056] : memref<262144x64xf32, #tpu.memory_space<hbm>> -> memref<512x64xf32, #tpu.memory_space<hbm>>
    %dma_wait3A_1058 = arith.constant 0 : i32
    %dma_wait3A_1059 = tpu.memref_slice %arg4[%add3A_859, %dma_wait3A_1058] : memref<262144x64xf32, #tpu.memory_space<hbm>> -> memref<512x64xf32, #tpu.memory_space<hbm>>
    tpu.wait_dma2 semaphore(%arg12 : memref<!tpu.dma_semaphore, #tpu.memory_space<semaphore_mem>>) src(%arg10 : memref<512x64xf32, #tpu.memory_space<vmem>>) dst(%dma_wait3A_1059 : memref<512x64xf32, #tpu.memory_space<hbm>>)
    %dma_start3A_1060 = arith.constant 0 : i32
    %dma_start3A_1061 = arith.constant 0 : i32
    %dma_start3A_1062 = arith.constant 0 : i32
    %dma_start3A_1063 = tpu.memref_slice %arg10[%dma_start3A_1061, %dma_start3A_1062] : memref<512x64xf32, #tpu.memory_space<vmem>> -> memref<128x64xf32, #tpu.memory_space<vmem>>
    %dma_start3A_1064 = arith.constant 0 : i32
    %dma_start3A_1065 = tpu.memref_slice %arg7[%dma_start3A_1060, %dma_start3A_1064] : memref<4x128xi32, #tpu.memory_space<vmem>> -> memref<1x128xi32, #tpu.memory_space<vmem>>
    %dma_start3A_1066 = tpu.memref_squeeze %dma_start3A_1065 : memref<1x128xi32, #tpu.memory_space<vmem>> -> memref<128xi32, #tpu.memory_space<vmem>>
    %dma_start3A_1067 = arith.constant 0 : i32
    %dma_start3A_1068 = arith.constant 0 : i32
    %dma_start3A_1069 = tpu.memref_slice %arg3[%dma_start3A_1067, %dma_start3A_1068] : memref<32768x64xf32, #tpu.memory_space<hbm>> -> memref<32768x64xf32, #tpu.memory_space<hbm>>
    tpu.enqueue_indirect_dma source(%dma_start3A_1069 : memref<32768x64xf32, #tpu.memory_space<hbm>>) target(%dma_start3A_1063 : memref<128x64xf32, #tpu.memory_space<vmem>>) offsets(%dma_start3A_1066 : memref<128xi32, #tpu.memory_space<vmem>>) semaphore(%arg11 : memref<!tpu.dma_semaphore, #tpu.memory_space<semaphore_mem>>)
    %dma_start3A_1070 = arith.constant 1 : i32
    %dma_start3A_1071 = arith.constant 128 : i32
    %dma_start3A_1072 = arith.constant 0 : i32
    %dma_start3A_1073 = tpu.memref_slice %arg10[%dma_start3A_1071, %dma_start3A_1072] : memref<512x64xf32, #tpu.memory_space<vmem>> -> memref<128x64xf32, #tpu.memory_space<vmem>>
    %dma_start3A_1074 = arith.constant 0 : i32
    %dma_start3A_1075 = tpu.memref_slice %arg7[%dma_start3A_1070, %dma_start3A_1074] : memref<4x128xi32, #tpu.memory_space<vmem>> -> memref<1x128xi32, #tpu.memory_space<vmem>>
    %dma_start3A_1076 = tpu.memref_squeeze %dma_start3A_1075 : memref<1x128xi32, #tpu.memory_space<vmem>> -> memref<128xi32, #tpu.memory_space<vmem>>
    %dma_start3A_1077 = arith.constant 0 : i32
    %dma_start3A_1078 = arith.constant 0 : i32
    %dma_start3A_1079 = tpu.memref_slice %arg3[%dma_start3A_1077, %dma_start3A_1078] : memref<32768x64xf32, #tpu.memory_space<hbm>> -> memref<32768x64xf32, #tpu.memory_space<hbm>>
    tpu.enqueue_indirect_dma source(%dma_start3A_1079 : memref<32768x64xf32, #tpu.memory_space<hbm>>) target(%dma_start3A_1073 : memref<128x64xf32, #tpu.memory_space<vmem>>) offsets(%dma_start3A_1076 : memref<128xi32, #tpu.memory_space<vmem>>) semaphore(%arg11 : memref<!tpu.dma_semaphore, #tpu.memory_space<semaphore_mem>>)
    %dma_start3A_1080 = arith.constant 2 : i32
    %dma_start3A_1081 = arith.constant 256 : i32
    %dma_start3A_1082 = arith.constant 0 : i32
    %dma_start3A_1083 = tpu.memref_slice %arg10[%dma_start3A_1081, %dma_start3A_1082] : memref<512x64xf32, #tpu.memory_space<vmem>> -> memref<128x64xf32, #tpu.memory_space<vmem>>
    %dma_start3A_1084 = arith.constant 0 : i32
    %dma_start3A_1085 = tpu.memref_slice %arg7[%dma_start3A_1080, %dma_start3A_1084] : memref<4x128xi32, #tpu.memory_space<vmem>> -> memref<1x128xi32, #tpu.memory_space<vmem>>
    %dma_start3A_1086 = tpu.memref_squeeze %dma_start3A_1085 : memref<1x128xi32, #tpu.memory_space<vmem>> -> memref<128xi32, #tpu.memory_space<vmem>>
    %dma_start3A_1087 = arith.constant 0 : i32
    %dma_start3A_1088 = arith.constant 0 : i32
    %dma_start3A_1089 = tpu.memref_slice %arg3[%dma_start3A_1087, %dma_start3A_1088] : memref<32768x64xf32, #tpu.memory_space<hbm>> -> memref<32768x64xf32, #tpu.memory_space<hbm>>
    tpu.enqueue_indirect_dma source(%dma_start3A_1089 : memref<32768x64xf32, #tpu.memory_space<hbm>>) target(%dma_start3A_1083 : memref<128x64xf32, #tpu.memory_space<vmem>>) offsets(%dma_start3A_1086 : memref<128xi32, #tpu.memory_space<vmem>>) semaphore(%arg11 : memref<!tpu.dma_semaphore, #tpu.memory_space<semaphore_mem>>)
    %dma_start3A_1090 = arith.constant 3 : i32
    %dma_start3A_1091 = arith.constant 384 : i32
    %dma_start3A_1092 = arith.constant 0 : i32
    %dma_start3A_1093 = tpu.memref_slice %arg10[%dma_start3A_1091, %dma_start3A_1092] : memref<512x64xf32, #tpu.memory_space<vmem>> -> memref<128x64xf32, #tpu.memory_space<vmem>>
    %dma_start3A_1094 = arith.constant 0 : i32
    %dma_start3A_1095 = tpu.memref_slice %arg7[%dma_start3A_1090, %dma_start3A_1094] : memref<4x128xi32, #tpu.memory_space<vmem>> -> memref<1x128xi32, #tpu.memory_space<vmem>>
    %dma_start3A_1096 = tpu.memref_squeeze %dma_start3A_1095 : memref<1x128xi32, #tpu.memory_space<vmem>> -> memref<128xi32, #tpu.memory_space<vmem>>
    %dma_start3A_1097 = arith.constant 0 : i32
    %dma_start3A_1098 = arith.constant 0 : i32
    %dma_start3A_1099 = tpu.memref_slice %arg3[%dma_start3A_1097, %dma_start3A_1098] : memref<32768x64xf32, #tpu.memory_space<hbm>> -> memref<32768x64xf32, #tpu.memory_space<hbm>>
    tpu.enqueue_indirect_dma source(%dma_start3A_1099 : memref<32768x64xf32, #tpu.memory_space<hbm>>) target(%dma_start3A_1093 : memref<128x64xf32, #tpu.memory_space<vmem>>) offsets(%dma_start3A_1096 : memref<128xi32, #tpu.memory_space<vmem>>) semaphore(%arg11 : memref<!tpu.dma_semaphore, #tpu.memory_space<semaphore_mem>>)
    %scan3A_1100 = arith.constant 0 : i32
    %scan3A_1101 = arith.constant 0 : i32
    %scan3A_1102 = arith.constant 32 : i32
    %scan3A_1103 = arith.addi %scan3A_1101, %scan3A_1102 : i32
    %scan3A_1104 = arith.constant 1 : i32
    scf.for %scan3A_1538 = %scan3A_1101 to %scan3A_1103 step %scan3A_1104  : i32 {
      %mul3A_1539 = arith.constant 16 : i32
      %mul3A_1540 = arith.muli %scan3A_1538, %mul3A_1539 : i32
      %add3A_1541 = arith.constant 6144 : i32
      %add3A_1542 = arith.addi %add3A_1541, %mul3A_1540 : i32
      %get3A = arith.index_cast %add3A_1542 : i32 to index
      %get3A_1543 = tpu.vector_load %arg5[%get3A] {strides = array<i32>} : memref<24576xf32, #tpu.memory_space<vmem>>, vector<16xf32>,
      %max3A = arith.constant 0.000000e+00 : f32
      %max3A_1544 = vector.broadcast %max3A : f32 to vector<16xf32>
      %max3A_1545 = arith.maximumf %get3A_1543, %max3A_1544 : vector<16xf32>
      %min3A = arith.constant 1.000000e+00 : f32
      %min3A_1546 = vector.broadcast %min3A : f32 to vector<16xf32>
      %min3A_1547 = arith.minimumf %max3A_1545, %min3A_1546 : vector<16xf32>
      %mul3A_1548 = arith.constant 3.200000e+01 : f32
      %mul3A_1549 = vector.broadcast %mul3A_1548 : f32 to vector<16xf32>
      %mul3A_1550 = arith.mulf %min3A_1547, %mul3A_1549 : vector<16xf32>
      %convert_element_type3A = arith.fptosi %mul3A_1550 : vector<16xf32> to vector<16xi32>
      %min3A_1551 = arith.constant 31 : i32
      %min3A_1552 = vector.broadcast %min3A_1551 : i32 to vector<16xi32>
      %min3A_1553 = arith.minsi %convert_element_type3A, %min3A_1552 : vector<16xi32>
      %add3A_1554 = arith.constant 8192 : i32
      %add3A_1555 = arith.addi %add3A_1554, %add3A_1542 : i32
      %get3A_1556 = arith.index_cast %add3A_1555 : i32 to index
      %get3A_1557 = tpu.vector_load %arg5[%get3A_1556] {strides = array<i32>} : memref<24576xf32, #tpu.memory_space<vmem>>, vector<16xf32>,
      %max3A_1558 = arith.constant 0.000000e+00 : f32
      %max3A_1559 = vector.broadcast %max3A_1558 : f32 to vector<16xf32>
      %max3A_1560 = arith.maximumf %get3A_1557, %max3A_1559 : vector<16xf32>
      %min3A_1561 = arith.constant 1.000000e+00 : f32
      %min3A_1562 = vector.broadcast %min3A_1561 : f32 to vector<16xf32>
      %min3A_1563 = arith.minimumf %max3A_1560, %min3A_1562 : vector<16xf32>
      %mul3A_1564 = arith.constant 3.200000e+01 : f32
      %mul3A_1565 = vector.broadcast %mul3A_1564 : f32 to vector<16xf32>
      %mul3A_1566 = arith.mulf %min3A_1563, %mul3A_1565 : vector<16xf32>
      %convert_element_type3A_1567 = arith.fptosi %mul3A_1566 : vector<16xf32> to vector<16xi32>
      %min3A_1568 = arith.constant 31 : i32
      %min3A_1569 = vector.broadcast %min3A_1568 : i32 to vector<16xi32>
      %min3A_1570 = arith.minsi %convert_element_type3A_1567, %min3A_1569 : vector<16xi32>
      %add3A_1571 = arith.constant 16384 : i32
      %add3A_1572 = arith.addi %add3A_1571, %add3A_1542 : i32
      %get3A_1573 = arith.index_cast %add3A_1572 : i32 to index
      %get3A_1574 = tpu.vector_load %arg5[%get3A_1573] {strides = array<i32>} : memref<24576xf32, #tpu.memory_space<vmem>>, vector<16xf32>,
      %max3A_1575 = arith.constant 0.000000e+00 : f32
      %max3A_1576 = vector.broadcast %max3A_1575 : f32 to vector<16xf32>
      %max3A_1577 = arith.maximumf %get3A_1574, %max3A_1576 : vector<16xf32>
      %min3A_1578 = arith.constant 1.000000e+00 : f32
      %min3A_1579 = vector.broadcast %min3A_1578 : f32 to vector<16xf32>
      %min3A_1580 = arith.minimumf %max3A_1577, %min3A_1579 : vector<16xf32>
      %mul3A_1581 = arith.constant 3.200000e+01 : f32
      %mul3A_1582 = vector.broadcast %mul3A_1581 : f32 to vector<16xf32>
      %mul3A_1583 = arith.mulf %min3A_1580, %mul3A_1582 : vector<16xf32>
      %convert_element_type3A_1584 = arith.fptosi %mul3A_1583 : vector<16xf32> to vector<16xi32>
      %min3A_1585 = arith.constant 31 : i32
      %min3A_1586 = vector.broadcast %min3A_1585 : i32 to vector<16xi32>
      %min3A_1587 = arith.minsi %convert_element_type3A_1584, %min3A_1586 : vector<16xi32>
      %mul3A_1588 = arith.constant 32 : i32
      %mul3A_1589 = vector.broadcast %mul3A_1588 : i32 to vector<16xi32>
      %mul3A_1590 = arith.muli %min3A_1553, %mul3A_1589 : vector<16xi32>
      %add3A_1591 = arith.addi %mul3A_1590, %min3A_1570 : vector<16xi32>
      %mul3A_1592 = arith.constant 32 : i32
      %mul3A_1593 = vector.broadcast %mul3A_1592 : i32 to vector<16xi32>
      %mul3A_1594 = arith.muli %add3A_1591, %mul3A_1593 : vector<16xi32>
      %add3A_1595 = arith.addi %mul3A_1594, %min3A_1587 : vector<16xi32>
      %jit3A = arith.constant 8 : i32
      %div3A = arith.divsi %scan3A_1538, %jit3A : i32
      %sign3A = arith.constant 0 : i32
      %sign3A_1596 = arith.cmpi sgt, %scan3A_1538, %sign3A : i32
      %sign3A_1597 = arith.extui %sign3A_1596 : i1 to i32
      %sign3A_1598 = arith.constant 0 : i32
      %sign3A_1599 = arith.cmpi slt, %scan3A_1538, %sign3A_1598 : i32
      %sign3A_1600 = arith.extui %sign3A_1599 : i1 to i32
      %sign3A_1601 = arith.subi %sign3A_1597, %sign3A_1600 : i32
      %sign3A_1602 = arith.constant 0 : i32
      %sign3A_1603 = arith.cmpi sgt, %jit3A, %sign3A_1602 : i32
      %sign3A_1604 = arith.extui %sign3A_1603 : i1 to i32
      %sign3A_1605 = arith.constant 0 : i32
      %sign3A_1606 = arith.cmpi slt, %jit3A, %sign3A_1605 : i32
      %sign3A_1607 = arith.extui %sign3A_1606 : i1 to i32
      %sign3A_1608 = arith.subi %sign3A_1604, %sign3A_1607 : i32
      %ne3A = arith.cmpi ne, %sign3A_1601, %sign3A_1608 : i32
      %rem3A = arith.remsi %scan3A_1538, %jit3A : i32
      %ne3A_1609 = arith.constant 0 : i32
      %ne3A_1610 = arith.cmpi ne, %rem3A, %ne3A_1609 : i32
      %and3A = arith.andi %ne3A, %ne3A_1610 : i1
      %sub3A = arith.constant 1 : i32
      %sub3A_1611 = arith.subi %div3A, %sub3A : i32
      %select_n3A = arith.select %and3A, %sub3A_1611, %div3A : i32
      %jit3A_1612 = arith.constant 8 : i32
      %eq3A = arith.constant 0 : i32
      %eq3A_1613 = arith.cmpi eq, %jit3A_1612, %eq3A : i32
      %jit3A_1614 = arith.constant 1 : i32
      %select_n3A_1615 = arith.select %eq3A_1613, %jit3A_1614, %jit3A_1612 : i32
      %rem3A_1616 = arith.remsi %scan3A_1538, %select_n3A_1615 : i32
      %ne3A_1617 = arith.constant 0 : i32
      %ne3A_1618 = arith.cmpi ne, %rem3A_1616, %ne3A_1617 : i32
      %lt3A = arith.constant 0 : i32
      %lt3A_1619 = arith.cmpi slt, %rem3A_1616, %lt3A : i32
      %lt3A_1620 = arith.constant 0 : i32
      %lt3A_1621 = arith.cmpi slt, %select_n3A_1615, %lt3A_1620 : i32
      %ne3A_1622 = arith.xori %lt3A_1619, %lt3A_1621 : i1
      %and3A_1623 = arith.andi %ne3A_1622, %ne3A_1618 : i1
      %add3A_1624 = arith.addi %rem3A_1616, %select_n3A_1615 : i32
      %select_n3A_1625 = arith.select %and3A_1623, %add3A_1624, %rem3A_1616 : i32
      %mul3A_1626 = arith.constant 16 : i32
      %mul3A_1627 = arith.muli %select_n3A_1625, %mul3A_1626 : i32
      %swap3A = arith.index_cast %select_n3A : i32 to index
      %swap3A_1628 = arith.index_cast %mul3A_1627 : i32 to index
      %swap3A_1629 = tpu.vector_load %arg6[%swap3A, %swap3A_1628] {strides = array<i32>} : memref<4x128xi32, #tpu.memory_space<vmem>>, vector<16xi32>,
      tpu.vector_store %arg6[%swap3A, %swap3A_1628], %add3A_1595 {strides = array<i32>} : memref<4x128xi32, #tpu.memory_space<vmem>>, vector<16xi32>,
    }
    %scan3A_1105 = arith.constant 32 : i32
    %dma_wait3A_1106 = arith.constant 0 : i32
    %dma_wait3A_1107 = arith.constant 0 : i32
    %dma_wait3A_1108 = arith.constant 0 : i32
    %dma_wait3A_1109 = tpu.memref_slice %arg10[%dma_wait3A_1107, %dma_wait3A_1108] : memref<512x64xf32, #tpu.memory_space<vmem>> -> memref<128x64xf32, #tpu.memory_space<vmem>>
    %dma_wait3A_1110 = arith.constant 0 : i32
    %dma_wait3A_1111 = tpu.memref_slice %arg7[%dma_wait3A_1106, %dma_wait3A_1110] : memref<4x128xi32, #tpu.memory_space<vmem>> -> memref<1x128xi32, #tpu.memory_space<vmem>>
    %dma_wait3A_1112 = tpu.memref_squeeze %dma_wait3A_1111 : memref<1x128xi32, #tpu.memory_space<vmem>> -> memref<128xi32, #tpu.memory_space<vmem>>
    %dma_wait3A_1113 = arith.constant 0 : i32
    %dma_wait3A_1114 = arith.constant 0 : i32
    %dma_wait3A_1115 = tpu.memref_slice %arg3[%dma_wait3A_1113, %dma_wait3A_1114] : memref<32768x64xf32, #tpu.memory_space<hbm>> -> memref<32768x64xf32, #tpu.memory_space<hbm>>
    tpu.wait_indirect_dma semaphore(%arg11 : memref<!tpu.dma_semaphore, #tpu.memory_space<semaphore_mem>>) src(%dma_wait3A_1115 : memref<32768x64xf32, #tpu.memory_space<hbm>>) dst(%dma_wait3A_1109 : memref<128x64xf32, #tpu.memory_space<vmem>>)
    %dma_wait3A_1116 = arith.constant 1 : i32
    %dma_wait3A_1117 = arith.constant 128 : i32
    %dma_wait3A_1118 = arith.constant 0 : i32
    %dma_wait3A_1119 = tpu.memref_slice %arg10[%dma_wait3A_1117, %dma_wait3A_1118] : memref<512x64xf32, #tpu.memory_space<vmem>> -> memref<128x64xf32, #tpu.memory_space<vmem>>
    %dma_wait3A_1120 = arith.constant 0 : i32
    %dma_wait3A_1121 = tpu.memref_slice %arg7[%dma_wait3A_1116, %dma_wait3A_1120] : memref<4x128xi32, #tpu.memory_space<vmem>> -> memref<1x128xi32, #tpu.memory_space<vmem>>
    %dma_wait3A_1122 = tpu.memref_squeeze %dma_wait3A_1121 : memref<1x128xi32, #tpu.memory_space<vmem>> -> memref<128xi32, #tpu.memory_space<vmem>>
    %dma_wait3A_1123 = arith.constant 0 : i32
    %dma_wait3A_1124 = arith.constant 0 : i32
    %dma_wait3A_1125 = tpu.memref_slice %arg3[%dma_wait3A_1123, %dma_wait3A_1124] : memref<32768x64xf32, #tpu.memory_space<hbm>> -> memref<32768x64xf32, #tpu.memory_space<hbm>>
    tpu.wait_indirect_dma semaphore(%arg11 : memref<!tpu.dma_semaphore, #tpu.memory_space<semaphore_mem>>) src(%dma_wait3A_1125 : memref<32768x64xf32, #tpu.memory_space<hbm>>) dst(%dma_wait3A_1119 : memref<128x64xf32, #tpu.memory_space<vmem>>)
    %dma_wait3A_1126 = arith.constant 2 : i32
    %dma_wait3A_1127 = arith.constant 256 : i32
    %dma_wait3A_1128 = arith.constant 0 : i32
    %dma_wait3A_1129 = tpu.memref_slice %arg10[%dma_wait3A_1127, %dma_wait3A_1128] : memref<512x64xf32, #tpu.memory_space<vmem>> -> memref<128x64xf32, #tpu.memory_space<vmem>>
    %dma_wait3A_1130 = arith.constant 0 : i32
    %dma_wait3A_1131 = tpu.memref_slice %arg7[%dma_wait3A_1126, %dma_wait3A_1130] : memref<4x128xi32, #tpu.memory_space<vmem>> -> memref<1x128xi32, #tpu.memory_space<vmem>>
    %dma_wait3A_1132 = tpu.memref_squeeze %dma_wait3A_1131 : memref<1x128xi32, #tpu.memory_space<vmem>> -> memref<128xi32, #tpu.memory_space<vmem>>
    %dma_wait3A_1133 = arith.constant 0 : i32
    %dma_wait3A_1134 = arith.constant 0 : i32
    %dma_wait3A_1135 = tpu.memref_slice %arg3[%dma_wait3A_1133, %dma_wait3A_1134] : memref<32768x64xf32, #tpu.memory_space<hbm>> -> memref<32768x64xf32, #tpu.memory_space<hbm>>
    tpu.wait_indirect_dma semaphore(%arg11 : memref<!tpu.dma_semaphore, #tpu.memory_space<semaphore_mem>>) src(%dma_wait3A_1135 : memref<32768x64xf32, #tpu.memory_space<hbm>>) dst(%dma_wait3A_1129 : memref<128x64xf32, #tpu.memory_space<vmem>>)
    %dma_wait3A_1136 = arith.constant 3 : i32
    %dma_wait3A_1137 = arith.constant 384 : i32
    %dma_wait3A_1138 = arith.constant 0 : i32
    %dma_wait3A_1139 = tpu.memref_slice %arg10[%dma_wait3A_1137, %dma_wait3A_1138] : memref<512x64xf32, #tpu.memory_space<vmem>> -> memref<128x64xf32, #tpu.memory_space<vmem>>
    %dma_wait3A_1140 = arith.constant 0 : i32
    %dma_wait3A_1141 = tpu.memref_slice %arg7[%dma_wait3A_1136, %dma_wait3A_1140] : memref<4x128xi32, #tpu.memory_space<vmem>> -> memref<1x128xi32, #tpu.memory_space<vmem>>
    %dma_wait3A_1142 = tpu.memref_squeeze %dma_wait3A_1141 : memref<1x128xi32, #tpu.memory_space<vmem>> -> memref<128xi32, #tpu.memory_space<vmem>>
    %dma_wait3A_1143 = arith.constant 0 : i32
    %dma_wait3A_1144 = arith.constant 0 : i32
    %dma_wait3A_1145 = tpu.memref_slice %arg3[%dma_wait3A_1143, %dma_wait3A_1144] : memref<32768x64xf32, #tpu.memory_space<hbm>> -> memref<32768x64xf32, #tpu.memory_space<hbm>>
    tpu.wait_indirect_dma semaphore(%arg11 : memref<!tpu.dma_semaphore, #tpu.memory_space<semaphore_mem>>) src(%dma_wait3A_1145 : memref<32768x64xf32, #tpu.memory_space<hbm>>) dst(%dma_wait3A_1139 : memref<128x64xf32, #tpu.memory_space<vmem>>)
    %add3A_1146 = arith.constant 5632 : i32
    %add3A_1147 = arith.addi %mul3A_2, %add3A_1146 : i32
    %dma_start3A_1148 = arith.constant 0 : i32
    %dma_start3A_1149 = tpu.memref_slice %arg4[%add3A_1147, %dma_start3A_1148] : memref<262144x64xf32, #tpu.memory_space<hbm>> -> memref<512x64xf32, #tpu.memory_space<hbm>>
    %dma_start3A_1150 = arith.constant 0 : i32
    %dma_start3A_1151 = tpu.memref_slice %arg4[%add3A_1147, %dma_start3A_1150] : memref<262144x64xf32, #tpu.memory_space<hbm>> -> memref<512x64xf32, #tpu.memory_space<hbm>>
    tpu.enqueue_dma source(%arg10 : memref<512x64xf32, #tpu.memory_space<vmem>>) target(%dma_start3A_1151 : memref<512x64xf32, #tpu.memory_space<hbm>>) target_semaphore(%arg12 : memref<!tpu.dma_semaphore, #tpu.memory_space<semaphore_mem>>)
    %dma_wait3A_1152 = arith.constant 0 : i32
    %dma_wait3A_1153 = tpu.memref_slice %arg4[%add3A_955, %dma_wait3A_1152] : memref<262144x64xf32, #tpu.memory_space<hbm>> -> memref<512x64xf32, #tpu.memory_space<hbm>>
    %dma_wait3A_1154 = arith.constant 0 : i32
    %dma_wait3A_1155 = tpu.memref_slice %arg4[%add3A_955, %dma_wait3A_1154] : memref<262144x64xf32, #tpu.memory_space<hbm>> -> memref<512x64xf32, #tpu.memory_space<hbm>>
    tpu.wait_dma2 semaphore(%arg12 : memref<!tpu.dma_semaphore, #tpu.memory_space<semaphore_mem>>) src(%arg8 : memref<512x64xf32, #tpu.memory_space<vmem>>) dst(%dma_wait3A_1155 : memref<512x64xf32, #tpu.memory_space<hbm>>)
    %dma_start3A_1156 = arith.constant 0 : i32
    %dma_start3A_1157 = arith.constant 0 : i32
    %dma_start3A_1158 = arith.constant 0 : i32
    %dma_start3A_1159 = tpu.memref_slice %arg8[%dma_start3A_1157, %dma_start3A_1158] : memref<512x64xf32, #tpu.memory_space<vmem>> -> memref<128x64xf32, #tpu.memory_space<vmem>>
    %dma_start3A_1160 = arith.constant 0 : i32
    %dma_start3A_1161 = tpu.memref_slice %arg6[%dma_start3A_1156, %dma_start3A_1160] : memref<4x128xi32, #tpu.memory_space<vmem>> -> memref<1x128xi32, #tpu.memory_space<vmem>>
    %dma_start3A_1162 = tpu.memref_squeeze %dma_start3A_1161 : memref<1x128xi32, #tpu.memory_space<vmem>> -> memref<128xi32, #tpu.memory_space<vmem>>
    %dma_start3A_1163 = arith.constant 0 : i32
    %dma_start3A_1164 = arith.constant 0 : i32
    %dma_start3A_1165 = tpu.memref_slice %arg3[%dma_start3A_1163, %dma_start3A_1164] : memref<32768x64xf32, #tpu.memory_space<hbm>> -> memref<32768x64xf32, #tpu.memory_space<hbm>>
    tpu.enqueue_indirect_dma source(%dma_start3A_1165 : memref<32768x64xf32, #tpu.memory_space<hbm>>) target(%dma_start3A_1159 : memref<128x64xf32, #tpu.memory_space<vmem>>) offsets(%dma_start3A_1162 : memref<128xi32, #tpu.memory_space<vmem>>) semaphore(%arg11 : memref<!tpu.dma_semaphore, #tpu.memory_space<semaphore_mem>>)
    %dma_start3A_1166 = arith.constant 1 : i32
    %dma_start3A_1167 = arith.constant 128 : i32
    %dma_start3A_1168 = arith.constant 0 : i32
    %dma_start3A_1169 = tpu.memref_slice %arg8[%dma_start3A_1167, %dma_start3A_1168] : memref<512x64xf32, #tpu.memory_space<vmem>> -> memref<128x64xf32, #tpu.memory_space<vmem>>
    %dma_start3A_1170 = arith.constant 0 : i32
    %dma_start3A_1171 = tpu.memref_slice %arg6[%dma_start3A_1166, %dma_start3A_1170] : memref<4x128xi32, #tpu.memory_space<vmem>> -> memref<1x128xi32, #tpu.memory_space<vmem>>
    %dma_start3A_1172 = tpu.memref_squeeze %dma_start3A_1171 : memref<1x128xi32, #tpu.memory_space<vmem>> -> memref<128xi32, #tpu.memory_space<vmem>>
    %dma_start3A_1173 = arith.constant 0 : i32
    %dma_start3A_1174 = arith.constant 0 : i32
    %dma_start3A_1175 = tpu.memref_slice %arg3[%dma_start3A_1173, %dma_start3A_1174] : memref<32768x64xf32, #tpu.memory_space<hbm>> -> memref<32768x64xf32, #tpu.memory_space<hbm>>
    tpu.enqueue_indirect_dma source(%dma_start3A_1175 : memref<32768x64xf32, #tpu.memory_space<hbm>>) target(%dma_start3A_1169 : memref<128x64xf32, #tpu.memory_space<vmem>>) offsets(%dma_start3A_1172 : memref<128xi32, #tpu.memory_space<vmem>>) semaphore(%arg11 : memref<!tpu.dma_semaphore, #tpu.memory_space<semaphore_mem>>)
    %dma_start3A_1176 = arith.constant 2 : i32
    %dma_start3A_1177 = arith.constant 256 : i32
    %dma_start3A_1178 = arith.constant 0 : i32
    %dma_start3A_1179 = tpu.memref_slice %arg8[%dma_start3A_1177, %dma_start3A_1178] : memref<512x64xf32, #tpu.memory_space<vmem>> -> memref<128x64xf32, #tpu.memory_space<vmem>>
    %dma_start3A_1180 = arith.constant 0 : i32
    %dma_start3A_1181 = tpu.memref_slice %arg6[%dma_start3A_1176, %dma_start3A_1180] : memref<4x128xi32, #tpu.memory_space<vmem>> -> memref<1x128xi32, #tpu.memory_space<vmem>>
    %dma_start3A_1182 = tpu.memref_squeeze %dma_start3A_1181 : memref<1x128xi32, #tpu.memory_space<vmem>> -> memref<128xi32, #tpu.memory_space<vmem>>
    %dma_start3A_1183 = arith.constant 0 : i32
    %dma_start3A_1184 = arith.constant 0 : i32
    %dma_start3A_1185 = tpu.memref_slice %arg3[%dma_start3A_1183, %dma_start3A_1184] : memref<32768x64xf32, #tpu.memory_space<hbm>> -> memref<32768x64xf32, #tpu.memory_space<hbm>>
    tpu.enqueue_indirect_dma source(%dma_start3A_1185 : memref<32768x64xf32, #tpu.memory_space<hbm>>) target(%dma_start3A_1179 : memref<128x64xf32, #tpu.memory_space<vmem>>) offsets(%dma_start3A_1182 : memref<128xi32, #tpu.memory_space<vmem>>) semaphore(%arg11 : memref<!tpu.dma_semaphore, #tpu.memory_space<semaphore_mem>>)
    %dma_start3A_1186 = arith.constant 3 : i32
    %dma_start3A_1187 = arith.constant 384 : i32
    %dma_start3A_1188 = arith.constant 0 : i32
    %dma_start3A_1189 = tpu.memref_slice %arg8[%dma_start3A_1187, %dma_start3A_1188] : memref<512x64xf32, #tpu.memory_space<vmem>> -> memref<128x64xf32, #tpu.memory_space<vmem>>
    %dma_start3A_1190 = arith.constant 0 : i32
    %dma_start3A_1191 = tpu.memref_slice %arg6[%dma_start3A_1186, %dma_start3A_1190] : memref<4x128xi32, #tpu.memory_space<vmem>> -> memref<1x128xi32, #tpu.memory_space<vmem>>
    %dma_start3A_1192 = tpu.memref_squeeze %dma_start3A_1191 : memref<1x128xi32, #tpu.memory_space<vmem>> -> memref<128xi32, #tpu.memory_space<vmem>>
    %dma_start3A_1193 = arith.constant 0 : i32
    %dma_start3A_1194 = arith.constant 0 : i32
    %dma_start3A_1195 = tpu.memref_slice %arg3[%dma_start3A_1193, %dma_start3A_1194] : memref<32768x64xf32, #tpu.memory_space<hbm>> -> memref<32768x64xf32, #tpu.memory_space<hbm>>
    tpu.enqueue_indirect_dma source(%dma_start3A_1195 : memref<32768x64xf32, #tpu.memory_space<hbm>>) target(%dma_start3A_1189 : memref<128x64xf32, #tpu.memory_space<vmem>>) offsets(%dma_start3A_1192 : memref<128xi32, #tpu.memory_space<vmem>>) semaphore(%arg11 : memref<!tpu.dma_semaphore, #tpu.memory_space<semaphore_mem>>)
    %scan3A_1196 = arith.constant 0 : i32
    %scan3A_1197 = arith.constant 0 : i32
    %scan3A_1198 = arith.constant 32 : i32
    %scan3A_1199 = arith.addi %scan3A_1197, %scan3A_1198 : i32
    %scan3A_1200 = arith.constant 1 : i32
    scf.for %scan3A_1538 = %scan3A_1197 to %scan3A_1199 step %scan3A_1200  : i32 {
      %mul3A_1539 = arith.constant 16 : i32
      %mul3A_1540 = arith.muli %scan3A_1538, %mul3A_1539 : i32
      %add3A_1541 = arith.constant 6656 : i32
      %add3A_1542 = arith.addi %add3A_1541, %mul3A_1540 : i32
      %get3A = arith.index_cast %add3A_1542 : i32 to index
      %get3A_1543 = tpu.vector_load %arg5[%get3A] {strides = array<i32>} : memref<24576xf32, #tpu.memory_space<vmem>>, vector<16xf32>,
      %max3A = arith.constant 0.000000e+00 : f32
      %max3A_1544 = vector.broadcast %max3A : f32 to vector<16xf32>
      %max3A_1545 = arith.maximumf %get3A_1543, %max3A_1544 : vector<16xf32>
      %min3A = arith.constant 1.000000e+00 : f32
      %min3A_1546 = vector.broadcast %min3A : f32 to vector<16xf32>
      %min3A_1547 = arith.minimumf %max3A_1545, %min3A_1546 : vector<16xf32>
      %mul3A_1548 = arith.constant 3.200000e+01 : f32
      %mul3A_1549 = vector.broadcast %mul3A_1548 : f32 to vector<16xf32>
      %mul3A_1550 = arith.mulf %min3A_1547, %mul3A_1549 : vector<16xf32>
      %convert_element_type3A = arith.fptosi %mul3A_1550 : vector<16xf32> to vector<16xi32>
      %min3A_1551 = arith.constant 31 : i32
      %min3A_1552 = vector.broadcast %min3A_1551 : i32 to vector<16xi32>
      %min3A_1553 = arith.minsi %convert_element_type3A, %min3A_1552 : vector<16xi32>
      %add3A_1554 = arith.constant 8192 : i32
      %add3A_1555 = arith.addi %add3A_1554, %add3A_1542 : i32
      %get3A_1556 = arith.index_cast %add3A_1555 : i32 to index
      %get3A_1557 = tpu.vector_load %arg5[%get3A_1556] {strides = array<i32>} : memref<24576xf32, #tpu.memory_space<vmem>>, vector<16xf32>,
      %max3A_1558 = arith.constant 0.000000e+00 : f32
      %max3A_1559 = vector.broadcast %max3A_1558 : f32 to vector<16xf32>
      %max3A_1560 = arith.maximumf %get3A_1557, %max3A_1559 : vector<16xf32>
      %min3A_1561 = arith.constant 1.000000e+00 : f32
      %min3A_1562 = vector.broadcast %min3A_1561 : f32 to vector<16xf32>
      %min3A_1563 = arith.minimumf %max3A_1560, %min3A_1562 : vector<16xf32>
      %mul3A_1564 = arith.constant 3.200000e+01 : f32
      %mul3A_1565 = vector.broadcast %mul3A_1564 : f32 to vector<16xf32>
      %mul3A_1566 = arith.mulf %min3A_1563, %mul3A_1565 : vector<16xf32>
      %convert_element_type3A_1567 = arith.fptosi %mul3A_1566 : vector<16xf32> to vector<16xi32>
      %min3A_1568 = arith.constant 31 : i32
      %min3A_1569 = vector.broadcast %min3A_1568 : i32 to vector<16xi32>
      %min3A_1570 = arith.minsi %convert_element_type3A_1567, %min3A_1569 : vector<16xi32>
      %add3A_1571 = arith.constant 16384 : i32
      %add3A_1572 = arith.addi %add3A_1571, %add3A_1542 : i32
      %get3A_1573 = arith.index_cast %add3A_1572 : i32 to index
      %get3A_1574 = tpu.vector_load %arg5[%get3A_1573] {strides = array<i32>} : memref<24576xf32, #tpu.memory_space<vmem>>, vector<16xf32>,
      %max3A_1575 = arith.constant 0.000000e+00 : f32
      %max3A_1576 = vector.broadcast %max3A_1575 : f32 to vector<16xf32>
      %max3A_1577 = arith.maximumf %get3A_1574, %max3A_1576 : vector<16xf32>
      %min3A_1578 = arith.constant 1.000000e+00 : f32
      %min3A_1579 = vector.broadcast %min3A_1578 : f32 to vector<16xf32>
      %min3A_1580 = arith.minimumf %max3A_1577, %min3A_1579 : vector<16xf32>
      %mul3A_1581 = arith.constant 3.200000e+01 : f32
      %mul3A_1582 = vector.broadcast %mul3A_1581 : f32 to vector<16xf32>
      %mul3A_1583 = arith.mulf %min3A_1580, %mul3A_1582 : vector<16xf32>
      %convert_element_type3A_1584 = arith.fptosi %mul3A_1583 : vector<16xf32> to vector<16xi32>
      %min3A_1585 = arith.constant 31 : i32
      %min3A_1586 = vector.broadcast %min3A_1585 : i32 to vector<16xi32>
      %min3A_1587 = arith.minsi %convert_element_type3A_1584, %min3A_1586 : vector<16xi32>
      %mul3A_1588 = arith.constant 32 : i32
      %mul3A_1589 = vector.broadcast %mul3A_1588 : i32 to vector<16xi32>
      %mul3A_1590 = arith.muli %min3A_1553, %mul3A_1589 : vector<16xi32>
      %add3A_1591 = arith.addi %mul3A_1590, %min3A_1570 : vector<16xi32>
      %mul3A_1592 = arith.constant 32 : i32
      %mul3A_1593 = vector.broadcast %mul3A_1592 : i32 to vector<16xi32>
      %mul3A_1594 = arith.muli %add3A_1591, %mul3A_1593 : vector<16xi32>
      %add3A_1595 = arith.addi %mul3A_1594, %min3A_1587 : vector<16xi32>
      %jit3A = arith.constant 8 : i32
      %div3A = arith.divsi %scan3A_1538, %jit3A : i32
      %sign3A = arith.constant 0 : i32
      %sign3A_1596 = arith.cmpi sgt, %scan3A_1538, %sign3A : i32
      %sign3A_1597 = arith.extui %sign3A_1596 : i1 to i32
      %sign3A_1598 = arith.constant 0 : i32
      %sign3A_1599 = arith.cmpi slt, %scan3A_1538, %sign3A_1598 : i32
      %sign3A_1600 = arith.extui %sign3A_1599 : i1 to i32
      %sign3A_1601 = arith.subi %sign3A_1597, %sign3A_1600 : i32
      %sign3A_1602 = arith.constant 0 : i32
      %sign3A_1603 = arith.cmpi sgt, %jit3A, %sign3A_1602 : i32
      %sign3A_1604 = arith.extui %sign3A_1603 : i1 to i32
      %sign3A_1605 = arith.constant 0 : i32
      %sign3A_1606 = arith.cmpi slt, %jit3A, %sign3A_1605 : i32
      %sign3A_1607 = arith.extui %sign3A_1606 : i1 to i32
      %sign3A_1608 = arith.subi %sign3A_1604, %sign3A_1607 : i32
      %ne3A = arith.cmpi ne, %sign3A_1601, %sign3A_1608 : i32
      %rem3A = arith.remsi %scan3A_1538, %jit3A : i32
      %ne3A_1609 = arith.constant 0 : i32
      %ne3A_1610 = arith.cmpi ne, %rem3A, %ne3A_1609 : i32
      %and3A = arith.andi %ne3A, %ne3A_1610 : i1
      %sub3A = arith.constant 1 : i32
      %sub3A_1611 = arith.subi %div3A, %sub3A : i32
      %select_n3A = arith.select %and3A, %sub3A_1611, %div3A : i32
      %jit3A_1612 = arith.constant 8 : i32
      %eq3A = arith.constant 0 : i32
      %eq3A_1613 = arith.cmpi eq, %jit3A_1612, %eq3A : i32
      %jit3A_1614 = arith.constant 1 : i32
      %select_n3A_1615 = arith.select %eq3A_1613, %jit3A_1614, %jit3A_1612 : i32
      %rem3A_1616 = arith.remsi %scan3A_1538, %select_n3A_1615 : i32
      %ne3A_1617 = arith.constant 0 : i32
      %ne3A_1618 = arith.cmpi ne, %rem3A_1616, %ne3A_1617 : i32
      %lt3A = arith.constant 0 : i32
      %lt3A_1619 = arith.cmpi slt, %rem3A_1616, %lt3A : i32
      %lt3A_1620 = arith.constant 0 : i32
      %lt3A_1621 = arith.cmpi slt, %select_n3A_1615, %lt3A_1620 : i32
      %ne3A_1622 = arith.xori %lt3A_1619, %lt3A_1621 : i1
      %and3A_1623 = arith.andi %ne3A_1622, %ne3A_1618 : i1
      %add3A_1624 = arith.addi %rem3A_1616, %select_n3A_1615 : i32
      %select_n3A_1625 = arith.select %and3A_1623, %add3A_1624, %rem3A_1616 : i32
      %mul3A_1626 = arith.constant 16 : i32
      %mul3A_1627 = arith.muli %select_n3A_1625, %mul3A_1626 : i32
      %swap3A = arith.index_cast %select_n3A : i32 to index
      %swap3A_1628 = arith.index_cast %mul3A_1627 : i32 to index
      %swap3A_1629 = tpu.vector_load %arg7[%swap3A, %swap3A_1628] {strides = array<i32>} : memref<4x128xi32, #tpu.memory_space<vmem>>, vector<16xi32>,
      tpu.vector_store %arg7[%swap3A, %swap3A_1628], %add3A_1595 {strides = array<i32>} : memref<4x128xi32, #tpu.memory_space<vmem>>, vector<16xi32>,
    }
    %scan3A_1201 = arith.constant 32 : i32
    %dma_wait3A_1202 = arith.constant 0 : i32
    %dma_wait3A_1203 = arith.constant 0 : i32
    %dma_wait3A_1204 = arith.constant 0 : i32
    %dma_wait3A_1205 = tpu.memref_slice %arg8[%dma_wait3A_1203, %dma_wait3A_1204] : memref<512x64xf32, #tpu.memory_space<vmem>> -> memref<128x64xf32, #tpu.memory_space<vmem>>
    %dma_wait3A_1206 = arith.constant 0 : i32
    %dma_wait3A_1207 = tpu.memref_slice %arg6[%dma_wait3A_1202, %dma_wait3A_1206] : memref<4x128xi32, #tpu.memory_space<vmem>> -> memref<1x128xi32, #tpu.memory_space<vmem>>
    %dma_wait3A_1208 = tpu.memref_squeeze %dma_wait3A_1207 : memref<1x128xi32, #tpu.memory_space<vmem>> -> memref<128xi32, #tpu.memory_space<vmem>>
    %dma_wait3A_1209 = arith.constant 0 : i32
    %dma_wait3A_1210 = arith.constant 0 : i32
    %dma_wait3A_1211 = tpu.memref_slice %arg3[%dma_wait3A_1209, %dma_wait3A_1210] : memref<32768x64xf32, #tpu.memory_space<hbm>> -> memref<32768x64xf32, #tpu.memory_space<hbm>>
    tpu.wait_indirect_dma semaphore(%arg11 : memref<!tpu.dma_semaphore, #tpu.memory_space<semaphore_mem>>) src(%dma_wait3A_1211 : memref<32768x64xf32, #tpu.memory_space<hbm>>) dst(%dma_wait3A_1205 : memref<128x64xf32, #tpu.memory_space<vmem>>)
    %dma_wait3A_1212 = arith.constant 1 : i32
    %dma_wait3A_1213 = arith.constant 128 : i32
    %dma_wait3A_1214 = arith.constant 0 : i32
    %dma_wait3A_1215 = tpu.memref_slice %arg8[%dma_wait3A_1213, %dma_wait3A_1214] : memref<512x64xf32, #tpu.memory_space<vmem>> -> memref<128x64xf32, #tpu.memory_space<vmem>>
    %dma_wait3A_1216 = arith.constant 0 : i32
    %dma_wait3A_1217 = tpu.memref_slice %arg6[%dma_wait3A_1212, %dma_wait3A_1216] : memref<4x128xi32, #tpu.memory_space<vmem>> -> memref<1x128xi32, #tpu.memory_space<vmem>>
    %dma_wait3A_1218 = tpu.memref_squeeze %dma_wait3A_1217 : memref<1x128xi32, #tpu.memory_space<vmem>> -> memref<128xi32, #tpu.memory_space<vmem>>
    %dma_wait3A_1219 = arith.constant 0 : i32
    %dma_wait3A_1220 = arith.constant 0 : i32
    %dma_wait3A_1221 = tpu.memref_slice %arg3[%dma_wait3A_1219, %dma_wait3A_1220] : memref<32768x64xf32, #tpu.memory_space<hbm>> -> memref<32768x64xf32, #tpu.memory_space<hbm>>
    tpu.wait_indirect_dma semaphore(%arg11 : memref<!tpu.dma_semaphore, #tpu.memory_space<semaphore_mem>>) src(%dma_wait3A_1221 : memref<32768x64xf32, #tpu.memory_space<hbm>>) dst(%dma_wait3A_1215 : memref<128x64xf32, #tpu.memory_space<vmem>>)
    %dma_wait3A_1222 = arith.constant 2 : i32
    %dma_wait3A_1223 = arith.constant 256 : i32
    %dma_wait3A_1224 = arith.constant 0 : i32
    %dma_wait3A_1225 = tpu.memref_slice %arg8[%dma_wait3A_1223, %dma_wait3A_1224] : memref<512x64xf32, #tpu.memory_space<vmem>> -> memref<128x64xf32, #tpu.memory_space<vmem>>
    %dma_wait3A_1226 = arith.constant 0 : i32
    %dma_wait3A_1227 = tpu.memref_slice %arg6[%dma_wait3A_1222, %dma_wait3A_1226] : memref<4x128xi32, #tpu.memory_space<vmem>> -> memref<1x128xi32, #tpu.memory_space<vmem>>
    %dma_wait3A_1228 = tpu.memref_squeeze %dma_wait3A_1227 : memref<1x128xi32, #tpu.memory_space<vmem>> -> memref<128xi32, #tpu.memory_space<vmem>>
    %dma_wait3A_1229 = arith.constant 0 : i32
    %dma_wait3A_1230 = arith.constant 0 : i32
    %dma_wait3A_1231 = tpu.memref_slice %arg3[%dma_wait3A_1229, %dma_wait3A_1230] : memref<32768x64xf32, #tpu.memory_space<hbm>> -> memref<32768x64xf32, #tpu.memory_space<hbm>>
    tpu.wait_indirect_dma semaphore(%arg11 : memref<!tpu.dma_semaphore, #tpu.memory_space<semaphore_mem>>) src(%dma_wait3A_1231 : memref<32768x64xf32, #tpu.memory_space<hbm>>) dst(%dma_wait3A_1225 : memref<128x64xf32, #tpu.memory_space<vmem>>)
    %dma_wait3A_1232 = arith.constant 3 : i32
    %dma_wait3A_1233 = arith.constant 384 : i32
    %dma_wait3A_1234 = arith.constant 0 : i32
    %dma_wait3A_1235 = tpu.memref_slice %arg8[%dma_wait3A_1233, %dma_wait3A_1234] : memref<512x64xf32, #tpu.memory_space<vmem>> -> memref<128x64xf32, #tpu.memory_space<vmem>>
    %dma_wait3A_1236 = arith.constant 0 : i32
    %dma_wait3A_1237 = tpu.memref_slice %arg6[%dma_wait3A_1232, %dma_wait3A_1236] : memref<4x128xi32, #tpu.memory_space<vmem>> -> memref<1x128xi32, #tpu.memory_space<vmem>>
    %dma_wait3A_1238 = tpu.memref_squeeze %dma_wait3A_1237 : memref<1x128xi32, #tpu.memory_space<vmem>> -> memref<128xi32, #tpu.memory_space<vmem>>
    %dma_wait3A_1239 = arith.constant 0 : i32
    %dma_wait3A_1240 = arith.constant 0 : i32
    %dma_wait3A_1241 = tpu.memref_slice %arg3[%dma_wait3A_1239, %dma_wait3A_1240] : memref<32768x64xf32, #tpu.memory_space<hbm>> -> memref<32768x64xf32, #tpu.memory_space<hbm>>
    tpu.wait_indirect_dma semaphore(%arg11 : memref<!tpu.dma_semaphore, #tpu.memory_space<semaphore_mem>>) src(%dma_wait3A_1241 : memref<32768x64xf32, #tpu.memory_space<hbm>>) dst(%dma_wait3A_1235 : memref<128x64xf32, #tpu.memory_space<vmem>>)
    %add3A_1242 = arith.constant 6144 : i32
    %add3A_1243 = arith.addi %mul3A_2, %add3A_1242 : i32
    %dma_start3A_1244 = arith.constant 0 : i32
    %dma_start3A_1245 = tpu.memref_slice %arg4[%add3A_1243, %dma_start3A_1244] : memref<262144x64xf32, #tpu.memory_space<hbm>> -> memref<512x64xf32, #tpu.memory_space<hbm>>
    %dma_start3A_1246 = arith.constant 0 : i32
    %dma_start3A_1247 = tpu.memref_slice %arg4[%add3A_1243, %dma_start3A_1246] : memref<262144x64xf32, #tpu.memory_space<hbm>> -> memref<512x64xf32, #tpu.memory_space<hbm>>
    tpu.enqueue_dma source(%arg8 : memref<512x64xf32, #tpu.memory_space<vmem>>) target(%dma_start3A_1247 : memref<512x64xf32, #tpu.memory_space<hbm>>) target_semaphore(%arg12 : memref<!tpu.dma_semaphore, #tpu.memory_space<semaphore_mem>>)
    %dma_wait3A_1248 = arith.constant 0 : i32
    %dma_wait3A_1249 = tpu.memref_slice %arg4[%add3A_1051, %dma_wait3A_1248] : memref<262144x64xf32, #tpu.memory_space<hbm>> -> memref<512x64xf32, #tpu.memory_space<hbm>>
    %dma_wait3A_1250 = arith.constant 0 : i32
    %dma_wait3A_1251 = tpu.memref_slice %arg4[%add3A_1051, %dma_wait3A_1250] : memref<262144x64xf32, #tpu.memory_space<hbm>> -> memref<512x64xf32, #tpu.memory_space<hbm>>
    tpu.wait_dma2 semaphore(%arg12 : memref<!tpu.dma_semaphore, #tpu.memory_space<semaphore_mem>>) src(%arg9 : memref<512x64xf32, #tpu.memory_space<vmem>>) dst(%dma_wait3A_1251 : memref<512x64xf32, #tpu.memory_space<hbm>>)
    %dma_start3A_1252 = arith.constant 0 : i32
    %dma_start3A_1253 = arith.constant 0 : i32
    %dma_start3A_1254 = arith.constant 0 : i32
    %dma_start3A_1255 = tpu.memref_slice %arg9[%dma_start3A_1253, %dma_start3A_1254] : memref<512x64xf32, #tpu.memory_space<vmem>> -> memref<128x64xf32, #tpu.memory_space<vmem>>
    %dma_start3A_1256 = arith.constant 0 : i32
    %dma_start3A_1257 = tpu.memref_slice %arg7[%dma_start3A_1252, %dma_start3A_1256] : memref<4x128xi32, #tpu.memory_space<vmem>> -> memref<1x128xi32, #tpu.memory_space<vmem>>
    %dma_start3A_1258 = tpu.memref_squeeze %dma_start3A_1257 : memref<1x128xi32, #tpu.memory_space<vmem>> -> memref<128xi32, #tpu.memory_space<vmem>>
    %dma_start3A_1259 = arith.constant 0 : i32
    %dma_start3A_1260 = arith.constant 0 : i32
    %dma_start3A_1261 = tpu.memref_slice %arg3[%dma_start3A_1259, %dma_start3A_1260] : memref<32768x64xf32, #tpu.memory_space<hbm>> -> memref<32768x64xf32, #tpu.memory_space<hbm>>
    tpu.enqueue_indirect_dma source(%dma_start3A_1261 : memref<32768x64xf32, #tpu.memory_space<hbm>>) target(%dma_start3A_1255 : memref<128x64xf32, #tpu.memory_space<vmem>>) offsets(%dma_start3A_1258 : memref<128xi32, #tpu.memory_space<vmem>>) semaphore(%arg11 : memref<!tpu.dma_semaphore, #tpu.memory_space<semaphore_mem>>)
    %dma_start3A_1262 = arith.constant 1 : i32
    %dma_start3A_1263 = arith.constant 128 : i32
    %dma_start3A_1264 = arith.constant 0 : i32
    %dma_start3A_1265 = tpu.memref_slice %arg9[%dma_start3A_1263, %dma_start3A_1264] : memref<512x64xf32, #tpu.memory_space<vmem>> -> memref<128x64xf32, #tpu.memory_space<vmem>>
    %dma_start3A_1266 = arith.constant 0 : i32
    %dma_start3A_1267 = tpu.memref_slice %arg7[%dma_start3A_1262, %dma_start3A_1266] : memref<4x128xi32, #tpu.memory_space<vmem>> -> memref<1x128xi32, #tpu.memory_space<vmem>>
    %dma_start3A_1268 = tpu.memref_squeeze %dma_start3A_1267 : memref<1x128xi32, #tpu.memory_space<vmem>> -> memref<128xi32, #tpu.memory_space<vmem>>
    %dma_start3A_1269 = arith.constant 0 : i32
    %dma_start3A_1270 = arith.constant 0 : i32
    %dma_start3A_1271 = tpu.memref_slice %arg3[%dma_start3A_1269, %dma_start3A_1270] : memref<32768x64xf32, #tpu.memory_space<hbm>> -> memref<32768x64xf32, #tpu.memory_space<hbm>>
    tpu.enqueue_indirect_dma source(%dma_start3A_1271 : memref<32768x64xf32, #tpu.memory_space<hbm>>) target(%dma_start3A_1265 : memref<128x64xf32, #tpu.memory_space<vmem>>) offsets(%dma_start3A_1268 : memref<128xi32, #tpu.memory_space<vmem>>) semaphore(%arg11 : memref<!tpu.dma_semaphore, #tpu.memory_space<semaphore_mem>>)
    %dma_start3A_1272 = arith.constant 2 : i32
    %dma_start3A_1273 = arith.constant 256 : i32
    %dma_start3A_1274 = arith.constant 0 : i32
    %dma_start3A_1275 = tpu.memref_slice %arg9[%dma_start3A_1273, %dma_start3A_1274] : memref<512x64xf32, #tpu.memory_space<vmem>> -> memref<128x64xf32, #tpu.memory_space<vmem>>
    %dma_start3A_1276 = arith.constant 0 : i32
    %dma_start3A_1277 = tpu.memref_slice %arg7[%dma_start3A_1272, %dma_start3A_1276] : memref<4x128xi32, #tpu.memory_space<vmem>> -> memref<1x128xi32, #tpu.memory_space<vmem>>
    %dma_start3A_1278 = tpu.memref_squeeze %dma_start3A_1277 : memref<1x128xi32, #tpu.memory_space<vmem>> -> memref<128xi32, #tpu.memory_space<vmem>>
    %dma_start3A_1279 = arith.constant 0 : i32
    %dma_start3A_1280 = arith.constant 0 : i32
    %dma_start3A_1281 = tpu.memref_slice %arg3[%dma_start3A_1279, %dma_start3A_1280] : memref<32768x64xf32, #tpu.memory_space<hbm>> -> memref<32768x64xf32, #tpu.memory_space<hbm>>
    tpu.enqueue_indirect_dma source(%dma_start3A_1281 : memref<32768x64xf32, #tpu.memory_space<hbm>>) target(%dma_start3A_1275 : memref<128x64xf32, #tpu.memory_space<vmem>>) offsets(%dma_start3A_1278 : memref<128xi32, #tpu.memory_space<vmem>>) semaphore(%arg11 : memref<!tpu.dma_semaphore, #tpu.memory_space<semaphore_mem>>)
    %dma_start3A_1282 = arith.constant 3 : i32
    %dma_start3A_1283 = arith.constant 384 : i32
    %dma_start3A_1284 = arith.constant 0 : i32
    %dma_start3A_1285 = tpu.memref_slice %arg9[%dma_start3A_1283, %dma_start3A_1284] : memref<512x64xf32, #tpu.memory_space<vmem>> -> memref<128x64xf32, #tpu.memory_space<vmem>>
    %dma_start3A_1286 = arith.constant 0 : i32
    %dma_start3A_1287 = tpu.memref_slice %arg7[%dma_start3A_1282, %dma_start3A_1286] : memref<4x128xi32, #tpu.memory_space<vmem>> -> memref<1x128xi32, #tpu.memory_space<vmem>>
    %dma_start3A_1288 = tpu.memref_squeeze %dma_start3A_1287 : memref<1x128xi32, #tpu.memory_space<vmem>> -> memref<128xi32, #tpu.memory_space<vmem>>
    %dma_start3A_1289 = arith.constant 0 : i32
    %dma_start3A_1290 = arith.constant 0 : i32
    %dma_start3A_1291 = tpu.memref_slice %arg3[%dma_start3A_1289, %dma_start3A_1290] : memref<32768x64xf32, #tpu.memory_space<hbm>> -> memref<32768x64xf32, #tpu.memory_space<hbm>>
    tpu.enqueue_indirect_dma source(%dma_start3A_1291 : memref<32768x64xf32, #tpu.memory_space<hbm>>) target(%dma_start3A_1285 : memref<128x64xf32, #tpu.memory_space<vmem>>) offsets(%dma_start3A_1288 : memref<128xi32, #tpu.memory_space<vmem>>) semaphore(%arg11 : memref<!tpu.dma_semaphore, #tpu.memory_space<semaphore_mem>>)
    %scan3A_1292 = arith.constant 0 : i32
    %scan3A_1293 = arith.constant 0 : i32
    %scan3A_1294 = arith.constant 32 : i32
    %scan3A_1295 = arith.addi %scan3A_1293, %scan3A_1294 : i32
    %scan3A_1296 = arith.constant 1 : i32
    scf.for %scan3A_1538 = %scan3A_1293 to %scan3A_1295 step %scan3A_1296  : i32 {
      %mul3A_1539 = arith.constant 16 : i32
      %mul3A_1540 = arith.muli %scan3A_1538, %mul3A_1539 : i32
      %add3A_1541 = arith.constant 7168 : i32
      %add3A_1542 = arith.addi %add3A_1541, %mul3A_1540 : i32
      %get3A = arith.index_cast %add3A_1542 : i32 to index
      %get3A_1543 = tpu.vector_load %arg5[%get3A] {strides = array<i32>} : memref<24576xf32, #tpu.memory_space<vmem>>, vector<16xf32>,
      %max3A = arith.constant 0.000000e+00 : f32
      %max3A_1544 = vector.broadcast %max3A : f32 to vector<16xf32>
      %max3A_1545 = arith.maximumf %get3A_1543, %max3A_1544 : vector<16xf32>
      %min3A = arith.constant 1.000000e+00 : f32
      %min3A_1546 = vector.broadcast %min3A : f32 to vector<16xf32>
      %min3A_1547 = arith.minimumf %max3A_1545, %min3A_1546 : vector<16xf32>
      %mul3A_1548 = arith.constant 3.200000e+01 : f32
      %mul3A_1549 = vector.broadcast %mul3A_1548 : f32 to vector<16xf32>
      %mul3A_1550 = arith.mulf %min3A_1547, %mul3A_1549 : vector<16xf32>
      %convert_element_type3A = arith.fptosi %mul3A_1550 : vector<16xf32> to vector<16xi32>
      %min3A_1551 = arith.constant 31 : i32
      %min3A_1552 = vector.broadcast %min3A_1551 : i32 to vector<16xi32>
      %min3A_1553 = arith.minsi %convert_element_type3A, %min3A_1552 : vector<16xi32>
      %add3A_1554 = arith.constant 8192 : i32
      %add3A_1555 = arith.addi %add3A_1554, %add3A_1542 : i32
      %get3A_1556 = arith.index_cast %add3A_1555 : i32 to index
      %get3A_1557 = tpu.vector_load %arg5[%get3A_1556] {strides = array<i32>} : memref<24576xf32, #tpu.memory_space<vmem>>, vector<16xf32>,
      %max3A_1558 = arith.constant 0.000000e+00 : f32
      %max3A_1559 = vector.broadcast %max3A_1558 : f32 to vector<16xf32>
      %max3A_1560 = arith.maximumf %get3A_1557, %max3A_1559 : vector<16xf32>
      %min3A_1561 = arith.constant 1.000000e+00 : f32
      %min3A_1562 = vector.broadcast %min3A_1561 : f32 to vector<16xf32>
      %min3A_1563 = arith.minimumf %max3A_1560, %min3A_1562 : vector<16xf32>
      %mul3A_1564 = arith.constant 3.200000e+01 : f32
      %mul3A_1565 = vector.broadcast %mul3A_1564 : f32 to vector<16xf32>
      %mul3A_1566 = arith.mulf %min3A_1563, %mul3A_1565 : vector<16xf32>
      %convert_element_type3A_1567 = arith.fptosi %mul3A_1566 : vector<16xf32> to vector<16xi32>
      %min3A_1568 = arith.constant 31 : i32
      %min3A_1569 = vector.broadcast %min3A_1568 : i32 to vector<16xi32>
      %min3A_1570 = arith.minsi %convert_element_type3A_1567, %min3A_1569 : vector<16xi32>
      %add3A_1571 = arith.constant 16384 : i32
      %add3A_1572 = arith.addi %add3A_1571, %add3A_1542 : i32
      %get3A_1573 = arith.index_cast %add3A_1572 : i32 to index
      %get3A_1574 = tpu.vector_load %arg5[%get3A_1573] {strides = array<i32>} : memref<24576xf32, #tpu.memory_space<vmem>>, vector<16xf32>,
      %max3A_1575 = arith.constant 0.000000e+00 : f32
      %max3A_1576 = vector.broadcast %max3A_1575 : f32 to vector<16xf32>
      %max3A_1577 = arith.maximumf %get3A_1574, %max3A_1576 : vector<16xf32>
      %min3A_1578 = arith.constant 1.000000e+00 : f32
      %min3A_1579 = vector.broadcast %min3A_1578 : f32 to vector<16xf32>
      %min3A_1580 = arith.minimumf %max3A_1577, %min3A_1579 : vector<16xf32>
      %mul3A_1581 = arith.constant 3.200000e+01 : f32
      %mul3A_1582 = vector.broadcast %mul3A_1581 : f32 to vector<16xf32>
      %mul3A_1583 = arith.mulf %min3A_1580, %mul3A_1582 : vector<16xf32>
      %convert_element_type3A_1584 = arith.fptosi %mul3A_1583 : vector<16xf32> to vector<16xi32>
      %min3A_1585 = arith.constant 31 : i32
      %min3A_1586 = vector.broadcast %min3A_1585 : i32 to vector<16xi32>
      %min3A_1587 = arith.minsi %convert_element_type3A_1584, %min3A_1586 : vector<16xi32>
      %mul3A_1588 = arith.constant 32 : i32
      %mul3A_1589 = vector.broadcast %mul3A_1588 : i32 to vector<16xi32>
      %mul3A_1590 = arith.muli %min3A_1553, %mul3A_1589 : vector<16xi32>
      %add3A_1591 = arith.addi %mul3A_1590, %min3A_1570 : vector<16xi32>
      %mul3A_1592 = arith.constant 32 : i32
      %mul3A_1593 = vector.broadcast %mul3A_1592 : i32 to vector<16xi32>
      %mul3A_1594 = arith.muli %add3A_1591, %mul3A_1593 : vector<16xi32>
      %add3A_1595 = arith.addi %mul3A_1594, %min3A_1587 : vector<16xi32>
      %jit3A = arith.constant 8 : i32
      %div3A = arith.divsi %scan3A_1538, %jit3A : i32
      %sign3A = arith.constant 0 : i32
      %sign3A_1596 = arith.cmpi sgt, %scan3A_1538, %sign3A : i32
      %sign3A_1597 = arith.extui %sign3A_1596 : i1 to i32
      %sign3A_1598 = arith.constant 0 : i32
      %sign3A_1599 = arith.cmpi slt, %scan3A_1538, %sign3A_1598 : i32
      %sign3A_1600 = arith.extui %sign3A_1599 : i1 to i32
      %sign3A_1601 = arith.subi %sign3A_1597, %sign3A_1600 : i32
      %sign3A_1602 = arith.constant 0 : i32
      %sign3A_1603 = arith.cmpi sgt, %jit3A, %sign3A_1602 : i32
      %sign3A_1604 = arith.extui %sign3A_1603 : i1 to i32
      %sign3A_1605 = arith.constant 0 : i32
      %sign3A_1606 = arith.cmpi slt, %jit3A, %sign3A_1605 : i32
      %sign3A_1607 = arith.extui %sign3A_1606 : i1 to i32
      %sign3A_1608 = arith.subi %sign3A_1604, %sign3A_1607 : i32
      %ne3A = arith.cmpi ne, %sign3A_1601, %sign3A_1608 : i32
      %rem3A = arith.remsi %scan3A_1538, %jit3A : i32
      %ne3A_1609 = arith.constant 0 : i32
      %ne3A_1610 = arith.cmpi ne, %rem3A, %ne3A_1609 : i32
      %and3A = arith.andi %ne3A, %ne3A_1610 : i1
      %sub3A = arith.constant 1 : i32
      %sub3A_1611 = arith.subi %div3A, %sub3A : i32
      %select_n3A = arith.select %and3A, %sub3A_1611, %div3A : i32
      %jit3A_1612 = arith.constant 8 : i32
      %eq3A = arith.constant 0 : i32
      %eq3A_1613 = arith.cmpi eq, %jit3A_1612, %eq3A : i32
      %jit3A_1614 = arith.constant 1 : i32
      %select_n3A_1615 = arith.select %eq3A_1613, %jit3A_1614, %jit3A_1612 : i32
      %rem3A_1616 = arith.remsi %scan3A_1538, %select_n3A_1615 : i32
      %ne3A_1617 = arith.constant 0 : i32
      %ne3A_1618 = arith.cmpi ne, %rem3A_1616, %ne3A_1617 : i32
      %lt3A = arith.constant 0 : i32
      %lt3A_1619 = arith.cmpi slt, %rem3A_1616, %lt3A : i32
      %lt3A_1620 = arith.constant 0 : i32
      %lt3A_1621 = arith.cmpi slt, %select_n3A_1615, %lt3A_1620 : i32
      %ne3A_1622 = arith.xori %lt3A_1619, %lt3A_1621 : i1
      %and3A_1623 = arith.andi %ne3A_1622, %ne3A_1618 : i1
      %add3A_1624 = arith.addi %rem3A_1616, %select_n3A_1615 : i32
      %select_n3A_1625 = arith.select %and3A_1623, %add3A_1624, %rem3A_1616 : i32
      %mul3A_1626 = arith.constant 16 : i32
      %mul3A_1627 = arith.muli %select_n3A_1625, %mul3A_1626 : i32
      %swap3A = arith.index_cast %select_n3A : i32 to index
      %swap3A_1628 = arith.index_cast %mul3A_1627 : i32 to index
      %swap3A_1629 = tpu.vector_load %arg6[%swap3A, %swap3A_1628] {strides = array<i32>} : memref<4x128xi32, #tpu.memory_space<vmem>>, vector<16xi32>,
      tpu.vector_store %arg6[%swap3A, %swap3A_1628], %add3A_1595 {strides = array<i32>} : memref<4x128xi32, #tpu.memory_space<vmem>>, vector<16xi32>,
    }
    %scan3A_1297 = arith.constant 32 : i32
    %dma_wait3A_1298 = arith.constant 0 : i32
    %dma_wait3A_1299 = arith.constant 0 : i32
    %dma_wait3A_1300 = arith.constant 0 : i32
    %dma_wait3A_1301 = tpu.memref_slice %arg9[%dma_wait3A_1299, %dma_wait3A_1300] : memref<512x64xf32, #tpu.memory_space<vmem>> -> memref<128x64xf32, #tpu.memory_space<vmem>>
    %dma_wait3A_1302 = arith.constant 0 : i32
    %dma_wait3A_1303 = tpu.memref_slice %arg7[%dma_wait3A_1298, %dma_wait3A_1302] : memref<4x128xi32, #tpu.memory_space<vmem>> -> memref<1x128xi32, #tpu.memory_space<vmem>>
    %dma_wait3A_1304 = tpu.memref_squeeze %dma_wait3A_1303 : memref<1x128xi32, #tpu.memory_space<vmem>> -> memref<128xi32, #tpu.memory_space<vmem>>
    %dma_wait3A_1305 = arith.constant 0 : i32
    %dma_wait3A_1306 = arith.constant 0 : i32
    %dma_wait3A_1307 = tpu.memref_slice %arg3[%dma_wait3A_1305, %dma_wait3A_1306] : memref<32768x64xf32, #tpu.memory_space<hbm>> -> memref<32768x64xf32, #tpu.memory_space<hbm>>
    tpu.wait_indirect_dma semaphore(%arg11 : memref<!tpu.dma_semaphore, #tpu.memory_space<semaphore_mem>>) src(%dma_wait3A_1307 : memref<32768x64xf32, #tpu.memory_space<hbm>>) dst(%dma_wait3A_1301 : memref<128x64xf32, #tpu.memory_space<vmem>>)
    %dma_wait3A_1308 = arith.constant 1 : i32
    %dma_wait3A_1309 = arith.constant 128 : i32
    %dma_wait3A_1310 = arith.constant 0 : i32
    %dma_wait3A_1311 = tpu.memref_slice %arg9[%dma_wait3A_1309, %dma_wait3A_1310] : memref<512x64xf32, #tpu.memory_space<vmem>> -> memref<128x64xf32, #tpu.memory_space<vmem>>
    %dma_wait3A_1312 = arith.constant 0 : i32
    %dma_wait3A_1313 = tpu.memref_slice %arg7[%dma_wait3A_1308, %dma_wait3A_1312] : memref<4x128xi32, #tpu.memory_space<vmem>> -> memref<1x128xi32, #tpu.memory_space<vmem>>
    %dma_wait3A_1314 = tpu.memref_squeeze %dma_wait3A_1313 : memref<1x128xi32, #tpu.memory_space<vmem>> -> memref<128xi32, #tpu.memory_space<vmem>>
    %dma_wait3A_1315 = arith.constant 0 : i32
    %dma_wait3A_1316 = arith.constant 0 : i32
    %dma_wait3A_1317 = tpu.memref_slice %arg3[%dma_wait3A_1315, %dma_wait3A_1316] : memref<32768x64xf32, #tpu.memory_space<hbm>> -> memref<32768x64xf32, #tpu.memory_space<hbm>>
    tpu.wait_indirect_dma semaphore(%arg11 : memref<!tpu.dma_semaphore, #tpu.memory_space<semaphore_mem>>) src(%dma_wait3A_1317 : memref<32768x64xf32, #tpu.memory_space<hbm>>) dst(%dma_wait3A_1311 : memref<128x64xf32, #tpu.memory_space<vmem>>)
    %dma_wait3A_1318 = arith.constant 2 : i32
    %dma_wait3A_1319 = arith.constant 256 : i32
    %dma_wait3A_1320 = arith.constant 0 : i32
    %dma_wait3A_1321 = tpu.memref_slice %arg9[%dma_wait3A_1319, %dma_wait3A_1320] : memref<512x64xf32, #tpu.memory_space<vmem>> -> memref<128x64xf32, #tpu.memory_space<vmem>>
    %dma_wait3A_1322 = arith.constant 0 : i32
    %dma_wait3A_1323 = tpu.memref_slice %arg7[%dma_wait3A_1318, %dma_wait3A_1322] : memref<4x128xi32, #tpu.memory_space<vmem>> -> memref<1x128xi32, #tpu.memory_space<vmem>>
    %dma_wait3A_1324 = tpu.memref_squeeze %dma_wait3A_1323 : memref<1x128xi32, #tpu.memory_space<vmem>> -> memref<128xi32, #tpu.memory_space<vmem>>
    %dma_wait3A_1325 = arith.constant 0 : i32
    %dma_wait3A_1326 = arith.constant 0 : i32
    %dma_wait3A_1327 = tpu.memref_slice %arg3[%dma_wait3A_1325, %dma_wait3A_1326] : memref<32768x64xf32, #tpu.memory_space<hbm>> -> memref<32768x64xf32, #tpu.memory_space<hbm>>
    tpu.wait_indirect_dma semaphore(%arg11 : memref<!tpu.dma_semaphore, #tpu.memory_space<semaphore_mem>>) src(%dma_wait3A_1327 : memref<32768x64xf32, #tpu.memory_space<hbm>>) dst(%dma_wait3A_1321 : memref<128x64xf32, #tpu.memory_space<vmem>>)
    %dma_wait3A_1328 = arith.constant 3 : i32
    %dma_wait3A_1329 = arith.constant 384 : i32
    %dma_wait3A_1330 = arith.constant 0 : i32
    %dma_wait3A_1331 = tpu.memref_slice %arg9[%dma_wait3A_1329, %dma_wait3A_1330] : memref<512x64xf32, #tpu.memory_space<vmem>> -> memref<128x64xf32, #tpu.memory_space<vmem>>
    %dma_wait3A_1332 = arith.constant 0 : i32
    %dma_wait3A_1333 = tpu.memref_slice %arg7[%dma_wait3A_1328, %dma_wait3A_1332] : memref<4x128xi32, #tpu.memory_space<vmem>> -> memref<1x128xi32, #tpu.memory_space<vmem>>
    %dma_wait3A_1334 = tpu.memref_squeeze %dma_wait3A_1333 : memref<1x128xi32, #tpu.memory_space<vmem>> -> memref<128xi32, #tpu.memory_space<vmem>>
    %dma_wait3A_1335 = arith.constant 0 : i32
    %dma_wait3A_1336 = arith.constant 0 : i32
    %dma_wait3A_1337 = tpu.memref_slice %arg3[%dma_wait3A_1335, %dma_wait3A_1336] : memref<32768x64xf32, #tpu.memory_space<hbm>> -> memref<32768x64xf32, #tpu.memory_space<hbm>>
    tpu.wait_indirect_dma semaphore(%arg11 : memref<!tpu.dma_semaphore, #tpu.memory_space<semaphore_mem>>) src(%dma_wait3A_1337 : memref<32768x64xf32, #tpu.memory_space<hbm>>) dst(%dma_wait3A_1331 : memref<128x64xf32, #tpu.memory_space<vmem>>)
    %add3A_1338 = arith.constant 6656 : i32
    %add3A_1339 = arith.addi %mul3A_2, %add3A_1338 : i32
    %dma_start3A_1340 = arith.constant 0 : i32
    %dma_start3A_1341 = tpu.memref_slice %arg4[%add3A_1339, %dma_start3A_1340] : memref<262144x64xf32, #tpu.memory_space<hbm>> -> memref<512x64xf32, #tpu.memory_space<hbm>>
    %dma_start3A_1342 = arith.constant 0 : i32
    %dma_start3A_1343 = tpu.memref_slice %arg4[%add3A_1339, %dma_start3A_1342] : memref<262144x64xf32, #tpu.memory_space<hbm>> -> memref<512x64xf32, #tpu.memory_space<hbm>>
    tpu.enqueue_dma source(%arg9 : memref<512x64xf32, #tpu.memory_space<vmem>>) target(%dma_start3A_1343 : memref<512x64xf32, #tpu.memory_space<hbm>>) target_semaphore(%arg12 : memref<!tpu.dma_semaphore, #tpu.memory_space<semaphore_mem>>)
    %dma_wait3A_1344 = arith.constant 0 : i32
    %dma_wait3A_1345 = tpu.memref_slice %arg4[%add3A_1147, %dma_wait3A_1344] : memref<262144x64xf32, #tpu.memory_space<hbm>> -> memref<512x64xf32, #tpu.memory_space<hbm>>
    %dma_wait3A_1346 = arith.constant 0 : i32
    %dma_wait3A_1347 = tpu.memref_slice %arg4[%add3A_1147, %dma_wait3A_1346] : memref<262144x64xf32, #tpu.memory_space<hbm>> -> memref<512x64xf32, #tpu.memory_space<hbm>>
    tpu.wait_dma2 semaphore(%arg12 : memref<!tpu.dma_semaphore, #tpu.memory_space<semaphore_mem>>) src(%arg10 : memref<512x64xf32, #tpu.memory_space<vmem>>) dst(%dma_wait3A_1347 : memref<512x64xf32, #tpu.memory_space<hbm>>)
    %dma_start3A_1348 = arith.constant 0 : i32
    %dma_start3A_1349 = arith.constant 0 : i32
    %dma_start3A_1350 = arith.constant 0 : i32
    %dma_start3A_1351 = tpu.memref_slice %arg10[%dma_start3A_1349, %dma_start3A_1350] : memref<512x64xf32, #tpu.memory_space<vmem>> -> memref<128x64xf32, #tpu.memory_space<vmem>>
    %dma_start3A_1352 = arith.constant 0 : i32
    %dma_start3A_1353 = tpu.memref_slice %arg6[%dma_start3A_1348, %dma_start3A_1352] : memref<4x128xi32, #tpu.memory_space<vmem>> -> memref<1x128xi32, #tpu.memory_space<vmem>>
    %dma_start3A_1354 = tpu.memref_squeeze %dma_start3A_1353 : memref<1x128xi32, #tpu.memory_space<vmem>> -> memref<128xi32, #tpu.memory_space<vmem>>
    %dma_start3A_1355 = arith.constant 0 : i32
    %dma_start3A_1356 = arith.constant 0 : i32
    %dma_start3A_1357 = tpu.memref_slice %arg3[%dma_start3A_1355, %dma_start3A_1356] : memref<32768x64xf32, #tpu.memory_space<hbm>> -> memref<32768x64xf32, #tpu.memory_space<hbm>>
    tpu.enqueue_indirect_dma source(%dma_start3A_1357 : memref<32768x64xf32, #tpu.memory_space<hbm>>) target(%dma_start3A_1351 : memref<128x64xf32, #tpu.memory_space<vmem>>) offsets(%dma_start3A_1354 : memref<128xi32, #tpu.memory_space<vmem>>) semaphore(%arg11 : memref<!tpu.dma_semaphore, #tpu.memory_space<semaphore_mem>>)
    %dma_start3A_1358 = arith.constant 1 : i32
    %dma_start3A_1359 = arith.constant 128 : i32
    %dma_start3A_1360 = arith.constant 0 : i32
    %dma_start3A_1361 = tpu.memref_slice %arg10[%dma_start3A_1359, %dma_start3A_1360] : memref<512x64xf32, #tpu.memory_space<vmem>> -> memref<128x64xf32, #tpu.memory_space<vmem>>
    %dma_start3A_1362 = arith.constant 0 : i32
    %dma_start3A_1363 = tpu.memref_slice %arg6[%dma_start3A_1358, %dma_start3A_1362] : memref<4x128xi32, #tpu.memory_space<vmem>> -> memref<1x128xi32, #tpu.memory_space<vmem>>
    %dma_start3A_1364 = tpu.memref_squeeze %dma_start3A_1363 : memref<1x128xi32, #tpu.memory_space<vmem>> -> memref<128xi32, #tpu.memory_space<vmem>>
    %dma_start3A_1365 = arith.constant 0 : i32
    %dma_start3A_1366 = arith.constant 0 : i32
    %dma_start3A_1367 = tpu.memref_slice %arg3[%dma_start3A_1365, %dma_start3A_1366] : memref<32768x64xf32, #tpu.memory_space<hbm>> -> memref<32768x64xf32, #tpu.memory_space<hbm>>
    tpu.enqueue_indirect_dma source(%dma_start3A_1367 : memref<32768x64xf32, #tpu.memory_space<hbm>>) target(%dma_start3A_1361 : memref<128x64xf32, #tpu.memory_space<vmem>>) offsets(%dma_start3A_1364 : memref<128xi32, #tpu.memory_space<vmem>>) semaphore(%arg11 : memref<!tpu.dma_semaphore, #tpu.memory_space<semaphore_mem>>)
    %dma_start3A_1368 = arith.constant 2 : i32
    %dma_start3A_1369 = arith.constant 256 : i32
    %dma_start3A_1370 = arith.constant 0 : i32
    %dma_start3A_1371 = tpu.memref_slice %arg10[%dma_start3A_1369, %dma_start3A_1370] : memref<512x64xf32, #tpu.memory_space<vmem>> -> memref<128x64xf32, #tpu.memory_space<vmem>>
    %dma_start3A_1372 = arith.constant 0 : i32
    %dma_start3A_1373 = tpu.memref_slice %arg6[%dma_start3A_1368, %dma_start3A_1372] : memref<4x128xi32, #tpu.memory_space<vmem>> -> memref<1x128xi32, #tpu.memory_space<vmem>>
    %dma_start3A_1374 = tpu.memref_squeeze %dma_start3A_1373 : memref<1x128xi32, #tpu.memory_space<vmem>> -> memref<128xi32, #tpu.memory_space<vmem>>
    %dma_start3A_1375 = arith.constant 0 : i32
    %dma_start3A_1376 = arith.constant 0 : i32
    %dma_start3A_1377 = tpu.memref_slice %arg3[%dma_start3A_1375, %dma_start3A_1376] : memref<32768x64xf32, #tpu.memory_space<hbm>> -> memref<32768x64xf32, #tpu.memory_space<hbm>>
    tpu.enqueue_indirect_dma source(%dma_start3A_1377 : memref<32768x64xf32, #tpu.memory_space<hbm>>) target(%dma_start3A_1371 : memref<128x64xf32, #tpu.memory_space<vmem>>) offsets(%dma_start3A_1374 : memref<128xi32, #tpu.memory_space<vmem>>) semaphore(%arg11 : memref<!tpu.dma_semaphore, #tpu.memory_space<semaphore_mem>>)
    %dma_start3A_1378 = arith.constant 3 : i32
    %dma_start3A_1379 = arith.constant 384 : i32
    %dma_start3A_1380 = arith.constant 0 : i32
    %dma_start3A_1381 = tpu.memref_slice %arg10[%dma_start3A_1379, %dma_start3A_1380] : memref<512x64xf32, #tpu.memory_space<vmem>> -> memref<128x64xf32, #tpu.memory_space<vmem>>
    %dma_start3A_1382 = arith.constant 0 : i32
    %dma_start3A_1383 = tpu.memref_slice %arg6[%dma_start3A_1378, %dma_start3A_1382] : memref<4x128xi32, #tpu.memory_space<vmem>> -> memref<1x128xi32, #tpu.memory_space<vmem>>
    %dma_start3A_1384 = tpu.memref_squeeze %dma_start3A_1383 : memref<1x128xi32, #tpu.memory_space<vmem>> -> memref<128xi32, #tpu.memory_space<vmem>>
    %dma_start3A_1385 = arith.constant 0 : i32
    %dma_start3A_1386 = arith.constant 0 : i32
    %dma_start3A_1387 = tpu.memref_slice %arg3[%dma_start3A_1385, %dma_start3A_1386] : memref<32768x64xf32, #tpu.memory_space<hbm>> -> memref<32768x64xf32, #tpu.memory_space<hbm>>
    tpu.enqueue_indirect_dma source(%dma_start3A_1387 : memref<32768x64xf32, #tpu.memory_space<hbm>>) target(%dma_start3A_1381 : memref<128x64xf32, #tpu.memory_space<vmem>>) offsets(%dma_start3A_1384 : memref<128xi32, #tpu.memory_space<vmem>>) semaphore(%arg11 : memref<!tpu.dma_semaphore, #tpu.memory_space<semaphore_mem>>)
    %scan3A_1388 = arith.constant 0 : i32
    %scan3A_1389 = arith.constant 0 : i32
    %scan3A_1390 = arith.constant 32 : i32
    %scan3A_1391 = arith.addi %scan3A_1389, %scan3A_1390 : i32
    %scan3A_1392 = arith.constant 1 : i32
    scf.for %scan3A_1538 = %scan3A_1389 to %scan3A_1391 step %scan3A_1392  : i32 {
      %mul3A_1539 = arith.constant 16 : i32
      %mul3A_1540 = arith.muli %scan3A_1538, %mul3A_1539 : i32
      %add3A_1541 = arith.constant 7680 : i32
      %add3A_1542 = arith.addi %add3A_1541, %mul3A_1540 : i32
      %get3A = arith.index_cast %add3A_1542 : i32 to index
      %get3A_1543 = tpu.vector_load %arg5[%get3A] {strides = array<i32>} : memref<24576xf32, #tpu.memory_space<vmem>>, vector<16xf32>,
      %max3A = arith.constant 0.000000e+00 : f32
      %max3A_1544 = vector.broadcast %max3A : f32 to vector<16xf32>
      %max3A_1545 = arith.maximumf %get3A_1543, %max3A_1544 : vector<16xf32>
      %min3A = arith.constant 1.000000e+00 : f32
      %min3A_1546 = vector.broadcast %min3A : f32 to vector<16xf32>
      %min3A_1547 = arith.minimumf %max3A_1545, %min3A_1546 : vector<16xf32>
      %mul3A_1548 = arith.constant 3.200000e+01 : f32
      %mul3A_1549 = vector.broadcast %mul3A_1548 : f32 to vector<16xf32>
      %mul3A_1550 = arith.mulf %min3A_1547, %mul3A_1549 : vector<16xf32>
      %convert_element_type3A = arith.fptosi %mul3A_1550 : vector<16xf32> to vector<16xi32>
      %min3A_1551 = arith.constant 31 : i32
      %min3A_1552 = vector.broadcast %min3A_1551 : i32 to vector<16xi32>
      %min3A_1553 = arith.minsi %convert_element_type3A, %min3A_1552 : vector<16xi32>
      %add3A_1554 = arith.constant 8192 : i32
      %add3A_1555 = arith.addi %add3A_1554, %add3A_1542 : i32
      %get3A_1556 = arith.index_cast %add3A_1555 : i32 to index
      %get3A_1557 = tpu.vector_load %arg5[%get3A_1556] {strides = array<i32>} : memref<24576xf32, #tpu.memory_space<vmem>>, vector<16xf32>,
      %max3A_1558 = arith.constant 0.000000e+00 : f32
      %max3A_1559 = vector.broadcast %max3A_1558 : f32 to vector<16xf32>
      %max3A_1560 = arith.maximumf %get3A_1557, %max3A_1559 : vector<16xf32>
      %min3A_1561 = arith.constant 1.000000e+00 : f32
      %min3A_1562 = vector.broadcast %min3A_1561 : f32 to vector<16xf32>
      %min3A_1563 = arith.minimumf %max3A_1560, %min3A_1562 : vector<16xf32>
      %mul3A_1564 = arith.constant 3.200000e+01 : f32
      %mul3A_1565 = vector.broadcast %mul3A_1564 : f32 to vector<16xf32>
      %mul3A_1566 = arith.mulf %min3A_1563, %mul3A_1565 : vector<16xf32>
      %convert_element_type3A_1567 = arith.fptosi %mul3A_1566 : vector<16xf32> to vector<16xi32>
      %min3A_1568 = arith.constant 31 : i32
      %min3A_1569 = vector.broadcast %min3A_1568 : i32 to vector<16xi32>
      %min3A_1570 = arith.minsi %convert_element_type3A_1567, %min3A_1569 : vector<16xi32>
      %add3A_1571 = arith.constant 16384 : i32
      %add3A_1572 = arith.addi %add3A_1571, %add3A_1542 : i32
      %get3A_1573 = arith.index_cast %add3A_1572 : i32 to index
      %get3A_1574 = tpu.vector_load %arg5[%get3A_1573] {strides = array<i32>} : memref<24576xf32, #tpu.memory_space<vmem>>, vector<16xf32>,
      %max3A_1575 = arith.constant 0.000000e+00 : f32
      %max3A_1576 = vector.broadcast %max3A_1575 : f32 to vector<16xf32>
      %max3A_1577 = arith.maximumf %get3A_1574, %max3A_1576 : vector<16xf32>
      %min3A_1578 = arith.constant 1.000000e+00 : f32
      %min3A_1579 = vector.broadcast %min3A_1578 : f32 to vector<16xf32>
      %min3A_1580 = arith.minimumf %max3A_1577, %min3A_1579 : vector<16xf32>
      %mul3A_1581 = arith.constant 3.200000e+01 : f32
      %mul3A_1582 = vector.broadcast %mul3A_1581 : f32 to vector<16xf32>
      %mul3A_1583 = arith.mulf %min3A_1580, %mul3A_1582 : vector<16xf32>
      %convert_element_type3A_1584 = arith.fptosi %mul3A_1583 : vector<16xf32> to vector<16xi32>
      %min3A_1585 = arith.constant 31 : i32
      %min3A_1586 = vector.broadcast %min3A_1585 : i32 to vector<16xi32>
      %min3A_1587 = arith.minsi %convert_element_type3A_1584, %min3A_1586 : vector<16xi32>
      %mul3A_1588 = arith.constant 32 : i32
      %mul3A_1589 = vector.broadcast %mul3A_1588 : i32 to vector<16xi32>
      %mul3A_1590 = arith.muli %min3A_1553, %mul3A_1589 : vector<16xi32>
      %add3A_1591 = arith.addi %mul3A_1590, %min3A_1570 : vector<16xi32>
      %mul3A_1592 = arith.constant 32 : i32
      %mul3A_1593 = vector.broadcast %mul3A_1592 : i32 to vector<16xi32>
      %mul3A_1594 = arith.muli %add3A_1591, %mul3A_1593 : vector<16xi32>
      %add3A_1595 = arith.addi %mul3A_1594, %min3A_1587 : vector<16xi32>
      %jit3A = arith.constant 8 : i32
      %div3A = arith.divsi %scan3A_1538, %jit3A : i32
      %sign3A = arith.constant 0 : i32
      %sign3A_1596 = arith.cmpi sgt, %scan3A_1538, %sign3A : i32
      %sign3A_1597 = arith.extui %sign3A_1596 : i1 to i32
      %sign3A_1598 = arith.constant 0 : i32
      %sign3A_1599 = arith.cmpi slt, %scan3A_1538, %sign3A_1598 : i32
      %sign3A_1600 = arith.extui %sign3A_1599 : i1 to i32
      %sign3A_1601 = arith.subi %sign3A_1597, %sign3A_1600 : i32
      %sign3A_1602 = arith.constant 0 : i32
      %sign3A_1603 = arith.cmpi sgt, %jit3A, %sign3A_1602 : i32
      %sign3A_1604 = arith.extui %sign3A_1603 : i1 to i32
      %sign3A_1605 = arith.constant 0 : i32
      %sign3A_1606 = arith.cmpi slt, %jit3A, %sign3A_1605 : i32
      %sign3A_1607 = arith.extui %sign3A_1606 : i1 to i32
      %sign3A_1608 = arith.subi %sign3A_1604, %sign3A_1607 : i32
      %ne3A = arith.cmpi ne, %sign3A_1601, %sign3A_1608 : i32
      %rem3A = arith.remsi %scan3A_1538, %jit3A : i32
      %ne3A_1609 = arith.constant 0 : i32
      %ne3A_1610 = arith.cmpi ne, %rem3A, %ne3A_1609 : i32
      %and3A = arith.andi %ne3A, %ne3A_1610 : i1
      %sub3A = arith.constant 1 : i32
      %sub3A_1611 = arith.subi %div3A, %sub3A : i32
      %select_n3A = arith.select %and3A, %sub3A_1611, %div3A : i32
      %jit3A_1612 = arith.constant 8 : i32
      %eq3A = arith.constant 0 : i32
      %eq3A_1613 = arith.cmpi eq, %jit3A_1612, %eq3A : i32
      %jit3A_1614 = arith.constant 1 : i32
      %select_n3A_1615 = arith.select %eq3A_1613, %jit3A_1614, %jit3A_1612 : i32
      %rem3A_1616 = arith.remsi %scan3A_1538, %select_n3A_1615 : i32
      %ne3A_1617 = arith.constant 0 : i32
      %ne3A_1618 = arith.cmpi ne, %rem3A_1616, %ne3A_1617 : i32
      %lt3A = arith.constant 0 : i32
      %lt3A_1619 = arith.cmpi slt, %rem3A_1616, %lt3A : i32
      %lt3A_1620 = arith.constant 0 : i32
      %lt3A_1621 = arith.cmpi slt, %select_n3A_1615, %lt3A_1620 : i32
      %ne3A_1622 = arith.xori %lt3A_1619, %lt3A_1621 : i1
      %and3A_1623 = arith.andi %ne3A_1622, %ne3A_1618 : i1
      %add3A_1624 = arith.addi %rem3A_1616, %select_n3A_1615 : i32
      %select_n3A_1625 = arith.select %and3A_1623, %add3A_1624, %rem3A_1616 : i32
      %mul3A_1626 = arith.constant 16 : i32
      %mul3A_1627 = arith.muli %select_n3A_1625, %mul3A_1626 : i32
      %swap3A = arith.index_cast %select_n3A : i32 to index
      %swap3A_1628 = arith.index_cast %mul3A_1627 : i32 to index
      %swap3A_1629 = tpu.vector_load %arg7[%swap3A, %swap3A_1628] {strides = array<i32>} : memref<4x128xi32, #tpu.memory_space<vmem>>, vector<16xi32>,
      tpu.vector_store %arg7[%swap3A, %swap3A_1628], %add3A_1595 {strides = array<i32>} : memref<4x128xi32, #tpu.memory_space<vmem>>, vector<16xi32>,
    }
    %scan3A_1393 = arith.constant 32 : i32
    %dma_wait3A_1394 = arith.constant 0 : i32
    %dma_wait3A_1395 = arith.constant 0 : i32
    %dma_wait3A_1396 = arith.constant 0 : i32
    %dma_wait3A_1397 = tpu.memref_slice %arg10[%dma_wait3A_1395, %dma_wait3A_1396] : memref<512x64xf32, #tpu.memory_space<vmem>> -> memref<128x64xf32, #tpu.memory_space<vmem>>
    %dma_wait3A_1398 = arith.constant 0 : i32
    %dma_wait3A_1399 = tpu.memref_slice %arg6[%dma_wait3A_1394, %dma_wait3A_1398] : memref<4x128xi32, #tpu.memory_space<vmem>> -> memref<1x128xi32, #tpu.memory_space<vmem>>
    %dma_wait3A_1400 = tpu.memref_squeeze %dma_wait3A_1399 : memref<1x128xi32, #tpu.memory_space<vmem>> -> memref<128xi32, #tpu.memory_space<vmem>>
    %dma_wait3A_1401 = arith.constant 0 : i32
    %dma_wait3A_1402 = arith.constant 0 : i32
    %dma_wait3A_1403 = tpu.memref_slice %arg3[%dma_wait3A_1401, %dma_wait3A_1402] : memref<32768x64xf32, #tpu.memory_space<hbm>> -> memref<32768x64xf32, #tpu.memory_space<hbm>>
    tpu.wait_indirect_dma semaphore(%arg11 : memref<!tpu.dma_semaphore, #tpu.memory_space<semaphore_mem>>) src(%dma_wait3A_1403 : memref<32768x64xf32, #tpu.memory_space<hbm>>) dst(%dma_wait3A_1397 : memref<128x64xf32, #tpu.memory_space<vmem>>)
    %dma_wait3A_1404 = arith.constant 1 : i32
    %dma_wait3A_1405 = arith.constant 128 : i32
    %dma_wait3A_1406 = arith.constant 0 : i32
    %dma_wait3A_1407 = tpu.memref_slice %arg10[%dma_wait3A_1405, %dma_wait3A_1406] : memref<512x64xf32, #tpu.memory_space<vmem>> -> memref<128x64xf32, #tpu.memory_space<vmem>>
    %dma_wait3A_1408 = arith.constant 0 : i32
    %dma_wait3A_1409 = tpu.memref_slice %arg6[%dma_wait3A_1404, %dma_wait3A_1408] : memref<4x128xi32, #tpu.memory_space<vmem>> -> memref<1x128xi32, #tpu.memory_space<vmem>>
    %dma_wait3A_1410 = tpu.memref_squeeze %dma_wait3A_1409 : memref<1x128xi32, #tpu.memory_space<vmem>> -> memref<128xi32, #tpu.memory_space<vmem>>
    %dma_wait3A_1411 = arith.constant 0 : i32
    %dma_wait3A_1412 = arith.constant 0 : i32
    %dma_wait3A_1413 = tpu.memref_slice %arg3[%dma_wait3A_1411, %dma_wait3A_1412] : memref<32768x64xf32, #tpu.memory_space<hbm>> -> memref<32768x64xf32, #tpu.memory_space<hbm>>
    tpu.wait_indirect_dma semaphore(%arg11 : memref<!tpu.dma_semaphore, #tpu.memory_space<semaphore_mem>>) src(%dma_wait3A_1413 : memref<32768x64xf32, #tpu.memory_space<hbm>>) dst(%dma_wait3A_1407 : memref<128x64xf32, #tpu.memory_space<vmem>>)
    %dma_wait3A_1414 = arith.constant 2 : i32
    %dma_wait3A_1415 = arith.constant 256 : i32
    %dma_wait3A_1416 = arith.constant 0 : i32
    %dma_wait3A_1417 = tpu.memref_slice %arg10[%dma_wait3A_1415, %dma_wait3A_1416] : memref<512x64xf32, #tpu.memory_space<vmem>> -> memref<128x64xf32, #tpu.memory_space<vmem>>
    %dma_wait3A_1418 = arith.constant 0 : i32
    %dma_wait3A_1419 = tpu.memref_slice %arg6[%dma_wait3A_1414, %dma_wait3A_1418] : memref<4x128xi32, #tpu.memory_space<vmem>> -> memref<1x128xi32, #tpu.memory_space<vmem>>
    %dma_wait3A_1420 = tpu.memref_squeeze %dma_wait3A_1419 : memref<1x128xi32, #tpu.memory_space<vmem>> -> memref<128xi32, #tpu.memory_space<vmem>>
    %dma_wait3A_1421 = arith.constant 0 : i32
    %dma_wait3A_1422 = arith.constant 0 : i32
    %dma_wait3A_1423 = tpu.memref_slice %arg3[%dma_wait3A_1421, %dma_wait3A_1422] : memref<32768x64xf32, #tpu.memory_space<hbm>> -> memref<32768x64xf32, #tpu.memory_space<hbm>>
    tpu.wait_indirect_dma semaphore(%arg11 : memref<!tpu.dma_semaphore, #tpu.memory_space<semaphore_mem>>) src(%dma_wait3A_1423 : memref<32768x64xf32, #tpu.memory_space<hbm>>) dst(%dma_wait3A_1417 : memref<128x64xf32, #tpu.memory_space<vmem>>)
    %dma_wait3A_1424 = arith.constant 3 : i32
    %dma_wait3A_1425 = arith.constant 384 : i32
    %dma_wait3A_1426 = arith.constant 0 : i32
    %dma_wait3A_1427 = tpu.memref_slice %arg10[%dma_wait3A_1425, %dma_wait3A_1426] : memref<512x64xf32, #tpu.memory_space<vmem>> -> memref<128x64xf32, #tpu.memory_space<vmem>>
    %dma_wait3A_1428 = arith.constant 0 : i32
    %dma_wait3A_1429 = tpu.memref_slice %arg6[%dma_wait3A_1424, %dma_wait3A_1428] : memref<4x128xi32, #tpu.memory_space<vmem>> -> memref<1x128xi32, #tpu.memory_space<vmem>>
    %dma_wait3A_1430 = tpu.memref_squeeze %dma_wait3A_1429 : memref<1x128xi32, #tpu.memory_space<vmem>> -> memref<128xi32, #tpu.memory_space<vmem>>
    %dma_wait3A_1431 = arith.constant 0 : i32
    %dma_wait3A_1432 = arith.constant 0 : i32
    %dma_wait3A_1433 = tpu.memref_slice %arg3[%dma_wait3A_1431, %dma_wait3A_1432] : memref<32768x64xf32, #tpu.memory_space<hbm>> -> memref<32768x64xf32, #tpu.memory_space<hbm>>
    tpu.wait_indirect_dma semaphore(%arg11 : memref<!tpu.dma_semaphore, #tpu.memory_space<semaphore_mem>>) src(%dma_wait3A_1433 : memref<32768x64xf32, #tpu.memory_space<hbm>>) dst(%dma_wait3A_1427 : memref<128x64xf32, #tpu.memory_space<vmem>>)
    %add3A_1434 = arith.constant 7168 : i32
    %add3A_1435 = arith.addi %mul3A_2, %add3A_1434 : i32
    %dma_start3A_1436 = arith.constant 0 : i32
    %dma_start3A_1437 = tpu.memref_slice %arg4[%add3A_1435, %dma_start3A_1436] : memref<262144x64xf32, #tpu.memory_space<hbm>> -> memref<512x64xf32, #tpu.memory_space<hbm>>
    %dma_start3A_1438 = arith.constant 0 : i32
    %dma_start3A_1439 = tpu.memref_slice %arg4[%add3A_1435, %dma_start3A_1438] : memref<262144x64xf32, #tpu.memory_space<hbm>> -> memref<512x64xf32, #tpu.memory_space<hbm>>
    tpu.enqueue_dma source(%arg10 : memref<512x64xf32, #tpu.memory_space<vmem>>) target(%dma_start3A_1439 : memref<512x64xf32, #tpu.memory_space<hbm>>) target_semaphore(%arg12 : memref<!tpu.dma_semaphore, #tpu.memory_space<semaphore_mem>>)
    %dma_wait3A_1440 = arith.constant 0 : i32
    %dma_wait3A_1441 = tpu.memref_slice %arg4[%add3A_1243, %dma_wait3A_1440] : memref<262144x64xf32, #tpu.memory_space<hbm>> -> memref<512x64xf32, #tpu.memory_space<hbm>>
    %dma_wait3A_1442 = arith.constant 0 : i32
    %dma_wait3A_1443 = tpu.memref_slice %arg4[%add3A_1243, %dma_wait3A_1442] : memref<262144x64xf32, #tpu.memory_space<hbm>> -> memref<512x64xf32, #tpu.memory_space<hbm>>
    tpu.wait_dma2 semaphore(%arg12 : memref<!tpu.dma_semaphore, #tpu.memory_space<semaphore_mem>>) src(%arg8 : memref<512x64xf32, #tpu.memory_space<vmem>>) dst(%dma_wait3A_1443 : memref<512x64xf32, #tpu.memory_space<hbm>>)
    %dma_start3A_1444 = arith.constant 0 : i32
    %dma_start3A_1445 = arith.constant 0 : i32
    %dma_start3A_1446 = arith.constant 0 : i32
    %dma_start3A_1447 = tpu.memref_slice %arg8[%dma_start3A_1445, %dma_start3A_1446] : memref<512x64xf32, #tpu.memory_space<vmem>> -> memref<128x64xf32, #tpu.memory_space<vmem>>
    %dma_start3A_1448 = arith.constant 0 : i32
    %dma_start3A_1449 = tpu.memref_slice %arg7[%dma_start3A_1444, %dma_start3A_1448] : memref<4x128xi32, #tpu.memory_space<vmem>> -> memref<1x128xi32, #tpu.memory_space<vmem>>
    %dma_start3A_1450 = tpu.memref_squeeze %dma_start3A_1449 : memref<1x128xi32, #tpu.memory_space<vmem>> -> memref<128xi32, #tpu.memory_space<vmem>>
    %dma_start3A_1451 = arith.constant 0 : i32
    %dma_start3A_1452 = arith.constant 0 : i32
    %dma_start3A_1453 = tpu.memref_slice %arg3[%dma_start3A_1451, %dma_start3A_1452] : memref<32768x64xf32, #tpu.memory_space<hbm>> -> memref<32768x64xf32, #tpu.memory_space<hbm>>
    tpu.enqueue_indirect_dma source(%dma_start3A_1453 : memref<32768x64xf32, #tpu.memory_space<hbm>>) target(%dma_start3A_1447 : memref<128x64xf32, #tpu.memory_space<vmem>>) offsets(%dma_start3A_1450 : memref<128xi32, #tpu.memory_space<vmem>>) semaphore(%arg11 : memref<!tpu.dma_semaphore, #tpu.memory_space<semaphore_mem>>)
    %dma_start3A_1454 = arith.constant 1 : i32
    %dma_start3A_1455 = arith.constant 128 : i32
    %dma_start3A_1456 = arith.constant 0 : i32
    %dma_start3A_1457 = tpu.memref_slice %arg8[%dma_start3A_1455, %dma_start3A_1456] : memref<512x64xf32, #tpu.memory_space<vmem>> -> memref<128x64xf32, #tpu.memory_space<vmem>>
    %dma_start3A_1458 = arith.constant 0 : i32
    %dma_start3A_1459 = tpu.memref_slice %arg7[%dma_start3A_1454, %dma_start3A_1458] : memref<4x128xi32, #tpu.memory_space<vmem>> -> memref<1x128xi32, #tpu.memory_space<vmem>>
    %dma_start3A_1460 = tpu.memref_squeeze %dma_start3A_1459 : memref<1x128xi32, #tpu.memory_space<vmem>> -> memref<128xi32, #tpu.memory_space<vmem>>
    %dma_start3A_1461 = arith.constant 0 : i32
    %dma_start3A_1462 = arith.constant 0 : i32
    %dma_start3A_1463 = tpu.memref_slice %arg3[%dma_start3A_1461, %dma_start3A_1462] : memref<32768x64xf32, #tpu.memory_space<hbm>> -> memref<32768x64xf32, #tpu.memory_space<hbm>>
    tpu.enqueue_indirect_dma source(%dma_start3A_1463 : memref<32768x64xf32, #tpu.memory_space<hbm>>) target(%dma_start3A_1457 : memref<128x64xf32, #tpu.memory_space<vmem>>) offsets(%dma_start3A_1460 : memref<128xi32, #tpu.memory_space<vmem>>) semaphore(%arg11 : memref<!tpu.dma_semaphore, #tpu.memory_space<semaphore_mem>>)
    %dma_start3A_1464 = arith.constant 2 : i32
    %dma_start3A_1465 = arith.constant 256 : i32
    %dma_start3A_1466 = arith.constant 0 : i32
    %dma_start3A_1467 = tpu.memref_slice %arg8[%dma_start3A_1465, %dma_start3A_1466] : memref<512x64xf32, #tpu.memory_space<vmem>> -> memref<128x64xf32, #tpu.memory_space<vmem>>
    %dma_start3A_1468 = arith.constant 0 : i32
    %dma_start3A_1469 = tpu.memref_slice %arg7[%dma_start3A_1464, %dma_start3A_1468] : memref<4x128xi32, #tpu.memory_space<vmem>> -> memref<1x128xi32, #tpu.memory_space<vmem>>
    %dma_start3A_1470 = tpu.memref_squeeze %dma_start3A_1469 : memref<1x128xi32, #tpu.memory_space<vmem>> -> memref<128xi32, #tpu.memory_space<vmem>>
    %dma_start3A_1471 = arith.constant 0 : i32
    %dma_start3A_1472 = arith.constant 0 : i32
    %dma_start3A_1473 = tpu.memref_slice %arg3[%dma_start3A_1471, %dma_start3A_1472] : memref<32768x64xf32, #tpu.memory_space<hbm>> -> memref<32768x64xf32, #tpu.memory_space<hbm>>
    tpu.enqueue_indirect_dma source(%dma_start3A_1473 : memref<32768x64xf32, #tpu.memory_space<hbm>>) target(%dma_start3A_1467 : memref<128x64xf32, #tpu.memory_space<vmem>>) offsets(%dma_start3A_1470 : memref<128xi32, #tpu.memory_space<vmem>>) semaphore(%arg11 : memref<!tpu.dma_semaphore, #tpu.memory_space<semaphore_mem>>)
    %dma_start3A_1474 = arith.constant 3 : i32
    %dma_start3A_1475 = arith.constant 384 : i32
    %dma_start3A_1476 = arith.constant 0 : i32
    %dma_start3A_1477 = tpu.memref_slice %arg8[%dma_start3A_1475, %dma_start3A_1476] : memref<512x64xf32, #tpu.memory_space<vmem>> -> memref<128x64xf32, #tpu.memory_space<vmem>>
    %dma_start3A_1478 = arith.constant 0 : i32
    %dma_start3A_1479 = tpu.memref_slice %arg7[%dma_start3A_1474, %dma_start3A_1478] : memref<4x128xi32, #tpu.memory_space<vmem>> -> memref<1x128xi32, #tpu.memory_space<vmem>>
    %dma_start3A_1480 = tpu.memref_squeeze %dma_start3A_1479 : memref<1x128xi32, #tpu.memory_space<vmem>> -> memref<128xi32, #tpu.memory_space<vmem>>
    %dma_start3A_1481 = arith.constant 0 : i32
    %dma_start3A_1482 = arith.constant 0 : i32
    %dma_start3A_1483 = tpu.memref_slice %arg3[%dma_start3A_1481, %dma_start3A_1482] : memref<32768x64xf32, #tpu.memory_space<hbm>> -> memref<32768x64xf32, #tpu.memory_space<hbm>>
    tpu.enqueue_indirect_dma source(%dma_start3A_1483 : memref<32768x64xf32, #tpu.memory_space<hbm>>) target(%dma_start3A_1477 : memref<128x64xf32, #tpu.memory_space<vmem>>) offsets(%dma_start3A_1480 : memref<128xi32, #tpu.memory_space<vmem>>) semaphore(%arg11 : memref<!tpu.dma_semaphore, #tpu.memory_space<semaphore_mem>>)
    %dma_wait3A_1484 = arith.constant 0 : i32
    %dma_wait3A_1485 = arith.constant 0 : i32
    %dma_wait3A_1486 = arith.constant 0 : i32
    %dma_wait3A_1487 = tpu.memref_slice %arg8[%dma_wait3A_1485, %dma_wait3A_1486] : memref<512x64xf32, #tpu.memory_space<vmem>> -> memref<128x64xf32, #tpu.memory_space<vmem>>
    %dma_wait3A_1488 = arith.constant 0 : i32
    %dma_wait3A_1489 = tpu.memref_slice %arg7[%dma_wait3A_1484, %dma_wait3A_1488] : memref<4x128xi32, #tpu.memory_space<vmem>> -> memref<1x128xi32, #tpu.memory_space<vmem>>
    %dma_wait3A_1490 = tpu.memref_squeeze %dma_wait3A_1489 : memref<1x128xi32, #tpu.memory_space<vmem>> -> memref<128xi32, #tpu.memory_space<vmem>>
    %dma_wait3A_1491 = arith.constant 0 : i32
    %dma_wait3A_1492 = arith.constant 0 : i32
    %dma_wait3A_1493 = tpu.memref_slice %arg3[%dma_wait3A_1491, %dma_wait3A_1492] : memref<32768x64xf32, #tpu.memory_space<hbm>> -> memref<32768x64xf32, #tpu.memory_space<hbm>>
    tpu.wait_indirect_dma semaphore(%arg11 : memref<!tpu.dma_semaphore, #tpu.memory_space<semaphore_mem>>) src(%dma_wait3A_1493 : memref<32768x64xf32, #tpu.memory_space<hbm>>) dst(%dma_wait3A_1487 : memref<128x64xf32, #tpu.memory_space<vmem>>)
    %dma_wait3A_1494 = arith.constant 1 : i32
    %dma_wait3A_1495 = arith.constant 128 : i32
    %dma_wait3A_1496 = arith.constant 0 : i32
    %dma_wait3A_1497 = tpu.memref_slice %arg8[%dma_wait3A_1495, %dma_wait3A_1496] : memref<512x64xf32, #tpu.memory_space<vmem>> -> memref<128x64xf32, #tpu.memory_space<vmem>>
    %dma_wait3A_1498 = arith.constant 0 : i32
    %dma_wait3A_1499 = tpu.memref_slice %arg7[%dma_wait3A_1494, %dma_wait3A_1498] : memref<4x128xi32, #tpu.memory_space<vmem>> -> memref<1x128xi32, #tpu.memory_space<vmem>>
    %dma_wait3A_1500 = tpu.memref_squeeze %dma_wait3A_1499 : memref<1x128xi32, #tpu.memory_space<vmem>> -> memref<128xi32, #tpu.memory_space<vmem>>
    %dma_wait3A_1501 = arith.constant 0 : i32
    %dma_wait3A_1502 = arith.constant 0 : i32
    %dma_wait3A_1503 = tpu.memref_slice %arg3[%dma_wait3A_1501, %dma_wait3A_1502] : memref<32768x64xf32, #tpu.memory_space<hbm>> -> memref<32768x64xf32, #tpu.memory_space<hbm>>
    tpu.wait_indirect_dma semaphore(%arg11 : memref<!tpu.dma_semaphore, #tpu.memory_space<semaphore_mem>>) src(%dma_wait3A_1503 : memref<32768x64xf32, #tpu.memory_space<hbm>>) dst(%dma_wait3A_1497 : memref<128x64xf32, #tpu.memory_space<vmem>>)
    %dma_wait3A_1504 = arith.constant 2 : i32
    %dma_wait3A_1505 = arith.constant 256 : i32
    %dma_wait3A_1506 = arith.constant 0 : i32
    %dma_wait3A_1507 = tpu.memref_slice %arg8[%dma_wait3A_1505, %dma_wait3A_1506] : memref<512x64xf32, #tpu.memory_space<vmem>> -> memref<128x64xf32, #tpu.memory_space<vmem>>
    %dma_wait3A_1508 = arith.constant 0 : i32
    %dma_wait3A_1509 = tpu.memref_slice %arg7[%dma_wait3A_1504, %dma_wait3A_1508] : memref<4x128xi32, #tpu.memory_space<vmem>> -> memref<1x128xi32, #tpu.memory_space<vmem>>
    %dma_wait3A_1510 = tpu.memref_squeeze %dma_wait3A_1509 : memref<1x128xi32, #tpu.memory_space<vmem>> -> memref<128xi32, #tpu.memory_space<vmem>>
    %dma_wait3A_1511 = arith.constant 0 : i32
    %dma_wait3A_1512 = arith.constant 0 : i32
    %dma_wait3A_1513 = tpu.memref_slice %arg3[%dma_wait3A_1511, %dma_wait3A_1512] : memref<32768x64xf32, #tpu.memory_space<hbm>> -> memref<32768x64xf32, #tpu.memory_space<hbm>>
    tpu.wait_indirect_dma semaphore(%arg11 : memref<!tpu.dma_semaphore, #tpu.memory_space<semaphore_mem>>) src(%dma_wait3A_1513 : memref<32768x64xf32, #tpu.memory_space<hbm>>) dst(%dma_wait3A_1507 : memref<128x64xf32, #tpu.memory_space<vmem>>)
    %dma_wait3A_1514 = arith.constant 3 : i32
    %dma_wait3A_1515 = arith.constant 384 : i32
    %dma_wait3A_1516 = arith.constant 0 : i32
    %dma_wait3A_1517 = tpu.memref_slice %arg8[%dma_wait3A_1515, %dma_wait3A_1516] : memref<512x64xf32, #tpu.memory_space<vmem>> -> memref<128x64xf32, #tpu.memory_space<vmem>>
    %dma_wait3A_1518 = arith.constant 0 : i32
    %dma_wait3A_1519 = tpu.memref_slice %arg7[%dma_wait3A_1514, %dma_wait3A_1518] : memref<4x128xi32, #tpu.memory_space<vmem>> -> memref<1x128xi32, #tpu.memory_space<vmem>>
    %dma_wait3A_1520 = tpu.memref_squeeze %dma_wait3A_1519 : memref<1x128xi32, #tpu.memory_space<vmem>> -> memref<128xi32, #tpu.memory_space<vmem>>
    %dma_wait3A_1521 = arith.constant 0 : i32
    %dma_wait3A_1522 = arith.constant 0 : i32
    %dma_wait3A_1523 = tpu.memref_slice %arg3[%dma_wait3A_1521, %dma_wait3A_1522] : memref<32768x64xf32, #tpu.memory_space<hbm>> -> memref<32768x64xf32, #tpu.memory_space<hbm>>
    tpu.wait_indirect_dma semaphore(%arg11 : memref<!tpu.dma_semaphore, #tpu.memory_space<semaphore_mem>>) src(%dma_wait3A_1523 : memref<32768x64xf32, #tpu.memory_space<hbm>>) dst(%dma_wait3A_1517 : memref<128x64xf32, #tpu.memory_space<vmem>>)
    %add3A_1524 = arith.constant 7680 : i32
    %add3A_1525 = arith.addi %mul3A_2, %add3A_1524 : i32
    %dma_start3A_1526 = arith.constant 0 : i32
    %dma_start3A_1527 = tpu.memref_slice %arg4[%add3A_1525, %dma_start3A_1526] : memref<262144x64xf32, #tpu.memory_space<hbm>> -> memref<512x64xf32, #tpu.memory_space<hbm>>
    %dma_start3A_1528 = arith.constant 0 : i32
    %dma_start3A_1529 = tpu.memref_slice %arg4[%add3A_1525, %dma_start3A_1528] : memref<262144x64xf32, #tpu.memory_space<hbm>> -> memref<512x64xf32, #tpu.memory_space<hbm>>
    tpu.enqueue_dma source(%arg8 : memref<512x64xf32, #tpu.memory_space<vmem>>) target(%dma_start3A_1529 : memref<512x64xf32, #tpu.memory_space<hbm>>) target_semaphore(%arg12 : memref<!tpu.dma_semaphore, #tpu.memory_space<semaphore_mem>>)
    %dma_wait3A_1530 = arith.constant 0 : i32
    %dma_wait3A_1531 = tpu.memref_slice %arg4[%add3A_1435, %dma_wait3A_1530] : memref<262144x64xf32, #tpu.memory_space<hbm>> -> memref<512x64xf32, #tpu.memory_space<hbm>>
    %dma_wait3A_1532 = arith.constant 0 : i32
    %dma_wait3A_1533 = tpu.memref_slice %arg4[%add3A_1435, %dma_wait3A_1532] : memref<262144x64xf32, #tpu.memory_space<hbm>> -> memref<512x64xf32, #tpu.memory_space<hbm>>
    tpu.wait_dma2 semaphore(%arg12 : memref<!tpu.dma_semaphore, #tpu.memory_space<semaphore_mem>>) src(%arg10 : memref<512x64xf32, #tpu.memory_space<vmem>>) dst(%dma_wait3A_1533 : memref<512x64xf32, #tpu.memory_space<hbm>>)
    %dma_wait3A_1534 = arith.constant 0 : i32
    %dma_wait3A_1535 = tpu.memref_slice %arg4[%add3A_1525, %dma_wait3A_1534] : memref<262144x64xf32, #tpu.memory_space<hbm>> -> memref<512x64xf32, #tpu.memory_space<hbm>>
    %dma_wait3A_1536 = arith.constant 0 : i32
    %dma_wait3A_1537 = tpu.memref_slice %arg4[%add3A_1525, %dma_wait3A_1536] : memref<262144x64xf32, #tpu.memory_space<hbm>> -> memref<512x64xf32, #tpu.memory_space<hbm>>
    tpu.wait_dma2 semaphore(%arg12 : memref<!tpu.dma_semaphore, #tpu.memory_space<semaphore_mem>>) src(%arg8 : memref<512x64xf32, #tpu.memory_space<vmem>>) dst(%dma_wait3A_1537 : memref<512x64xf32, #tpu.memory_space<hbm>>)
    return
  }
}

</mosaic_0001>

<sc_bundles>
// kernel: kernel.3.cloned.1.call-start
scs
__scs_entry_jumppad:
0x0: {  	(pc) =	sbr.rel $0x88, $3  }
0x1: {  	(tag) =	ssettag $0x0;
	lr =	simm.s32 $0x1  }
0x2: {  	[smem:$0x3F9F] =	sst lr;
	_ =	strace $0xD0000000  }
0x3: {  	_ = 	snop  }
0x4: {  	_ = 	snop  }
0x5: {  	_ = 	snop  }
0x6: {  	_ = 	snop  }
0x7: {  	_ = 	snop  }
__scs_overlays_trampoline_lowered:
0x8: {  	[smem:$0x3FAE] =	sst s0  }
0x9: {  	[smem:$0x3FAF] =	sst s1  }
0xa: {  	[smem:$0x3FB0] =	sst s2  }
0xb: {  	[smem:$0x3FB1] =	sst s3  }
0xc: {  	[smem:$0x3FB2] =	sst s4  }
0xd: {  	[smem:$0x3FB3] =	sst s5  }
0xe: {  	[smem:$0x3FB4] =	sst s6  }
0xf: {  	[smem:$0x3FB5] =	sst s7  }
0x10: {  	[smem:$0x3FB6] =	sst s8  }
0x11: {  	[smem:$0x3FB7] =	sst s9;
	s0 =	simm.s32 @!p0 $0x0  }
0x12: {  	s1 =	sld [smem:$0x3F9D];
	s0 =	simm.s32 @p0 $0x1  }
0x13: {  	[smem:$0x3FB8] =	sst s0;
	s0 =	simm.s32 @!p1 $0x0  }
0x14: {  	s2 =	sld [smem:$0x3F9C];
	s0 =	simm.s32 @p1 $0x1  }
0x15: {  	[smem:$0x3FB9] =	sst s0;
	s0 =	simm.s32 @!p2 $0x0  }
0x16: {  	s3 =	sld [smem:$0x3FDB];
	s0 =	simm.s32 @p2 $0x1  }
0x17: {  	s4 =	simm.s32 $0x1BF5;
	[smem:$0x3FBB] =	sst s0  }
0x18: {  	s0 =	sld [smem:$0x3F9E];
	_ =	swait.ge [sflag:s4], $0x0  }
0x19: {  	s7 =	sld [smem:$0x3F9F]  }
0x1a: {  	s8 =	sadd.s32 $0xFFFFE003, lr  }
0x1b: {  	s9 =	sadd.s32 $0xFFFFFEF7, lr;
	s5 =	simm.s32 $0xFFFFFFFF;
	p2 =	slt.u32 s8, $0xFFFFF086  }
0x1c: {  	p1 =	slt.u32 s9, $0xF7A;
	s5 =	simm.s32 @!p2 $0x0  }
0x1d: {  	s5 =	simm.s32 @p1 $0x1;
	p0 =	seq.s32 s7, s2  }
0x1e: {  	s7 =	smul.u32 @!p0 $0xF7A, s2;
	p2 =	seq.s32 @!p0 s5, $0x0  }
0x1f: {  	s9 =	smul.u32 $0xF7A, s1;
	s8 =	simm.s32 @!p0 $0x1BF5;
	p2 =	por !p2, p0  }
0x20: {  	[sflag:s8] =	ssyncset.s32 @!p0 $0xFFFFF086;
	s6 =	sadd.s32 @!p0 s3, s7;
	s7 =	simm.s32 @!p0 $0x108  }
0x21: {  	s3 =	sadd.s32 s3, s9;
	s6 =	sadd.s32 @!p0 $0x88, s6;
	s7 =	simm.s32 @p2 $0x1082  }
0x22: {  	[simem:s7], [sflag:s8] =	dma.local @!p0 [hbm:s6], $0xF7A  }
0x23: {  	s9 =	sor.u32 $0xD0000000, s2;
	s6 =	simm.s32 $0x108;
	_ =	swait.ge @!p0 [sflag:s8], $0x0  }
0x24: {  	s3 =	sadd.s32 $0x88, s3;
	s6 =	simm.s32 @!p1 $0x1082;
	[sflag:s4] =	ssyncset.s32 $0xFFFFF086  }
0x25: {  	[simem:s6], [sflag:s4] =	dma.local [hbm:s3], $0xF7A  }
0x26: {  	[smem:$0x3F9F] =	sst s1;
	(tag) =	ssettag s2;
	_ =	strace s9  }
0x27: {  	s1 =	sld [smem:$0x3FAF]  }
0x28: {  	s2 =	sld [smem:$0x3FB0]  }
0x29: {  	s4 =	sld [smem:$0x3FB2]  }
0x2a: {  	p0 =	seq.s32 s5, $0x0;
	s5 =	sld [smem:$0x3FB3]  }
0x2b: {  	s6 =	sld [smem:$0x3FB4]  }
0x2c: {  	s7 =	sld [smem:$0x3FB5]  }
0x2d: {  	s3 =	simm.s32 $0x108;
	s8 =	sld [smem:$0x3FB6]  }
0x2e: {  	s3 =	simm.s32 @!p0 $0x1082;
	s9 =	sld [smem:$0x3FB7]  }
0x2f: {  	lr =	sadd.s32 s0, s3;
	s0 =	sld [smem:$0x3FAE]  }
0x30: {  	s3 =	sld [smem:$0x3FB1]  }
0x31: {  	[smem:$0x3FBA] =	sst s10  }
0x32: {  	s10 =	sld [smem:$0x3FB8];
	_ =	sdelay $0x3  }
0x33: {  	p0 =	seq.s32 s10, $0x1;
	s10 =	sld [smem:$0x3FBA];
	_ =	sdelay $0x3  }
0x34: {  	[smem:$0x3FBA] =	sst s10  }
0x35: {  	s10 =	sld [smem:$0x3FB9];
	_ =	sdelay $0x3  }
0x36: {  	p1 =	seq.s32 s10, $0x1;
	s10 =	sld [smem:$0x3FBA];
	_ =	sdelay $0x3  }
0x37: {  	[smem:$0x3FBA] =	sst s10  }
0x38: {  	s10 =	sld [smem:$0x3FBB]  }
0x39: {  	_ = 	snop;
	(pc) =	sbr.ind lr, $3  }
0x3a: {  	_ = 	snop  }
0x3b: {  	_ = 	snop  }
0x3c: {  	p2 =	seq.s32 s10, $0x1;
	s10 =	sld [smem:$0x3FBA]  }
0x3d: {  	_ =	shalt  }
0x3e: {  	_ =	shalt  }
0x3f: {  	_ =	shalt  }
0x40: {  	_ =	shalt  }
0x41: {  	_ =	shalt  }
0x42: {  	_ =	shalt  }
0x43: {  	_ =	shalt  }
0x44: {  	_ =	shalt  }
0x45: {  	_ =	shalt  }
0x46: {  	_ =	shalt  }
0x47: {  	_ =	shalt  }
0x48: {  	_ =	shalt  }
0x49: {  	_ =	shalt  }
0x4a: {  	_ =	shalt  }
0x4b: {  	_ =	shalt  }
0x4c: {  	_ =	shalt  }
0x4d: {  	_ =	shalt  }
0x4e: {  	_ =	shalt  }
0x4f: {  	_ =	shalt  }
0x50: {  	_ =	shalt  }
0x51: {  	_ =	shalt  }
0x52: {  	_ =	shalt  }
0x53: {  	_ =	shalt  }
0x54: {  	_ =	shalt  }
0x55: {  	_ =	shalt  }
0x56: {  	_ =	shalt  }
0x57: {  	_ =	shalt  }
0x58: {  	_ =	shalt  }
0x59: {  	_ =	shalt  }
0x5a: {  	_ =	shalt  }
0x5b: {  	_ =	shalt  }
0x5c: {  	_ =	shalt  }
0x5d: {  	_ =	shalt  }
0x5e: {  	_ =	shalt  }
0x5f: {  	_ =	shalt  }
0x60: {  	_ =	shalt  }
0x61: {  	_ =	shalt  }
0x62: {  	_ =	shalt  }
0x63: {  	_ =	shalt  }
0x64: {  	_ =	shalt  }
0x65: {  	_ =	shalt  }
0x66: {  	_ =	shalt  }
0x67: {  	_ =	shalt  }
0x68: {  	_ =	shalt  }
0x69: {  	_ =	shalt  }
0x6a: {  	_ =	shalt  }
0x6b: {  	_ =	shalt  }
0x6c: {  	_ =	shalt  }
0x6d: {  	_ =	shalt  }
0x6e: {  	_ =	shalt  }
0x6f: {  	_ =	shalt  }
0x70: {  	_ =	shalt  }
0x71: {  	_ =	shalt  }
0x72: {  	_ =	shalt  }
0x73: {  	_ =	shalt  }
0x74: {  	_ =	shalt  }
0x75: {  	_ =	shalt  }
0x76: {  	_ =	shalt  }
0x77: {  	_ =	shalt  }
0x78: {  	_ =	shalt  }
0x79: {  	_ =	shalt  }
0x7a: {  	_ =	shalt  }
0x7b: {  	_ =	shalt  }
0x7c: {  	_ =	shalt  }
0x7d: {  	_ =	shalt  }
0x7e: {  	_ =	shalt  }
0x7f: {  	_ =	shalt  }
0x80: {  	_ =	shalt  }
0x81: {  	_ =	shalt  }
0x82: {  	_ =	shalt  }
0x83: {  	_ =	shalt  }
0x84: {  	_ =	shalt  }
0x85: {  	_ =	shalt  }
0x86: {  	_ =	shalt  }
0x87: {  	_ =	shalt  }
.Lfunc_end0:
.L_simem_size_0:
called_computation.1_lowered:
.L_overlay_start_0:
0x88: {  	s2 =	sld [smem:$0x3FD9]  }
0x89: {  	s3 =	sld [smem:$0x3FFE];
	_ =	sdelay $0x1  }
0x8a: {  	s1 =	srdreg.scid  }
0x8b: {  	s0 =	sand.u32 $0x1, s1  }
0x8c: {  	s17 =	sshll.u32 s0, $0xA;
	s2 =	sadd.s32 s3, s2  }
0x8d: {  	s2 =	sadd.s32 s2, s17  }
0x8e: {  	[smem:$0x3FC6] =	sst s2  }
0x8f: {  	_ = 	snop  }
0x90: {  	s2 =	sld [smem:$0x3FD0];
	(tm) =	ssettm $0x1  }
0x91: {  	s18 =	sld [smem:$0x3FFB];
	_ =	sdelay $0x3  }
0x92: {  	_ =	strace s18  }
0x93: {  	s3 =	sld [smem:$0x3FFC];
	_ =	sdelay $0x3  }
0x94: {  	_ =	strace s3  }
0x95: {  	s3 =	sld [smem:$0x3FFD];
	_ =	sdelay $0x3  }
0x96: {  	_ =	strace s3  }
0x97: {  	_ =	strace $0x8FFFFFFF  }
0x98: {  	s19 =	sld [smem:$0x3FDB];
	_ =	sdelay $0x1  }
0x99: {  	s4 =	simm.s32 $_scs_section_size  }
0x9a: {  	s5 =	simm.s32 $_size__tile_overlayer_lowered;
	s6 =	simm.s32 $_tile_overlayer_lowered  }
0x9b: {  	s22 =	simm.s32 $0x1BFF;
	s21 =	sshll.u32 s6, $0x1;
	s3 =	sadd.s32 s4, s19  }
0x9c: {  	s7 =	simm.s32 $0x0;
	s20 =	sshll.u32 s5, $0x1;
	s5 =	sadd.s32 s21, s3  }
0x9d: {  	[timem:s7], [sflag:s22] =	dma.local [hbm:s5], s20  }
0x9e: {  	_ =	swait.ge [sflag:s22], s20  }
0x9f: {  	s4 =	ssub.s32 $0x0, s20;
	[sflag:s22] =	ssyncset.done $0x0  }
0xa0: {  	[sflag:s22] =	ssyncadd.s32 s4;
	_ =	sdelay $0x1  }
0xa1: {  	s23 =	simm.s32 $0x1B8B  }
0xa2: {  	_ =	swait.ge [sflag:s23], $0x1  }
0xa3: {  	[sflag:s23] =	ssyncset.done $0x0  }
0xa4: {  	s25 =	simm.s32 $0x1B8E;
	s24 =	sld [smem:$0x3FFE];
	[sflag:s23] =	ssyncadd.s32 $0xFFFFFFFF  }
0xa5: {  	s26 =	simm.s32 $execute0_lowered;
	[smem:$0x3FD2] =	sst s25  }
0xa6: {  	s5 =	sshll.u32 s26, $0x1;
	_ =	strace $0x80000046;
	[dreg:$0x1] =	wrdreg $0xFFFFFFFF  }
0xa7: {  	s28 =	simm.s32 $_size_execute0_lowered;
	s3 =	sadd.s32 s3, s5;
	[dreg:$0x0] =	wrdreg $0x0  }
0xa8: {  	s5 =	sshll.u32 s28, $0x1;
	[dreg:$0x2] =	wrdreg s3  }
0xa9: {  	[dreg:$0x3] =	wrdreg s5  }
0xaa: {  	[dreg:$0x4] =	wrdreg $0xC0  }
0xab: {  	_ =	task [dreg:s7], $0x5FFFF  }
0xac: {  	[dreg:$0x1] =	wrdreg $0xFFFFFFFF  }
0xad: {  	[dreg:$0x0] =	wrdreg $0x60  }
0xae: {  	[dreg:$0x2] =	wrdreg s24  }
0xaf: {  	[dreg:$0x3] =	wrdreg s2  }
0xb0: {  	[dreg:$0x4] =	wrdreg $0x9  }
0xb1: {  	_ =	task.clear_ibuf [dreg:s7], $0x5FFFF;
	_ =	strace $0x90000046  }
0xb2: {  	s29 =	simm.s32 $0x9;
	_ =	strace $0x80000048  }
0xb3: {  	_ =	swait.ge [sflag:s29], $0x1  }
0xb4: {  	[sflag:s29] =	ssyncadd.s32 $0xFFFFFFFF  }
0xb5: {  	_ =	strace $0x90000048  }
0xb6: {  	_ =	sfence  }
0xb7: {  	s30 =	sld [smem:$0x0];
	_ =	sdelay $0x2  }
0xb8: {  	s31 =	sshll.u32 s1, $0xD;
	s1 =	sshrl.u32 s1, $0x2  }
0xb9: {  	s3 =	sand.u32 $0x4000, s31;
	s1 =	sadd.s32 s1, s30  }
0xba: {  	s0 =	sor.u32 s3, s0;
	s1 =	sshll.u32 s1, $0x11  }
0xbb: {  	s0 =	sor.u32 s1, s0  }
0xbc: {  	s0 =	sadd.s32 $0x8F2B, s0  }
0xbd: {  	[sflag:s0] =	ssyncadd.remote.s32 $0x1  }
0xbe: {  	_ =	sfence.sel $0xFFFF  }
0xbf: {  	[dreg:$0x0] =	wrdreg $0xFFFFFFFF;
	(pc) =	sbr.abs _section_cstart, $3  }
0xc0: {  	[dreg:$0x1] =	wrdreg $0xFFFFFFFF  }
0xc1: {  	_ =	task.clear_ibuf [dreg:s7], $0x2FFFF;
	_ =	strace $0x9FFFFFFF  }
0xc2: {  	(tm) =	ssettm $0x7FFFFFFF  }
0xc3: {  	_ =	shalt  }
tec
execute0_lowered:
.L_overlay_start_1:
0x0: {  	(tag) =	ssettag $0x1  }
0x1: {  	s0 =	srdreg.scid;
	s1 =	rddreg [dreg:$0x0]  }
0x2: {  	s2 =	stileid.u32;
	s4 =	rddreg [dreg:$0x1];
	s0 =	sand.u32 $0x1, s0  }
0x3: {  	s3 =	sshll.u32 s2, $0xE;
	s2 =	simm.s32 $0x0;
	s5 =	sshll.u32 s0, $0xD  }
0x4: {  	[smem:$0x7FF] =	sst s2;
	s0 =	ssub.s32 $0x2, s0;
	s5 =	sor.u32 s5, s3  }
0x5: {  	s8 =	sshrl.u32 s0, $0x1;
	s3 =	sshrl.u32 s5, $0x3;
	s5 =	sshll.u32 s5, $0x3  }
0x6: {  	_ =	strace $0x80000047;
	s0 =	ssub.s32 s0, s8;
	s10 =	sadd.s32 s4, s5  }
0x7: {  	s6 =	sadd.s32 s3, s1;
	s0 =	smax.u32 s0, $0x1;
	[dreg:$0x4] =	wrdreg s10  }
0x8: {  	s9 =	sadd.s32 $0x800, s6;
	[dreg:$0x16] =	wrdreg s0  }
0x9: {  	s11 =	sadd.s32 $0x8800, s6;
	[dreg:$0x3] =	wrdreg s9  }
0xa: {  	s12 =	sadd.s32 $0x10800, s6;
	[dreg:$0x5] =	wrdreg s11  }
0xb: {  	s13 =	sadd.s32 $0x1000, s10;
	[dreg:$0x6] =	wrdreg s12  }
0xc: {  	s14 =	sadd.s32 $0x2000, s10;
	[dreg:$0x7] =	wrdreg s13  }
0xd: {  	s15 =	sadd.s32 $0x3000, s10;
	[dreg:$0x8] =	wrdreg s14  }
0xe: {  	s16 =	sadd.s32 $0x4000, s10;
	[dreg:$0x9] =	wrdreg s15  }
0xf: {  	s17 =	sadd.s32 $0x5000, s10;
	[dreg:$0xa] =	wrdreg s16  }
0x10: {  	s18 =	sadd.s32 $0x6000, s10;
	[dreg:$0xb] =	wrdreg s17  }
0x11: {  	s19 =	sadd.s32 $0x7000, s10;
	[dreg:$0xc] =	wrdreg s18  }
0x12: {  	s28 =	simm.s32 $0x80;
	s20 =	sadd.s32 $0x8000, s10;
	[dreg:$0xd] =	wrdreg s19  }
0x13: {  	s29 =	simm.s32 $0x6000;
	s21 =	sadd.s32 $0x9000, s10;
	[dreg:$0xe] =	wrdreg s20  }
0x14: {  	s30 =	simm.s32 $0x6400;
	s22 =	sadd.s32 $0xA000, s10;
	[dreg:$0xf] =	wrdreg s21  }
0x15: {  	s31 =	simm.s32 $0x6080;
	s23 =	sadd.s32 $0xB000, s10;
	[dreg:$0x10] =	wrdreg s22  }
0x16: {  	s7 =	simm.s32 $0x6200;
	s24 =	sadd.s32 $0xC000, s10;
	[dreg:$0x11] =	wrdreg s23  }
0x17: {  	s8 =	simm.s32 $0xE400;
	s25 =	sadd.s32 $0xD000, s10;
	[dreg:$0x12] =	wrdreg s24  }
0x18: {  	s3 =	sadd.s32 $0x18800, s1;
	s26 =	sadd.s32 $0xE000, s10;
	[dreg:$0x13] =	wrdreg s25  }
0x19: {  	s4 =	simm.s32 $0xC400;
	s1 =	sadd.s32 $0xF000, s10;
	[dreg:$0x14] =	wrdreg s26  }
0x1a: {  	s0 =	simm.s32 $0x6100;
	s6 =	simm.s32 $0x1;
	[dreg:$0x15] =	wrdreg s1  }
0x1b: {  	s24 =	simm.s32 $0x3;
	s1 =	simm.s32 $0x8400;
	s25 =	simm.s32 $0xA400  }
0x1c: {  	s26 =	simm.s32 $0x6180;
	s9 =	simm.s32 $0x6280;
	s11 =	simm.s32 $0x6300  }
0x1d: {  	s12 =	simm.s32 $0x12400;
	s13 =	simm.s32 $0x6380;
	s14 =	simm.s32 $0x14400  }
0x1e: {  	s15 =	simm.s32 $0x16400;
	s16 =	simm.s32 $0x18400;
	s17 =	simm.s32 $0x1A400  }
0x1f: {  	s18 =	simm.s32 $0x1C400;
	s19 =	simm.s32 $0x2;
	s20 =	simm.s32 $0x0  }
.LBB2_1:
0x20: {  	s5 =	rddreg [dreg:$0x3]  }
0x21: {  	[tilespmem:s2], [sflag:$0x3] =	stream.linear.gather [hbm4b:s5+s2], $0x2000, $0x38;
	[tilespmem:$0x1E400] =	vst v63  }
0x22: {  	_ =	swait.ge [sflag:s24], $0x2000  }
0x23: {  	[sflag:s24] =	ssyncset.done $0x0  }
0x24: {  	s10 =	simm.s32 $0x2000;
	s23 =	rddreg [dreg:$0x5];
	[sflag:s24] =	ssyncadd.s32 $0xFFFFE000  }
0x25: {  	[tilespmem:s10], [sflag:$0x3] =	stream.linear.gather [hbm4b:s23+s2], $0x2000, $0x38;
	[tilespmem:$0x1E400] =	vst v63  }
0x26: {  	_ =	swait.ge [sflag:s24], $0x2000  }
0x27: {  	[sflag:s24] =	ssyncset.done $0x0  }
0x28: {  	s21 =	simm.s32 $0x4000;
	s10 =	rddreg [dreg:$0x6];
	[sflag:s24] =	ssyncadd.s32 $0xFFFFE000  }
0x29: {  	[tilespmem:s21], [sflag:$0x3] =	stream.linear.gather [hbm4b:s10+s2], $0x2000, $0x38;
	[tilespmem:$0x1E400] =	vst v63  }
0x2a: {  	_ =	swait.ge [sflag:s24], $0x2000  }
0x2b: {  	[sflag:s24] =	ssyncset.done $0x0  }
0x2c: {  	s22 =	simm.s32 $0x0;
	[sflag:s24] =	ssyncadd.s32 $0xFFFFE000  }
0x2d: {  	v0 =	vld [tilespmem:s22+$0x0]  }
0x2e: {  	v1 =	vld [tilespmem:s22+$0x2000]  }
0x2f: {  	v2 =	vld [tilespmem:s22+$0x4000];
	_ =	sdelay $0x3  }
0x30: {  	v0 =	vmax.f32 v0, $0.0e+00;
	v1 =	vmax.f32 v1, $0.0e+00  }
0x31: {  	v2 =	vmax.f32 v2, $0.0e+00;
	v0 =	vmin.f32 v0, $1.000000000e+00;
	v1 =	vmin.f32 v1, $1.000000000e+00  }
0x32: {  	v2 =	vmin.f32 v2, $1.000000000e+00;
	v0 =	vmul.f32 $3.200000000e+01, v0;
	v1 =	vmul.f32 $3.200000000e+01, v1  }
0x33: {  	v2 =	vmul.f32 $3.200000000e+01, v2  }
0x34: {  	v0 =	vtrunc.f32 v0;
	v1 =	vtrunc.f32 v1  }
0x35: {  	v0 =	vcvt.f32.s32 v0;
	v1 =	vcvt.f32.s32 v1  }
0x36: {  	v2 =	vtrunc.f32 v2  }
0x37: {  	v2 =	vcvt.f32.s32 v2;
	vm0 =	vlt.s32 v0, $0x1F;
	vm1 =	vlt.s32 v1, $0x1F  }
0x38: {  	v0 =	vnsel vm0, $0x1F, v0;
	v1 =	vnsel vm1, $0x1F, v1  }
0x39: {  	s23 =	sand.u32 $0x600, s2;
	vm15 =	vlt.s32 v2, $0x1F;
	v0 =	vshll.u32 v0, $0xA;
	v1 =	vshll.u32 v1, $0x5  }
0x3a: {  	s5 =	sshrl.u32 s23, $0x2;
	s21 =	sand.u32 $0x70, s2;
	v2 =	vnsel vm15, $0x1F, v2;
	v0 =	vadd.s32 v0, v1  }
0x3b: {  	s21 =	sor.u32 s21, s5;
	v0 =	vadd.s32 v2, v0  }
0x3c: {  	s5 =	simm.s32 $0x10;
	[tilespmem:s21+$0x6000] =	vst v0  }
0x3d: {  	s23 =	simm.s32 $0x80;
	s22 =	simm.s32 $0x40;
	s21 =	simm.s32 $0x0;
	v0 =	vld [tilespmem:s5+$0x0]  }
.LBB2_2:
0x3e: {  	p0 =	sne.s32 s23, $0x7C0;
	v1 =	vld [tilespmem:s5+$0x2000]  }
0x3f: {  	v2 =	vld [tilespmem:s5+$0x4000];
	_ =	sdelay $0x3  }
0x40: {  	v0 =	vmax.f32 v0, $0.0e+00;
	v1 =	vmax.f32 v1, $0.0e+00  }
0x41: {  	v0 =	vmin.f32 v0, $1.000000000e+00;
	v1 =	vmin.f32 v1, $1.000000000e+00;
	v2 =	vmax.f32 v2, $0.0e+00  }
0x42: {  	v0 =	vmul.f32 $3.200000000e+01, v0;
	v1 =	vmul.f32 $3.200000000e+01, v1;
	v2 =	vmin.f32 v2, $1.000000000e+00  }
0x43: {  	v2 =	vmul.f32 $3.200000000e+01, v2  }
0x44: {  	v0 =	vtrunc.f32 v0;
	v1 =	vtrunc.f32 v1  }
0x45: {  	v0 =	vcvt.f32.s32 v0;
	v1 =	vcvt.f32.s32 v1  }
0x46: {  	v2 =	vtrunc.f32 v2  }
0x47: {  	vm0 =	vlt.s32 v0, $0x1F;
	v2 =	vcvt.f32.s32 v2;
	vm1 =	vlt.s32 v1, $0x1F  }
0x48: {  	v0 =	vnsel vm0, $0x1F, v0;
	v1 =	vnsel vm1, $0x1F, v1  }
.Ltmp0:
0x49: {  	s21 =	sadd.s32 $0x10, s21;
	s5 =	sand.u32 $0x600, s22;
	vm0 =	vlt.s32 v2, $0x1F;
	v0 =	vshll.u32 v0, $0xA;
	v1 =	vshll.u32 v1, $0x5;
	(pc) =	sbr.rel @p0 .LBB2_2-.Ltmp0, $4  }
0x4a: {  	s10 =	sand.u32 $0x70, s21;
	s22 =	smov.u32 s23;
	s5 =	sshrl.u32 s5, $0x2;
	v2 =	vnsel vm0, $0x1F, v2;
	v0 =	vadd.s32 v0, v1  }
0x4b: {  	s10 =	sor.u32 s10, s5;
	v0 =	vadd.s32 v2, v0  }
0x4c: {  	s5 =	sshra.s32 s23, $0x2;
	[tilespmem:s10+$0x6000] =	vst v0  }
0x4d: {  	s23 =	sadd.s32 $0x40, s23;
	v0 =	vld [tilespmem:s5+$0x0]  }
0x4e: {  	v1 =	vld [tilespmem:s5+$0x2000]  }
0x4f: {  	v2 =	vld [tilespmem:s5+$0x4000];
	_ =	sdelay $0x3  }
0x50: {  	v0 =	vmax.f32 v0, $0.0e+00;
	v1 =	vmax.f32 v1, $0.0e+00  }
0x51: {  	v0 =	vmin.f32 v0, $1.000000000e+00;
	v2 =	vmax.f32 v2, $0.0e+00;
	v1 =	vmin.f32 v1, $1.000000000e+00  }
0x52: {  	v0 =	vmul.f32 $3.200000000e+01, v0;
	v2 =	vmin.f32 v2, $1.000000000e+00;
	v1 =	vmul.f32 $3.200000000e+01, v1  }
0x53: {  	v2 =	vmul.f32 $3.200000000e+01, v2  }
0x54: {  	v0 =	vtrunc.f32 v0;
	v1 =	vtrunc.f32 v1  }
0x55: {  	v0 =	vcvt.f32.s32 v0;
	v1 =	vcvt.f32.s32 v1  }
0x56: {  	v2 =	vtrunc.f32 v2  }
0x57: {  	v2 =	vcvt.f32.s32 v2;
	vm0 =	vlt.s32 v0, $0x1F;
	vm1 =	vlt.s32 v1, $0x1F  }
0x58: {  	v0 =	vnsel vm0, $0x1F, v0;
	v1 =	vnsel vm1, $0x1F, v1  }
0x59: {  	s23 =	sand.u32 $0x600, s22;
	s10 =	sadd.s32 $0x10, s21;
	vm12 =	vlt.s32 v2, $0x1F;
	v0 =	vshll.u32 v0, $0xA;
	v1 =	vshll.u32 v1, $0x5  }
0x5a: {  	s10 =	sand.u32 $0x70, s10;
	s5 =	sshrl.u32 s23, $0x2;
	v2 =	vnsel vm12, $0x1F, v2;
	v0 =	vadd.s32 v0, v1  }
0x5b: {  	s5 =	sor.u32 s10, s5;
	v0 =	vadd.s32 v2, v0  }
0x5c: {  	[tilespmem:s5+$0x6000] =	vst v0  }
0x5d: {  	[tilespmem:s30], [sflag:$0x1] =	stream.indirect.gather [hbm4b:s3+s28], $0x40, s29, s28, $0xb8;
	[tilespmem:$0x1E400] =	vst v63  }
0x5e: {  	_ = 	snop  }
0x5f: {  	[tilespmem:s1], [sflag:$0x1] =	stream.indirect.gather [hbm4b:s3+s28], $0x40, s31, s28, $0xb8;
	[tilespmem:$0x1E400] =	vst v63  }
0x60: {  	_ = 	snop  }
0x61: {  	[tilespmem:s25], [sflag:$0x1] =	stream.indirect.gather [hbm4b:s3+s28], $0x40, s0, s28, $0xb8;
	[tilespmem:$0x1E400] =	vst v63  }
0x62: {  	s21 =	simm.s32 $0x0  }
0x63: {  	[tilespmem:s4], [sflag:$0x1] =	stream.indirect.gather [hbm4b:s3+s28], $0x40, s26, s28, $0xb8;
	[tilespmem:$0x1E400] =	vst v63  }
0x64: {  	v0 =	vld [tilespmem:s21+$0x200]  }
0x65: {  	v1 =	vld [tilespmem:s21+$0x2200]  }
0x66: {  	v2 =	vld [tilespmem:s21+$0x4200];
	_ =	sdelay $0x3  }
0x67: {  	v0 =	vmax.f32 v0, $0.0e+00;
	v1 =	vmax.f32 v1, $0.0e+00  }
0x68: {  	v2 =	vmax.f32 v2, $0.0e+00;
	v0 =	vmin.f32 v0, $1.000000000e+00;
	v1 =	vmin.f32 v1, $1.000000000e+00  }
0x69: {  	v2 =	vmin.f32 v2, $1.000000000e+00;
	v0 =	vmul.f32 $3.200000000e+01, v0;
	v1 =	vmul.f32 $3.200000000e+01, v1  }
0x6a: {  	v2 =	vmul.f32 $3.200000000e+01, v2  }
0x6b: {  	v0 =	vtrunc.f32 v0;
	v1 =	vtrunc.f32 v1  }
0x6c: {  	v0 =	vcvt.f32.s32 v0;
	v1 =	vcvt.f32.s32 v1  }
0x6d: {  	v2 =	vtrunc.f32 v2  }
0x6e: {  	v2 =	vcvt.f32.s32 v2;
	vm13 =	vlt.s32 v0, $0x1F;
	vm14 =	vlt.s32 v1, $0x1F  }
0x6f: {  	s21 =	simm.s32 $0x0;
	v0 =	vnsel vm13, $0x1F, v0;
	v1 =	vnsel vm14, $0x1F, v1  }
0x70: {  	s22 =	sand.u32 $0x600, s21;
	vm15 =	vlt.s32 v2, $0x1F;
	v0 =	vshll.u32 v0, $0xA;
	v1 =	vshll.u32 v1, $0x5  }
0x71: {  	s23 =	sand.u32 $0x70, s21;
	s5 =	sshrl.u32 s22, $0x2;
	v2 =	vnsel vm15, $0x1F, v2;
	v0 =	vadd.s32 v0, v1  }
0x72: {  	s10 =	sor.u32 s23, s5;
	v0 =	vadd.s32 v2, v0  }
0x73: {  	s5 =	simm.s32 $0x10;
	[tilespmem:s10+$0x6200] =	vst v0  }
0x74: {  	s22 =	simm.s32 $0x40;
	s23 =	simm.s32 $0x80;
	v0 =	vld [tilespmem:s5+$0x200]  }
.LBB2_4:
0x75: {  	p0 =	sne.s32 s23, $0x7C0;
	v1 =	vld [tilespmem:s5+$0x2200]  }
0x76: {  	v2 =	vld [tilespmem:s5+$0x4200];
	_ =	sdelay $0x3  }
0x77: {  	v0 =	vmax.f32 v0, $0.0e+00;
	v1 =	vmax.f32 v1, $0.0e+00  }
0x78: {  	v0 =	vmin.f32 v0, $1.000000000e+00;
	v1 =	vmin.f32 v1, $1.000000000e+00;
	v2 =	vmax.f32 v2, $0.0e+00  }
0x79: {  	v0 =	vmul.f32 $3.200000000e+01, v0;
	v1 =	vmul.f32 $3.200000000e+01, v1;
	v2 =	vmin.f32 v2, $1.000000000e+00  }
0x7a: {  	v2 =	vmul.f32 $3.200000000e+01, v2  }
0x7b: {  	v0 =	vtrunc.f32 v0;
	v1 =	vtrunc.f32 v1  }
0x7c: {  	v0 =	vcvt.f32.s32 v0;
	v1 =	vcvt.f32.s32 v1  }
0x7d: {  	v2 =	vtrunc.f32 v2  }
0x7e: {  	vm0 =	vlt.s32 v0, $0x1F;
	v2 =	vcvt.f32.s32 v2;
	vm1 =	vlt.s32 v1, $0x1F  }
0x7f: {  	v0 =	vnsel vm0, $0x1F, v0;
	v1 =	vnsel vm1, $0x1F, v1  }
.Ltmp1:
0x80: {  	s21 =	sadd.s32 $0x10, s21;
	s5 =	sand.u32 $0x600, s22;
	vm0 =	vlt.s32 v2, $0x1F;
	v0 =	vshll.u32 v0, $0xA;
	v1 =	vshll.u32 v1, $0x5;
	(pc) =	sbr.rel @p0 .LBB2_4-.Ltmp1, $4  }
0x81: {  	s10 =	sand.u32 $0x70, s21;
	s22 =	smov.u32 s23;
	s5 =	sshrl.u32 s5, $0x2;
	v2 =	vnsel vm0, $0x1F, v2;
	v0 =	vadd.s32 v0, v1  }
0x82: {  	s10 =	sor.u32 s10, s5;
	v0 =	vadd.s32 v2, v0  }
0x83: {  	s5 =	sshra.s32 s23, $0x2;
	[tilespmem:s10+$0x6200] =	vst v0  }
0x84: {  	s23 =	sadd.s32 $0x40, s23;
	v0 =	vld [tilespmem:s5+$0x200]  }
0x85: {  	v1 =	vld [tilespmem:s5+$0x2200]  }
0x86: {  	v2 =	vld [tilespmem:s5+$0x4200];
	_ =	sdelay $0x3  }
0x87: {  	v0 =	vmax.f32 v0, $0.0e+00;
	v1 =	vmax.f32 v1, $0.0e+00  }
0x88: {  	v0 =	vmin.f32 v0, $1.000000000e+00;
	v2 =	vmax.f32 v2, $0.0e+00;
	v1 =	vmin.f32 v1, $1.000000000e+00  }
0x89: {  	v0 =	vmul.f32 $3.200000000e+01, v0;
	v2 =	vmin.f32 v2, $1.000000000e+00;
	v1 =	vmul.f32 $3.200000000e+01, v1  }
0x8a: {  	v2 =	vmul.f32 $3.200000000e+01, v2  }
0x8b: {  	v0 =	vtrunc.f32 v0;
	v1 =	vtrunc.f32 v1  }
0x8c: {  	v0 =	vcvt.f32.s32 v0;
	v1 =	vcvt.f32.s32 v1  }
0x8d: {  	v2 =	vtrunc.f32 v2  }
0x8e: {  	v2 =	vcvt.f32.s32 v2;
	vm0 =	vlt.s32 v0, $0x1F;
	vm1 =	vlt.s32 v1, $0x1F  }
0x8f: {  	v0 =	vnsel vm0, $0x1F, v0;
	v1 =	vnsel vm1, $0x1F, v1  }
0x90: {  	s23 =	sand.u32 $0x600, s22;
	s10 =	sadd.s32 $0x10, s21;
	vm12 =	vlt.s32 v2, $0x1F;
	v0 =	vshll.u32 v0, $0xA;
	v1 =	vshll.u32 v1, $0x5  }
0x91: {  	s10 =	sand.u32 $0x70, s10;
	s5 =	sshrl.u32 s23, $0x2;
	v2 =	vnsel vm12, $0x1F, v2;
	v0 =	vadd.s32 v0, v1  }
0x92: {  	s5 =	sor.u32 s10, s5;
	v0 =	vadd.s32 v2, v0  }
0x93: {  	[tilespmem:s5+$0x6200] =	vst v0  }
0x94: {  	_ =	swait.ge [sflag:s6], $0x2000  }
0x95: {  	[sflag:s6] =	ssyncset.done $0x0  }
0x96: {  	[sflag:s6] =	ssyncadd.s32 $0xFFFFE000  }
0x97: {  	_ =	swait.ge [sflag:s6], $0x2000  }
0x98: {  	[sflag:s6] =	ssyncset.done $0x0  }
0x99: {  	[sflag:s6] =	ssyncadd.s32 $0xFFFFE000  }
0x9a: {  	_ =	swait.ge [sflag:s6], $0x2000  }
0x9b: {  	[sflag:s6] =	ssyncset.done $0x0  }
0x9c: {  	[sflag:s6] =	ssyncadd.s32 $0xFFFFE000  }
0x9d: {  	_ =	swait.ge [sflag:s6], $0x2000  }
0x9e: {  	[sflag:s6] =	ssyncset.done $0x0  }
0x9f: {  	s21 =	simm.s32 $0x0;
	s22 =	rddreg [dreg:$0x4];
	[sflag:s6] =	ssyncadd.s32 $0xFFFFE000  }
0xa0: {  	[hbm4b:s22+s21] =	stream.linear.scatter [tilespmem:s30], [sflag:$0x2], $0x8000, $0x38;
	[tilespmem:$0x1E400] =	vst v63  }
0xa1: {  	_ = 	snop  }
0xa2: {  	[tilespmem:s8], [sflag:$0x1] =	stream.indirect.gather [hbm4b:s3+s28], $0x40, s7, s28, $0xb8;
	[tilespmem:$0x1E400] =	vst v63  }
0xa3: {  	s23 =	simm.s32 $0x10400  }
0xa4: {  	[tilespmem:s23], [sflag:$0x1] =	stream.indirect.gather [hbm4b:s3+s28], $0x40, s9, s28, $0xb8;
	[tilespmem:$0x1E400] =	vst v63  }
0xa5: {  	_ = 	snop  }
0xa6: {  	[tilespmem:s12], [sflag:$0x1] =	stream.indirect.gather [hbm4b:s3+s28], $0x40, s11, s28, $0xb8;
	[tilespmem:$0x1E400] =	vst v63  }
0xa7: {  	s10 =	simm.s32 $0x0  }
0xa8: {  	[tilespmem:s14], [sflag:$0x1] =	stream.indirect.gather [hbm4b:s3+s28], $0x40, s13, s28, $0xb8;
	[tilespmem:$0x1E400] =	vst v63  }
0xa9: {  	v0 =	vld [tilespmem:s10+$0x400]  }
0xaa: {  	v1 =	vld [tilespmem:s10+$0x2400]  }
0xab: {  	v2 =	vld [tilespmem:s10+$0x4400];
	_ =	sdelay $0x3  }
0xac: {  	v0 =	vmax.f32 v0, $0.0e+00;
	v1 =	vmax.f32 v1, $0.0e+00  }
0xad: {  	v2 =	vmax.f32 v2, $0.0e+00;
	v0 =	vmin.f32 v0, $1.000000000e+00;
	v1 =	vmin.f32 v1, $1.000000000e+00  }
0xae: {  	v2 =	vmin.f32 v2, $1.000000000e+00;
	v0 =	vmul.f32 $3.200000000e+01, v0;
	v1 =	vmul.f32 $3.200000000e+01, v1  }
0xaf: {  	v2 =	vmul.f32 $3.200000000e+01, v2  }
0xb0: {  	v0 =	vtrunc.f32 v0;
	v1 =	vtrunc.f32 v1  }
0xb1: {  	v0 =	vcvt.f32.s32 v0;
	v1 =	vcvt.f32.s32 v1  }
0xb2: {  	v2 =	vtrunc.f32 v2  }
0xb3: {  	v2 =	vcvt.f32.s32 v2;
	vm13 =	vlt.s32 v0, $0x1F;
	vm14 =	vlt.s32 v1, $0x1F  }
0xb4: {  	v0 =	vnsel vm13, $0x1F, v0;
	v1 =	vnsel vm14, $0x1F, v1  }
0xb5: {  	s22 =	sand.u32 $0x600, s21;
	vm15 =	vlt.s32 v2, $0x1F;
	v0 =	vshll.u32 v0, $0xA;
	v1 =	vshll.u32 v1, $0x5  }
0xb6: {  	s5 =	sshrl.u32 s22, $0x2;
	s23 =	sand.u32 $0x70, s21;
	v2 =	vnsel vm15, $0x1F, v2;
	v0 =	vadd.s32 v0, v1  }
0xb7: {  	s10 =	sor.u32 s23, s5;
	v0 =	vadd.s32 v2, v0  }
0xb8: {  	s5 =	simm.s32 $0x10;
	[tilespmem:s10+$0x6000] =	vst v0  }
0xb9: {  	s22 =	simm.s32 $0x40;
	s23 =	simm.s32 $0x80;
	v0 =	vld [tilespmem:s5+$0x400]  }
.LBB2_6:
0xba: {  	p0 =	sne.s32 s23, $0x7C0;
	v1 =	vld [tilespmem:s5+$0x2400]  }
0xbb: {  	v2 =	vld [tilespmem:s5+$0x4400];
	_ =	sdelay $0x3  }
0xbc: {  	v0 =	vmax.f32 v0, $0.0e+00;
	v1 =	vmax.f32 v1, $0.0e+00  }
0xbd: {  	v0 =	vmin.f32 v0, $1.000000000e+00;
	v1 =	vmin.f32 v1, $1.000000000e+00;
	v2 =	vmax.f32 v2, $0.0e+00  }
0xbe: {  	v0 =	vmul.f32 $3.200000000e+01, v0;
	v1 =	vmul.f32 $3.200000000e+01, v1;
	v2 =	vmin.f32 v2, $1.000000000e+00  }
0xbf: {  	v2 =	vmul.f32 $3.200000000e+01, v2  }
0xc0: {  	v0 =	vtrunc.f32 v0;
	v1 =	vtrunc.f32 v1  }
0xc1: {  	v0 =	vcvt.f32.s32 v0;
	v1 =	vcvt.f32.s32 v1  }
0xc2: {  	v2 =	vtrunc.f32 v2  }
0xc3: {  	vm0 =	vlt.s32 v0, $0x1F;
	v2 =	vcvt.f32.s32 v2;
	vm1 =	vlt.s32 v1, $0x1F  }
0xc4: {  	v0 =	vnsel vm0, $0x1F, v0;
	v1 =	vnsel vm1, $0x1F, v1  }
.Ltmp2:
0xc5: {  	s21 =	sadd.s32 $0x10, s21;
	s5 =	sand.u32 $0x600, s22;
	vm0 =	vlt.s32 v2, $0x1F;
	v0 =	vshll.u32 v0, $0xA;
	v1 =	vshll.u32 v1, $0x5;
	(pc) =	sbr.rel @p0 .LBB2_6-.Ltmp2, $4  }
0xc6: {  	s10 =	sand.u32 $0x70, s21;
	s22 =	smov.u32 s23;
	s5 =	sshrl.u32 s5, $0x2;
	v2 =	vnsel vm0, $0x1F, v2;
	v0 =	vadd.s32 v0, v1  }
0xc7: {  	s10 =	sor.u32 s10, s5;
	v0 =	vadd.s32 v2, v0  }
0xc8: {  	s5 =	sshra.s32 s23, $0x2;
	[tilespmem:s10+$0x6000] =	vst v0  }
0xc9: {  	s23 =	sadd.s32 $0x40, s23;
	v0 =	vld [tilespmem:s5+$0x400]  }
0xca: {  	v1 =	vld [tilespmem:s5+$0x2400]  }
0xcb: {  	v2 =	vld [tilespmem:s5+$0x4400];
	_ =	sdelay $0x3  }
0xcc: {  	v0 =	vmax.f32 v0, $0.0e+00;
	v1 =	vmax.f32 v1, $0.0e+00  }
0xcd: {  	v0 =	vmin.f32 v0, $1.000000000e+00;
	v2 =	vmax.f32 v2, $0.0e+00;
	v1 =	vmin.f32 v1, $1.000000000e+00  }
0xce: {  	v0 =	vmul.f32 $3.200000000e+01, v0;
	v2 =	vmin.f32 v2, $1.000000000e+00;
	v1 =	vmul.f32 $3.200000000e+01, v1  }
0xcf: {  	v2 =	vmul.f32 $3.200000000e+01, v2  }
0xd0: {  	v0 =	vtrunc.f32 v0;
	v1 =	vtrunc.f32 v1  }
0xd1: {  	v0 =	vcvt.f32.s32 v0;
	v1 =	vcvt.f32.s32 v1  }
0xd2: {  	v2 =	vtrunc.f32 v2  }
0xd3: {  	v2 =	vcvt.f32.s32 v2;
	vm0 =	vlt.s32 v0, $0x1F;
	vm1 =	vlt.s32 v1, $0x1F  }
0xd4: {  	v0 =	vnsel vm0, $0x1F, v0;
	v1 =	vnsel vm1, $0x1F, v1  }
0xd5: {  	s22 =	sand.u32 $0x600, s22;
	s10 =	sadd.s32 $0x10, s21;
	vm12 =	vlt.s32 v2, $0x1F;
	v0 =	vshll.u32 v0, $0xA;
	v1 =	vshll.u32 v1, $0x5  }
0xd6: {  	s10 =	sand.u32 $0x70, s10;
	s5 =	sshrl.u32 s22, $0x2;
	v2 =	vnsel vm12, $0x1F, v2;
	v0 =	vadd.s32 v0, v1  }
0xd7: {  	s5 =	sor.u32 s10, s5;
	v0 =	vadd.s32 v2, v0  }
0xd8: {  	[tilespmem:s5+$0x6000] =	vst v0  }
0xd9: {  	_ =	swait.ge [sflag:s6], $0x2000  }
0xda: {  	[sflag:s6] =	ssyncset.done $0x0  }
0xdb: {  	[sflag:s6] =	ssyncadd.s32 $0xFFFFE000  }
0xdc: {  	_ =	swait.ge [sflag:s6], $0x2000  }
0xdd: {  	[sflag:s6] =	ssyncset.done $0x0  }
0xde: {  	[sflag:s6] =	ssyncadd.s32 $0xFFFFE000  }
0xdf: {  	_ =	swait.ge [sflag:s6], $0x2000  }
0xe0: {  	[sflag:s6] =	ssyncset.done $0x0  }
0xe1: {  	[sflag:s6] =	ssyncadd.s32 $0xFFFFE000  }
0xe2: {  	_ =	swait.ge [sflag:s6], $0x2000  }
0xe3: {  	[sflag:s6] =	ssyncset.done $0x0  }
0xe4: {  	s21 =	simm.s32 $0x0;
	s23 =	rddreg [dreg:$0x7];
	[sflag:s6] =	ssyncadd.s32 $0xFFFFE000  }
0xe5: {  	[hbm4b:s23+s21] =	stream.linear.scatter [tilespmem:s8], [sflag:$0x2], $0x8000, $0x38;
	[tilespmem:$0x1E400] =	vst v63  }
0xe6: {  	_ = 	snop  }
0xe7: {  	[tilespmem:s15], [sflag:$0x1] =	stream.indirect.gather [hbm4b:s3+s28], $0x40, s29, s28, $0xb8;
	[tilespmem:$0x1E400] =	vst v63  }
0xe8: {  	_ = 	snop  }
0xe9: {  	[tilespmem:s16], [sflag:$0x1] =	stream.indirect.gather [hbm4b:s3+s28], $0x40, s31, s28, $0xb8;
	[tilespmem:$0x1E400] =	vst v63  }
0xea: {  	_ = 	snop  }
0xeb: {  	[tilespmem:s17], [sflag:$0x1] =	stream.indirect.gather [hbm4b:s3+s28], $0x40, s0, s28, $0xb8;
	[tilespmem:$0x1E400] =	vst v63  }
0xec: {  	s10 =	simm.s32 $0x0  }
0xed: {  	[tilespmem:s18], [sflag:$0x1] =	stream.indirect.gather [hbm4b:s3+s28], $0x40, s26, s28, $0xb8;
	[tilespmem:$0x1E400] =	vst v63  }
0xee: {  	v0 =	vld [tilespmem:s10+$0x600]  }
0xef: {  	v1 =	vld [tilespmem:s10+$0x2600]  }
0xf0: {  	v2 =	vld [tilespmem:s10+$0x4600];
	_ =	sdelay $0x3  }
0xf1: {  	v0 =	vmax.f32 v0, $0.0e+00;
	v1 =	vmax.f32 v1, $0.0e+00  }
0xf2: {  	v2 =	vmax.f32 v2, $0.0e+00;
	v0 =	vmin.f32 v0, $1.000000000e+00;
	v1 =	vmin.f32 v1, $1.000000000e+00  }
0xf3: {  	v2 =	vmin.f32 v2, $1.000000000e+00;
	v0 =	vmul.f32 $3.200000000e+01, v0;
	v1 =	vmul.f32 $3.200000000e+01, v1  }
0xf4: {  	v2 =	vmul.f32 $3.200000000e+01, v2  }
0xf5: {  	v0 =	vtrunc.f32 v0;
	v1 =	vtrunc.f32 v1  }
0xf6: {  	v0 =	vcvt.f32.s32 v0;
	v1 =	vcvt.f32.s32 v1  }
0xf7: {  	v2 =	vtrunc.f32 v2  }
0xf8: {  	v2 =	vcvt.f32.s32 v2;
	vm13 =	vlt.s32 v0, $0x1F;
	vm14 =	vlt.s32 v1, $0x1F  }
0xf9: {  	v0 =	vnsel vm13, $0x1F, v0;
	v1 =	vnsel vm14, $0x1F, v1  }
0xfa: {  	s22 =	sand.u32 $0x600, s21;
	vm15 =	vlt.s32 v2, $0x1F;
	v0 =	vshll.u32 v0, $0xA;
	v1 =	vshll.u32 v1, $0x5  }
0xfb: {  	s5 =	sshrl.u32 s22, $0x2;
	s23 =	sand.u32 $0x70, s21;
	v2 =	vnsel vm15, $0x1F, v2;
	v0 =	vadd.s32 v0, v1  }
0xfc: {  	s10 =	sor.u32 s23, s5;
	v0 =	vadd.s32 v2, v0  }
0xfd: {  	s5 =	simm.s32 $0x10;
	[tilespmem:s10+$0x6200] =	vst v0  }
0xfe: {  	s22 =	simm.s32 $0x40;
	s23 =	simm.s32 $0x80;
	v0 =	vld [tilespmem:s5+$0x600]  }
.LBB2_8:
0xff: {  	p0 =	sne.s32 s23, $0x7C0;
	v1 =	vld [tilespmem:s5+$0x2600]  }
0x100: {  	v2 =	vld [tilespmem:s5+$0x4600];
	_ =	sdelay $0x3  }
0x101: {  	v0 =	vmax.f32 v0, $0.0e+00;
	v1 =	vmax.f32 v1, $0.0e+00  }
0x102: {  	v0 =	vmin.f32 v0, $1.000000000e+00;
	v1 =	vmin.f32 v1, $1.000000000e+00;
	v2 =	vmax.f32 v2, $0.0e+00  }
0x103: {  	v0 =	vmul.f32 $3.200000000e+01, v0;
	v1 =	vmul.f32 $3.200000000e+01, v1;
	v2 =	vmin.f32 v2, $1.000000000e+00  }
0x104: {  	v2 =	vmul.f32 $3.200000000e+01, v2  }
0x105: {  	v0 =	vtrunc.f32 v0;
	v1 =	vtrunc.f32 v1  }
0x106: {  	v0 =	vcvt.f32.s32 v0;
	v1 =	vcvt.f32.s32 v1  }
0x107: {  	v2 =	vtrunc.f32 v2  }
0x108: {  	vm0 =	vlt.s32 v0, $0x1F;
	v2 =	vcvt.f32.s32 v2;
	vm1 =	vlt.s32 v1, $0x1F  }
0x109: {  	v0 =	vnsel vm0, $0x1F, v0;
	v1 =	vnsel vm1, $0x1F, v1  }
.Ltmp3:
0x10a: {  	s21 =	sadd.s32 $0x10, s21;
	s5 =	sand.u32 $0x600, s22;
	vm0 =	vlt.s32 v2, $0x1F;
	v0 =	vshll.u32 v0, $0xA;
	v1 =	vshll.u32 v1, $0x5;
	(pc) =	sbr.rel @p0 .LBB2_8-.Ltmp3, $4  }
0x10b: {  	s10 =	sand.u32 $0x70, s21;
	s22 =	smov.u32 s23;
	s5 =	sshrl.u32 s5, $0x2;
	v2 =	vnsel vm0, $0x1F, v2;
	v0 =	vadd.s32 v0, v1  }
0x10c: {  	s10 =	sor.u32 s10, s5;
	v0 =	vadd.s32 v2, v0  }
0x10d: {  	s5 =	sshra.s32 s23, $0x2;
	[tilespmem:s10+$0x6200] =	vst v0  }
0x10e: {  	s23 =	sadd.s32 $0x40, s23;
	v0 =	vld [tilespmem:s5+$0x600]  }
0x10f: {  	v1 =	vld [tilespmem:s5+$0x2600]  }
0x110: {  	v2 =	vld [tilespmem:s5+$0x4600];
	_ =	sdelay $0x3  }
0x111: {  	v0 =	vmax.f32 v0, $0.0e+00;
	v1 =	vmax.f32 v1, $0.0e+00  }
0x112: {  	v0 =	vmin.f32 v0, $1.000000000e+00;
	v2 =	vmax.f32 v2, $0.0e+00;
	v1 =	vmin.f32 v1, $1.000000000e+00  }
0x113: {  	v0 =	vmul.f32 $3.200000000e+01, v0;
	v2 =	vmin.f32 v2, $1.000000000e+00;
	v1 =	vmul.f32 $3.200000000e+01, v1  }
0x114: {  	v2 =	vmul.f32 $3.200000000e+01, v2  }
0x115: {  	v0 =	vtrunc.f32 v0;
	v1 =	vtrunc.f32 v1  }
0x116: {  	v0 =	vcvt.f32.s32 v0;
	v1 =	vcvt.f32.s32 v1  }
0x117: {  	v2 =	vtrunc.f32 v2  }
0x118: {  	v2 =	vcvt.f32.s32 v2;
	vm0 =	vlt.s32 v0, $0x1F;
	vm1 =	vlt.s32 v1, $0x1F  }
0x119: {  	v0 =	vnsel vm0, $0x1F, v0;
	v1 =	vnsel vm1, $0x1F, v1  }
0x11a: {  	s22 =	sand.u32 $0x600, s22;
	s10 =	sadd.s32 $0x10, s21;
	vm12 =	vlt.s32 v2, $0x1F;
	v0 =	vshll.u32 v0, $0xA;
	v1 =	vshll.u32 v1, $0x5  }
0x11b: {  	s10 =	sand.u32 $0x70, s10;
	s5 =	sshrl.u32 s22, $0x2;
	v2 =	vnsel vm12, $0x1F, v2;
	v0 =	vadd.s32 v0, v1  }
0x11c: {  	s5 =	sor.u32 s10, s5;
	v0 =	vadd.s32 v2, v0  }
0x11d: {  	[tilespmem:s5+$0x6200] =	vst v0  }
0x11e: {  	_ =	swait.ge [sflag:s6], $0x2000  }
0x11f: {  	[sflag:s6] =	ssyncset.done $0x0  }
0x120: {  	[sflag:s6] =	ssyncadd.s32 $0xFFFFE000  }
0x121: {  	_ =	swait.ge [sflag:s6], $0x2000  }
0x122: {  	[sflag:s6] =	ssyncset.done $0x0  }
0x123: {  	[sflag:s6] =	ssyncadd.s32 $0xFFFFE000  }
0x124: {  	_ =	swait.ge [sflag:s6], $0x2000  }
0x125: {  	[sflag:s6] =	ssyncset.done $0x0  }
0x126: {  	[sflag:s6] =	ssyncadd.s32 $0xFFFFE000  }
0x127: {  	_ =	swait.ge [sflag:s6], $0x2000  }
0x128: {  	[sflag:s6] =	ssyncset.done $0x0  }
0x129: {  	s21 =	simm.s32 $0x0;
	s23 =	rddreg [dreg:$0x8];
	[sflag:s6] =	ssyncadd.s32 $0xFFFFE000  }
0x12a: {  	[hbm4b:s23+s21] =	stream.linear.scatter [tilespmem:s15], [sflag:$0x2], $0x8000, $0x38;
	[tilespmem:$0x1E400] =	vst v63  }
0x12b: {  	_ =	swait.ge [sflag:s19], $0x8000  }
0x12c: {  	[sflag:s19] =	ssyncset.done $0x0  }
0x12d: {  	[sflag:s19] =	ssyncadd.s32 $0xFFFF8000  }
0x12e: {  	[tilespmem:s30], [sflag:$0x1] =	stream.indirect.gather [hbm4b:s3+s28], $0x40, s7, s28, $0xb8;
	[tilespmem:$0x1E400] =	vst v63  }
0x12f: {  	_ = 	snop  }
0x130: {  	[tilespmem:s1], [sflag:$0x1] =	stream.indirect.gather [hbm4b:s3+s28], $0x40, s9, s28, $0xb8;
	[tilespmem:$0x1E400] =	vst v63  }
0x131: {  	_ = 	snop  }
0x132: {  	[tilespmem:s25], [sflag:$0x1] =	stream.indirect.gather [hbm4b:s3+s28], $0x40, s11, s28, $0xb8;
	[tilespmem:$0x1E400] =	vst v63  }
0x133: {  	s10 =	simm.s32 $0x0  }
0x134: {  	[tilespmem:s4], [sflag:$0x1] =	stream.indirect.gather [hbm4b:s3+s28], $0x40, s13, s28, $0xb8;
	[tilespmem:$0x1E400] =	vst v63  }
0x135: {  	v0 =	vld [tilespmem:s10+$0x800]  }
0x136: {  	v1 =	vld [tilespmem:s10+$0x2800]  }
0x137: {  	v2 =	vld [tilespmem:s10+$0x4800];
	_ =	sdelay $0x3  }
0x138: {  	v0 =	vmax.f32 v0, $0.0e+00;
	v1 =	vmax.f32 v1, $0.0e+00  }
0x139: {  	v2 =	vmax.f32 v2, $0.0e+00;
	v0 =	vmin.f32 v0, $1.000000000e+00;
	v1 =	vmin.f32 v1, $1.000000000e+00  }
0x13a: {  	v2 =	vmin.f32 v2, $1.000000000e+00;
	v0 =	vmul.f32 $3.200000000e+01, v0;
	v1 =	vmul.f32 $3.200000000e+01, v1  }
0x13b: {  	v2 =	vmul.f32 $3.200000000e+01, v2  }
0x13c: {  	v0 =	vtrunc.f32 v0;
	v1 =	vtrunc.f32 v1  }
0x13d: {  	v0 =	vcvt.f32.s32 v0;
	v1 =	vcvt.f32.s32 v1  }
0x13e: {  	v2 =	vtrunc.f32 v2  }
0x13f: {  	v2 =	vcvt.f32.s32 v2;
	vm13 =	vlt.s32 v0, $0x1F;
	vm14 =	vlt.s32 v1, $0x1F  }
0x140: {  	v0 =	vnsel vm13, $0x1F, v0;
	v1 =	vnsel vm14, $0x1F, v1  }
0x141: {  	s22 =	sand.u32 $0x600, s21;
	vm15 =	vlt.s32 v2, $0x1F;
	v0 =	vshll.u32 v0, $0xA;
	v1 =	vshll.u32 v1, $0x5  }
0x142: {  	s5 =	sshrl.u32 s22, $0x2;
	s23 =	sand.u32 $0x70, s21;
	v2 =	vnsel vm15, $0x1F, v2;
	v0 =	vadd.s32 v0, v1  }
0x143: {  	s10 =	sor.u32 s23, s5;
	v0 =	vadd.s32 v2, v0  }
0x144: {  	s5 =	simm.s32 $0x10;
	[tilespmem:s10+$0x6000] =	vst v0  }
0x145: {  	s22 =	simm.s32 $0x40;
	s23 =	simm.s32 $0x80;
	v0 =	vld [tilespmem:s5+$0x800]  }
.LBB2_10:
0x146: {  	p0 =	sne.s32 s23, $0x7C0;
	v1 =	vld [tilespmem:s5+$0x2800]  }
0x147: {  	v2 =	vld [tilespmem:s5+$0x4800];
	_ =	sdelay $0x3  }
0x148: {  	v0 =	vmax.f32 v0, $0.0e+00;
	v1 =	vmax.f32 v1, $0.0e+00  }
0x149: {  	v0 =	vmin.f32 v0, $1.000000000e+00;
	v1 =	vmin.f32 v1, $1.000000000e+00;
	v2 =	vmax.f32 v2, $0.0e+00  }
0x14a: {  	v0 =	vmul.f32 $3.200000000e+01, v0;
	v1 =	vmul.f32 $3.200000000e+01, v1;
	v2 =	vmin.f32 v2, $1.000000000e+00  }
0x14b: {  	v2 =	vmul.f32 $3.200000000e+01, v2  }
0x14c: {  	v0 =	vtrunc.f32 v0;
	v1 =	vtrunc.f32 v1  }
0x14d: {  	v0 =	vcvt.f32.s32 v0;
	v1 =	vcvt.f32.s32 v1  }
0x14e: {  	v2 =	vtrunc.f32 v2  }
0x14f: {  	vm0 =	vlt.s32 v0, $0x1F;
	v2 =	vcvt.f32.s32 v2;
	vm1 =	vlt.s32 v1, $0x1F  }
0x150: {  	v0 =	vnsel vm0, $0x1F, v0;
	v1 =	vnsel vm1, $0x1F, v1  }
.Ltmp4:
0x151: {  	s21 =	sadd.s32 $0x10, s21;
	s5 =	sand.u32 $0x600, s22;
	vm0 =	vlt.s32 v2, $0x1F;
	v0 =	vshll.u32 v0, $0xA;
	v1 =	vshll.u32 v1, $0x5;
	(pc) =	sbr.rel @p0 .LBB2_10-.Ltmp4, $4  }
0x152: {  	s10 =	sand.u32 $0x70, s21;
	s22 =	smov.u32 s23;
	s5 =	sshrl.u32 s5, $0x2;
	v2 =	vnsel vm0, $0x1F, v2;
	v0 =	vadd.s32 v0, v1  }
0x153: {  	s10 =	sor.u32 s10, s5;
	v0 =	vadd.s32 v2, v0  }
0x154: {  	s5 =	sshra.s32 s23, $0x2;
	[tilespmem:s10+$0x6000] =	vst v0  }
0x155: {  	s23 =	sadd.s32 $0x40, s23;
	v0 =	vld [tilespmem:s5+$0x800]  }
0x156: {  	v1 =	vld [tilespmem:s5+$0x2800]  }
0x157: {  	v2 =	vld [tilespmem:s5+$0x4800];
	_ =	sdelay $0x3  }
0x158: {  	v0 =	vmax.f32 v0, $0.0e+00;
	v1 =	vmax.f32 v1, $0.0e+00  }
0x159: {  	v0 =	vmin.f32 v0, $1.000000000e+00;
	v2 =	vmax.f32 v2, $0.0e+00;
	v1 =	vmin.f32 v1, $1.000000000e+00  }
0x15a: {  	v0 =	vmul.f32 $3.200000000e+01, v0;
	v2 =	vmin.f32 v2, $1.000000000e+00;
	v1 =	vmul.f32 $3.200000000e+01, v1  }
0x15b: {  	v2 =	vmul.f32 $3.200000000e+01, v2  }
0x15c: {  	v0 =	vtrunc.f32 v0;
	v1 =	vtrunc.f32 v1  }
0x15d: {  	v0 =	vcvt.f32.s32 v0;
	v1 =	vcvt.f32.s32 v1  }
0x15e: {  	v2 =	vtrunc.f32 v2  }
0x15f: {  	v2 =	vcvt.f32.s32 v2;
	vm0 =	vlt.s32 v0, $0x1F;
	vm1 =	vlt.s32 v1, $0x1F  }
0x160: {  	v0 =	vnsel vm0, $0x1F, v0;
	v1 =	vnsel vm1, $0x1F, v1  }
0x161: {  	s23 =	sand.u32 $0x600, s22;
	s10 =	sadd.s32 $0x10, s21;
	vm12 =	vlt.s32 v2, $0x1F;
	v0 =	vshll.u32 v0, $0xA;
	v1 =	vshll.u32 v1, $0x5  }
0x162: {  	s10 =	sand.u32 $0x70, s10;
	s5 =	sshrl.u32 s23, $0x2;
	v2 =	vnsel vm12, $0x1F, v2;
	v0 =	vadd.s32 v0, v1  }
0x163: {  	s5 =	sor.u32 s10, s5;
	v0 =	vadd.s32 v2, v0  }
0x164: {  	[tilespmem:s5+$0x6000] =	vst v0  }
0x165: {  	_ =	swait.ge [sflag:s6], $0x2000  }
0x166: {  	[sflag:s6] =	ssyncset.done $0x0  }
0x167: {  	[sflag:s6] =	ssyncadd.s32 $0xFFFFE000  }
0x168: {  	_ =	swait.ge [sflag:s6], $0x2000  }
0x169: {  	[sflag:s6] =	ssyncset.done $0x0  }
0x16a: {  	[sflag:s6] =	ssyncadd.s32 $0xFFFFE000  }
0x16b: {  	_ =	swait.ge [sflag:s6], $0x2000  }
0x16c: {  	[sflag:s6] =	ssyncset.done $0x0  }
0x16d: {  	[sflag:s6] =	ssyncadd.s32 $0xFFFFE000  }
0x16e: {  	_ =	swait.ge [sflag:s6], $0x2000  }
0x16f: {  	[sflag:s6] =	ssyncset.done $0x0  }
0x170: {  	s21 =	simm.s32 $0x0;
	s22 =	rddreg [dreg:$0x9];
	[sflag:s6] =	ssyncadd.s32 $0xFFFFE000  }
0x171: {  	[hbm4b:s22+s21] =	stream.linear.scatter [tilespmem:s30], [sflag:$0x2], $0x8000, $0x38;
	[tilespmem:$0x1E400] =	vst v63  }
0x172: {  	_ =	swait.ge [sflag:s19], $0x8000  }
0x173: {  	[sflag:s19] =	ssyncset.done $0x0  }
0x174: {  	[sflag:s19] =	ssyncadd.s32 $0xFFFF8000  }
0x175: {  	[tilespmem:s8], [sflag:$0x1] =	stream.indirect.gather [hbm4b:s3+s28], $0x40, s29, s28, $0xb8;
	[tilespmem:$0x1E400] =	vst v63  }
0x176: {  	s23 =	simm.s32 $0x10400  }
0x177: {  	[tilespmem:s23], [sflag:$0x1] =	stream.indirect.gather [hbm4b:s3+s28], $0x40, s31, s28, $0xb8;
	[tilespmem:$0x1E400] =	vst v63  }
0x178: {  	_ = 	snop  }
0x179: {  	[tilespmem:s12], [sflag:$0x1] =	stream.indirect.gather [hbm4b:s3+s28], $0x40, s0, s28, $0xb8;
	[tilespmem:$0x1E400] =	vst v63  }
0x17a: {  	s10 =	simm.s32 $0x0  }
0x17b: {  	[tilespmem:s14], [sflag:$0x1] =	stream.indirect.gather [hbm4b:s3+s28], $0x40, s26, s28, $0xb8;
	[tilespmem:$0x1E400] =	vst v63  }
0x17c: {  	v0 =	vld [tilespmem:s10+$0xA00]  }
0x17d: {  	v1 =	vld [tilespmem:s10+$0x2A00]  }
0x17e: {  	v2 =	vld [tilespmem:s10+$0x4A00];
	_ =	sdelay $0x3  }
0x17f: {  	v0 =	vmax.f32 v0, $0.0e+00;
	v1 =	vmax.f32 v1, $0.0e+00  }
0x180: {  	v2 =	vmax.f32 v2, $0.0e+00;
	v0 =	vmin.f32 v0, $1.000000000e+00;
	v1 =	vmin.f32 v1, $1.000000000e+00  }
0x181: {  	v2 =	vmin.f32 v2, $1.000000000e+00;
	v0 =	vmul.f32 $3.200000000e+01, v0;
	v1 =	vmul.f32 $3.200000000e+01, v1  }
0x182: {  	v2 =	vmul.f32 $3.200000000e+01, v2  }
0x183: {  	v0 =	vtrunc.f32 v0;
	v1 =	vtrunc.f32 v1  }
0x184: {  	v0 =	vcvt.f32.s32 v0;
	v1 =	vcvt.f32.s32 v1  }
0x185: {  	v2 =	vtrunc.f32 v2  }
0x186: {  	v2 =	vcvt.f32.s32 v2;
	vm13 =	vlt.s32 v0, $0x1F;
	vm14 =	vlt.s32 v1, $0x1F  }
0x187: {  	v0 =	vnsel vm13, $0x1F, v0;
	v1 =	vnsel vm14, $0x1F, v1  }
0x188: {  	s22 =	sand.u32 $0x600, s21;
	vm15 =	vlt.s32 v2, $0x1F;
	v0 =	vshll.u32 v0, $0xA;
	v1 =	vshll.u32 v1, $0x5  }
0x189: {  	s5 =	sshrl.u32 s22, $0x2;
	s23 =	sand.u32 $0x70, s21;
	v2 =	vnsel vm15, $0x1F, v2;
	v0 =	vadd.s32 v0, v1  }
0x18a: {  	s10 =	sor.u32 s23, s5;
	v0 =	vadd.s32 v2, v0  }
0x18b: {  	s5 =	simm.s32 $0x10;
	[tilespmem:s10+$0x6200] =	vst v0  }
0x18c: {  	s22 =	simm.s32 $0x40;
	s23 =	simm.s32 $0x80;
	v0 =	vld [tilespmem:s5+$0xA00]  }
.LBB2_12:
0x18d: {  	p0 =	sne.s32 s23, $0x7C0;
	v1 =	vld [tilespmem:s5+$0x2A00]  }
0x18e: {  	v2 =	vld [tilespmem:s5+$0x4A00];
	_ =	sdelay $0x3  }
0x18f: {  	v0 =	vmax.f32 v0, $0.0e+00;
	v1 =	vmax.f32 v1, $0.0e+00  }
0x190: {  	v0 =	vmin.f32 v0, $1.000000000e+00;
	v1 =	vmin.f32 v1, $1.000000000e+00;
	v2 =	vmax.f32 v2, $0.0e+00  }
0x191: {  	v0 =	vmul.f32 $3.200000000e+01, v0;
	v1 =	vmul.f32 $3.200000000e+01, v1;
	v2 =	vmin.f32 v2, $1.000000000e+00  }
0x192: {  	v2 =	vmul.f32 $3.200000000e+01, v2  }
0x193: {  	v0 =	vtrunc.f32 v0;
	v1 =	vtrunc.f32 v1  }
0x194: {  	v0 =	vcvt.f32.s32 v0;
	v1 =	vcvt.f32.s32 v1  }
0x195: {  	v2 =	vtrunc.f32 v2  }
0x196: {  	vm0 =	vlt.s32 v0, $0x1F;
	v2 =	vcvt.f32.s32 v2;
	vm1 =	vlt.s32 v1, $0x1F  }
0x197: {  	v0 =	vnsel vm0, $0x1F, v0;
	v1 =	vnsel vm1, $0x1F, v1  }
.Ltmp5:
0x198: {  	s21 =	sadd.s32 $0x10, s21;
	s5 =	sand.u32 $0x600, s22;
	vm0 =	vlt.s32 v2, $0x1F;
	v0 =	vshll.u32 v0, $0xA;
	v1 =	vshll.u32 v1, $0x5;
	(pc) =	sbr.rel @p0 .LBB2_12-.Ltmp5, $4  }
0x199: {  	s10 =	sand.u32 $0x70, s21;
	s22 =	smov.u32 s23;
	s5 =	sshrl.u32 s5, $0x2;
	v2 =	vnsel vm0, $0x1F, v2;
	v0 =	vadd.s32 v0, v1  }
0x19a: {  	s10 =	sor.u32 s10, s5;
	v0 =	vadd.s32 v2, v0  }
0x19b: {  	s5 =	sshra.s32 s23, $0x2;
	[tilespmem:s10+$0x6200] =	vst v0  }
0x19c: {  	s23 =	sadd.s32 $0x40, s23;
	v0 =	vld [tilespmem:s5+$0xA00]  }
0x19d: {  	v1 =	vld [tilespmem:s5+$0x2A00]  }
0x19e: {  	v2 =	vld [tilespmem:s5+$0x4A00];
	_ =	sdelay $0x3  }
0x19f: {  	v0 =	vmax.f32 v0, $0.0e+00;
	v1 =	vmax.f32 v1, $0.0e+00  }
0x1a0: {  	v0 =	vmin.f32 v0, $1.000000000e+00;
	v2 =	vmax.f32 v2, $0.0e+00;
	v1 =	vmin.f32 v1, $1.000000000e+00  }
0x1a1: {  	v0 =	vmul.f32 $3.200000000e+01, v0;
	v2 =	vmin.f32 v2, $1.000000000e+00;
	v1 =	vmul.f32 $3.200000000e+01, v1  }
0x1a2: {  	v2 =	vmul.f32 $3.200000000e+01, v2  }
0x1a3: {  	v0 =	vtrunc.f32 v0;
	v1 =	vtrunc.f32 v1  }
0x1a4: {  	v0 =	vcvt.f32.s32 v0;
	v1 =	vcvt.f32.s32 v1  }
0x1a5: {  	v2 =	vtrunc.f32 v2  }
0x1a6: {  	v2 =	vcvt.f32.s32 v2;
	vm0 =	vlt.s32 v0, $0x1F;
	vm1 =	vlt.s32 v1, $0x1F  }
0x1a7: {  	v0 =	vnsel vm0, $0x1F, v0;
	v1 =	vnsel vm1, $0x1F, v1  }
0x1a8: {  	s22 =	sand.u32 $0x600, s22;
	s10 =	sadd.s32 $0x10, s21;
	vm12 =	vlt.s32 v2, $0x1F;
	v0 =	vshll.u32 v0, $0xA;
	v1 =	vshll.u32 v1, $0x5  }
0x1a9: {  	s10 =	sand.u32 $0x70, s10;
	s5 =	sshrl.u32 s22, $0x2;
	v2 =	vnsel vm12, $0x1F, v2;
	v0 =	vadd.s32 v0, v1  }
0x1aa: {  	s5 =	sor.u32 s10, s5;
	v0 =	vadd.s32 v2, v0  }
0x1ab: {  	[tilespmem:s5+$0x6200] =	vst v0  }
0x1ac: {  	_ =	swait.ge [sflag:s6], $0x2000  }
0x1ad: {  	[sflag:s6] =	ssyncset.done $0x0  }
0x1ae: {  	[sflag:s6] =	ssyncadd.s32 $0xFFFFE000  }
0x1af: {  	_ =	swait.ge [sflag:s6], $0x2000  }
0x1b0: {  	[sflag:s6] =	ssyncset.done $0x0  }
0x1b1: {  	[sflag:s6] =	ssyncadd.s32 $0xFFFFE000  }
0x1b2: {  	_ =	swait.ge [sflag:s6], $0x2000  }
0x1b3: {  	[sflag:s6] =	ssyncset.done $0x0  }
0x1b4: {  	[sflag:s6] =	ssyncadd.s32 $0xFFFFE000  }
0x1b5: {  	_ =	swait.ge [sflag:s6], $0x2000  }
0x1b6: {  	[sflag:s6] =	ssyncset.done $0x0  }
0x1b7: {  	s21 =	simm.s32 $0x0;
	s23 =	rddreg [dreg:$0xa];
	[sflag:s6] =	ssyncadd.s32 $0xFFFFE000  }
0x1b8: {  	[hbm4b:s23+s21] =	stream.linear.scatter [tilespmem:s8], [sflag:$0x2], $0x8000, $0x38;
	[tilespmem:$0x1E400] =	vst v63  }
0x1b9: {  	_ =	swait.ge [sflag:s19], $0x8000  }
0x1ba: {  	[sflag:s19] =	ssyncset.done $0x0  }
0x1bb: {  	[sflag:s19] =	ssyncadd.s32 $0xFFFF8000  }
0x1bc: {  	[tilespmem:s15], [sflag:$0x1] =	stream.indirect.gather [hbm4b:s3+s28], $0x40, s7, s28, $0xb8;
	[tilespmem:$0x1E400] =	vst v63  }
0x1bd: {  	_ = 	snop  }
0x1be: {  	[tilespmem:s16], [sflag:$0x1] =	stream.indirect.gather [hbm4b:s3+s28], $0x40, s9, s28, $0xb8;
	[tilespmem:$0x1E400] =	vst v63  }
0x1bf: {  	_ = 	snop  }
0x1c0: {  	[tilespmem:s17], [sflag:$0x1] =	stream.indirect.gather [hbm4b:s3+s28], $0x40, s11, s28, $0xb8;
	[tilespmem:$0x1E400] =	vst v63  }
0x1c1: {  	s10 =	simm.s32 $0x0  }
0x1c2: {  	[tilespmem:s18], [sflag:$0x1] =	stream.indirect.gather [hbm4b:s3+s28], $0x40, s13, s28, $0xb8;
	[tilespmem:$0x1E400] =	vst v63  }
0x1c3: {  	v0 =	vld [tilespmem:s10+$0xC00]  }
0x1c4: {  	v1 =	vld [tilespmem:s10+$0x2C00]  }
0x1c5: {  	v2 =	vld [tilespmem:s10+$0x4C00];
	_ =	sdelay $0x3  }
0x1c6: {  	v0 =	vmax.f32 v0, $0.0e+00;
	v1 =	vmax.f32 v1, $0.0e+00  }
0x1c7: {  	v2 =	vmax.f32 v2, $0.0e+00;
	v0 =	vmin.f32 v0, $1.000000000e+00;
	v1 =	vmin.f32 v1, $1.000000000e+00  }
0x1c8: {  	v2 =	vmin.f32 v2, $1.000000000e+00;
	v0 =	vmul.f32 $3.200000000e+01, v0;
	v1 =	vmul.f32 $3.200000000e+01, v1  }
0x1c9: {  	v2 =	vmul.f32 $3.200000000e+01, v2  }
0x1ca: {  	v0 =	vtrunc.f32 v0;
	v1 =	vtrunc.f32 v1  }
0x1cb: {  	v0 =	vcvt.f32.s32 v0;
	v1 =	vcvt.f32.s32 v1  }
0x1cc: {  	v2 =	vtrunc.f32 v2  }
0x1cd: {  	v2 =	vcvt.f32.s32 v2;
	vm13 =	vlt.s32 v0, $0x1F;
	vm14 =	vlt.s32 v1, $0x1F  }
0x1ce: {  	v0 =	vnsel vm13, $0x1F, v0;
	v1 =	vnsel vm14, $0x1F, v1  }
0x1cf: {  	s22 =	sand.u32 $0x600, s21;
	vm15 =	vlt.s32 v2, $0x1F;
	v0 =	vshll.u32 v0, $0xA;
	v1 =	vshll.u32 v1, $0x5  }
0x1d0: {  	s5 =	sshrl.u32 s22, $0x2;
	s23 =	sand.u32 $0x70, s21;
	v2 =	vnsel vm15, $0x1F, v2;
	v0 =	vadd.s32 v0, v1  }
0x1d1: {  	s10 =	sor.u32 s23, s5;
	v0 =	vadd.s32 v2, v0  }
0x1d2: {  	s5 =	simm.s32 $0x10;
	[tilespmem:s10+$0x6000] =	vst v0  }
0x1d3: {  	s22 =	simm.s32 $0x40;
	s23 =	simm.s32 $0x80;
	v0 =	vld [tilespmem:s5+$0xC00]  }
.LBB2_14:
0x1d4: {  	p0 =	sne.s32 s23, $0x7C0;
	v1 =	vld [tilespmem:s5+$0x2C00]  }
0x1d5: {  	v2 =	vld [tilespmem:s5+$0x4C00];
	_ =	sdelay $0x3  }
0x1d6: {  	v0 =	vmax.f32 v0, $0.0e+00;
	v1 =	vmax.f32 v1, $0.0e+00  }
0x1d7: {  	v0 =	vmin.f32 v0, $1.000000000e+00;
	v1 =	vmin.f32 v1, $1.000000000e+00;
	v2 =	vmax.f32 v2, $0.0e+00  }
0x1d8: {  	v0 =	vmul.f32 $3.200000000e+01, v0;
	v1 =	vmul.f32 $3.200000000e+01, v1;
	v2 =	vmin.f32 v2, $1.000000000e+00  }
0x1d9: {  	v2 =	vmul.f32 $3.200000000e+01, v2  }
0x1da: {  	v0 =	vtrunc.f32 v0;
	v1 =	vtrunc.f32 v1  }
0x1db: {  	v0 =	vcvt.f32.s32 v0;
	v1 =	vcvt.f32.s32 v1  }
0x1dc: {  	v2 =	vtrunc.f32 v2  }
0x1dd: {  	vm0 =	vlt.s32 v0, $0x1F;
	v2 =	vcvt.f32.s32 v2;
	vm1 =	vlt.s32 v1, $0x1F  }
0x1de: {  	v0 =	vnsel vm0, $0x1F, v0;
	v1 =	vnsel vm1, $0x1F, v1  }
.Ltmp6:
0x1df: {  	s21 =	sadd.s32 $0x10, s21;
	s5 =	sand.u32 $0x600, s22;
	vm0 =	vlt.s32 v2, $0x1F;
	v0 =	vshll.u32 v0, $0xA;
	v1 =	vshll.u32 v1, $0x5;
	(pc) =	sbr.rel @p0 .LBB2_14-.Ltmp6, $4  }
0x1e0: {  	s10 =	sand.u32 $0x70, s21;
	s22 =	smov.u32 s23;
	s5 =	sshrl.u32 s5, $0x2;
	v2 =	vnsel vm0, $0x1F, v2;
	v0 =	vadd.s32 v0, v1  }
0x1e1: {  	s10 =	sor.u32 s10, s5;
	v0 =	vadd.s32 v2, v0  }
0x1e2: {  	s5 =	sshra.s32 s23, $0x2;
	[tilespmem:s10+$0x6000] =	vst v0  }
0x1e3: {  	s23 =	sadd.s32 $0x40, s23;
	v0 =	vld [tilespmem:s5+$0xC00]  }
0x1e4: {  	v1 =	vld [tilespmem:s5+$0x2C00]  }
0x1e5: {  	v2 =	vld [tilespmem:s5+$0x4C00];
	_ =	sdelay $0x3  }
0x1e6: {  	v0 =	vmax.f32 v0, $0.0e+00;
	v1 =	vmax.f32 v1, $0.0e+00  }
0x1e7: {  	v0 =	vmin.f32 v0, $1.000000000e+00;
	v2 =	vmax.f32 v2, $0.0e+00;
	v1 =	vmin.f32 v1, $1.000000000e+00  }
0x1e8: {  	v0 =	vmul.f32 $3.200000000e+01, v0;
	v2 =	vmin.f32 v2, $1.000000000e+00;
	v1 =	vmul.f32 $3.200000000e+01, v1  }
0x1e9: {  	v2 =	vmul.f32 $3.200000000e+01, v2  }
0x1ea: {  	v0 =	vtrunc.f32 v0;
	v1 =	vtrunc.f32 v1  }
0x1eb: {  	v0 =	vcvt.f32.s32 v0;
	v1 =	vcvt.f32.s32 v1  }
0x1ec: {  	v2 =	vtrunc.f32 v2  }
0x1ed: {  	v2 =	vcvt.f32.s32 v2;
	vm0 =	vlt.s32 v0, $0x1F;
	vm1 =	vlt.s32 v1, $0x1F  }
0x1ee: {  	v0 =	vnsel vm0, $0x1F, v0;
	v1 =	vnsel vm1, $0x1F, v1  }
0x1ef: {  	s22 =	sand.u32 $0x600, s22;
	s10 =	sadd.s32 $0x10, s21;
	vm12 =	vlt.s32 v2, $0x1F;
	v0 =	vshll.u32 v0, $0xA;
	v1 =	vshll.u32 v1, $0x5  }
0x1f0: {  	s10 =	sand.u32 $0x70, s10;
	s5 =	sshrl.u32 s22, $0x2;
	v2 =	vnsel vm12, $0x1F, v2;
	v0 =	vadd.s32 v0, v1  }
0x1f1: {  	s5 =	sor.u32 s10, s5;
	v0 =	vadd.s32 v2, v0  }
0x1f2: {  	[tilespmem:s5+$0x6000] =	vst v0  }
0x1f3: {  	_ =	swait.ge [sflag:s6], $0x2000  }
0x1f4: {  	[sflag:s6] =	ssyncset.done $0x0  }
0x1f5: {  	[sflag:s6] =	ssyncadd.s32 $0xFFFFE000  }
0x1f6: {  	_ =	swait.ge [sflag:s6], $0x2000  }
0x1f7: {  	[sflag:s6] =	ssyncset.done $0x0  }
0x1f8: {  	[sflag:s6] =	ssyncadd.s32 $0xFFFFE000  }
0x1f9: {  	_ =	swait.ge [sflag:s6], $0x2000  }
0x1fa: {  	[sflag:s6] =	ssyncset.done $0x0  }
0x1fb: {  	[sflag:s6] =	ssyncadd.s32 $0xFFFFE000  }
0x1fc: {  	_ =	swait.ge [sflag:s6], $0x2000  }
0x1fd: {  	[sflag:s6] =	ssyncset.done $0x0  }
0x1fe: {  	s21 =	simm.s32 $0x0;
	s23 =	rddreg [dreg:$0xb];
	[sflag:s6] =	ssyncadd.s32 $0xFFFFE000  }
0x1ff: {  	[hbm4b:s23+s21] =	stream.linear.scatter [tilespmem:s15], [sflag:$0x2], $0x8000, $0x38;
	[tilespmem:$0x1E400] =	vst v63  }
0x200: {  	_ =	swait.ge [sflag:s19], $0x8000  }
0x201: {  	[sflag:s19] =	ssyncset.done $0x0  }
0x202: {  	[sflag:s19] =	ssyncadd.s32 $0xFFFF8000  }
0x203: {  	[tilespmem:s30], [sflag:$0x1] =	stream.indirect.gather [hbm4b:s3+s28], $0x40, s29, s28, $0xb8;
	[tilespmem:$0x1E400] =	vst v63  }
0x204: {  	_ = 	snop  }
0x205: {  	[tilespmem:s1], [sflag:$0x1] =	stream.indirect.gather [hbm4b:s3+s28], $0x40, s31, s28, $0xb8;
	[tilespmem:$0x1E400] =	vst v63  }
0x206: {  	_ = 	snop  }
0x207: {  	[tilespmem:s25], [sflag:$0x1] =	stream.indirect.gather [hbm4b:s3+s28], $0x40, s0, s28, $0xb8;
	[tilespmem:$0x1E400] =	vst v63  }
0x208: {  	s10 =	simm.s32 $0x0  }
0x209: {  	[tilespmem:s4], [sflag:$0x1] =	stream.indirect.gather [hbm4b:s3+s28], $0x40, s26, s28, $0xb8;
	[tilespmem:$0x1E400] =	vst v63  }
0x20a: {  	v0 =	vld [tilespmem:s10+$0xE00]  }
0x20b: {  	v1 =	vld [tilespmem:s10+$0x2E00]  }
0x20c: {  	v2 =	vld [tilespmem:s10+$0x4E00];
	_ =	sdelay $0x3  }
0x20d: {  	v0 =	vmax.f32 v0, $0.0e+00;
	v1 =	vmax.f32 v1, $0.0e+00  }
0x20e: {  	v2 =	vmax.f32 v2, $0.0e+00;
	v0 =	vmin.f32 v0, $1.000000000e+00;
	v1 =	vmin.f32 v1, $1.000000000e+00  }
0x20f: {  	v2 =	vmin.f32 v2, $1.000000000e+00;
	v0 =	vmul.f32 $3.200000000e+01, v0;
	v1 =	vmul.f32 $3.200000000e+01, v1  }
0x210: {  	v2 =	vmul.f32 $3.200000000e+01, v2  }
0x211: {  	v0 =	vtrunc.f32 v0;
	v1 =	vtrunc.f32 v1  }
0x212: {  	v0 =	vcvt.f32.s32 v0;
	v1 =	vcvt.f32.s32 v1  }
0x213: {  	v2 =	vtrunc.f32 v2  }
0x214: {  	v2 =	vcvt.f32.s32 v2;
	vm13 =	vlt.s32 v0, $0x1F;
	vm14 =	vlt.s32 v1, $0x1F  }
0x215: {  	v0 =	vnsel vm13, $0x1F, v0;
	v1 =	vnsel vm14, $0x1F, v1  }
0x216: {  	s22 =	sand.u32 $0x600, s21;
	vm15 =	vlt.s32 v2, $0x1F;
	v0 =	vshll.u32 v0, $0xA;
	v1 =	vshll.u32 v1, $0x5  }
0x217: {  	s5 =	sshrl.u32 s22, $0x2;
	s23 =	sand.u32 $0x70, s21;
	v2 =	vnsel vm15, $0x1F, v2;
	v0 =	vadd.s32 v0, v1  }
0x218: {  	s10 =	sor.u32 s23, s5;
	v0 =	vadd.s32 v2, v0  }
0x219: {  	s5 =	simm.s32 $0x10;
	[tilespmem:s10+$0x6200] =	vst v0  }
0x21a: {  	s22 =	simm.s32 $0x40;
	s23 =	simm.s32 $0x80;
	v0 =	vld [tilespmem:s5+$0xE00]  }
.LBB2_16:
0x21b: {  	p0 =	sne.s32 s23, $0x7C0;
	v1 =	vld [tilespmem:s5+$0x2E00]  }
0x21c: {  	v2 =	vld [tilespmem:s5+$0x4E00];
	_ =	sdelay $0x3  }
0x21d: {  	v0 =	vmax.f32 v0, $0.0e+00;
	v1 =	vmax.f32 v1, $0.0e+00  }
0x21e: {  	v0 =	vmin.f32 v0, $1.000000000e+00;
	v1 =	vmin.f32 v1, $1.000000000e+00;
	v2 =	vmax.f32 v2, $0.0e+00  }
0x21f: {  	v0 =	vmul.f32 $3.200000000e+01, v0;
	v1 =	vmul.f32 $3.200000000e+01, v1;
	v2 =	vmin.f32 v2, $1.000000000e+00  }
0x220: {  	v2 =	vmul.f32 $3.200000000e+01, v2  }
0x221: {  	v0 =	vtrunc.f32 v0;
	v1 =	vtrunc.f32 v1  }
0x222: {  	v0 =	vcvt.f32.s32 v0;
	v1 =	vcvt.f32.s32 v1  }
0x223: {  	v2 =	vtrunc.f32 v2  }
0x224: {  	vm0 =	vlt.s32 v0, $0x1F;
	v2 =	vcvt.f32.s32 v2;
	vm1 =	vlt.s32 v1, $0x1F  }
0x225: {  	v0 =	vnsel vm0, $0x1F, v0;
	v1 =	vnsel vm1, $0x1F, v1  }
.Ltmp7:
0x226: {  	s21 =	sadd.s32 $0x10, s21;
	s5 =	sand.u32 $0x600, s22;
	vm0 =	vlt.s32 v2, $0x1F;
	v0 =	vshll.u32 v0, $0xA;
	v1 =	vshll.u32 v1, $0x5;
	(pc) =	sbr.rel @p0 .LBB2_16-.Ltmp7, $4  }
0x227: {  	s10 =	sand.u32 $0x70, s21;
	s22 =	smov.u32 s23;
	s5 =	sshrl.u32 s5, $0x2;
	v2 =	vnsel vm0, $0x1F, v2;
	v0 =	vadd.s32 v0, v1  }
0x228: {  	s10 =	sor.u32 s10, s5;
	v0 =	vadd.s32 v2, v0  }
0x229: {  	s5 =	sshra.s32 s23, $0x2;
	[tilespmem:s10+$0x6200] =	vst v0  }
0x22a: {  	s23 =	sadd.s32 $0x40, s23;
	v0 =	vld [tilespmem:s5+$0xE00]  }
0x22b: {  	v1 =	vld [tilespmem:s5+$0x2E00]  }
0x22c: {  	v2 =	vld [tilespmem:s5+$0x4E00];
	_ =	sdelay $0x3  }
0x22d: {  	v0 =	vmax.f32 v0, $0.0e+00;
	v1 =	vmax.f32 v1, $0.0e+00  }
0x22e: {  	v0 =	vmin.f32 v0, $1.000000000e+00;
	v2 =	vmax.f32 v2, $0.0e+00;
	v1 =	vmin.f32 v1, $1.000000000e+00  }
0x22f: {  	v0 =	vmul.f32 $3.200000000e+01, v0;
	v2 =	vmin.f32 v2, $1.000000000e+00;
	v1 =	vmul.f32 $3.200000000e+01, v1  }
0x230: {  	v2 =	vmul.f32 $3.200000000e+01, v2  }
0x231: {  	v0 =	vtrunc.f32 v0;
	v1 =	vtrunc.f32 v1  }
0x232: {  	v0 =	vcvt.f32.s32 v0;
	v1 =	vcvt.f32.s32 v1  }
0x233: {  	v2 =	vtrunc.f32 v2  }
0x234: {  	v2 =	vcvt.f32.s32 v2;
	vm0 =	vlt.s32 v0, $0x1F;
	vm1 =	vlt.s32 v1, $0x1F  }
0x235: {  	v0 =	vnsel vm0, $0x1F, v0;
	v1 =	vnsel vm1, $0x1F, v1  }
0x236: {  	s23 =	sand.u32 $0x600, s22;
	s10 =	sadd.s32 $0x10, s21;
	vm12 =	vlt.s32 v2, $0x1F;
	v0 =	vshll.u32 v0, $0xA;
	v1 =	vshll.u32 v1, $0x5  }
0x237: {  	s10 =	sand.u32 $0x70, s10;
	s5 =	sshrl.u32 s23, $0x2;
	v2 =	vnsel vm12, $0x1F, v2;
	v0 =	vadd.s32 v0, v1  }
0x238: {  	s5 =	sor.u32 s10, s5;
	v0 =	vadd.s32 v2, v0  }
0x239: {  	[tilespmem:s5+$0x6200] =	vst v0  }
0x23a: {  	_ =	swait.ge [sflag:s6], $0x2000  }
0x23b: {  	[sflag:s6] =	ssyncset.done $0x0  }
0x23c: {  	[sflag:s6] =	ssyncadd.s32 $0xFFFFE000  }
0x23d: {  	_ =	swait.ge [sflag:s6], $0x2000  }
0x23e: {  	[sflag:s6] =	ssyncset.done $0x0  }
0x23f: {  	[sflag:s6] =	ssyncadd.s32 $0xFFFFE000  }
0x240: {  	_ =	swait.ge [sflag:s6], $0x2000  }
0x241: {  	[sflag:s6] =	ssyncset.done $0x0  }
0x242: {  	[sflag:s6] =	ssyncadd.s32 $0xFFFFE000  }
0x243: {  	_ =	swait.ge [sflag:s6], $0x2000  }
0x244: {  	[sflag:s6] =	ssyncset.done $0x0  }
0x245: {  	s21 =	simm.s32 $0x0;
	s22 =	rddreg [dreg:$0xc];
	[sflag:s6] =	ssyncadd.s32 $0xFFFFE000  }
0x246: {  	[hbm4b:s22+s21] =	stream.linear.scatter [tilespmem:s30], [sflag:$0x2], $0x8000, $0x38;
	[tilespmem:$0x1E400] =	vst v63  }
0x247: {  	_ =	swait.ge [sflag:s19], $0x8000  }
0x248: {  	[sflag:s19] =	ssyncset.done $0x0  }
0x249: {  	[sflag:s19] =	ssyncadd.s32 $0xFFFF8000  }
0x24a: {  	[tilespmem:s8], [sflag:$0x1] =	stream.indirect.gather [hbm4b:s3+s28], $0x40, s7, s28, $0xb8;
	[tilespmem:$0x1E400] =	vst v63  }
0x24b: {  	s23 =	simm.s32 $0x10400  }
0x24c: {  	[tilespmem:s23], [sflag:$0x1] =	stream.indirect.gather [hbm4b:s3+s28], $0x40, s9, s28, $0xb8;
	[tilespmem:$0x1E400] =	vst v63  }
0x24d: {  	_ = 	snop  }
0x24e: {  	[tilespmem:s12], [sflag:$0x1] =	stream.indirect.gather [hbm4b:s3+s28], $0x40, s11, s28, $0xb8;
	[tilespmem:$0x1E400] =	vst v63  }
0x24f: {  	s10 =	simm.s32 $0x0  }
0x250: {  	[tilespmem:s14], [sflag:$0x1] =	stream.indirect.gather [hbm4b:s3+s28], $0x40, s13, s28, $0xb8;
	[tilespmem:$0x1E400] =	vst v63  }
0x251: {  	v0 =	vld [tilespmem:s10+$0x1000]  }
0x252: {  	v1 =	vld [tilespmem:s10+$0x3000]  }
0x253: {  	v2 =	vld [tilespmem:s10+$0x5000];
	_ =	sdelay $0x3  }
0x254: {  	v0 =	vmax.f32 v0, $0.0e+00;
	v1 =	vmax.f32 v1, $0.0e+00  }
0x255: {  	v2 =	vmax.f32 v2, $0.0e+00;
	v0 =	vmin.f32 v0, $1.000000000e+00;
	v1 =	vmin.f32 v1, $1.000000000e+00  }
0x256: {  	v2 =	vmin.f32 v2, $1.000000000e+00;
	v0 =	vmul.f32 $3.200000000e+01, v0;
	v1 =	vmul.f32 $3.200000000e+01, v1  }
0x257: {  	v2 =	vmul.f32 $3.200000000e+01, v2  }
0x258: {  	v0 =	vtrunc.f32 v0;
	v1 =	vtrunc.f32 v1  }
0x259: {  	v0 =	vcvt.f32.s32 v0;
	v1 =	vcvt.f32.s32 v1  }
0x25a: {  	v2 =	vtrunc.f32 v2  }
0x25b: {  	v2 =	vcvt.f32.s32 v2;
	vm13 =	vlt.s32 v0, $0x1F;
	vm14 =	vlt.s32 v1, $0x1F  }
0x25c: {  	v0 =	vnsel vm13, $0x1F, v0;
	v1 =	vnsel vm14, $0x1F, v1  }
0x25d: {  	s22 =	sand.u32 $0x600, s21;
	vm15 =	vlt.s32 v2, $0x1F;
	v0 =	vshll.u32 v0, $0xA;
	v1 =	vshll.u32 v1, $0x5  }
0x25e: {  	s5 =	sshrl.u32 s22, $0x2;
	s23 =	sand.u32 $0x70, s21;
	v2 =	vnsel vm15, $0x1F, v2;
	v0 =	vadd.s32 v0, v1  }
0x25f: {  	s10 =	sor.u32 s23, s5;
	v0 =	vadd.s32 v2, v0  }
0x260: {  	s5 =	simm.s32 $0x10;
	[tilespmem:s10+$0x6000] =	vst v0  }
0x261: {  	s22 =	simm.s32 $0x40;
	s23 =	simm.s32 $0x80;
	v0 =	vld [tilespmem:s5+$0x1000]  }
.LBB2_18:
0x262: {  	p0 =	sne.s32 s23, $0x7C0;
	v1 =	vld [tilespmem:s5+$0x3000]  }
0x263: {  	v2 =	vld [tilespmem:s5+$0x5000];
	_ =	sdelay $0x3  }
0x264: {  	v0 =	vmax.f32 v0, $0.0e+00;
	v1 =	vmax.f32 v1, $0.0e+00  }
0x265: {  	v0 =	vmin.f32 v0, $1.000000000e+00;
	v1 =	vmin.f32 v1, $1.000000000e+00;
	v2 =	vmax.f32 v2, $0.0e+00  }
0x266: {  	v0 =	vmul.f32 $3.200000000e+01, v0;
	v1 =	vmul.f32 $3.200000000e+01, v1;
	v2 =	vmin.f32 v2, $1.000000000e+00  }
0x267: {  	v2 =	vmul.f32 $3.200000000e+01, v2  }
0x268: {  	v0 =	vtrunc.f32 v0;
	v1 =	vtrunc.f32 v1  }
0x269: {  	v0 =	vcvt.f32.s32 v0;
	v1 =	vcvt.f32.s32 v1  }
0x26a: {  	v2 =	vtrunc.f32 v2  }
0x26b: {  	vm0 =	vlt.s32 v0, $0x1F;
	v2 =	vcvt.f32.s32 v2;
	vm1 =	vlt.s32 v1, $0x1F  }
0x26c: {  	v0 =	vnsel vm0, $0x1F, v0;
	v1 =	vnsel vm1, $0x1F, v1  }
.Ltmp8:
0x26d: {  	s21 =	sadd.s32 $0x10, s21;
	s5 =	sand.u32 $0x600, s22;
	vm0 =	vlt.s32 v2, $0x1F;
	v0 =	vshll.u32 v0, $0xA;
	v1 =	vshll.u32 v1, $0x5;
	(pc) =	sbr.rel @p0 .LBB2_18-.Ltmp8, $4  }
0x26e: {  	s10 =	sand.u32 $0x70, s21;
	s22 =	smov.u32 s23;
	s5 =	sshrl.u32 s5, $0x2;
	v2 =	vnsel vm0, $0x1F, v2;
	v0 =	vadd.s32 v0, v1  }
0x26f: {  	s10 =	sor.u32 s10, s5;
	v0 =	vadd.s32 v2, v0  }
0x270: {  	s5 =	sshra.s32 s23, $0x2;
	[tilespmem:s10+$0x6000] =	vst v0  }
0x271: {  	s23 =	sadd.s32 $0x40, s23;
	v0 =	vld [tilespmem:s5+$0x1000]  }
0x272: {  	v1 =	vld [tilespmem:s5+$0x3000]  }
0x273: {  	v2 =	vld [tilespmem:s5+$0x5000];
	_ =	sdelay $0x3  }
0x274: {  	v0 =	vmax.f32 v0, $0.0e+00;
	v1 =	vmax.f32 v1, $0.0e+00  }
0x275: {  	v0 =	vmin.f32 v0, $1.000000000e+00;
	v2 =	vmax.f32 v2, $0.0e+00;
	v1 =	vmin.f32 v1, $1.000000000e+00  }
0x276: {  	v0 =	vmul.f32 $3.200000000e+01, v0;
	v2 =	vmin.f32 v2, $1.000000000e+00;
	v1 =	vmul.f32 $3.200000000e+01, v1  }
0x277: {  	v2 =	vmul.f32 $3.200000000e+01, v2  }
0x278: {  	v0 =	vtrunc.f32 v0;
	v1 =	vtrunc.f32 v1  }
0x279: {  	v0 =	vcvt.f32.s32 v0;
	v1 =	vcvt.f32.s32 v1  }
0x27a: {  	v2 =	vtrunc.f32 v2  }
0x27b: {  	v2 =	vcvt.f32.s32 v2;
	vm0 =	vlt.s32 v0, $0x1F;
	vm1 =	vlt.s32 v1, $0x1F  }
0x27c: {  	v0 =	vnsel vm0, $0x1F, v0;
	v1 =	vnsel vm1, $0x1F, v1  }
0x27d: {  	s22 =	sand.u32 $0x600, s22;
	s10 =	sadd.s32 $0x10, s21;
	vm12 =	vlt.s32 v2, $0x1F;
	v0 =	vshll.u32 v0, $0xA;
	v1 =	vshll.u32 v1, $0x5  }
0x27e: {  	s10 =	sand.u32 $0x70, s10;
	s5 =	sshrl.u32 s22, $0x2;
	v2 =	vnsel vm12, $0x1F, v2;
	v0 =	vadd.s32 v0, v1  }
0x27f: {  	s5 =	sor.u32 s10, s5;
	v0 =	vadd.s32 v2, v0  }
0x280: {  	[tilespmem:s5+$0x6000] =	vst v0  }
0x281: {  	_ =	swait.ge [sflag:s6], $0x2000  }
0x282: {  	[sflag:s6] =	ssyncset.done $0x0  }
0x283: {  	[sflag:s6] =	ssyncadd.s32 $0xFFFFE000  }
0x284: {  	_ =	swait.ge [sflag:s6], $0x2000  }
0x285: {  	[sflag:s6] =	ssyncset.done $0x0  }
0x286: {  	[sflag:s6] =	ssyncadd.s32 $0xFFFFE000  }
0x287: {  	_ =	swait.ge [sflag:s6], $0x2000  }
0x288: {  	[sflag:s6] =	ssyncset.done $0x0  }
0x289: {  	[sflag:s6] =	ssyncadd.s32 $0xFFFFE000  }
0x28a: {  	_ =	swait.ge [sflag:s6], $0x2000  }
0x28b: {  	[sflag:s6] =	ssyncset.done $0x0  }
0x28c: {  	s21 =	simm.s32 $0x0;
	s23 =	rddreg [dreg:$0xd];
	[sflag:s6] =	ssyncadd.s32 $0xFFFFE000  }
0x28d: {  	[hbm4b:s23+s21] =	stream.linear.scatter [tilespmem:s8], [sflag:$0x2], $0x8000, $0x38;
	[tilespmem:$0x1E400] =	vst v63  }
0x28e: {  	_ =	swait.ge [sflag:s19], $0x8000  }
0x28f: {  	[sflag:s19] =	ssyncset.done $0x0  }
0x290: {  	[sflag:s19] =	ssyncadd.s32 $0xFFFF8000  }
0x291: {  	[tilespmem:s15], [sflag:$0x1] =	stream.indirect.gather [hbm4b:s3+s28], $0x40, s29, s28, $0xb8;
	[tilespmem:$0x1E400] =	vst v63  }
0x292: {  	_ = 	snop  }
0x293: {  	[tilespmem:s16], [sflag:$0x1] =	stream.indirect.gather [hbm4b:s3+s28], $0x40, s31, s28, $0xb8;
	[tilespmem:$0x1E400] =	vst v63  }
0x294: {  	_ = 	snop  }
0x295: {  	[tilespmem:s17], [sflag:$0x1] =	stream.indirect.gather [hbm4b:s3+s28], $0x40, s0, s28, $0xb8;
	[tilespmem:$0x1E400] =	vst v63  }
0x296: {  	s10 =	simm.s32 $0x0  }
0x297: {  	[tilespmem:s18], [sflag:$0x1] =	stream.indirect.gather [hbm4b:s3+s28], $0x40, s26, s28, $0xb8;
	[tilespmem:$0x1E400] =	vst v63  }
0x298: {  	v0 =	vld [tilespmem:s10+$0x1200]  }
0x299: {  	v1 =	vld [tilespmem:s10+$0x3200]  }
0x29a: {  	v2 =	vld [tilespmem:s10+$0x5200];
	_ =	sdelay $0x3  }
0x29b: {  	v0 =	vmax.f32 v0, $0.0e+00;
	v1 =	vmax.f32 v1, $0.0e+00  }
0x29c: {  	v2 =	vmax.f32 v2, $0.0e+00;
	v0 =	vmin.f32 v0, $1.000000000e+00;
	v1 =	vmin.f32 v1, $1.000000000e+00  }
0x29d: {  	v2 =	vmin.f32 v2, $1.000000000e+00;
	v0 =	vmul.f32 $3.200000000e+01, v0;
	v1 =	vmul.f32 $3.200000000e+01, v1  }
0x29e: {  	v2 =	vmul.f32 $3.200000000e+01, v2  }
0x29f: {  	v0 =	vtrunc.f32 v0;
	v1 =	vtrunc.f32 v1  }
0x2a0: {  	v0 =	vcvt.f32.s32 v0;
	v1 =	vcvt.f32.s32 v1  }
0x2a1: {  	v2 =	vtrunc.f32 v2  }
0x2a2: {  	v2 =	vcvt.f32.s32 v2;
	vm13 =	vlt.s32 v0, $0x1F;
	vm14 =	vlt.s32 v1, $0x1F  }
0x2a3: {  	v0 =	vnsel vm13, $0x1F, v0;
	v1 =	vnsel vm14, $0x1F, v1  }
0x2a4: {  	s22 =	sand.u32 $0x600, s21;
	vm15 =	vlt.s32 v2, $0x1F;
	v0 =	vshll.u32 v0, $0xA;
	v1 =	vshll.u32 v1, $0x5  }
0x2a5: {  	s5 =	sshrl.u32 s22, $0x2;
	s23 =	sand.u32 $0x70, s21;
	v2 =	vnsel vm15, $0x1F, v2;
	v0 =	vadd.s32 v0, v1  }
0x2a6: {  	s10 =	sor.u32 s23, s5;
	v0 =	vadd.s32 v2, v0  }
0x2a7: {  	s5 =	simm.s32 $0x10;
	[tilespmem:s10+$0x6200] =	vst v0  }
0x2a8: {  	s22 =	simm.s32 $0x40;
	s23 =	simm.s32 $0x80;
	v0 =	vld [tilespmem:s5+$0x1200]  }
.LBB2_20:
0x2a9: {  	p0 =	sne.s32 s23, $0x7C0;
	v1 =	vld [tilespmem:s5+$0x3200]  }
0x2aa: {  	v2 =	vld [tilespmem:s5+$0x5200];
	_ =	sdelay $0x3  }
0x2ab: {  	v0 =	vmax.f32 v0, $0.0e+00;
	v1 =	vmax.f32 v1, $0.0e+00  }
0x2ac: {  	v0 =	vmin.f32 v0, $1.000000000e+00;
	v1 =	vmin.f32 v1, $1.000000000e+00;
	v2 =	vmax.f32 v2, $0.0e+00  }
0x2ad: {  	v0 =	vmul.f32 $3.200000000e+01, v0;
	v1 =	vmul.f32 $3.200000000e+01, v1;
	v2 =	vmin.f32 v2, $1.000000000e+00  }
0x2ae: {  	v2 =	vmul.f32 $3.200000000e+01, v2  }
0x2af: {  	v0 =	vtrunc.f32 v0;
	v1 =	vtrunc.f32 v1  }
0x2b0: {  	v0 =	vcvt.f32.s32 v0;
	v1 =	vcvt.f32.s32 v1  }
0x2b1: {  	v2 =	vtrunc.f32 v2  }
0x2b2: {  	vm0 =	vlt.s32 v0, $0x1F;
	v2 =	vcvt.f32.s32 v2;
	vm1 =	vlt.s32 v1, $0x1F  }
0x2b3: {  	v0 =	vnsel vm0, $0x1F, v0;
	v1 =	vnsel vm1, $0x1F, v1  }
.Ltmp9:
0x2b4: {  	s21 =	sadd.s32 $0x10, s21;
	s5 =	sand.u32 $0x600, s22;
	vm0 =	vlt.s32 v2, $0x1F;
	v0 =	vshll.u32 v0, $0xA;
	v1 =	vshll.u32 v1, $0x5;
	(pc) =	sbr.rel @p0 .LBB2_20-.Ltmp9, $4  }
0x2b5: {  	s10 =	sand.u32 $0x70, s21;
	s22 =	smov.u32 s23;
	s5 =	sshrl.u32 s5, $0x2;
	v2 =	vnsel vm0, $0x1F, v2;
	v0 =	vadd.s32 v0, v1  }
0x2b6: {  	s10 =	sor.u32 s10, s5;
	v0 =	vadd.s32 v2, v0  }
0x2b7: {  	s5 =	sshra.s32 s23, $0x2;
	[tilespmem:s10+$0x6200] =	vst v0  }
0x2b8: {  	s23 =	sadd.s32 $0x40, s23;
	v0 =	vld [tilespmem:s5+$0x1200]  }
0x2b9: {  	v1 =	vld [tilespmem:s5+$0x3200]  }
0x2ba: {  	v2 =	vld [tilespmem:s5+$0x5200];
	_ =	sdelay $0x3  }
0x2bb: {  	v0 =	vmax.f32 v0, $0.0e+00;
	v1 =	vmax.f32 v1, $0.0e+00  }
0x2bc: {  	v0 =	vmin.f32 v0, $1.000000000e+00;
	v2 =	vmax.f32 v2, $0.0e+00;
	v1 =	vmin.f32 v1, $1.000000000e+00  }
0x2bd: {  	v0 =	vmul.f32 $3.200000000e+01, v0;
	v2 =	vmin.f32 v2, $1.000000000e+00;
	v1 =	vmul.f32 $3.200000000e+01, v1  }
0x2be: {  	v2 =	vmul.f32 $3.200000000e+01, v2  }
0x2bf: {  	v0 =	vtrunc.f32 v0;
	v1 =	vtrunc.f32 v1  }
0x2c0: {  	v0 =	vcvt.f32.s32 v0;
	v1 =	vcvt.f32.s32 v1  }
0x2c1: {  	v2 =	vtrunc.f32 v2  }
0x2c2: {  	v2 =	vcvt.f32.s32 v2;
	vm0 =	vlt.s32 v0, $0x1F;
	vm1 =	vlt.s32 v1, $0x1F  }
0x2c3: {  	v0 =	vnsel vm0, $0x1F, v0;
	v1 =	vnsel vm1, $0x1F, v1  }
0x2c4: {  	s22 =	sand.u32 $0x600, s22;
	s10 =	sadd.s32 $0x10, s21;
	vm12 =	vlt.s32 v2, $0x1F;
	v0 =	vshll.u32 v0, $0xA;
	v1 =	vshll.u32 v1, $0x5  }
0x2c5: {  	s10 =	sand.u32 $0x70, s10;
	s5 =	sshrl.u32 s22, $0x2;
	v2 =	vnsel vm12, $0x1F, v2;
	v0 =	vadd.s32 v0, v1  }
0x2c6: {  	s5 =	sor.u32 s10, s5;
	v0 =	vadd.s32 v2, v0  }
0x2c7: {  	[tilespmem:s5+$0x6200] =	vst v0  }
0x2c8: {  	_ =	swait.ge [sflag:s6], $0x2000  }
0x2c9: {  	[sflag:s6] =	ssyncset.done $0x0  }
0x2ca: {  	[sflag:s6] =	ssyncadd.s32 $0xFFFFE000  }
0x2cb: {  	_ =	swait.ge [sflag:s6], $0x2000  }
0x2cc: {  	[sflag:s6] =	ssyncset.done $0x0  }
0x2cd: {  	[sflag:s6] =	ssyncadd.s32 $0xFFFFE000  }
0x2ce: {  	_ =	swait.ge [sflag:s6], $0x2000  }
0x2cf: {  	[sflag:s6] =	ssyncset.done $0x0  }
0x2d0: {  	[sflag:s6] =	ssyncadd.s32 $0xFFFFE000  }
0x2d1: {  	_ =	swait.ge [sflag:s6], $0x2000  }
0x2d2: {  	[sflag:s6] =	ssyncset.done $0x0  }
0x2d3: {  	s21 =	simm.s32 $0x0;
	s23 =	rddreg [dreg:$0xe];
	[sflag:s6] =	ssyncadd.s32 $0xFFFFE000  }
0x2d4: {  	[hbm4b:s23+s21] =	stream.linear.scatter [tilespmem:s15], [sflag:$0x2], $0x8000, $0x38;
	[tilespmem:$0x1E400] =	vst v63  }
0x2d5: {  	_ =	swait.ge [sflag:s19], $0x8000  }
0x2d6: {  	[sflag:s19] =	ssyncset.done $0x0  }
0x2d7: {  	[sflag:s19] =	ssyncadd.s32 $0xFFFF8000  }
0x2d8: {  	[tilespmem:s30], [sflag:$0x1] =	stream.indirect.gather [hbm4b:s3+s28], $0x40, s7, s28, $0xb8;
	[tilespmem:$0x1E400] =	vst v63  }
0x2d9: {  	_ = 	snop  }
0x2da: {  	[tilespmem:s1], [sflag:$0x1] =	stream.indirect.gather [hbm4b:s3+s28], $0x40, s9, s28, $0xb8;
	[tilespmem:$0x1E400] =	vst v63  }
0x2db: {  	_ = 	snop  }
0x2dc: {  	[tilespmem:s25], [sflag:$0x1] =	stream.indirect.gather [hbm4b:s3+s28], $0x40, s11, s28, $0xb8;
	[tilespmem:$0x1E400] =	vst v63  }
0x2dd: {  	s10 =	simm.s32 $0x0  }
0x2de: {  	[tilespmem:s4], [sflag:$0x1] =	stream.indirect.gather [hbm4b:s3+s28], $0x40, s13, s28, $0xb8;
	[tilespmem:$0x1E400] =	vst v63  }
0x2df: {  	v0 =	vld [tilespmem:s10+$0x1400]  }
0x2e0: {  	v1 =	vld [tilespmem:s10+$0x3400]  }
0x2e1: {  	v2 =	vld [tilespmem:s10+$0x5400];
	_ =	sdelay $0x3  }
0x2e2: {  	v0 =	vmax.f32 v0, $0.0e+00;
	v1 =	vmax.f32 v1, $0.0e+00  }
0x2e3: {  	v2 =	vmax.f32 v2, $0.0e+00;
	v0 =	vmin.f32 v0, $1.000000000e+00;
	v1 =	vmin.f32 v1, $1.000000000e+00  }
0x2e4: {  	v2 =	vmin.f32 v2, $1.000000000e+00;
	v0 =	vmul.f32 $3.200000000e+01, v0;
	v1 =	vmul.f32 $3.200000000e+01, v1  }
0x2e5: {  	v2 =	vmul.f32 $3.200000000e+01, v2  }
0x2e6: {  	v0 =	vtrunc.f32 v0;
	v1 =	vtrunc.f32 v1  }
0x2e7: {  	v0 =	vcvt.f32.s32 v0;
	v1 =	vcvt.f32.s32 v1  }
0x2e8: {  	v2 =	vtrunc.f32 v2  }
0x2e9: {  	v2 =	vcvt.f32.s32 v2;
	vm13 =	vlt.s32 v0, $0x1F;
	vm14 =	vlt.s32 v1, $0x1F  }
0x2ea: {  	v0 =	vnsel vm13, $0x1F, v0;
	v1 =	vnsel vm14, $0x1F, v1  }
0x2eb: {  	s22 =	sand.u32 $0x600, s21;
	vm15 =	vlt.s32 v2, $0x1F;
	v0 =	vshll.u32 v0, $0xA;
	v1 =	vshll.u32 v1, $0x5  }
0x2ec: {  	s5 =	sshrl.u32 s22, $0x2;
	s23 =	sand.u32 $0x70, s21;
	v2 =	vnsel vm15, $0x1F, v2;
	v0 =	vadd.s32 v0, v1  }
0x2ed: {  	s10 =	sor.u32 s23, s5;
	v0 =	vadd.s32 v2, v0  }
0x2ee: {  	s5 =	simm.s32 $0x10;
	[tilespmem:s10+$0x6000] =	vst v0  }
0x2ef: {  	s22 =	simm.s32 $0x40;
	s23 =	simm.s32 $0x80;
	v0 =	vld [tilespmem:s5+$0x1400]  }
.LBB2_22:
0x2f0: {  	p0 =	sne.s32 s23, $0x7C0;
	v1 =	vld [tilespmem:s5+$0x3400]  }
0x2f1: {  	v2 =	vld [tilespmem:s5+$0x5400];
	_ =	sdelay $0x3  }
0x2f2: {  	v0 =	vmax.f32 v0, $0.0e+00;
	v1 =	vmax.f32 v1, $0.0e+00  }
0x2f3: {  	v0 =	vmin.f32 v0, $1.000000000e+00;
	v1 =	vmin.f32 v1, $1.000000000e+00;
	v2 =	vmax.f32 v2, $0.0e+00  }
0x2f4: {  	v0 =	vmul.f32 $3.200000000e+01, v0;
	v1 =	vmul.f32 $3.200000000e+01, v1;
	v2 =	vmin.f32 v2, $1.000000000e+00  }
0x2f5: {  	v2 =	vmul.f32 $3.200000000e+01, v2  }
0x2f6: {  	v0 =	vtrunc.f32 v0;
	v1 =	vtrunc.f32 v1  }
0x2f7: {  	v0 =	vcvt.f32.s32 v0;
	v1 =	vcvt.f32.s32 v1  }
0x2f8: {  	v2 =	vtrunc.f32 v2  }
0x2f9: {  	vm0 =	vlt.s32 v0, $0x1F;
	v2 =	vcvt.f32.s32 v2;
	vm1 =	vlt.s32 v1, $0x1F  }
0x2fa: {  	v0 =	vnsel vm0, $0x1F, v0;
	v1 =	vnsel vm1, $0x1F, v1  }
.Ltmp10:
0x2fb: {  	s21 =	sadd.s32 $0x10, s21;
	s5 =	sand.u32 $0x600, s22;
	vm0 =	vlt.s32 v2, $0x1F;
	v0 =	vshll.u32 v0, $0xA;
	v1 =	vshll.u32 v1, $0x5;
	(pc) =	sbr.rel @p0 .LBB2_22-.Ltmp10, $4  }
0x2fc: {  	s10 =	sand.u32 $0x70, s21;
	s22 =	smov.u32 s23;
	s5 =	sshrl.u32 s5, $0x2;
	v2 =	vnsel vm0, $0x1F, v2;
	v0 =	vadd.s32 v0, v1  }
0x2fd: {  	s10 =	sor.u32 s10, s5;
	v0 =	vadd.s32 v2, v0  }
0x2fe: {  	s5 =	sshra.s32 s23, $0x2;
	[tilespmem:s10+$0x6000] =	vst v0  }
0x2ff: {  	s23 =	sadd.s32 $0x40, s23;
	v0 =	vld [tilespmem:s5+$0x1400]  }
0x300: {  	v1 =	vld [tilespmem:s5+$0x3400]  }
0x301: {  	v2 =	vld [tilespmem:s5+$0x5400];
	_ =	sdelay $0x3  }
0x302: {  	v0 =	vmax.f32 v0, $0.0e+00;
	v1 =	vmax.f32 v1, $0.0e+00  }
0x303: {  	v0 =	vmin.f32 v0, $1.000000000e+00;
	v2 =	vmax.f32 v2, $0.0e+00;
	v1 =	vmin.f32 v1, $1.000000000e+00  }
0x304: {  	v0 =	vmul.f32 $3.200000000e+01, v0;
	v2 =	vmin.f32 v2, $1.000000000e+00;
	v1 =	vmul.f32 $3.200000000e+01, v1  }
0x305: {  	v2 =	vmul.f32 $3.200000000e+01, v2  }
0x306: {  	v0 =	vtrunc.f32 v0;
	v1 =	vtrunc.f32 v1  }
0x307: {  	v0 =	vcvt.f32.s32 v0;
	v1 =	vcvt.f32.s32 v1  }
0x308: {  	v2 =	vtrunc.f32 v2  }
0x309: {  	v2 =	vcvt.f32.s32 v2;
	vm0 =	vlt.s32 v0, $0x1F;
	vm1 =	vlt.s32 v1, $0x1F  }
0x30a: {  	v0 =	vnsel vm0, $0x1F, v0;
	v1 =	vnsel vm1, $0x1F, v1  }
0x30b: {  	s23 =	sand.u32 $0x600, s22;
	s10 =	sadd.s32 $0x10, s21;
	vm12 =	vlt.s32 v2, $0x1F;
	v0 =	vshll.u32 v0, $0xA;
	v1 =	vshll.u32 v1, $0x5  }
0x30c: {  	s10 =	sand.u32 $0x70, s10;
	s5 =	sshrl.u32 s23, $0x2;
	v2 =	vnsel vm12, $0x1F, v2;
	v0 =	vadd.s32 v0, v1  }
0x30d: {  	s5 =	sor.u32 s10, s5;
	v0 =	vadd.s32 v2, v0  }
0x30e: {  	[tilespmem:s5+$0x6000] =	vst v0  }
0x30f: {  	_ =	swait.ge [sflag:s6], $0x2000  }
0x310: {  	[sflag:s6] =	ssyncset.done $0x0  }
0x311: {  	[sflag:s6] =	ssyncadd.s32 $0xFFFFE000  }
0x312: {  	_ =	swait.ge [sflag:s6], $0x2000  }
0x313: {  	[sflag:s6] =	ssyncset.done $0x0  }
0x314: {  	[sflag:s6] =	ssyncadd.s32 $0xFFFFE000  }
0x315: {  	_ =	swait.ge [sflag:s6], $0x2000  }
0x316: {  	[sflag:s6] =	ssyncset.done $0x0  }
0x317: {  	[sflag:s6] =	ssyncadd.s32 $0xFFFFE000  }
0x318: {  	_ =	swait.ge [sflag:s6], $0x2000  }
0x319: {  	[sflag:s6] =	ssyncset.done $0x0  }
0x31a: {  	s21 =	simm.s32 $0x0;
	s22 =	rddreg [dreg:$0xf];
	[sflag:s6] =	ssyncadd.s32 $0xFFFFE000  }
0x31b: {  	[hbm4b:s22+s21] =	stream.linear.scatter [tilespmem:s30], [sflag:$0x2], $0x8000, $0x38;
	[tilespmem:$0x1E400] =	vst v63  }
0x31c: {  	_ =	swait.ge [sflag:s19], $0x8000  }
0x31d: {  	[sflag:s19] =	ssyncset.done $0x0  }
0x31e: {  	[sflag:s19] =	ssyncadd.s32 $0xFFFF8000  }
0x31f: {  	[tilespmem:s8], [sflag:$0x1] =	stream.indirect.gather [hbm4b:s3+s28], $0x40, s29, s28, $0xb8;
	[tilespmem:$0x1E400] =	vst v63  }
0x320: {  	s23 =	simm.s32 $0x10400  }
0x321: {  	[tilespmem:s23], [sflag:$0x1] =	stream.indirect.gather [hbm4b:s3+s28], $0x40, s31, s28, $0xb8;
	[tilespmem:$0x1E400] =	vst v63  }
0x322: {  	_ = 	snop  }
0x323: {  	[tilespmem:s12], [sflag:$0x1] =	stream.indirect.gather [hbm4b:s3+s28], $0x40, s0, s28, $0xb8;
	[tilespmem:$0x1E400] =	vst v63  }
0x324: {  	s10 =	simm.s32 $0x0  }
0x325: {  	[tilespmem:s14], [sflag:$0x1] =	stream.indirect.gather [hbm4b:s3+s28], $0x40, s26, s28, $0xb8;
	[tilespmem:$0x1E400] =	vst v63  }
0x326: {  	v0 =	vld [tilespmem:s10+$0x1600]  }
0x327: {  	v1 =	vld [tilespmem:s10+$0x3600]  }
0x328: {  	v2 =	vld [tilespmem:s10+$0x5600];
	_ =	sdelay $0x3  }
0x329: {  	v0 =	vmax.f32 v0, $0.0e+00;
	v1 =	vmax.f32 v1, $0.0e+00  }
0x32a: {  	v2 =	vmax.f32 v2, $0.0e+00;
	v0 =	vmin.f32 v0, $1.000000000e+00;
	v1 =	vmin.f32 v1, $1.000000000e+00  }
0x32b: {  	v2 =	vmin.f32 v2, $1.000000000e+00;
	v0 =	vmul.f32 $3.200000000e+01, v0;
	v1 =	vmul.f32 $3.200000000e+01, v1  }
0x32c: {  	v2 =	vmul.f32 $3.200000000e+01, v2  }
0x32d: {  	v0 =	vtrunc.f32 v0;
	v1 =	vtrunc.f32 v1  }
0x32e: {  	v0 =	vcvt.f32.s32 v0;
	v1 =	vcvt.f32.s32 v1  }
0x32f: {  	v2 =	vtrunc.f32 v2  }
0x330: {  	v2 =	vcvt.f32.s32 v2;
	vm13 =	vlt.s32 v0, $0x1F;
	vm14 =	vlt.s32 v1, $0x1F  }
0x331: {  	v0 =	vnsel vm13, $0x1F, v0;
	v1 =	vnsel vm14, $0x1F, v1  }
0x332: {  	s22 =	sand.u32 $0x600, s21;
	vm15 =	vlt.s32 v2, $0x1F;
	v0 =	vshll.u32 v0, $0xA;
	v1 =	vshll.u32 v1, $0x5  }
0x333: {  	s5 =	sshrl.u32 s22, $0x2;
	s23 =	sand.u32 $0x70, s21;
	v2 =	vnsel vm15, $0x1F, v2;
	v0 =	vadd.s32 v0, v1  }
0x334: {  	s10 =	sor.u32 s23, s5;
	v0 =	vadd.s32 v2, v0  }
0x335: {  	s5 =	simm.s32 $0x10;
	[tilespmem:s10+$0x6200] =	vst v0  }
0x336: {  	s22 =	simm.s32 $0x40;
	s23 =	simm.s32 $0x80;
	v0 =	vld [tilespmem:s5+$0x1600]  }
.LBB2_24:
0x337: {  	p0 =	sne.s32 s23, $0x7C0;
	v1 =	vld [tilespmem:s5+$0x3600]  }
0x338: {  	v2 =	vld [tilespmem:s5+$0x5600];
	_ =	sdelay $0x3  }
0x339: {  	v0 =	vmax.f32 v0, $0.0e+00;
	v1 =	vmax.f32 v1, $0.0e+00  }
0x33a: {  	v0 =	vmin.f32 v0, $1.000000000e+00;
	v1 =	vmin.f32 v1, $1.000000000e+00;
	v2 =	vmax.f32 v2, $0.0e+00  }
0x33b: {  	v0 =	vmul.f32 $3.200000000e+01, v0;
	v1 =	vmul.f32 $3.200000000e+01, v1;
	v2 =	vmin.f32 v2, $1.000000000e+00  }
0x33c: {  	v2 =	vmul.f32 $3.200000000e+01, v2  }
0x33d: {  	v0 =	vtrunc.f32 v0;
	v1 =	vtrunc.f32 v1  }
0x33e: {  	v0 =	vcvt.f32.s32 v0;
	v1 =	vcvt.f32.s32 v1  }
0x33f: {  	v2 =	vtrunc.f32 v2  }
0x340: {  	vm0 =	vlt.s32 v0, $0x1F;
	v2 =	vcvt.f32.s32 v2;
	vm1 =	vlt.s32 v1, $0x1F  }
0x341: {  	v0 =	vnsel vm0, $0x1F, v0;
	v1 =	vnsel vm1, $0x1F, v1  }
.Ltmp11:
0x342: {  	s21 =	sadd.s32 $0x10, s21;
	s5 =	sand.u32 $0x600, s22;
	vm0 =	vlt.s32 v2, $0x1F;
	v0 =	vshll.u32 v0, $0xA;
	v1 =	vshll.u32 v1, $0x5;
	(pc) =	sbr.rel @p0 .LBB2_24-.Ltmp11, $4  }
0x343: {  	s10 =	sand.u32 $0x70, s21;
	s22 =	smov.u32 s23;
	s5 =	sshrl.u32 s5, $0x2;
	v2 =	vnsel vm0, $0x1F, v2;
	v0 =	vadd.s32 v0, v1  }
0x344: {  	s10 =	sor.u32 s10, s5;
	v0 =	vadd.s32 v2, v0  }
0x345: {  	s5 =	sshra.s32 s23, $0x2;
	[tilespmem:s10+$0x6200] =	vst v0  }
0x346: {  	s23 =	sadd.s32 $0x40, s23;
	v0 =	vld [tilespmem:s5+$0x1600]  }
0x347: {  	v1 =	vld [tilespmem:s5+$0x3600]  }
0x348: {  	v2 =	vld [tilespmem:s5+$0x5600];
	_ =	sdelay $0x3  }
0x349: {  	v0 =	vmax.f32 v0, $0.0e+00;
	v1 =	vmax.f32 v1, $0.0e+00  }
0x34a: {  	v0 =	vmin.f32 v0, $1.000000000e+00;
	v2 =	vmax.f32 v2, $0.0e+00;
	v1 =	vmin.f32 v1, $1.000000000e+00  }
0x34b: {  	v0 =	vmul.f32 $3.200000000e+01, v0;
	v2 =	vmin.f32 v2, $1.000000000e+00;
	v1 =	vmul.f32 $3.200000000e+01, v1  }
0x34c: {  	v2 =	vmul.f32 $3.200000000e+01, v2  }
0x34d: {  	v0 =	vtrunc.f32 v0;
	v1 =	vtrunc.f32 v1  }
0x34e: {  	v0 =	vcvt.f32.s32 v0;
	v1 =	vcvt.f32.s32 v1  }
0x34f: {  	v2 =	vtrunc.f32 v2  }
0x350: {  	v2 =	vcvt.f32.s32 v2;
	vm0 =	vlt.s32 v0, $0x1F;
	vm1 =	vlt.s32 v1, $0x1F  }
0x351: {  	v0 =	vnsel vm0, $0x1F, v0;
	v1 =	vnsel vm1, $0x1F, v1  }
0x352: {  	s22 =	sand.u32 $0x600, s22;
	s10 =	sadd.s32 $0x10, s21;
	vm12 =	vlt.s32 v2, $0x1F;
	v0 =	vshll.u32 v0, $0xA;
	v1 =	vshll.u32 v1, $0x5  }
0x353: {  	s10 =	sand.u32 $0x70, s10;
	s5 =	sshrl.u32 s22, $0x2;
	v2 =	vnsel vm12, $0x1F, v2;
	v0 =	vadd.s32 v0, v1  }
0x354: {  	s5 =	sor.u32 s10, s5;
	v0 =	vadd.s32 v2, v0  }
0x355: {  	[tilespmem:s5+$0x6200] =	vst v0  }
0x356: {  	_ =	swait.ge [sflag:s6], $0x2000  }
0x357: {  	[sflag:s6] =	ssyncset.done $0x0  }
0x358: {  	[sflag:s6] =	ssyncadd.s32 $0xFFFFE000  }
0x359: {  	_ =	swait.ge [sflag:s6], $0x2000  }
0x35a: {  	[sflag:s6] =	ssyncset.done $0x0  }
0x35b: {  	[sflag:s6] =	ssyncadd.s32 $0xFFFFE000  }
0x35c: {  	_ =	swait.ge [sflag:s6], $0x2000  }
0x35d: {  	[sflag:s6] =	ssyncset.done $0x0  }
0x35e: {  	[sflag:s6] =	ssyncadd.s32 $0xFFFFE000  }
0x35f: {  	_ =	swait.ge [sflag:s6], $0x2000  }
0x360: {  	[sflag:s6] =	ssyncset.done $0x0  }
0x361: {  	s21 =	simm.s32 $0x0;
	s23 =	rddreg [dreg:$0x10];
	[sflag:s6] =	ssyncadd.s32 $0xFFFFE000  }
0x362: {  	[hbm4b:s23+s21] =	stream.linear.scatter [tilespmem:s8], [sflag:$0x2], $0x8000, $0x38;
	[tilespmem:$0x1E400] =	vst v63  }
0x363: {  	_ =	swait.ge [sflag:s19], $0x8000  }
0x364: {  	[sflag:s19] =	ssyncset.done $0x0  }
0x365: {  	[sflag:s19] =	ssyncadd.s32 $0xFFFF8000  }
0x366: {  	[tilespmem:s15], [sflag:$0x1] =	stream.indirect.gather [hbm4b:s3+s28], $0x40, s7, s28, $0xb8;
	[tilespmem:$0x1E400] =	vst v63  }
0x367: {  	_ = 	snop  }
0x368: {  	[tilespmem:s16], [sflag:$0x1] =	stream.indirect.gather [hbm4b:s3+s28], $0x40, s9, s28, $0xb8;
	[tilespmem:$0x1E400] =	vst v63  }
0x369: {  	_ = 	snop  }
0x36a: {  	[tilespmem:s17], [sflag:$0x1] =	stream.indirect.gather [hbm4b:s3+s28], $0x40, s11, s28, $0xb8;
	[tilespmem:$0x1E400] =	vst v63  }
0x36b: {  	s10 =	simm.s32 $0x0  }
0x36c: {  	[tilespmem:s18], [sflag:$0x1] =	stream.indirect.gather [hbm4b:s3+s28], $0x40, s13, s28, $0xb8;
	[tilespmem:$0x1E400] =	vst v63  }
0x36d: {  	v0 =	vld [tilespmem:s10+$0x1800]  }
0x36e: {  	v1 =	vld [tilespmem:s10+$0x3800]  }
0x36f: {  	v2 =	vld [tilespmem:s10+$0x5800];
	_ =	sdelay $0x3  }
0x370: {  	v0 =	vmax.f32 v0, $0.0e+00;
	v1 =	vmax.f32 v1, $0.0e+00  }
0x371: {  	v2 =	vmax.f32 v2, $0.0e+00;
	v0 =	vmin.f32 v0, $1.000000000e+00;
	v1 =	vmin.f32 v1, $1.000000000e+00  }
0x372: {  	v2 =	vmin.f32 v2, $1.000000000e+00;
	v0 =	vmul.f32 $3.200000000e+01, v0;
	v1 =	vmul.f32 $3.200000000e+01, v1  }
0x373: {  	v2 =	vmul.f32 $3.200000000e+01, v2  }
0x374: {  	v0 =	vtrunc.f32 v0;
	v1 =	vtrunc.f32 v1  }
0x375: {  	v0 =	vcvt.f32.s32 v0;
	v1 =	vcvt.f32.s32 v1  }
0x376: {  	v2 =	vtrunc.f32 v2  }
0x377: {  	v2 =	vcvt.f32.s32 v2;
	vm13 =	vlt.s32 v0, $0x1F;
	vm14 =	vlt.s32 v1, $0x1F  }
0x378: {  	v0 =	vnsel vm13, $0x1F, v0;
	v1 =	vnsel vm14, $0x1F, v1  }
0x379: {  	s22 =	sand.u32 $0x600, s21;
	vm15 =	vlt.s32 v2, $0x1F;
	v0 =	vshll.u32 v0, $0xA;
	v1 =	vshll.u32 v1, $0x5  }
0x37a: {  	s5 =	sshrl.u32 s22, $0x2;
	s23 =	sand.u32 $0x70, s21;
	v2 =	vnsel vm15, $0x1F, v2;
	v0 =	vadd.s32 v0, v1  }
0x37b: {  	s10 =	sor.u32 s23, s5;
	v0 =	vadd.s32 v2, v0  }
0x37c: {  	s5 =	simm.s32 $0x10;
	[tilespmem:s10+$0x6000] =	vst v0  }
0x37d: {  	s22 =	simm.s32 $0x40;
	s23 =	simm.s32 $0x80;
	v0 =	vld [tilespmem:s5+$0x1800]  }
.LBB2_26:
0x37e: {  	p0 =	sne.s32 s23, $0x7C0;
	v1 =	vld [tilespmem:s5+$0x3800]  }
0x37f: {  	v2 =	vld [tilespmem:s5+$0x5800];
	_ =	sdelay $0x3  }
0x380: {  	v0 =	vmax.f32 v0, $0.0e+00;
	v1 =	vmax.f32 v1, $0.0e+00  }
0x381: {  	v0 =	vmin.f32 v0, $1.000000000e+00;
	v1 =	vmin.f32 v1, $1.000000000e+00;
	v2 =	vmax.f32 v2, $0.0e+00  }
0x382: {  	v0 =	vmul.f32 $3.200000000e+01, v0;
	v1 =	vmul.f32 $3.200000000e+01, v1;
	v2 =	vmin.f32 v2, $1.000000000e+00  }
0x383: {  	v2 =	vmul.f32 $3.200000000e+01, v2  }
0x384: {  	v0 =	vtrunc.f32 v0;
	v1 =	vtrunc.f32 v1  }
0x385: {  	v0 =	vcvt.f32.s32 v0;
	v1 =	vcvt.f32.s32 v1  }
0x386: {  	v2 =	vtrunc.f32 v2  }
0x387: {  	vm0 =	vlt.s32 v0, $0x1F;
	v2 =	vcvt.f32.s32 v2;
	vm1 =	vlt.s32 v1, $0x1F  }
0x388: {  	v0 =	vnsel vm0, $0x1F, v0;
	v1 =	vnsel vm1, $0x1F, v1  }
.Ltmp12:
0x389: {  	s21 =	sadd.s32 $0x10, s21;
	s5 =	sand.u32 $0x600, s22;
	vm0 =	vlt.s32 v2, $0x1F;
	v0 =	vshll.u32 v0, $0xA;
	v1 =	vshll.u32 v1, $0x5;
	(pc) =	sbr.rel @p0 .LBB2_26-.Ltmp12, $4  }
0x38a: {  	s10 =	sand.u32 $0x70, s21;
	s22 =	smov.u32 s23;
	s5 =	sshrl.u32 s5, $0x2;
	v2 =	vnsel vm0, $0x1F, v2;
	v0 =	vadd.s32 v0, v1  }
0x38b: {  	s10 =	sor.u32 s10, s5;
	v0 =	vadd.s32 v2, v0  }
0x38c: {  	s5 =	sshra.s32 s23, $0x2;
	[tilespmem:s10+$0x6000] =	vst v0  }
0x38d: {  	s23 =	sadd.s32 $0x40, s23;
	v0 =	vld [tilespmem:s5+$0x1800]  }
0x38e: {  	v1 =	vld [tilespmem:s5+$0x3800]  }
0x38f: {  	v2 =	vld [tilespmem:s5+$0x5800];
	_ =	sdelay $0x3  }
0x390: {  	v0 =	vmax.f32 v0, $0.0e+00;
	v1 =	vmax.f32 v1, $0.0e+00  }
0x391: {  	v0 =	vmin.f32 v0, $1.000000000e+00;
	v2 =	vmax.f32 v2, $0.0e+00;
	v1 =	vmin.f32 v1, $1.000000000e+00  }
0x392: {  	v0 =	vmul.f32 $3.200000000e+01, v0;
	v2 =	vmin.f32 v2, $1.000000000e+00;
	v1 =	vmul.f32 $3.200000000e+01, v1  }
0x393: {  	v2 =	vmul.f32 $3.200000000e+01, v2  }
0x394: {  	v0 =	vtrunc.f32 v0;
	v1 =	vtrunc.f32 v1  }
0x395: {  	v0 =	vcvt.f32.s32 v0;
	v1 =	vcvt.f32.s32 v1  }
0x396: {  	v2 =	vtrunc.f32 v2  }
0x397: {  	v2 =	vcvt.f32.s32 v2;
	vm0 =	vlt.s32 v0, $0x1F;
	vm1 =	vlt.s32 v1, $0x1F  }
0x398: {  	v0 =	vnsel vm0, $0x1F, v0;
	v1 =	vnsel vm1, $0x1F, v1  }
0x399: {  	s22 =	sand.u32 $0x600, s22;
	s10 =	sadd.s32 $0x10, s21;
	vm12 =	vlt.s32 v2, $0x1F;
	v0 =	vshll.u32 v0, $0xA;
	v1 =	vshll.u32 v1, $0x5  }
0x39a: {  	s10 =	sand.u32 $0x70, s10;
	s5 =	sshrl.u32 s22, $0x2;
	v2 =	vnsel vm12, $0x1F, v2;
	v0 =	vadd.s32 v0, v1  }
0x39b: {  	s5 =	sor.u32 s10, s5;
	v0 =	vadd.s32 v2, v0  }
0x39c: {  	[tilespmem:s5+$0x6000] =	vst v0  }
0x39d: {  	_ =	swait.ge [sflag:s6], $0x2000  }
0x39e: {  	[sflag:s6] =	ssyncset.done $0x0  }
0x39f: {  	[sflag:s6] =	ssyncadd.s32 $0xFFFFE000  }
0x3a0: {  	_ =	swait.ge [sflag:s6], $0x2000  }
0x3a1: {  	[sflag:s6] =	ssyncset.done $0x0  }
0x3a2: {  	[sflag:s6] =	ssyncadd.s32 $0xFFFFE000  }
0x3a3: {  	_ =	swait.ge [sflag:s6], $0x2000  }
0x3a4: {  	[sflag:s6] =	ssyncset.done $0x0  }
0x3a5: {  	[sflag:s6] =	ssyncadd.s32 $0xFFFFE000  }
0x3a6: {  	_ =	swait.ge [sflag:s6], $0x2000  }
0x3a7: {  	[sflag:s6] =	ssyncset.done $0x0  }
0x3a8: {  	s21 =	simm.s32 $0x0;
	s23 =	rddreg [dreg:$0x11];
	[sflag:s6] =	ssyncadd.s32 $0xFFFFE000  }
0x3a9: {  	[hbm4b:s23+s21] =	stream.linear.scatter [tilespmem:s15], [sflag:$0x2], $0x8000, $0x38;
	[tilespmem:$0x1E400] =	vst v63  }
0x3aa: {  	_ =	swait.ge [sflag:s19], $0x8000  }
0x3ab: {  	[sflag:s19] =	ssyncset.done $0x0  }
0x3ac: {  	[sflag:s19] =	ssyncadd.s32 $0xFFFF8000  }
0x3ad: {  	[tilespmem:s30], [sflag:$0x1] =	stream.indirect.gather [hbm4b:s3+s28], $0x40, s29, s28, $0xb8;
	[tilespmem:$0x1E400] =	vst v63  }
0x3ae: {  	_ = 	snop  }
0x3af: {  	[tilespmem:s1], [sflag:$0x1] =	stream.indirect.gather [hbm4b:s3+s28], $0x40, s31, s28, $0xb8;
	[tilespmem:$0x1E400] =	vst v63  }
0x3b0: {  	_ = 	snop  }
0x3b1: {  	[tilespmem:s25], [sflag:$0x1] =	stream.indirect.gather [hbm4b:s3+s28], $0x40, s0, s28, $0xb8;
	[tilespmem:$0x1E400] =	vst v63  }
0x3b2: {  	s10 =	simm.s32 $0x0  }
0x3b3: {  	[tilespmem:s4], [sflag:$0x1] =	stream.indirect.gather [hbm4b:s3+s28], $0x40, s26, s28, $0xb8;
	[tilespmem:$0x1E400] =	vst v63  }
0x3b4: {  	v0 =	vld [tilespmem:s10+$0x1A00]  }
0x3b5: {  	v1 =	vld [tilespmem:s10+$0x3A00]  }
0x3b6: {  	v2 =	vld [tilespmem:s10+$0x5A00];
	_ =	sdelay $0x3  }
0x3b7: {  	v0 =	vmax.f32 v0, $0.0e+00;
	v1 =	vmax.f32 v1, $0.0e+00  }
0x3b8: {  	v2 =	vmax.f32 v2, $0.0e+00;
	v0 =	vmin.f32 v0, $1.000000000e+00;
	v1 =	vmin.f32 v1, $1.000000000e+00  }
0x3b9: {  	v2 =	vmin.f32 v2, $1.000000000e+00;
	v0 =	vmul.f32 $3.200000000e+01, v0;
	v1 =	vmul.f32 $3.200000000e+01, v1  }
0x3ba: {  	v2 =	vmul.f32 $3.200000000e+01, v2  }
0x3bb: {  	v0 =	vtrunc.f32 v0;
	v1 =	vtrunc.f32 v1  }
0x3bc: {  	v0 =	vcvt.f32.s32 v0;
	v1 =	vcvt.f32.s32 v1  }
0x3bd: {  	v2 =	vtrunc.f32 v2  }
0x3be: {  	v2 =	vcvt.f32.s32 v2;
	vm13 =	vlt.s32 v0, $0x1F;
	vm14 =	vlt.s32 v1, $0x1F  }
0x3bf: {  	v0 =	vnsel vm13, $0x1F, v0;
	v1 =	vnsel vm14, $0x1F, v1  }
0x3c0: {  	s22 =	sand.u32 $0x600, s21;
	vm15 =	vlt.s32 v2, $0x1F;
	v0 =	vshll.u32 v0, $0xA;
	v1 =	vshll.u32 v1, $0x5  }
0x3c1: {  	s5 =	sshrl.u32 s22, $0x2;
	s23 =	sand.u32 $0x70, s21;
	v2 =	vnsel vm15, $0x1F, v2;
	v0 =	vadd.s32 v0, v1  }
0x3c2: {  	s10 =	sor.u32 s23, s5;
	v0 =	vadd.s32 v2, v0  }
0x3c3: {  	s5 =	simm.s32 $0x10;
	[tilespmem:s10+$0x6200] =	vst v0  }
0x3c4: {  	s22 =	simm.s32 $0x40;
	s23 =	simm.s32 $0x80;
	v0 =	vld [tilespmem:s5+$0x1A00]  }
.LBB2_28:
0x3c5: {  	p0 =	sne.s32 s23, $0x7C0;
	v1 =	vld [tilespmem:s5+$0x3A00]  }
0x3c6: {  	v2 =	vld [tilespmem:s5+$0x5A00];
	_ =	sdelay $0x3  }
0x3c7: {  	v0 =	vmax.f32 v0, $0.0e+00;
	v1 =	vmax.f32 v1, $0.0e+00  }
0x3c8: {  	v0 =	vmin.f32 v0, $1.000000000e+00;
	v1 =	vmin.f32 v1, $1.000000000e+00;
	v2 =	vmax.f32 v2, $0.0e+00  }
0x3c9: {  	v0 =	vmul.f32 $3.200000000e+01, v0;
	v1 =	vmul.f32 $3.200000000e+01, v1;
	v2 =	vmin.f32 v2, $1.000000000e+00  }
0x3ca: {  	v2 =	vmul.f32 $3.200000000e+01, v2  }
0x3cb: {  	v0 =	vtrunc.f32 v0;
	v1 =	vtrunc.f32 v1  }
0x3cc: {  	v0 =	vcvt.f32.s32 v0;
	v1 =	vcvt.f32.s32 v1  }
0x3cd: {  	v2 =	vtrunc.f32 v2  }
0x3ce: {  	vm0 =	vlt.s32 v0, $0x1F;
	v2 =	vcvt.f32.s32 v2;
	vm1 =	vlt.s32 v1, $0x1F  }
0x3cf: {  	v0 =	vnsel vm0, $0x1F, v0;
	v1 =	vnsel vm1, $0x1F, v1  }
.Ltmp13:
0x3d0: {  	s21 =	sadd.s32 $0x10, s21;
	s5 =	sand.u32 $0x600, s22;
	vm0 =	vlt.s32 v2, $0x1F;
	v0 =	vshll.u32 v0, $0xA;
	v1 =	vshll.u32 v1, $0x5;
	(pc) =	sbr.rel @p0 .LBB2_28-.Ltmp13, $4  }
0x3d1: {  	s10 =	sand.u32 $0x70, s21;
	s22 =	smov.u32 s23;
	s5 =	sshrl.u32 s5, $0x2;
	v2 =	vnsel vm0, $0x1F, v2;
	v0 =	vadd.s32 v0, v1  }
0x3d2: {  	s10 =	sor.u32 s10, s5;
	v0 =	vadd.s32 v2, v0  }
0x3d3: {  	s5 =	sshra.s32 s23, $0x2;
	[tilespmem:s10+$0x6200] =	vst v0  }
0x3d4: {  	s23 =	sadd.s32 $0x40, s23;
	v0 =	vld [tilespmem:s5+$0x1A00]  }
0x3d5: {  	v1 =	vld [tilespmem:s5+$0x3A00]  }
0x3d6: {  	v2 =	vld [tilespmem:s5+$0x5A00];
	_ =	sdelay $0x3  }
0x3d7: {  	v0 =	vmax.f32 v0, $0.0e+00;
	v1 =	vmax.f32 v1, $0.0e+00  }
0x3d8: {  	v0 =	vmin.f32 v0, $1.000000000e+00;
	v2 =	vmax.f32 v2, $0.0e+00;
	v1 =	vmin.f32 v1, $1.000000000e+00  }
0x3d9: {  	v0 =	vmul.f32 $3.200000000e+01, v0;
	v2 =	vmin.f32 v2, $1.000000000e+00;
	v1 =	vmul.f32 $3.200000000e+01, v1  }
0x3da: {  	v2 =	vmul.f32 $3.200000000e+01, v2  }
0x3db: {  	v0 =	vtrunc.f32 v0;
	v1 =	vtrunc.f32 v1  }
0x3dc: {  	v0 =	vcvt.f32.s32 v0;
	v1 =	vcvt.f32.s32 v1  }
0x3dd: {  	v2 =	vtrunc.f32 v2  }
0x3de: {  	v2 =	vcvt.f32.s32 v2;
	vm0 =	vlt.s32 v0, $0x1F;
	vm1 =	vlt.s32 v1, $0x1F  }
0x3df: {  	v0 =	vnsel vm0, $0x1F, v0;
	v1 =	vnsel vm1, $0x1F, v1  }
0x3e0: {  	s23 =	sand.u32 $0x600, s22;
	s10 =	sadd.s32 $0x10, s21;
	vm12 =	vlt.s32 v2, $0x1F;
	v0 =	vshll.u32 v0, $0xA;
	v1 =	vshll.u32 v1, $0x5  }
0x3e1: {  	s10 =	sand.u32 $0x70, s10;
	s5 =	sshrl.u32 s23, $0x2;
	v2 =	vnsel vm12, $0x1F, v2;
	v0 =	vadd.s32 v0, v1  }
0x3e2: {  	s5 =	sor.u32 s10, s5;
	v0 =	vadd.s32 v2, v0  }
0x3e3: {  	[tilespmem:s5+$0x6200] =	vst v0  }
0x3e4: {  	_ =	swait.ge [sflag:s6], $0x2000  }
0x3e5: {  	[sflag:s6] =	ssyncset.done $0x0  }
0x3e6: {  	[sflag:s6] =	ssyncadd.s32 $0xFFFFE000  }
0x3e7: {  	_ =	swait.ge [sflag:s6], $0x2000  }
0x3e8: {  	[sflag:s6] =	ssyncset.done $0x0  }
0x3e9: {  	[sflag:s6] =	ssyncadd.s32 $0xFFFFE000  }
0x3ea: {  	_ =	swait.ge [sflag:s6], $0x2000  }
0x3eb: {  	[sflag:s6] =	ssyncset.done $0x0  }
0x3ec: {  	[sflag:s6] =	ssyncadd.s32 $0xFFFFE000  }
0x3ed: {  	_ =	swait.ge [sflag:s6], $0x2000  }
0x3ee: {  	[sflag:s6] =	ssyncset.done $0x0  }
0x3ef: {  	s21 =	simm.s32 $0x0;
	s22 =	rddreg [dreg:$0x12];
	[sflag:s6] =	ssyncadd.s32 $0xFFFFE000  }
0x3f0: {  	[hbm4b:s22+s21] =	stream.linear.scatter [tilespmem:s30], [sflag:$0x2], $0x8000, $0x38;
	[tilespmem:$0x1E400] =	vst v63  }
0x3f1: {  	_ =	swait.ge [sflag:s19], $0x8000  }
0x3f2: {  	[sflag:s19] =	ssyncset.done $0x0  }
0x3f3: {  	[sflag:s19] =	ssyncadd.s32 $0xFFFF8000  }
0x3f4: {  	[tilespmem:s8], [sflag:$0x1] =	stream.indirect.gather [hbm4b:s3+s28], $0x40, s7, s28, $0xb8;
	[tilespmem:$0x1E400] =	vst v63  }
0x3f5: {  	s23 =	simm.s32 $0x10400  }
0x3f6: {  	[tilespmem:s23], [sflag:$0x1] =	stream.indirect.gather [hbm4b:s3+s28], $0x40, s9, s28, $0xb8;
	[tilespmem:$0x1E400] =	vst v63  }
0x3f7: {  	_ = 	snop  }
0x3f8: {  	[tilespmem:s12], [sflag:$0x1] =	stream.indirect.gather [hbm4b:s3+s28], $0x40, s11, s28, $0xb8;
	[tilespmem:$0x1E400] =	vst v63  }
0x3f9: {  	s10 =	simm.s32 $0x0  }
0x3fa: {  	[tilespmem:s14], [sflag:$0x1] =	stream.indirect.gather [hbm4b:s3+s28], $0x40, s13, s28, $0xb8;
	[tilespmem:$0x1E400] =	vst v63  }
0x3fb: {  	v0 =	vld [tilespmem:s10+$0x1C00]  }
0x3fc: {  	v1 =	vld [tilespmem:s10+$0x3C00]  }
0x3fd: {  	v2 =	vld [tilespmem:s10+$0x5C00];
	_ =	sdelay $0x3  }
0x3fe: {  	v0 =	vmax.f32 v0, $0.0e+00;
	v1 =	vmax.f32 v1, $0.0e+00  }
0x3ff: {  	v2 =	vmax.f32 v2, $0.0e+00;
	v0 =	vmin.f32 v0, $1.000000000e+00;
	v1 =	vmin.f32 v1, $1.000000000e+00  }
0x400: {  	v2 =	vmin.f32 v2, $1.000000000e+00;
	v0 =	vmul.f32 $3.200000000e+01, v0;
	v1 =	vmul.f32 $3.200000000e+01, v1  }
0x401: {  	v2 =	vmul.f32 $3.200000000e+01, v2  }
0x402: {  	v0 =	vtrunc.f32 v0;
	v1 =	vtrunc.f32 v1  }
0x403: {  	v0 =	vcvt.f32.s32 v0;
	v1 =	vcvt.f32.s32 v1  }
0x404: {  	v2 =	vtrunc.f32 v2  }
0x405: {  	v2 =	vcvt.f32.s32 v2;
	vm13 =	vlt.s32 v0, $0x1F;
	vm14 =	vlt.s32 v1, $0x1F  }
0x406: {  	v0 =	vnsel vm13, $0x1F, v0;
	v1 =	vnsel vm14, $0x1F, v1  }
0x407: {  	s22 =	sand.u32 $0x600, s21;
	vm15 =	vlt.s32 v2, $0x1F;
	v0 =	vshll.u32 v0, $0xA;
	v1 =	vshll.u32 v1, $0x5  }
0x408: {  	s5 =	sshrl.u32 s22, $0x2;
	s23 =	sand.u32 $0x70, s21;
	v2 =	vnsel vm15, $0x1F, v2;
	v0 =	vadd.s32 v0, v1  }
0x409: {  	s10 =	sor.u32 s23, s5;
	v0 =	vadd.s32 v2, v0  }
0x40a: {  	s5 =	simm.s32 $0x10;
	[tilespmem:s10+$0x6000] =	vst v0  }
0x40b: {  	s22 =	simm.s32 $0x40;
	s23 =	simm.s32 $0x80;
	v0 =	vld [tilespmem:s5+$0x1C00]  }
.LBB2_30:
0x40c: {  	p0 =	sne.s32 s23, $0x7C0;
	v1 =	vld [tilespmem:s5+$0x3C00]  }
0x40d: {  	v2 =	vld [tilespmem:s5+$0x5C00];
	_ =	sdelay $0x3  }
0x40e: {  	v0 =	vmax.f32 v0, $0.0e+00;
	v1 =	vmax.f32 v1, $0.0e+00  }
0x40f: {  	v0 =	vmin.f32 v0, $1.000000000e+00;
	v1 =	vmin.f32 v1, $1.000000000e+00;
	v2 =	vmax.f32 v2, $0.0e+00  }
0x410: {  	v0 =	vmul.f32 $3.200000000e+01, v0;
	v1 =	vmul.f32 $3.200000000e+01, v1;
	v2 =	vmin.f32 v2, $1.000000000e+00  }
0x411: {  	v2 =	vmul.f32 $3.200000000e+01, v2  }
0x412: {  	v0 =	vtrunc.f32 v0;
	v1 =	vtrunc.f32 v1  }
0x413: {  	v0 =	vcvt.f32.s32 v0;
	v1 =	vcvt.f32.s32 v1  }
0x414: {  	v2 =	vtrunc.f32 v2  }
0x415: {  	vm0 =	vlt.s32 v0, $0x1F;
	v2 =	vcvt.f32.s32 v2;
	vm1 =	vlt.s32 v1, $0x1F  }
0x416: {  	v0 =	vnsel vm0, $0x1F, v0;
	v1 =	vnsel vm1, $0x1F, v1  }
.Ltmp14:
0x417: {  	s21 =	sadd.s32 $0x10, s21;
	s5 =	sand.u32 $0x600, s22;
	vm0 =	vlt.s32 v2, $0x1F;
	v0 =	vshll.u32 v0, $0xA;
	v1 =	vshll.u32 v1, $0x5;
	(pc) =	sbr.rel @p0 .LBB2_30-.Ltmp14, $4  }
0x418: {  	s10 =	sand.u32 $0x70, s21;
	s22 =	smov.u32 s23;
	s5 =	sshrl.u32 s5, $0x2;
	v2 =	vnsel vm0, $0x1F, v2;
	v0 =	vadd.s32 v0, v1  }
0x419: {  	s10 =	sor.u32 s10, s5;
	v0 =	vadd.s32 v2, v0  }
0x41a: {  	s5 =	sshra.s32 s23, $0x2;
	[tilespmem:s10+$0x6000] =	vst v0  }
0x41b: {  	s23 =	sadd.s32 $0x40, s23;
	v0 =	vld [tilespmem:s5+$0x1C00]  }
0x41c: {  	v1 =	vld [tilespmem:s5+$0x3C00]  }
0x41d: {  	v2 =	vld [tilespmem:s5+$0x5C00];
	_ =	sdelay $0x3  }
0x41e: {  	v0 =	vmax.f32 v0, $0.0e+00;
	v1 =	vmax.f32 v1, $0.0e+00  }
0x41f: {  	v0 =	vmin.f32 v0, $1.000000000e+00;
	v2 =	vmax.f32 v2, $0.0e+00;
	v1 =	vmin.f32 v1, $1.000000000e+00  }
0x420: {  	v0 =	vmul.f32 $3.200000000e+01, v0;
	v2 =	vmin.f32 v2, $1.000000000e+00;
	v1 =	vmul.f32 $3.200000000e+01, v1  }
0x421: {  	v2 =	vmul.f32 $3.200000000e+01, v2  }
0x422: {  	v0 =	vtrunc.f32 v0;
	v1 =	vtrunc.f32 v1  }
0x423: {  	v0 =	vcvt.f32.s32 v0;
	v1 =	vcvt.f32.s32 v1  }
0x424: {  	v2 =	vtrunc.f32 v2  }
0x425: {  	v2 =	vcvt.f32.s32 v2;
	vm0 =	vlt.s32 v0, $0x1F;
	vm1 =	vlt.s32 v1, $0x1F  }
0x426: {  	v0 =	vnsel vm0, $0x1F, v0;
	v1 =	vnsel vm1, $0x1F, v1  }
0x427: {  	s22 =	sand.u32 $0x600, s22;
	s10 =	sadd.s32 $0x10, s21;
	vm12 =	vlt.s32 v2, $0x1F;
	v0 =	vshll.u32 v0, $0xA;
	v1 =	vshll.u32 v1, $0x5  }
0x428: {  	s10 =	sand.u32 $0x70, s10;
	s5 =	sshrl.u32 s22, $0x2;
	v2 =	vnsel vm12, $0x1F, v2;
	v0 =	vadd.s32 v0, v1  }
0x429: {  	s5 =	sor.u32 s10, s5;
	v0 =	vadd.s32 v2, v0  }
0x42a: {  	[tilespmem:s5+$0x6000] =	vst v0  }
0x42b: {  	_ =	swait.ge [sflag:s6], $0x2000  }
0x42c: {  	[sflag:s6] =	ssyncset.done $0x0  }
0x42d: {  	[sflag:s6] =	ssyncadd.s32 $0xFFFFE000  }
0x42e: {  	_ =	swait.ge [sflag:s6], $0x2000  }
0x42f: {  	[sflag:s6] =	ssyncset.done $0x0  }
0x430: {  	[sflag:s6] =	ssyncadd.s32 $0xFFFFE000  }
0x431: {  	_ =	swait.ge [sflag:s6], $0x2000  }
0x432: {  	[sflag:s6] =	ssyncset.done $0x0  }
0x433: {  	[sflag:s6] =	ssyncadd.s32 $0xFFFFE000  }
0x434: {  	_ =	swait.ge [sflag:s6], $0x2000  }
0x435: {  	[sflag:s6] =	ssyncset.done $0x0  }
0x436: {  	s21 =	simm.s32 $0x0;
	s23 =	rddreg [dreg:$0x13];
	[sflag:s6] =	ssyncadd.s32 $0xFFFFE000  }
0x437: {  	[hbm4b:s23+s21] =	stream.linear.scatter [tilespmem:s8], [sflag:$0x2], $0x8000, $0x38;
	[tilespmem:$0x1E400] =	vst v63  }
0x438: {  	_ =	swait.ge [sflag:s19], $0x8000  }
0x439: {  	[sflag:s19] =	ssyncset.done $0x0  }
0x43a: {  	[sflag:s19] =	ssyncadd.s32 $0xFFFF8000  }
0x43b: {  	[tilespmem:s15], [sflag:$0x1] =	stream.indirect.gather [hbm4b:s3+s28], $0x40, s29, s28, $0xb8;
	[tilespmem:$0x1E400] =	vst v63  }
0x43c: {  	_ = 	snop  }
0x43d: {  	[tilespmem:s16], [sflag:$0x1] =	stream.indirect.gather [hbm4b:s3+s28], $0x40, s31, s28, $0xb8;
	[tilespmem:$0x1E400] =	vst v63  }
0x43e: {  	_ = 	snop  }
0x43f: {  	[tilespmem:s17], [sflag:$0x1] =	stream.indirect.gather [hbm4b:s3+s28], $0x40, s0, s28, $0xb8;
	[tilespmem:$0x1E400] =	vst v63  }
0x440: {  	s10 =	simm.s32 $0x0  }
0x441: {  	[tilespmem:s18], [sflag:$0x1] =	stream.indirect.gather [hbm4b:s3+s28], $0x40, s26, s28, $0xb8;
	[tilespmem:$0x1E400] =	vst v63  }
0x442: {  	v0 =	vld [tilespmem:s10+$0x1E00]  }
0x443: {  	v1 =	vld [tilespmem:s10+$0x3E00]  }
0x444: {  	v2 =	vld [tilespmem:s10+$0x5E00];
	_ =	sdelay $0x3  }
0x445: {  	v0 =	vmax.f32 v0, $0.0e+00;
	v1 =	vmax.f32 v1, $0.0e+00  }
0x446: {  	v2 =	vmax.f32 v2, $0.0e+00;
	v0 =	vmin.f32 v0, $1.000000000e+00;
	v1 =	vmin.f32 v1, $1.000000000e+00  }
0x447: {  	v2 =	vmin.f32 v2, $1.000000000e+00;
	v0 =	vmul.f32 $3.200000000e+01, v0;
	v1 =	vmul.f32 $3.200000000e+01, v1  }
0x448: {  	v2 =	vmul.f32 $3.200000000e+01, v2  }
0x449: {  	v0 =	vtrunc.f32 v0;
	v1 =	vtrunc.f32 v1  }
0x44a: {  	v0 =	vcvt.f32.s32 v0;
	v1 =	vcvt.f32.s32 v1  }
0x44b: {  	v2 =	vtrunc.f32 v2  }
0x44c: {  	v2 =	vcvt.f32.s32 v2;
	vm13 =	vlt.s32 v0, $0x1F;
	vm14 =	vlt.s32 v1, $0x1F  }
0x44d: {  	v0 =	vnsel vm13, $0x1F, v0;
	v1 =	vnsel vm14, $0x1F, v1  }
0x44e: {  	s22 =	sand.u32 $0x600, s21;
	vm15 =	vlt.s32 v2, $0x1F;
	v0 =	vshll.u32 v0, $0xA;
	v1 =	vshll.u32 v1, $0x5  }
0x44f: {  	s5 =	sshrl.u32 s22, $0x2;
	s23 =	sand.u32 $0x70, s21;
	v2 =	vnsel vm15, $0x1F, v2;
	v0 =	vadd.s32 v0, v1  }
0x450: {  	s10 =	sor.u32 s23, s5;
	v0 =	vadd.s32 v2, v0  }
0x451: {  	s5 =	simm.s32 $0x10;
	[tilespmem:s10+$0x6200] =	vst v0  }
0x452: {  	s22 =	simm.s32 $0x40;
	s23 =	simm.s32 $0x80;
	v0 =	vld [tilespmem:s5+$0x1E00]  }
.LBB2_32:
0x453: {  	p0 =	sne.s32 s23, $0x7C0;
	v1 =	vld [tilespmem:s5+$0x3E00]  }
0x454: {  	v2 =	vld [tilespmem:s5+$0x5E00];
	_ =	sdelay $0x3  }
0x455: {  	v0 =	vmax.f32 v0, $0.0e+00;
	v1 =	vmax.f32 v1, $0.0e+00  }
0x456: {  	v0 =	vmin.f32 v0, $1.000000000e+00;
	v1 =	vmin.f32 v1, $1.000000000e+00;
	v2 =	vmax.f32 v2, $0.0e+00  }
0x457: {  	v0 =	vmul.f32 $3.200000000e+01, v0;
	v1 =	vmul.f32 $3.200000000e+01, v1;
	v2 =	vmin.f32 v2, $1.000000000e+00  }
0x458: {  	v2 =	vmul.f32 $3.200000000e+01, v2  }
0x459: {  	v0 =	vtrunc.f32 v0;
	v1 =	vtrunc.f32 v1  }
0x45a: {  	v0 =	vcvt.f32.s32 v0;
	v1 =	vcvt.f32.s32 v1  }
0x45b: {  	v2 =	vtrunc.f32 v2  }
0x45c: {  	vm0 =	vlt.s32 v0, $0x1F;
	v2 =	vcvt.f32.s32 v2;
	vm1 =	vlt.s32 v1, $0x1F  }
0x45d: {  	v0 =	vnsel vm0, $0x1F, v0;
	v1 =	vnsel vm1, $0x1F, v1  }
.Ltmp15:
0x45e: {  	s21 =	sadd.s32 $0x10, s21;
	s5 =	sand.u32 $0x600, s22;
	vm0 =	vlt.s32 v2, $0x1F;
	v0 =	vshll.u32 v0, $0xA;
	v1 =	vshll.u32 v1, $0x5;
	(pc) =	sbr.rel @p0 .LBB2_32-.Ltmp15, $4  }
0x45f: {  	s10 =	sand.u32 $0x70, s21;
	s22 =	smov.u32 s23;
	s5 =	sshrl.u32 s5, $0x2;
	v2 =	vnsel vm0, $0x1F, v2;
	v0 =	vadd.s32 v0, v1  }
0x460: {  	s10 =	sor.u32 s10, s5;
	v0 =	vadd.s32 v2, v0  }
0x461: {  	s5 =	sshra.s32 s23, $0x2;
	[tilespmem:s10+$0x6200] =	vst v0  }
0x462: {  	s23 =	sadd.s32 $0x40, s23;
	v0 =	vld [tilespmem:s5+$0x1E00]  }
0x463: {  	v1 =	vld [tilespmem:s5+$0x3E00]  }
0x464: {  	v2 =	vld [tilespmem:s5+$0x5E00];
	_ =	sdelay $0x3  }
0x465: {  	v0 =	vmax.f32 v0, $0.0e+00;
	v1 =	vmax.f32 v1, $0.0e+00  }
0x466: {  	v0 =	vmin.f32 v0, $1.000000000e+00;
	v2 =	vmax.f32 v2, $0.0e+00;
	v1 =	vmin.f32 v1, $1.000000000e+00  }
0x467: {  	v0 =	vmul.f32 $3.200000000e+01, v0;
	v2 =	vmin.f32 v2, $1.000000000e+00;
	v1 =	vmul.f32 $3.200000000e+01, v1  }
0x468: {  	v2 =	vmul.f32 $3.200000000e+01, v2  }
0x469: {  	v0 =	vtrunc.f32 v0;
	v1 =	vtrunc.f32 v1  }
0x46a: {  	v0 =	vcvt.f32.s32 v0;
	v1 =	vcvt.f32.s32 v1  }
0x46b: {  	v2 =	vtrunc.f32 v2  }
0x46c: {  	v2 =	vcvt.f32.s32 v2;
	vm0 =	vlt.s32 v0, $0x1F;
	vm1 =	vlt.s32 v1, $0x1F  }
0x46d: {  	v0 =	vnsel vm0, $0x1F, v0;
	v1 =	vnsel vm1, $0x1F, v1  }
0x46e: {  	s23 =	sand.u32 $0x600, s22;
	s10 =	sadd.s32 $0x10, s21;
	vm15 =	vlt.s32 v2, $0x1F;
	v0 =	vshll.u32 v0, $0xA;
	v1 =	vshll.u32 v1, $0x5  }
0x46f: {  	s10 =	sand.u32 $0x70, s10;
	s5 =	sshrl.u32 s23, $0x2;
	v2 =	vnsel vm15, $0x1F, v2;
	v0 =	vadd.s32 v0, v1  }
0x470: {  	s5 =	sor.u32 s10, s5;
	v0 =	vadd.s32 v2, v0  }
0x471: {  	[tilespmem:s5+$0x6200] =	vst v0  }
0x472: {  	_ =	swait.ge [sflag:s6], $0x2000  }
0x473: {  	[sflag:s6] =	ssyncset.done $0x0  }
0x474: {  	[sflag:s6] =	ssyncadd.s32 $0xFFFFE000  }
0x475: {  	_ =	swait.ge [sflag:s6], $0x2000  }
0x476: {  	[sflag:s6] =	ssyncset.done $0x0  }
0x477: {  	[sflag:s6] =	ssyncadd.s32 $0xFFFFE000  }
0x478: {  	_ =	swait.ge [sflag:s6], $0x2000  }
0x479: {  	[sflag:s6] =	ssyncset.done $0x0  }
0x47a: {  	[sflag:s6] =	ssyncadd.s32 $0xFFFFE000  }
0x47b: {  	_ =	swait.ge [sflag:s6], $0x2000  }
0x47c: {  	[sflag:s6] =	ssyncset.done $0x0  }
0x47d: {  	s21 =	rddreg [dreg:$0x14];
	[sflag:s6] =	ssyncadd.s32 $0xFFFFE000  }
0x47e: {  	[hbm4b:s21+s2] =	stream.linear.scatter [tilespmem:s15], [sflag:$0x2], $0x8000, $0x38;
	[tilespmem:$0x1E400] =	vst v63  }
0x47f: {  	_ =	swait.ge [sflag:s19], $0x8000  }
0x480: {  	[sflag:s19] =	ssyncset.done $0x0  }
0x481: {  	[sflag:s19] =	ssyncadd.s32 $0xFFFF8000  }
0x482: {  	[tilespmem:s30], [sflag:$0x1] =	stream.indirect.gather [hbm4b:s3+s28], $0x40, s7, s28, $0xb8;
	[tilespmem:$0x1E400] =	vst v63  }
0x483: {  	_ = 	snop  }
0x484: {  	[tilespmem:s1], [sflag:$0x1] =	stream.indirect.gather [hbm4b:s3+s28], $0x40, s9, s28, $0xb8;
	[tilespmem:$0x1E400] =	vst v63  }
0x485: {  	_ = 	snop  }
0x486: {  	[tilespmem:s25], [sflag:$0x1] =	stream.indirect.gather [hbm4b:s3+s28], $0x40, s11, s28, $0xb8;
	[tilespmem:$0x1E400] =	vst v63  }
0x487: {  	_ = 	snop  }
0x488: {  	[tilespmem:s4], [sflag:$0x1] =	stream.indirect.gather [hbm4b:s3+s28], $0x40, s13, s28, $0xb8;
	[tilespmem:$0x1E400] =	vst v63  }
0x489: {  	_ =	swait.ge [sflag:s6], $0x2000  }
0x48a: {  	[sflag:s6] =	ssyncset.done $0x0  }
0x48b: {  	[sflag:s6] =	ssyncadd.s32 $0xFFFFE000  }
0x48c: {  	_ =	swait.ge [sflag:s6], $0x2000  }
0x48d: {  	[sflag:s6] =	ssyncset.done $0x0  }
0x48e: {  	[sflag:s6] =	ssyncadd.s32 $0xFFFFE000  }
0x48f: {  	_ =	swait.ge [sflag:s6], $0x2000  }
0x490: {  	[sflag:s6] =	ssyncset.done $0x0  }
0x491: {  	[sflag:s6] =	ssyncadd.s32 $0xFFFFE000  }
0x492: {  	_ =	swait.ge [sflag:s6], $0x2000  }
0x493: {  	[sflag:s6] =	ssyncset.done $0x0  }
0x494: {  	s22 =	rddreg [dreg:$0x15];
	[sflag:s6] =	ssyncadd.s32 $0xFFFFE000  }
0x495: {  	[hbm4b:s22+s2] =	stream.linear.scatter [tilespmem:s30], [sflag:$0x2], $0x8000, $0x38;
	[tilespmem:$0x1E400] =	vst v63  }
0x496: {  	_ =	swait.ge [sflag:s19], $0x8000  }
0x497: {  	[sflag:s19] =	ssyncset.done $0x0  }
0x498: {  	[sflag:s19] =	ssyncadd.s32 $0xFFFF8000  }
0x499: {  	_ =	swait.ge [sflag:s19], $0x8000  }
0x49a: {  	s20 =	sadd.s32 $0x1, s20;
	s23 =	rddreg [dreg:$0x16]  }
0x49b: {  	p0 =	sne.s32 s20, s23  }
.Ltmp16:
0x49c: {  	_ = 	snop;
	(pc) =	sbr.rel @p0 .LBB2_1-.Ltmp16, $3  }
0x49d: {  	_ =	sdelay $0x1  }
0x49e: {  	[sflag:s19] =	ssyncset.done $0x0  }
0x49f: {  	[sflag:s19] =	ssyncadd.s32 $0xFFFF8000  }
0x4a0: {  	_ =	sfence.sel $0x180000  }
0x4a1: {  	[bflag:$0x0] =	sbarrier.arrive $0xFFFF  }
0x4a2: {  	_ =	strace $0x90000047  }
0x4a3: {  	s0 =	stileid.u32;
	[bflag:$0x2] =	sbarrier.arrive $0xFFFF  }
0x4a4: {  	p0 =	sne.s32 s0, $0x0;
	s0 =	rddreg [dreg:$0x2]  }
0x4a5: {  	s0 =	sadd.s32 @!p0 $0x100000, s0  }
0x4a6: {  	[sflag:s0] =	ssyncadd.tile.s32 @!p0 $0x1;
	_ =	shalt  }
.Lfunc_end2:
_tile_overlayer_lowered:
.L_overlay_start_2:
0x4a7: {  	(tag) =	ssettag $0x2  }
0x4a8: {  	s0 =	rddreg [dreg:$0x0];
	s2 =	stileid.u32  }
0x4a9: {  	s1 =	rddreg [dreg:$0x1];
	p0 =	sne.s32 s2, $0x0  }
0x4aa: {  	s3 =	rddreg [dreg:$0x2];
	[bflag:$0x3] =	sbarrier.arrive $0xFFFF;
	s2 =	simm.s32 @!p0 $0x1C03  }
0x4ab: {  	[timem:s3], [sflag:s2] =	dma.local @!p0 [hbm:s0], s1  }
0x4ac: {  	s0 =	simm.s32 @!p0 $0x3  }
0x4ad: {  	_ =	swait.ge @!p0 [sflag:s0], s1  }
0x4ae: {  	s1 =	ssub.s32 @!p0 $0x0, s1;
	[sflag:s0] =	ssyncset.done @!p0 $0x0  }
0x4af: {  	[sflag:s0] =	ssyncadd.s32 @!p0 s1  }
0x4b0: {  	[bflag:$0x3] =	sbarrier.arrive $0xFFFF  }
0x4b1: {  	_ =	shalt  }

// kernel: sparse-core-data-format-call.cloned.1.call-start
scs
called_computation_lowered:
.L_overlay_start_0:
0x0: {  	s2 =	sld [smem:$0x3FD9]  }
0x1: {  	s3 =	sld [smem:$0x3FFE];
	_ =	sdelay $0x1  }
0x2: {  	s1 =	srdreg.scid  }
0x3: {  	s0 =	sand.u32 $0x1, s1  }
0x4: {  	s18 =	sshll.u32 s0, $0xA;
	s2 =	sadd.s32 s3, s2  }
0x5: {  	s2 =	sadd.s32 s2, s18  }
0x6: {  	[smem:$0x3FC6] =	sst s2  }
0x7: {  	_ = 	snop  }
0x8: {  	s2 =	sld [smem:$0x3FD0];
	(tm) =	ssettm $0x1  }
0x9: {  	s19 =	sld [smem:$0x3FFB];
	_ =	sdelay $0x3  }
0xa: {  	_ =	strace s19  }
0xb: {  	s3 =	sld [smem:$0x3FFC];
	_ =	sdelay $0x3  }
0xc: {  	_ =	strace s3  }
0xd: {  	s3 =	sld [smem:$0x3FFD];
	_ =	sdelay $0x3  }
0xe: {  	_ =	strace s3  }
0xf: {  	_ =	strace $0x8FFFFFFF  }
0x10: {  	s20 =	sld [smem:$0x3FDB];
	_ =	sdelay $0x1  }
0x11: {  	s4 =	simm.s32 $_scs_section_size  }
0x12: {  	s5 =	simm.s32 $_size__tile_overlayer_lowered;
	s6 =	simm.s32 $_tile_overlayer_lowered  }
0x13: {  	s23 =	simm.s32 $0x1BFF;
	s22 =	sshll.u32 s6, $0x1;
	s3 =	sadd.s32 s4, s20  }
0x14: {  	s7 =	simm.s32 $0x0;
	s21 =	sshll.u32 s5, $0x1;
	s5 =	sadd.s32 s22, s3  }
0x15: {  	[timem:s7], [sflag:s23] =	dma.local [hbm:s5], s21  }
0x16: {  	_ =	swait.ge [sflag:s23], s21  }
0x17: {  	s4 =	ssub.s32 $0x0, s21;
	[sflag:s23] =	ssyncset.done $0x0  }
0x18: {  	[sflag:s23] =	ssyncadd.s32 s4;
	_ =	sdelay $0x1  }
0x19: {  	s24 =	simm.s32 $0x1B8B  }
0x1a: {  	_ =	swait.ge [sflag:s24], $0x1  }
0x1b: {  	[sflag:s24] =	ssyncset.done $0x0  }
0x1c: {  	s26 =	simm.s32 $0x1B8E;
	s25 =	sld [smem:$0x3FFE];
	[sflag:s24] =	ssyncadd.s32 $0xFFFFFFFF  }
0x1d: {  	s27 =	simm.s32 $execute0_lowered;
	[smem:$0x3FD2] =	sst s26  }
0x1e: {  	s5 =	sshll.u32 s27, $0x1;
	_ =	strace $0x80000049;
	[dreg:$0x1] =	wrdreg $0xFFFFFFFF  }
0x1f: {  	s28 =	simm.s32 $_size_execute0_lowered;
	s3 =	sadd.s32 s3, s5;
	[dreg:$0x0] =	wrdreg $0x0  }
0x20: {  	s5 =	sshll.u32 s28, $0x1;
	[dreg:$0x2] =	wrdreg s3  }
0x21: {  	[dreg:$0x3] =	wrdreg s5  }
0x22: {  	[dreg:$0x4] =	wrdreg $0xC0  }
0x23: {  	_ =	task [dreg:s7], $0x5FFFF  }
0x24: {  	[dreg:$0x1] =	wrdreg $0xFFFFFFFF  }
0x25: {  	[dreg:$0x0] =	wrdreg $0x60  }
0x26: {  	[dreg:$0x2] =	wrdreg s25  }
0x27: {  	[dreg:$0x3] =	wrdreg s2  }
0x28: {  	[dreg:$0x4] =	wrdreg $0x9  }
0x29: {  	_ =	task.clear_ibuf [dreg:s7], $0x5FFFF;
	_ =	strace $0x90000049  }
0x2a: {  	s29 =	simm.s32 $0x9;
	_ =	strace $0x8000004B  }
0x2b: {  	_ =	swait.ge [sflag:s29], $0x1  }
0x2c: {  	[sflag:s29] =	ssyncadd.s32 $0xFFFFFFFF  }
0x2d: {  	_ =	strace $0x9000004B  }
0x2e: {  	_ =	sfence  }
0x2f: {  	s30 =	sld [smem:$0x0];
	_ =	sdelay $0x2  }
0x30: {  	s31 =	sshll.u32 s1, $0xD;
	s1 =	sshrl.u32 s1, $0x2  }
0x31: {  	s3 =	sand.u32 $0x4000, s31;
	s1 =	sadd.s32 s1, s30  }
0x32: {  	s0 =	sor.u32 s3, s0;
	s1 =	sshll.u32 s1, $0x11  }
0x33: {  	s0 =	sor.u32 s1, s0  }
0x34: {  	s0 =	sadd.s32 $0x8F2B, s0  }
0x35: {  	[sflag:s0] =	ssyncadd.remote.s32 $0x1  }
0x36: {  	_ =	sfence.sel $0xFFFF  }
0x37: {  	[dreg:$0x0] =	wrdreg $0xFFFFFFFF;
	(pc) =	sbr.abs _section_cstart, $3  }
0x38: {  	[dreg:$0x1] =	wrdreg $0xFFFFFFFF  }
0x39: {  	_ =	task.clear_ibuf [dreg:s7], $0x2FFFF;
	_ =	strace $0x9FFFFFFF  }
0x3a: {  	(tm) =	ssettm $0x7FFFFFFF  }
0x3b: {  	_ =	shalt  }
tec
execute0_lowered:
.L_overlay_start_1:
0x0: {  	(tag) =	ssettag $0x1  }
0x1: {  	s0 =	srdreg.scid  }
0x2: {  	s1 =	sshll.u32 s0, $0x4  }
0x3: {  	s4 =	rddreg [dreg:$0x0];
	s0 =	stileid.u32;
	s1 =	sand.u32 $0x10, s1  }
0x4: {  	s2 =	rddreg [dreg:$0x1];
	s7 =	simm.s32 $0x1;
	s1 =	sor.u32 s0, s1  }
0x5: {  	s8 =	simm.s32 $0x2;
	s11 =	simm.s32 $0x0;
	s3 =	sshll.u32 s1, $0x7  }
0x6: {  	s10 =	simm.s32 $0x0;
	s4 =	sadd.s32 $0x800, s4;
	s6 =	ssub.s32 $0x40000, s3  }
.Ltmp0:
0x7: {  	s1 =	rddreg [dreg:$0x2];
	s5 =	sand.u32 $0xF80, s6;
	(pc) =	sbr.rel .LBB1_1-.Ltmp0, $4  }
0x8: {  	_ =	strace $0x8000004A;
	s9 =	smov.u32 s3;
	p0 =	sne.s32 s5, $0x0  }
0x9: {  	s6 =	sshrl.u32 s6, $0xC;
	s5 =	simm.s32 $0x1;
	s7 =	simm.s32 @!p0 $0x0  }
0xa: {  	[sflag:s5] =	ssyncpa.u1 $0x0;
	p0 =	por $0x0, $0x0;
	s6 =	sadd.s32 s7, s6  }
0xb: {  	[sflag:s8] =	ssyncpa.u1 $0x0;
	s8 =	simm.s32 $0x200000;
	s7 =	sadd.s32 $0x1, s6  }
.LBB1_4:
0xc: {  	s14 =	sshll.u32 s11, $0x3  }
0xd: {  	s15 =	sand.u32 $0x78, s11;
	s14 =	sand.u32 $0x3FC00, s14  }
0xe: {  	[tilespmem:s13+$0x810 ss:$0x81] =	vst.msk $0xffff, v2;
	s29 =	sand.u32 $0x1F8000, s11;
	s30 =	sand.u32 $0x7, s11;
	s14 =	sor.u32 s15, s14  }
0xf: {  	[tilespmem:s13+$0x1020 ss:$0x81] =	vst.msk $0xffff, v0;
	s11 =	sshll.u32 s30, $0x12;
	s15 =	sadd.s32 s2, s29;
	s14 =	sshrl.u32 s14, $0x3  }
0x10: {  	[tilespmem:s13+$0x0 ss:$0x81] =	vst.msk $0xffff, v1;
	s11 =	sor.u32 $0x400, s11;
	s31 =	sadd.s32 s14, s15  }
0x11: {  	[hbm4b:s31+s11] =	stream.strided.scatter [tilespmem:s12], [sflag:$0x2], $0x2000, s8, s11, $0x20;
	[tilespmem:$0x8080] =	vst v63  }
.LBB1_5:
0x12: {  	s13 =	sadd.s32 $0x1000, s9  }
0x13: {  	p2 =	sgt.s32 s13, $0x3FFFF  }
0x14: {  	s13 =	smov.u32 @p2 s3;
	p2 =	sne.s32 s10, s7  }
.Ltmp1:
0x15: {  	p1 =	slt.u32 s10, $0x2;
	(pc) =	sbr.rel @!p2 .LBB1_6-.Ltmp1, $4  }
0x16: {  	s12 =	simm.s32 @!p1 $0x2  }
0x17: {  	s14 =	sadd.s32 $0x1, s10;
	_ =	swait.ge @!p1 [sflag:s12], $0x2000  }
0x18: {  	s11 =	smov.u32 s9;
	p0 =	por !p0, !p0;
	[sflag:s12] =	ssyncset.done @!p1 $0x0  }
0x19: {  	s10 =	smov.u32 s14;
	s9 =	smov.u32 s13;
	[sflag:s12] =	ssyncadd.s32 @!p1 $0xFFFFE000  }
.LBB1_1:
0x1a: {  	p1 =	sge.u32 s10, s6  }
0x1b: {  	s31 =	sadd.s32 $0xFFFFFFFF, s10;
	s12 =	sxor.u32 @!p1 $0xFFFFFFFF, s10;
	s13 =	sshll.u32 @!p1 s9, $0x4  }
0x1c: {  	s14 =	simm.s32 @!p1 $0x40;
	s12 =	sshll.u32 @!p1 s12, $0xD;
	s13 =	sand.u32 @!p1 $0x3FFFF0, s13  }
0x1d: {  	s15 =	simm.s32 @!p1 $0x80;
	s12 =	sand.u32 @!p1 $0x2000, s12;
	s13 =	sadd.s32 @!p1 s4, s13  }
0x1e: {  	[tilespmem:s12], [sflag:$0x1] =	stream.strided.gather @!p1 [hbm4b:s13+s14], $0x2000, s15, s14, $0x38;
	[tilespmem:$0x8080] =	vst v63  }
0x1f: {  	p1 =	sge.u32 s31, s6  }
.Ltmp2:
0x20: {  	_ = 	snop;
	(pc) =	sbr.rel @p1 .LBB1_5-.Ltmp2, $1  }
0x21: {  	_ =	sdelay $0x3  }
0x22: {  	s12 =	simm.s32 $0x1  }
0x23: {  	_ =	swait.ge [sflag:s5], $0x2000;
	s12 =	simm.s32 @!p0 $0x0  }
0x24: {  	[sflag:s5] =	ssyncset.done $0x0;
	s13 =	sshll.u32 s12, $0xD  }
0x25: {  	[sflag:s5] =	ssyncadd.s32 $0xFFFFE000;
	s16 =	sor.u32 $0x20, s13  }
0x26: {  	s12 =	smul.u32 $0x8100, s12;
	v3 =	vld [tilespmem:s16+$0x10]  }
0x27: {  	s30 =	sand.u32 $0x1, s10;
	v2 =	vld [tilespmem:s16+$0xFFFFFFF0]  }
0x28: {  	s13 =	smul.u32 $0x8100, s30;
	s12 =	sshrl.u32 s12, $0x2;
	v0 =	vld [tilespmem:s16+$0x0]  }
0x29: {  	v1 =	vld [tilespmem:s16+$0xFFFFFFE0];
	s14 =	sor.u32 $0x4000, s12  }
0x2a: {  	s31 =	sshrl.u32 s13, $0x2;
	s13 =	sadd.s32 $0x0, s14  }
0x2b: {  	s15 =	simm.s32 $0x4;
	s16 =	sadd.s32 $0x40, s16;
	s12 =	sor.u32 $0x4000, s31;
	[tilespmem:s13+$0x1830 ss:$0x81] =	vst.msk $0xffff, v3  }
.LBB1_3:
0x2c: {  	v3 =	vld [tilespmem:s16+$0x10];
	p1 =	sne.s32 s15, $0x1FC;
	[tilespmem:s13+$0x810 ss:$0x81] =	vst.msk $0xffff, v2;
	s17 =	smov.u32 s15;
	s15 =	sadd.s32 $0x4, s15  }
.Ltmp3:
0x2d: {  	v2 =	vld [tilespmem:s16+$0xFFFFFFF0];
	[tilespmem:s13+$0x1020 ss:$0x81] =	vst.msk $0xffff, v0;
	(pc) =	sbr.rel @p1 .LBB1_3-.Ltmp3, $4  }
0x2e: {  	v0 =	vld [tilespmem:s16+$0x0];
	[tilespmem:s13+$0x0 ss:$0x81] =	vst.msk $0xffff, v1  }
0x2f: {  	s13 =	sshra.s32 s17, $0x2;
	v1 =	vld [tilespmem:s16+$0xFFFFFFE0]  }
0x30: {  	s13 =	sadd.s32 s13, s14  }
0x31: {  	s16 =	sadd.s32 $0x40, s16;
	[tilespmem:s13+$0x1830 ss:$0x81] =	vst.msk $0xffff, v3  }
.Ltmp4:
0x32: {  	_ = 	snop;
	(pc) =	sbr.rel .LBB1_4-.Ltmp4, $1  }
0x33: {  	_ =	sdelay $0x3  }
.LBB1_6:
0x34: {  	_ =	sfence.sel $0x180000  }
0x35: {  	s2 =	simm.s32 $0x1;
	[bflag:$0x0] =	sbarrier.arrive $0xFFFF  }
0x36: {  	s31 =	simm.s32 $0x2;
	[sflag:s2] =	ssyncpa.u1 $0x1  }
0x37: {  	[sflag:s31] =	ssyncpa.u1 $0x1  }
0x38: {  	p0 =	sne.s32 s0, $0x0;
	_ =	strace $0x9000004A  }
0x39: {  	s0 =	sadd.s32 @!p0 $0x100000, s1;
	[bflag:$0x2] =	sbarrier.arrive $0xFFFF  }
0x3a: {  	[sflag:s0] =	ssyncadd.tile.s32 @!p0 $0x1;
	_ =	shalt  }
.Lfunc_end1:
_tile_overlayer_lowered:
.L_overlay_start_2:
0x3b: {  	(tag) =	ssettag $0x2  }
0x3c: {  	s0 =	rddreg [dreg:$0x0];
	s2 =	stileid.u32  }
0x3d: {  	s1 =	rddreg [dreg:$0x1];
	p0 =	sne.s32 s2, $0x0  }
0x3e: {  	s3 =	rddreg [dreg:$0x2];
	[bflag:$0x3] =	sbarrier.arrive $0xFFFF;
	s2 =	simm.s32 @!p0 $0x1C01  }
0x3f: {  	[timem:s3], [sflag:s2] =	dma.local @!p0 [hbm:s0], s1  }
0x40: {  	s0 =	simm.s32 @!p0 $0x1  }
0x41: {  	_ =	swait.ge @!p0 [sflag:s0], s1  }
0x42: {  	s1 =	ssub.s32 @!p0 $0x0, s1;
	[sflag:s0] =	ssyncset.done @!p0 $0x0  }
0x43: {  	[sflag:s0] =	ssyncadd.s32 @!p0 s1  }
0x44: {  	[bflag:$0x3] =	sbarrier.arrive $0xFFFF  }
0x45: {  	_ =	shalt  }

</sc_bundles>
